<compile_context>
chip_gen: v7x
topology: tpu7x:2x2x1
jax: 0.10.2.dev20260603
libtpu: 0.0.44.dev20260713+nightly
codegen_flags: <defaults>
</compile_context>

<pallas_src>
import functools

import jax
import jax.numpy as jnp
from jax import lax
from jax.experimental import pallas as pl
from jax.experimental.pallas import tpu as pltpu
from jax.experimental.pallas import tpu_sc as plsc

F = 26
B = 4096
K = 16
AT_H = 32
NPAIR = F * (F - 1) // 2
NTOT = F * B
SP = 8
RB = B // SP
HASH_TABLE_ROWS = 1000000

_NC = 2
_NS = 16
_NW = _NC * _NS
_ROWS_PER_W = NTOT // _NW
_CH = 64
_NCH = _ROWS_PER_W // _CH


@functools.lru_cache(maxsize=None)
def _make_emb_gather():
    mesh = plsc.VectorSubcoreMesh(core_axis_name="c", subcore_axis_name="s")

    @functools.partial(
        pl.kernel,
        mesh=mesh,
        out_type=jax.ShapeDtypeStruct((NTOT // SP, 128), jnp.float32),
        scratch_types=[
            pltpu.VMEM((_ROWS_PER_W,), jnp.int32),
            pltpu.VMEM((_CH, K), jnp.float32),
            pltpu.VMEM((_ROWS_PER_W // SP, 128), jnp.float32),
            pltpu.SemaphoreType.DMA,
            pltpu.SemaphoreType.DMA,
        ],
    )
    def _emb_gather(emb_hbm, idx_hbm, v_out, idx_v, tmp, rows2, sem, sem_i):
        wid = lax.axis_index("s") * _NC + lax.axis_index("c")
        base = wid * _ROWS_PER_W
        del sem_i
        pltpu.sync_copy(idx_hbm.at[pl.ds(base, _ROWS_PER_W)], idx_v)

        @pl.loop(0, _NCH)
        def _chunk(c):
            cps = []
            for jj in range(_CH // 16):
                vec = idx_v[pl.ds(c * _CH + jj * 16, 16)]
                for t in range(16):
                    j = jj * 16 + t
                    cps.append(
                        pltpu.async_copy(emb_hbm.at[pl.ds(vec[t], 1), :],
                                         tmp.at[pl.ds(j, 1), :], sem))
            for cp in cps:
                cp.wait()
            for j in range(_CH):
                rows2[c * (_CH // SP) + j // SP,
                      pl.ds(K * (j % SP), K)] = tmp[j, :]

        pltpu.sync_copy(
            rows2,
            v_out.at[pl.ds(wid * (_ROWS_PER_W // SP), _ROWS_PER_W // SP)])

    return _emb_gather


@functools.lru_cache(maxsize=None)
def _make_w1_gather():
    mesh = plsc.VectorSubcoreMesh(core_axis_name="c", subcore_axis_name="s")

    @functools.partial(
        pl.kernel,
        mesh=mesh,
        compiler_params=pltpu.CompilerParams(use_tc_tiling_on_sc=False),
        out_type=jax.ShapeDtypeStruct((NTOT,), jnp.float32),
        scratch_types=[
            pltpu.VMEM((_ROWS_PER_W,), jnp.int32),
            pltpu.VMEM((_ROWS_PER_W,), jnp.float32),
            pltpu.SemaphoreType.DMA,
        ],
    )
    def _w1_gather(w1_hbm, idx_hbm, w1_out, idx_v, w1_v, sem):
        wid = lax.axis_index("s") * _NC + lax.axis_index("c")
        base = wid * _ROWS_PER_W
        pltpu.sync_copy(idx_hbm.at[pl.ds(base, _ROWS_PER_W)], idx_v)
        pltpu.async_copy(w1_hbm.at[idx_v], w1_v, sem).wait()
        pltpu.sync_copy(w1_v, w1_out.at[pl.ds(base, _ROWS_PER_W)])

    return _w1_gather


def _dense_body(v_ref, w1_ref, wp_ref, bp_ref, hp_ref, ep_ref, pp_ref,
                w0_ref, out_ref):
    rt = v_ref.shape[1]
    v = v_ref[...]

    slabs = []
    for i in range(F - 1):
        ni = F - 1 - i
        vi = v[i]
        rest = v[i + 1:]
        prod = jnp.broadcast_to(vi[None], (ni, rt, 128)) * rest
        slabs.append(prod.reshape(ni * rt, 128))
    vv = jnp.concatenate(slabs, axis=0)

    hid = jnp.maximum(
        jnp.dot(vv, wp_ref[...], preferred_element_type=jnp.float32)
        + bp_ref[...], 0.0)
    sc = jnp.dot(hid, hp_ref[...], preferred_element_type=jnp.float32)
    sexp = jnp.dot(sc, ep_ref[...], preferred_element_type=jnp.float32)
    weighted = vv * sexp
    pool = jnp.sum(weighted.reshape(NPAIR, rt, 128), axis=0)

    at_fm = jnp.dot(pool, pp_ref[...], preferred_element_type=jnp.float32)
    fm1 = jnp.sum(w1_ref[...], axis=0)
    out_ref[...] = jax.nn.sigmoid(at_fm + fm1 + w0_ref[0])


def _dense(v_pk, w1_pk, wp, bp, hp, ep, pp, w0, rt):
    grid = (RB // rt,)
    return pl.pallas_call(
        _dense_body,
        grid=grid,
        in_specs=[
            pl.BlockSpec((F, rt, 128), lambda i: (0, i, 0)),
            pl.BlockSpec((F, rt, SP), lambda i: (0, i, 0)),
            pl.BlockSpec((128, SP * AT_H), lambda i: (0, 0)),
            pl.BlockSpec((1, SP * AT_H), lambda i: (0, 0)),
            pl.BlockSpec((SP * AT_H, SP), lambda i: (0, 0)),
            pl.BlockSpec((SP, 128), lambda i: (0, 0)),
            pl.BlockSpec((128, SP), lambda i: (0, 0)),
            pl.BlockSpec(memory_space=pltpu.SMEM),
        ],
        out_specs=pl.BlockSpec((rt, SP), lambda i: (i, 0)),
        out_shape=jax.ShapeDtypeStruct((RB, SP), jnp.float32),
    )(v_pk, w1_pk, wp, bp, hp, ep, pp, w0)


def kernel(x, emb_v, AT_W, AT_B, h, p, w0, w1):
    idx = x.astype(jnp.int32).reshape(NTOT)
    v_flat = _make_emb_gather()(emb_v, idx)
    w1_flat = _make_w1_gather()(w1.reshape(HASH_TABLE_ROWS), idx)
    v_pk = v_flat.reshape(F, RB, 128)
    w1_pk = w1_flat.reshape(F, RB, SP)

    eye = jnp.eye(SP, dtype=jnp.float32)
    wp = jnp.kron(eye, AT_W)
    bp = jnp.tile(AT_B, SP).reshape(1, SP * AT_H)
    hp = jnp.kron(eye, h)
    ep = jnp.kron(eye, jnp.ones((1, K), jnp.float32))
    pp = jnp.kron(eye, p)

    out = _dense(v_pk, w1_pk, wp, bp, hp, ep, pp, w0.reshape(1), rt=32)
    return out.reshape(B, 1)

# --- scband reference (transcript-rebuilt; emitter-appended) ---
"""Pipeline reference for scband-attentional-factorization-machine-68917045232364 (READ-ONLY COPY).

The authoritative reference and input builder live on the scoring server;
editing this copy changes nothing except your own understanding.
"""

import jax, jax.numpy as jnp
import numpy as np

HASH_SIZE = 1000000
K = 16
F = 26
B = 4096
AT_H = 32

def setup_inputs(seed: int = 0) -> dict:
    key = jax.random.key(seed)
    ks = jax.random.split(key, 8)
    x = jax.random.randint(ks[0], (F, B), 0, HASH_SIZE)
    emb_v = jax.random.normal(ks[1], (HASH_SIZE, K), dtype=jnp.float32) * 0.05
    AT_W = jax.random.normal(ks[2], (K, AT_H), dtype=jnp.float32) * 0.1
    AT_B = jnp.zeros((AT_H,), dtype=jnp.float32)
    h = jax.random.normal(ks[3], (AT_H, 1), dtype=jnp.float32) * 0.1
    p = jax.random.normal(ks[4], (K, 1), dtype=jnp.float32) * 0.1
    w0 = jax.random.normal(ks[5], (), dtype=jnp.float32) * 0.1
    w1 = jax.random.normal(ks[6], (HASH_SIZE, 1), dtype=jnp.float32) * 0.05
    return {"x": x, "emb_v": emb_v, "AT_W": AT_W, "AT_B": AT_B, "h": h, "p": p, "w0": w0, "w1": w1}

def reference(x, emb_v, AT_W, AT_B, h, p, w0, w1):
    # Embedding part: lookup per sparse field -> V[f] = emb_v[x[f]]
    V = jnp.take(emb_v, x, axis=0)              # [F, B, K]
    # Pair-wise interaction layer: element-wise products for all i<j
    ii, jj = jnp.triu_indices(F, k=1)
    VV = V[ii] * V[jj]                          # [P, B, K], P = F*(F-1)/2
    # Attention net (single hidden layer MLP with relu, then projection h)
    hid = jax.nn.relu(jnp.einsum('pbk,kh->pbh', VV, AT_W) + AT_B)
    A_score = jnp.einsum('pbh,ho->pbo', hid, h)  # [P, B, 1]
    # Attention-based pooling: sum_p (VV_p * score_p)
    at_pooling = jnp.sum(VV * A_score, axis=0)   # [B, K]
    # AT_FM projection
    at_fm_score = at_pooling @ p                 # [B, 1]
    # FM first-order part
    fm1 = w0 + jnp.sum(jnp.take(w1, x, axis=0), axis=0)  # [B, 1]
    afm = at_fm_score + fm1
    prob = jax.nn.sigmoid(afm)
    return prob

if __name__ == "__main__":
    import jax
    _d = setup_inputs()
    print(jax.jit(kernel)(*tuple(_d.values())))

</pallas_src>

<mosaic_0001>
#map = affine_map<(d0, d1) -> (0)>
module attributes {stable_mosaic.version = 14 : i64} {
  func.func @_w1_gather(%arg0: i32, %arg1: i32, %arg2: memref<1000000xf32, #tpu.memory_space<hbm>>, %arg3: memref<106496xi32, #tpu.memory_space<hbm>>, %arg4: memref<106496xf32, #tpu.memory_space<hbm>>, %arg5: memref<3328xi32, #tpu.memory_space<vmem>>, %arg6: memref<3328xf32, #tpu.memory_space<vmem>>, %arg7: memref<!tpu.dma_semaphore, #tpu.memory_space<semaphore_mem>>) attributes {dimension_semantics = [#tpu.dimension_semantics<core_parallel>, #tpu.dimension_semantics<subcore_parallel>], iteration_bounds = array<i64: 2, 16>, scalar_prefetch = 0 : i64, scratch_operands = 3 : i64, tpu.core_type = #tpu.core_type<sc_vector_subcore>, window_params = [{transform_indices = #map}, {transform_indices = #map}, {transform_indices = #map}]} {
    %mul3A = arith.constant 2 : i32
    %mul3A_0 = arith.muli %arg1, %mul3A : i32
    %add3A = arith.addi %mul3A_0, %arg0 : i32
    %mul3A_1 = arith.constant 3328 : i32
    %mul3A_2 = arith.muli %add3A, %mul3A_1 : i32
    "tpu.region"() ({
      %run_scoped3A = tpu.sem_alloc : memref<!tpu.dma_semaphore, #tpu.memory_space<semaphore_mem>>
      %dma_start3A_5 = tpu.memref_slice %arg3[%mul3A_2] : memref<106496xi32, #tpu.memory_space<hbm>> -> memref<3328xi32, #tpu.memory_space<hbm>>
      %dma_start3A_6 = tpu.memref_slice %arg3[%mul3A_2] : memref<106496xi32, #tpu.memory_space<hbm>> -> memref<3328xi32, #tpu.memory_space<hbm>>
      tpu.enqueue_dma source(%dma_start3A_6 : memref<3328xi32, #tpu.memory_space<hbm>>) target(%arg5 : memref<3328xi32, #tpu.memory_space<vmem>>) target_semaphore(%run_scoped3A : memref<!tpu.dma_semaphore, #tpu.memory_space<semaphore_mem>>)
      %dma_wait3A_7 = tpu.memref_slice %arg3[%mul3A_2] : memref<106496xi32, #tpu.memory_space<hbm>> -> memref<3328xi32, #tpu.memory_space<hbm>>
      %dma_wait3A_8 = tpu.memref_slice %arg3[%mul3A_2] : memref<106496xi32, #tpu.memory_space<hbm>> -> memref<3328xi32, #tpu.memory_space<hbm>>
      tpu.wait_dma2 semaphore(%run_scoped3A : memref<!tpu.dma_semaphore, #tpu.memory_space<semaphore_mem>>) src(%dma_wait3A_8 : memref<3328xi32, #tpu.memory_space<hbm>>) dst(%arg5 : memref<3328xi32, #tpu.memory_space<vmem>>)
      tpu.yield
    }) : () -> ()
    %dma_start3A = arith.constant 0 : i32
    %dma_start3A_3 = tpu.memref_slice %arg2[%dma_start3A] : memref<1000000xf32, #tpu.memory_space<hbm>> -> memref<1000000xf32, #tpu.memory_space<hbm>>
    tpu.enqueue_indirect_dma source(%dma_start3A_3 : memref<1000000xf32, #tpu.memory_space<hbm>>) target(%arg6 : memref<3328xf32, #tpu.memory_space<vmem>>) offsets(%arg5 : memref<3328xi32, #tpu.memory_space<vmem>>) semaphore(%arg7 : memref<!tpu.dma_semaphore, #tpu.memory_space<semaphore_mem>>)
    %dma_wait3A = arith.constant 0 : i32
    %dma_wait3A_4 = tpu.memref_slice %arg2[%dma_wait3A] : memref<1000000xf32, #tpu.memory_space<hbm>> -> memref<1000000xf32, #tpu.memory_space<hbm>>
    tpu.wait_indirect_dma semaphore(%arg7 : memref<!tpu.dma_semaphore, #tpu.memory_space<semaphore_mem>>) src(%dma_wait3A_4 : memref<1000000xf32, #tpu.memory_space<hbm>>) dst(%arg6 : memref<3328xf32, #tpu.memory_space<vmem>>)
    "tpu.region"() ({
      %run_scoped3A = tpu.sem_alloc : memref<!tpu.dma_semaphore, #tpu.memory_space<semaphore_mem>>
      %dma_start3A_5 = tpu.memref_slice %arg4[%mul3A_2] : memref<106496xf32, #tpu.memory_space<hbm>> -> memref<3328xf32, #tpu.memory_space<hbm>>
      %dma_start3A_6 = tpu.memref_slice %arg4[%mul3A_2] : memref<106496xf32, #tpu.memory_space<hbm>> -> memref<3328xf32, #tpu.memory_space<hbm>>
      tpu.enqueue_dma source(%arg6 : memref<3328xf32, #tpu.memory_space<vmem>>) target(%dma_start3A_6 : memref<3328xf32, #tpu.memory_space<hbm>>) target_semaphore(%run_scoped3A : memref<!tpu.dma_semaphore, #tpu.memory_space<semaphore_mem>>)
      %dma_wait3A_7 = tpu.memref_slice %arg4[%mul3A_2] : memref<106496xf32, #tpu.memory_space<hbm>> -> memref<3328xf32, #tpu.memory_space<hbm>>
      %dma_wait3A_8 = tpu.memref_slice %arg4[%mul3A_2] : memref<106496xf32, #tpu.memory_space<hbm>> -> memref<3328xf32, #tpu.memory_space<hbm>>
      tpu.wait_dma2 semaphore(%run_scoped3A : memref<!tpu.dma_semaphore, #tpu.memory_space<semaphore_mem>>) src(%arg6 : memref<3328xf32, #tpu.memory_space<vmem>>) dst(%dma_wait3A_8 : memref<3328xf32, #tpu.memory_space<hbm>>)
      tpu.yield
    }) : () -> ()
    return
  }
}

#map = affine_map<(d0, d1) -> (0, 0)>
#map1 = affine_map<(d0, d1) -> (0)>
module attributes {stable_mosaic.version = 14 : i64} {
  func.func @_emb_gather(%arg0: i32, %arg1: i32, %arg2: memref<1000000x16xf32, #tpu.memory_space<hbm>>, %arg3: memref<106496xi32, #tpu.memory_space<hbm>>, %arg4: memref<13312x128xf32, #tpu.memory_space<hbm>>, %arg5: memref<3328xi32, #tpu.memory_space<vmem>>, %arg6: memref<64x16xf32, #tpu.memory_space<vmem>>, %arg7: memref<416x128xf32, #tpu.memory_space<vmem>>, %arg8: memref<!tpu.dma_semaphore, #tpu.memory_space<semaphore_mem>>, %arg9: memref<!tpu.dma_semaphore, #tpu.memory_space<semaphore_mem>>) attributes {dimension_semantics = [#tpu.dimension_semantics<core_parallel>, #tpu.dimension_semantics<subcore_parallel>], iteration_bounds = array<i64: 2, 16>, scalar_prefetch = 0 : i64, scratch_operands = 5 : i64, tpu.core_type = #tpu.core_type<sc_vector_subcore>, window_params = [{transform_indices = #map}, {transform_indices = #map1}, {transform_indices = #map}]} {
    %mul3A = arith.constant 2 : i32
    %mul3A_0 = arith.muli %arg1, %mul3A : i32
    %add3A = arith.addi %mul3A_0, %arg0 : i32
    %mul3A_1 = arith.constant 3328 : i32
    %mul3A_2 = arith.muli %add3A, %mul3A_1 : i32
    "tpu.region"() ({
      %run_scoped3A = tpu.sem_alloc : memref<!tpu.dma_semaphore, #tpu.memory_space<semaphore_mem>>
      %dma_start3A = tpu.memref_slice %arg3[%mul3A_2] : memref<106496xi32, #tpu.memory_space<hbm>> -> memref<3328xi32, #tpu.memory_space<hbm>>
      %dma_start3A_9 = tpu.memref_slice %arg3[%mul3A_2] : memref<106496xi32, #tpu.memory_space<hbm>> -> memref<3328xi32, #tpu.memory_space<hbm>>
      tpu.enqueue_dma source(%dma_start3A_9 : memref<3328xi32, #tpu.memory_space<hbm>>) target(%arg5 : memref<3328xi32, #tpu.memory_space<vmem>>) target_semaphore(%run_scoped3A : memref<!tpu.dma_semaphore, #tpu.memory_space<semaphore_mem>>)
      %dma_wait3A = tpu.memref_slice %arg3[%mul3A_2] : memref<106496xi32, #tpu.memory_space<hbm>> -> memref<3328xi32, #tpu.memory_space<hbm>>
      %dma_wait3A_10 = tpu.memref_slice %arg3[%mul3A_2] : memref<106496xi32, #tpu.memory_space<hbm>> -> memref<3328xi32, #tpu.memory_space<hbm>>
      tpu.wait_dma2 semaphore(%run_scoped3A : memref<!tpu.dma_semaphore, #tpu.memory_space<semaphore_mem>>) src(%dma_wait3A_10 : memref<3328xi32, #tpu.memory_space<hbm>>) dst(%arg5 : memref<3328xi32, #tpu.memory_space<vmem>>)
      tpu.yield
    }) : () -> ()
    %scan3A = arith.constant 0 : i32
    %scan3A_3 = arith.constant 52 : i32
    %scan3A_4 = arith.addi %scan3A, %scan3A_3 : i32
    %scan3A_5 = arith.constant 1 : i32
    scf.for %scan3A_9 = %scan3A to %scan3A_4 step %scan3A_5  : i32 {
      %mul3A_10 = arith.constant 1 : i32
      %mul3A_11 = arith.muli %scan3A_9, %mul3A_10 : i32
      %add3A_12 = arith.constant 0 : i32
      %add3A_13 = arith.addi %add3A_12, %mul3A_11 : i32
      %mul3A_14 = arith.constant 64 : i32
      %mul3A_15 = arith.muli %add3A_13, %mul3A_14 : i32
      %add3A_16 = arith.constant 0 : i32
      %add3A_17 = arith.addi %mul3A_15, %add3A_16 : i32
      %get3A = arith.index_cast %add3A_17 : i32 to index
      %get3A_18 = tpu.vector_load %arg5[%get3A] {strides = array<i32>} : memref<3328xi32, #tpu.memory_space<vmem>>, vector<16xi32>,
      %get3A_19 = vector.shape_cast %get3A_18 : vector<16xi32> to vector<16xi32>
      %slice3A = vector.extract_strided_slice %get3A_19 {offsets = [0], sizes = [1], strides = [1]} : vector<16xi32> to vector<1xi32>
      %squeeze3A = vector.extract %slice3A[0] : i32 from vector<1xi32>
      %dma_start3A = arith.constant 0 : i32
      %dma_start3A_20 = arith.constant 0 : i32
      %dma_start3A_21 = tpu.memref_slice %arg6[%dma_start3A, %dma_start3A_20] : memref<64x16xf32, #tpu.memory_space<vmem>> -> memref<1x16xf32, #tpu.memory_space<vmem>>
      %dma_start3A_22 = arith.constant 0 : i32
      %dma_start3A_23 = tpu.memref_slice %arg2[%squeeze3A, %dma_start3A_22] : memref<1000000x16xf32, #tpu.memory_space<hbm>> -> memref<1x16xf32, #tpu.memory_space<hbm>>
      %dma_start3A_24 = arith.constant 0 : i32
      %dma_start3A_25 = arith.constant 0 : i32
      %dma_start3A_26 = tpu.memref_slice %arg6[%dma_start3A_24, %dma_start3A_25] : memref<64x16xf32, #tpu.memory_space<vmem>> -> memref<1x16xf32, #tpu.memory_space<vmem>>
      %dma_start3A_27 = arith.constant 0 : i32
      %dma_start3A_28 = tpu.memref_slice %arg2[%squeeze3A, %dma_start3A_27] : memref<1000000x16xf32, #tpu.memory_space<hbm>> -> memref<1x16xf32, #tpu.memory_space<hbm>>
      tpu.enqueue_dma source(%dma_start3A_28 : memref<1x16xf32, #tpu.memory_space<hbm>>) target(%dma_start3A_26 : memref<1x16xf32, #tpu.memory_space<vmem>>) target_semaphore(%arg8 : memref<!tpu.dma_semaphore, #tpu.memory_space<semaphore_mem>>)
      %slice3A_29 = vector.extract_strided_slice %get3A_19 {offsets = [1], sizes = [1], strides = [1]} : vector<16xi32> to vector<1xi32>
      %squeeze3A_30 = vector.extract %slice3A_29[0] : i32 from vector<1xi32>
      %dma_start3A_31 = arith.constant 1 : i32
      %dma_start3A_32 = arith.constant 0 : i32
      %dma_start3A_33 = tpu.memref_slice %arg6[%dma_start3A_31, %dma_start3A_32] : memref<64x16xf32, #tpu.memory_space<vmem>> -> memref<1x16xf32, #tpu.memory_space<vmem>>
      %dma_start3A_34 = arith.constant 0 : i32
      %dma_start3A_35 = tpu.memref_slice %arg2[%squeeze3A_30, %dma_start3A_34] : memref<1000000x16xf32, #tpu.memory_space<hbm>> -> memref<1x16xf32, #tpu.memory_space<hbm>>
      %dma_start3A_36 = arith.constant 1 : i32
      %dma_start3A_37 = arith.constant 0 : i32
      %dma_start3A_38 = tpu.memref_slice %arg6[%dma_start3A_36, %dma_start3A_37] : memref<64x16xf32, #tpu.memory_space<vmem>> -> memref<1x16xf32, #tpu.memory_space<vmem>>
      %dma_start3A_39 = arith.constant 0 : i32
      %dma_start3A_40 = tpu.memref_slice %arg2[%squeeze3A_30, %dma_start3A_39] : memref<1000000x16xf32, #tpu.memory_space<hbm>> -> memref<1x16xf32, #tpu.memory_space<hbm>>
      tpu.enqueue_dma source(%dma_start3A_40 : memref<1x16xf32, #tpu.memory_space<hbm>>) target(%dma_start3A_38 : memref<1x16xf32, #tpu.memory_space<vmem>>) target_semaphore(%arg8 : memref<!tpu.dma_semaphore, #tpu.memory_space<semaphore_mem>>)
      %slice3A_41 = vector.extract_strided_slice %get3A_19 {offsets = [2], sizes = [1], strides = [1]} : vector<16xi32> to vector<1xi32>
      %squeeze3A_42 = vector.extract %slice3A_41[0] : i32 from vector<1xi32>
      %dma_start3A_43 = arith.constant 2 : i32
      %dma_start3A_44 = arith.constant 0 : i32
      %dma_start3A_45 = tpu.memref_slice %arg6[%dma_start3A_43, %dma_start3A_44] : memref<64x16xf32, #tpu.memory_space<vmem>> -> memref<1x16xf32, #tpu.memory_space<vmem>>
      %dma_start3A_46 = arith.constant 0 : i32
      %dma_start3A_47 = tpu.memref_slice %arg2[%squeeze3A_42, %dma_start3A_46] : memref<1000000x16xf32, #tpu.memory_space<hbm>> -> memref<1x16xf32, #tpu.memory_space<hbm>>
      %dma_start3A_48 = arith.constant 2 : i32
      %dma_start3A_49 = arith.constant 0 : i32
      %dma_start3A_50 = tpu.memref_slice %arg6[%dma_start3A_48, %dma_start3A_49] : memref<64x16xf32, #tpu.memory_space<vmem>> -> memref<1x16xf32, #tpu.memory_space<vmem>>
      %dma_start3A_51 = arith.constant 0 : i32
      %dma_start3A_52 = tpu.memref_slice %arg2[%squeeze3A_42, %dma_start3A_51] : memref<1000000x16xf32, #tpu.memory_space<hbm>> -> memref<1x16xf32, #tpu.memory_space<hbm>>
      tpu.enqueue_dma source(%dma_start3A_52 : memref<1x16xf32, #tpu.memory_space<hbm>>) target(%dma_start3A_50 : memref<1x16xf32, #tpu.memory_space<vmem>>) target_semaphore(%arg8 : memref<!tpu.dma_semaphore, #tpu.memory_space<semaphore_mem>>)
      %slice3A_53 = vector.extract_strided_slice %get3A_19 {offsets = [3], sizes = [1], strides = [1]} : vector<16xi32> to vector<1xi32>
      %squeeze3A_54 = vector.extract %slice3A_53[0] : i32 from vector<1xi32>
      %dma_start3A_55 = arith.constant 3 : i32
      %dma_start3A_56 = arith.constant 0 : i32
      %dma_start3A_57 = tpu.memref_slice %arg6[%dma_start3A_55, %dma_start3A_56] : memref<64x16xf32, #tpu.memory_space<vmem>> -> memref<1x16xf32, #tpu.memory_space<vmem>>
      %dma_start3A_58 = arith.constant 0 : i32
      %dma_start3A_59 = tpu.memref_slice %arg2[%squeeze3A_54, %dma_start3A_58] : memref<1000000x16xf32, #tpu.memory_space<hbm>> -> memref<1x16xf32, #tpu.memory_space<hbm>>
      %dma_start3A_60 = arith.constant 3 : i32
      %dma_start3A_61 = arith.constant 0 : i32
      %dma_start3A_62 = tpu.memref_slice %arg6[%dma_start3A_60, %dma_start3A_61] : memref<64x16xf32, #tpu.memory_space<vmem>> -> memref<1x16xf32, #tpu.memory_space<vmem>>
      %dma_start3A_63 = arith.constant 0 : i32
      %dma_start3A_64 = tpu.memref_slice %arg2[%squeeze3A_54, %dma_start3A_63] : memref<1000000x16xf32, #tpu.memory_space<hbm>> -> memref<1x16xf32, #tpu.memory_space<hbm>>
      tpu.enqueue_dma source(%dma_start3A_64 : memref<1x16xf32, #tpu.memory_space<hbm>>) target(%dma_start3A_62 : memref<1x16xf32, #tpu.memory_space<vmem>>) target_semaphore(%arg8 : memref<!tpu.dma_semaphore, #tpu.memory_space<semaphore_mem>>)
      %slice3A_65 = vector.extract_strided_slice %get3A_19 {offsets = [4], sizes = [1], strides = [1]} : vector<16xi32> to vector<1xi32>
      %squeeze3A_66 = vector.extract %slice3A_65[0] : i32 from vector<1xi32>
      %dma_start3A_67 = arith.constant 4 : i32
      %dma_start3A_68 = arith.constant 0 : i32
      %dma_start3A_69 = tpu.memref_slice %arg6[%dma_start3A_67, %dma_start3A_68] : memref<64x16xf32, #tpu.memory_space<vmem>> -> memref<1x16xf32, #tpu.memory_space<vmem>>
      %dma_start3A_70 = arith.constant 0 : i32
      %dma_start3A_71 = tpu.memref_slice %arg2[%squeeze3A_66, %dma_start3A_70] : memref<1000000x16xf32, #tpu.memory_space<hbm>> -> memref<1x16xf32, #tpu.memory_space<hbm>>
      %dma_start3A_72 = arith.constant 4 : i32
      %dma_start3A_73 = arith.constant 0 : i32
      %dma_start3A_74 = tpu.memref_slice %arg6[%dma_start3A_72, %dma_start3A_73] : memref<64x16xf32, #tpu.memory_space<vmem>> -> memref<1x16xf32, #tpu.memory_space<vmem>>
      %dma_start3A_75 = arith.constant 0 : i32
      %dma_start3A_76 = tpu.memref_slice %arg2[%squeeze3A_66, %dma_start3A_75] : memref<1000000x16xf32, #tpu.memory_space<hbm>> -> memref<1x16xf32, #tpu.memory_space<hbm>>
      tpu.enqueue_dma source(%dma_start3A_76 : memref<1x16xf32, #tpu.memory_space<hbm>>) target(%dma_start3A_74 : memref<1x16xf32, #tpu.memory_space<vmem>>) target_semaphore(%arg8 : memref<!tpu.dma_semaphore, #tpu.memory_space<semaphore_mem>>)
      %slice3A_77 = vector.extract_strided_slice %get3A_19 {offsets = [5], sizes = [1], strides = [1]} : vector<16xi32> to vector<1xi32>
      %squeeze3A_78 = vector.extract %slice3A_77[0] : i32 from vector<1xi32>
      %dma_start3A_79 = arith.constant 5 : i32
      %dma_start3A_80 = arith.constant 0 : i32
      %dma_start3A_81 = tpu.memref_slice %arg6[%dma_start3A_79, %dma_start3A_80] : memref<64x16xf32, #tpu.memory_space<vmem>> -> memref<1x16xf32, #tpu.memory_space<vmem>>
      %dma_start3A_82 = arith.constant 0 : i32
      %dma_start3A_83 = tpu.memref_slice %arg2[%squeeze3A_78, %dma_start3A_82] : memref<1000000x16xf32, #tpu.memory_space<hbm>> -> memref<1x16xf32, #tpu.memory_space<hbm>>
      %dma_start3A_84 = arith.constant 5 : i32
      %dma_start3A_85 = arith.constant 0 : i32
      %dma_start3A_86 = tpu.memref_slice %arg6[%dma_start3A_84, %dma_start3A_85] : memref<64x16xf32, #tpu.memory_space<vmem>> -> memref<1x16xf32, #tpu.memory_space<vmem>>
      %dma_start3A_87 = arith.constant 0 : i32
      %dma_start3A_88 = tpu.memref_slice %arg2[%squeeze3A_78, %dma_start3A_87] : memref<1000000x16xf32, #tpu.memory_space<hbm>> -> memref<1x16xf32, #tpu.memory_space<hbm>>
      tpu.enqueue_dma source(%dma_start3A_88 : memref<1x16xf32, #tpu.memory_space<hbm>>) target(%dma_start3A_86 : memref<1x16xf32, #tpu.memory_space<vmem>>) target_semaphore(%arg8 : memref<!tpu.dma_semaphore, #tpu.memory_space<semaphore_mem>>)
      %slice3A_89 = vector.extract_strided_slice %get3A_19 {offsets = [6], sizes = [1], strides = [1]} : vector<16xi32> to vector<1xi32>
      %squeeze3A_90 = vector.extract %slice3A_89[0] : i32 from vector<1xi32>
      %dma_start3A_91 = arith.constant 6 : i32
      %dma_start3A_92 = arith.constant 0 : i32
      %dma_start3A_93 = tpu.memref_slice %arg6[%dma_start3A_91, %dma_start3A_92] : memref<64x16xf32, #tpu.memory_space<vmem>> -> memref<1x16xf32, #tpu.memory_space<vmem>>
      %dma_start3A_94 = arith.constant 0 : i32
      %dma_start3A_95 = tpu.memref_slice %arg2[%squeeze3A_90, %dma_start3A_94] : memref<1000000x16xf32, #tpu.memory_space<hbm>> -> memref<1x16xf32, #tpu.memory_space<hbm>>
      %dma_start3A_96 = arith.constant 6 : i32
      %dma_start3A_97 = arith.constant 0 : i32
      %dma_start3A_98 = tpu.memref_slice %arg6[%dma_start3A_96, %dma_start3A_97] : memref<64x16xf32, #tpu.memory_space<vmem>> -> memref<1x16xf32, #tpu.memory_space<vmem>>
      %dma_start3A_99 = arith.constant 0 : i32
      %dma_start3A_100 = tpu.memref_slice %arg2[%squeeze3A_90, %dma_start3A_99] : memref<1000000x16xf32, #tpu.memory_space<hbm>> -> memref<1x16xf32, #tpu.memory_space<hbm>>
      tpu.enqueue_dma source(%dma_start3A_100 : memref<1x16xf32, #tpu.memory_space<hbm>>) target(%dma_start3A_98 : memref<1x16xf32, #tpu.memory_space<vmem>>) target_semaphore(%arg8 : memref<!tpu.dma_semaphore, #tpu.memory_space<semaphore_mem>>)
      %slice3A_101 = vector.extract_strided_slice %get3A_19 {offsets = [7], sizes = [1], strides = [1]} : vector<16xi32> to vector<1xi32>
      %squeeze3A_102 = vector.extract %slice3A_101[0] : i32 from vector<1xi32>
      %dma_start3A_103 = arith.constant 7 : i32
      %dma_start3A_104 = arith.constant 0 : i32
      %dma_start3A_105 = tpu.memref_slice %arg6[%dma_start3A_103, %dma_start3A_104] : memref<64x16xf32, #tpu.memory_space<vmem>> -> memref<1x16xf32, #tpu.memory_space<vmem>>
      %dma_start3A_106 = arith.constant 0 : i32
      %dma_start3A_107 = tpu.memref_slice %arg2[%squeeze3A_102, %dma_start3A_106] : memref<1000000x16xf32, #tpu.memory_space<hbm>> -> memref<1x16xf32, #tpu.memory_space<hbm>>
      %dma_start3A_108 = arith.constant 7 : i32
      %dma_start3A_109 = arith.constant 0 : i32
      %dma_start3A_110 = tpu.memref_slice %arg6[%dma_start3A_108, %dma_start3A_109] : memref<64x16xf32, #tpu.memory_space<vmem>> -> memref<1x16xf32, #tpu.memory_space<vmem>>
      %dma_start3A_111 = arith.constant 0 : i32
      %dma_start3A_112 = tpu.memref_slice %arg2[%squeeze3A_102, %dma_start3A_111] : memref<1000000x16xf32, #tpu.memory_space<hbm>> -> memref<1x16xf32, #tpu.memory_space<hbm>>
      tpu.enqueue_dma source(%dma_start3A_112 : memref<1x16xf32, #tpu.memory_space<hbm>>) target(%dma_start3A_110 : memref<1x16xf32, #tpu.memory_space<vmem>>) target_semaphore(%arg8 : memref<!tpu.dma_semaphore, #tpu.memory_space<semaphore_mem>>)
      %slice3A_113 = vector.extract_strided_slice %get3A_19 {offsets = [8], sizes = [1], strides = [1]} : vector<16xi32> to vector<1xi32>
      %squeeze3A_114 = vector.extract %slice3A_113[0] : i32 from vector<1xi32>
      %dma_start3A_115 = arith.constant 8 : i32
      %dma_start3A_116 = arith.constant 0 : i32
      %dma_start3A_117 = tpu.memref_slice %arg6[%dma_start3A_115, %dma_start3A_116] : memref<64x16xf32, #tpu.memory_space<vmem>> -> memref<1x16xf32, #tpu.memory_space<vmem>>
      %dma_start3A_118 = arith.constant 0 : i32
      %dma_start3A_119 = tpu.memref_slice %arg2[%squeeze3A_114, %dma_start3A_118] : memref<1000000x16xf32, #tpu.memory_space<hbm>> -> memref<1x16xf32, #tpu.memory_space<hbm>>
      %dma_start3A_120 = arith.constant 8 : i32
      %dma_start3A_121 = arith.constant 0 : i32
      %dma_start3A_122 = tpu.memref_slice %arg6[%dma_start3A_120, %dma_start3A_121] : memref<64x16xf32, #tpu.memory_space<vmem>> -> memref<1x16xf32, #tpu.memory_space<vmem>>
      %dma_start3A_123 = arith.constant 0 : i32
      %dma_start3A_124 = tpu.memref_slice %arg2[%squeeze3A_114, %dma_start3A_123] : memref<1000000x16xf32, #tpu.memory_space<hbm>> -> memref<1x16xf32, #tpu.memory_space<hbm>>
      tpu.enqueue_dma source(%dma_start3A_124 : memref<1x16xf32, #tpu.memory_space<hbm>>) target(%dma_start3A_122 : memref<1x16xf32, #tpu.memory_space<vmem>>) target_semaphore(%arg8 : memref<!tpu.dma_semaphore, #tpu.memory_space<semaphore_mem>>)
      %slice3A_125 = vector.extract_strided_slice %get3A_19 {offsets = [9], sizes = [1], strides = [1]} : vector<16xi32> to vector<1xi32>
      %squeeze3A_126 = vector.extract %slice3A_125[0] : i32 from vector<1xi32>
      %dma_start3A_127 = arith.constant 9 : i32
      %dma_start3A_128 = arith.constant 0 : i32
      %dma_start3A_129 = tpu.memref_slice %arg6[%dma_start3A_127, %dma_start3A_128] : memref<64x16xf32, #tpu.memory_space<vmem>> -> memref<1x16xf32, #tpu.memory_space<vmem>>
      %dma_start3A_130 = arith.constant 0 : i32
      %dma_start3A_131 = tpu.memref_slice %arg2[%squeeze3A_126, %dma_start3A_130] : memref<1000000x16xf32, #tpu.memory_space<hbm>> -> memref<1x16xf32, #tpu.memory_space<hbm>>
      %dma_start3A_132 = arith.constant 9 : i32
      %dma_start3A_133 = arith.constant 0 : i32
      %dma_start3A_134 = tpu.memref_slice %arg6[%dma_start3A_132, %dma_start3A_133] : memref<64x16xf32, #tpu.memory_space<vmem>> -> memref<1x16xf32, #tpu.memory_space<vmem>>
      %dma_start3A_135 = arith.constant 0 : i32
      %dma_start3A_136 = tpu.memref_slice %arg2[%squeeze3A_126, %dma_start3A_135] : memref<1000000x16xf32, #tpu.memory_space<hbm>> -> memref<1x16xf32, #tpu.memory_space<hbm>>
      tpu.enqueue_dma source(%dma_start3A_136 : memref<1x16xf32, #tpu.memory_space<hbm>>) target(%dma_start3A_134 : memref<1x16xf32, #tpu.memory_space<vmem>>) target_semaphore(%arg8 : memref<!tpu.dma_semaphore, #tpu.memory_space<semaphore_mem>>)
      %slice3A_137 = vector.extract_strided_slice %get3A_19 {offsets = [10], sizes = [1], strides = [1]} : vector<16xi32> to vector<1xi32>
      %squeeze3A_138 = vector.extract %slice3A_137[0] : i32 from vector<1xi32>
      %dma_start3A_139 = arith.constant 10 : i32
      %dma_start3A_140 = arith.constant 0 : i32
      %dma_start3A_141 = tpu.memref_slice %arg6[%dma_start3A_139, %dma_start3A_140] : memref<64x16xf32, #tpu.memory_space<vmem>> -> memref<1x16xf32, #tpu.memory_space<vmem>>
      %dma_start3A_142 = arith.constant 0 : i32
      %dma_start3A_143 = tpu.memref_slice %arg2[%squeeze3A_138, %dma_start3A_142] : memref<1000000x16xf32, #tpu.memory_space<hbm>> -> memref<1x16xf32, #tpu.memory_space<hbm>>
      %dma_start3A_144 = arith.constant 10 : i32
      %dma_start3A_145 = arith.constant 0 : i32
      %dma_start3A_146 = tpu.memref_slice %arg6[%dma_start3A_144, %dma_start3A_145] : memref<64x16xf32, #tpu.memory_space<vmem>> -> memref<1x16xf32, #tpu.memory_space<vmem>>
      %dma_start3A_147 = arith.constant 0 : i32
      %dma_start3A_148 = tpu.memref_slice %arg2[%squeeze3A_138, %dma_start3A_147] : memref<1000000x16xf32, #tpu.memory_space<hbm>> -> memref<1x16xf32, #tpu.memory_space<hbm>>
      tpu.enqueue_dma source(%dma_start3A_148 : memref<1x16xf32, #tpu.memory_space<hbm>>) target(%dma_start3A_146 : memref<1x16xf32, #tpu.memory_space<vmem>>) target_semaphore(%arg8 : memref<!tpu.dma_semaphore, #tpu.memory_space<semaphore_mem>>)
      %slice3A_149 = vector.extract_strided_slice %get3A_19 {offsets = [11], sizes = [1], strides = [1]} : vector<16xi32> to vector<1xi32>
      %squeeze3A_150 = vector.extract %slice3A_149[0] : i32 from vector<1xi32>
      %dma_start3A_151 = arith.constant 11 : i32
      %dma_start3A_152 = arith.constant 0 : i32
      %dma_start3A_153 = tpu.memref_slice %arg6[%dma_start3A_151, %dma_start3A_152] : memref<64x16xf32, #tpu.memory_space<vmem>> -> memref<1x16xf32, #tpu.memory_space<vmem>>
      %dma_start3A_154 = arith.constant 0 : i32
      %dma_start3A_155 = tpu.memref_slice %arg2[%squeeze3A_150, %dma_start3A_154] : memref<1000000x16xf32, #tpu.memory_space<hbm>> -> memref<1x16xf32, #tpu.memory_space<hbm>>
      %dma_start3A_156 = arith.constant 11 : i32
      %dma_start3A_157 = arith.constant 0 : i32
      %dma_start3A_158 = tpu.memref_slice %arg6[%dma_start3A_156, %dma_start3A_157] : memref<64x16xf32, #tpu.memory_space<vmem>> -> memref<1x16xf32, #tpu.memory_space<vmem>>
      %dma_start3A_159 = arith.constant 0 : i32
      %dma_start3A_160 = tpu.memref_slice %arg2[%squeeze3A_150, %dma_start3A_159] : memref<1000000x16xf32, #tpu.memory_space<hbm>> -> memref<1x16xf32, #tpu.memory_space<hbm>>
      tpu.enqueue_dma source(%dma_start3A_160 : memref<1x16xf32, #tpu.memory_space<hbm>>) target(%dma_start3A_158 : memref<1x16xf32, #tpu.memory_space<vmem>>) target_semaphore(%arg8 : memref<!tpu.dma_semaphore, #tpu.memory_space<semaphore_mem>>)
      %slice3A_161 = vector.extract_strided_slice %get3A_19 {offsets = [12], sizes = [1], strides = [1]} : vector<16xi32> to vector<1xi32>
      %squeeze3A_162 = vector.extract %slice3A_161[0] : i32 from vector<1xi32>
      %dma_start3A_163 = arith.constant 12 : i32
      %dma_start3A_164 = arith.constant 0 : i32
      %dma_start3A_165 = tpu.memref_slice %arg6[%dma_start3A_163, %dma_start3A_164] : memref<64x16xf32, #tpu.memory_space<vmem>> -> memref<1x16xf32, #tpu.memory_space<vmem>>
      %dma_start3A_166 = arith.constant 0 : i32
      %dma_start3A_167 = tpu.memref_slice %arg2[%squeeze3A_162, %dma_start3A_166] : memref<1000000x16xf32, #tpu.memory_space<hbm>> -> memref<1x16xf32, #tpu.memory_space<hbm>>
      %dma_start3A_168 = arith.constant 12 : i32
      %dma_start3A_169 = arith.constant 0 : i32
      %dma_start3A_170 = tpu.memref_slice %arg6[%dma_start3A_168, %dma_start3A_169] : memref<64x16xf32, #tpu.memory_space<vmem>> -> memref<1x16xf32, #tpu.memory_space<vmem>>
      %dma_start3A_171 = arith.constant 0 : i32
      %dma_start3A_172 = tpu.memref_slice %arg2[%squeeze3A_162, %dma_start3A_171] : memref<1000000x16xf32, #tpu.memory_space<hbm>> -> memref<1x16xf32, #tpu.memory_space<hbm>>
      tpu.enqueue_dma source(%dma_start3A_172 : memref<1x16xf32, #tpu.memory_space<hbm>>) target(%dma_start3A_170 : memref<1x16xf32, #tpu.memory_space<vmem>>) target_semaphore(%arg8 : memref<!tpu.dma_semaphore, #tpu.memory_space<semaphore_mem>>)
      %slice3A_173 = vector.extract_strided_slice %get3A_19 {offsets = [13], sizes = [1], strides = [1]} : vector<16xi32> to vector<1xi32>
      %squeeze3A_174 = vector.extract %slice3A_173[0] : i32 from vector<1xi32>
      %dma_start3A_175 = arith.constant 13 : i32
      %dma_start3A_176 = arith.constant 0 : i32
      %dma_start3A_177 = tpu.memref_slice %arg6[%dma_start3A_175, %dma_start3A_176] : memref<64x16xf32, #tpu.memory_space<vmem>> -> memref<1x16xf32, #tpu.memory_space<vmem>>
      %dma_start3A_178 = arith.constant 0 : i32
      %dma_start3A_179 = tpu.memref_slice %arg2[%squeeze3A_174, %dma_start3A_178] : memref<1000000x16xf32, #tpu.memory_space<hbm>> -> memref<1x16xf32, #tpu.memory_space<hbm>>
      %dma_start3A_180 = arith.constant 13 : i32
      %dma_start3A_181 = arith.constant 0 : i32
      %dma_start3A_182 = tpu.memref_slice %arg6[%dma_start3A_180, %dma_start3A_181] : memref<64x16xf32, #tpu.memory_space<vmem>> -> memref<1x16xf32, #tpu.memory_space<vmem>>
      %dma_start3A_183 = arith.constant 0 : i32
      %dma_start3A_184 = tpu.memref_slice %arg2[%squeeze3A_174, %dma_start3A_183] : memref<1000000x16xf32, #tpu.memory_space<hbm>> -> memref<1x16xf32, #tpu.memory_space<hbm>>
      tpu.enqueue_dma source(%dma_start3A_184 : memref<1x16xf32, #tpu.memory_space<hbm>>) target(%dma_start3A_182 : memref<1x16xf32, #tpu.memory_space<vmem>>) target_semaphore(%arg8 : memref<!tpu.dma_semaphore, #tpu.memory_space<semaphore_mem>>)
      %slice3A_185 = vector.extract_strided_slice %get3A_19 {offsets = [14], sizes = [1], strides = [1]} : vector<16xi32> to vector<1xi32>
      %squeeze3A_186 = vector.extract %slice3A_185[0] : i32 from vector<1xi32>
      %dma_start3A_187 = arith.constant 14 : i32
      %dma_start3A_188 = arith.constant 0 : i32
      %dma_start3A_189 = tpu.memref_slice %arg6[%dma_start3A_187, %dma_start3A_188] : memref<64x16xf32, #tpu.memory_space<vmem>> -> memref<1x16xf32, #tpu.memory_space<vmem>>
      %dma_start3A_190 = arith.constant 0 : i32
      %dma_start3A_191 = tpu.memref_slice %arg2[%squeeze3A_186, %dma_start3A_190] : memref<1000000x16xf32, #tpu.memory_space<hbm>> -> memref<1x16xf32, #tpu.memory_space<hbm>>
      %dma_start3A_192 = arith.constant 14 : i32
      %dma_start3A_193 = arith.constant 0 : i32
      %dma_start3A_194 = tpu.memref_slice %arg6[%dma_start3A_192, %dma_start3A_193] : memref<64x16xf32, #tpu.memory_space<vmem>> -> memref<1x16xf32, #tpu.memory_space<vmem>>
      %dma_start3A_195 = arith.constant 0 : i32
      %dma_start3A_196 = tpu.memref_slice %arg2[%squeeze3A_186, %dma_start3A_195] : memref<1000000x16xf32, #tpu.memory_space<hbm>> -> memref<1x16xf32, #tpu.memory_space<hbm>>
      tpu.enqueue_dma source(%dma_start3A_196 : memref<1x16xf32, #tpu.memory_space<hbm>>) target(%dma_start3A_194 : memref<1x16xf32, #tpu.memory_space<vmem>>) target_semaphore(%arg8 : memref<!tpu.dma_semaphore, #tpu.memory_space<semaphore_mem>>)
      %slice3A_197 = vector.extract_strided_slice %get3A_19 {offsets = [15], sizes = [1], strides = [1]} : vector<16xi32> to vector<1xi32>
      %squeeze3A_198 = vector.extract %slice3A_197[0] : i32 from vector<1xi32>
      %dma_start3A_199 = arith.constant 15 : i32
      %dma_start3A_200 = arith.constant 0 : i32
      %dma_start3A_201 = tpu.memref_slice %arg6[%dma_start3A_199, %dma_start3A_200] : memref<64x16xf32, #tpu.memory_space<vmem>> -> memref<1x16xf32, #tpu.memory_space<vmem>>
      %dma_start3A_202 = arith.constant 0 : i32
      %dma_start3A_203 = tpu.memref_slice %arg2[%squeeze3A_198, %dma_start3A_202] : memref<1000000x16xf32, #tpu.memory_space<hbm>> -> memref<1x16xf32, #tpu.memory_space<hbm>>
      %dma_start3A_204 = arith.constant 15 : i32
      %dma_start3A_205 = arith.constant 0 : i32
      %dma_start3A_206 = tpu.memref_slice %arg6[%dma_start3A_204, %dma_start3A_205] : memref<64x16xf32, #tpu.memory_space<vmem>> -> memref<1x16xf32, #tpu.memory_space<vmem>>
      %dma_start3A_207 = arith.constant 0 : i32
      %dma_start3A_208 = tpu.memref_slice %arg2[%squeeze3A_198, %dma_start3A_207] : memref<1000000x16xf32, #tpu.memory_space<hbm>> -> memref<1x16xf32, #tpu.memory_space<hbm>>
      tpu.enqueue_dma source(%dma_start3A_208 : memref<1x16xf32, #tpu.memory_space<hbm>>) target(%dma_start3A_206 : memref<1x16xf32, #tpu.memory_space<vmem>>) target_semaphore(%arg8 : memref<!tpu.dma_semaphore, #tpu.memory_space<semaphore_mem>>)
      %mul3A_209 = arith.constant 64 : i32
      %mul3A_210 = arith.muli %add3A_13, %mul3A_209 : i32
      %add3A_211 = arith.constant 16 : i32
      %add3A_212 = arith.addi %mul3A_210, %add3A_211 : i32
      %get3A_213 = arith.index_cast %add3A_212 : i32 to index
      %get3A_214 = tpu.vector_load %arg5[%get3A_213] {strides = array<i32>} : memref<3328xi32, #tpu.memory_space<vmem>>, vector<16xi32>,
      %get3A_215 = vector.shape_cast %get3A_214 : vector<16xi32> to vector<16xi32>
      %slice3A_216 = vector.extract_strided_slice %get3A_215 {offsets = [0], sizes = [1], strides = [1]} : vector<16xi32> to vector<1xi32>
      %squeeze3A_217 = vector.extract %slice3A_216[0] : i32 from vector<1xi32>
      %dma_start3A_218 = arith.constant 16 : i32
      %dma_start3A_219 = arith.constant 0 : i32
      %dma_start3A_220 = tpu.memref_slice %arg6[%dma_start3A_218, %dma_start3A_219] : memref<64x16xf32, #tpu.memory_space<vmem>> -> memref<1x16xf32, #tpu.memory_space<vmem>>
      %dma_start3A_221 = arith.constant 0 : i32
      %dma_start3A_222 = tpu.memref_slice %arg2[%squeeze3A_217, %dma_start3A_221] : memref<1000000x16xf32, #tpu.memory_space<hbm>> -> memref<1x16xf32, #tpu.memory_space<hbm>>
      %dma_start3A_223 = arith.constant 16 : i32
      %dma_start3A_224 = arith.constant 0 : i32
      %dma_start3A_225 = tpu.memref_slice %arg6[%dma_start3A_223, %dma_start3A_224] : memref<64x16xf32, #tpu.memory_space<vmem>> -> memref<1x16xf32, #tpu.memory_space<vmem>>
      %dma_start3A_226 = arith.constant 0 : i32
      %dma_start3A_227 = tpu.memref_slice %arg2[%squeeze3A_217, %dma_start3A_226] : memref<1000000x16xf32, #tpu.memory_space<hbm>> -> memref<1x16xf32, #tpu.memory_space<hbm>>
      tpu.enqueue_dma source(%dma_start3A_227 : memref<1x16xf32, #tpu.memory_space<hbm>>) target(%dma_start3A_225 : memref<1x16xf32, #tpu.memory_space<vmem>>) target_semaphore(%arg8 : memref<!tpu.dma_semaphore, #tpu.memory_space<semaphore_mem>>)
      %slice3A_228 = vector.extract_strided_slice %get3A_215 {offsets = [1], sizes = [1], strides = [1]} : vector<16xi32> to vector<1xi32>
      %squeeze3A_229 = vector.extract %slice3A_228[0] : i32 from vector<1xi32>
      %dma_start3A_230 = arith.constant 17 : i32
      %dma_start3A_231 = arith.constant 0 : i32
      %dma_start3A_232 = tpu.memref_slice %arg6[%dma_start3A_230, %dma_start3A_231] : memref<64x16xf32, #tpu.memory_space<vmem>> -> memref<1x16xf32, #tpu.memory_space<vmem>>
      %dma_start3A_233 = arith.constant 0 : i32
      %dma_start3A_234 = tpu.memref_slice %arg2[%squeeze3A_229, %dma_start3A_233] : memref<1000000x16xf32, #tpu.memory_space<hbm>> -> memref<1x16xf32, #tpu.memory_space<hbm>>
      %dma_start3A_235 = arith.constant 17 : i32
      %dma_start3A_236 = arith.constant 0 : i32
      %dma_start3A_237 = tpu.memref_slice %arg6[%dma_start3A_235, %dma_start3A_236] : memref<64x16xf32, #tpu.memory_space<vmem>> -> memref<1x16xf32, #tpu.memory_space<vmem>>
      %dma_start3A_238 = arith.constant 0 : i32
      %dma_start3A_239 = tpu.memref_slice %arg2[%squeeze3A_229, %dma_start3A_238] : memref<1000000x16xf32, #tpu.memory_space<hbm>> -> memref<1x16xf32, #tpu.memory_space<hbm>>
      tpu.enqueue_dma source(%dma_start3A_239 : memref<1x16xf32, #tpu.memory_space<hbm>>) target(%dma_start3A_237 : memref<1x16xf32, #tpu.memory_space<vmem>>) target_semaphore(%arg8 : memref<!tpu.dma_semaphore, #tpu.memory_space<semaphore_mem>>)
      %slice3A_240 = vector.extract_strided_slice %get3A_215 {offsets = [2], sizes = [1], strides = [1]} : vector<16xi32> to vector<1xi32>
      %squeeze3A_241 = vector.extract %slice3A_240[0] : i32 from vector<1xi32>
      %dma_start3A_242 = arith.constant 18 : i32
      %dma_start3A_243 = arith.constant 0 : i32
      %dma_start3A_244 = tpu.memref_slice %arg6[%dma_start3A_242, %dma_start3A_243] : memref<64x16xf32, #tpu.memory_space<vmem>> -> memref<1x16xf32, #tpu.memory_space<vmem>>
      %dma_start3A_245 = arith.constant 0 : i32
      %dma_start3A_246 = tpu.memref_slice %arg2[%squeeze3A_241, %dma_start3A_245] : memref<1000000x16xf32, #tpu.memory_space<hbm>> -> memref<1x16xf32, #tpu.memory_space<hbm>>
      %dma_start3A_247 = arith.constant 18 : i32
      %dma_start3A_248 = arith.constant 0 : i32
      %dma_start3A_249 = tpu.memref_slice %arg6[%dma_start3A_247, %dma_start3A_248] : memref<64x16xf32, #tpu.memory_space<vmem>> -> memref<1x16xf32, #tpu.memory_space<vmem>>
      %dma_start3A_250 = arith.constant 0 : i32
      %dma_start3A_251 = tpu.memref_slice %arg2[%squeeze3A_241, %dma_start3A_250] : memref<1000000x16xf32, #tpu.memory_space<hbm>> -> memref<1x16xf32, #tpu.memory_space<hbm>>
      tpu.enqueue_dma source(%dma_start3A_251 : memref<1x16xf32, #tpu.memory_space<hbm>>) target(%dma_start3A_249 : memref<1x16xf32, #tpu.memory_space<vmem>>) target_semaphore(%arg8 : memref<!tpu.dma_semaphore, #tpu.memory_space<semaphore_mem>>)
      %slice3A_252 = vector.extract_strided_slice %get3A_215 {offsets = [3], sizes = [1], strides = [1]} : vector<16xi32> to vector<1xi32>
      %squeeze3A_253 = vector.extract %slice3A_252[0] : i32 from vector<1xi32>
      %dma_start3A_254 = arith.constant 19 : i32
      %dma_start3A_255 = arith.constant 0 : i32
      %dma_start3A_256 = tpu.memref_slice %arg6[%dma_start3A_254, %dma_start3A_255] : memref<64x16xf32, #tpu.memory_space<vmem>> -> memref<1x16xf32, #tpu.memory_space<vmem>>
      %dma_start3A_257 = arith.constant 0 : i32
      %dma_start3A_258 = tpu.memref_slice %arg2[%squeeze3A_253, %dma_start3A_257] : memref<1000000x16xf32, #tpu.memory_space<hbm>> -> memref<1x16xf32, #tpu.memory_space<hbm>>
      %dma_start3A_259 = arith.constant 19 : i32
      %dma_start3A_260 = arith.constant 0 : i32
      %dma_start3A_261 = tpu.memref_slice %arg6[%dma_start3A_259, %dma_start3A_260] : memref<64x16xf32, #tpu.memory_space<vmem>> -> memref<1x16xf32, #tpu.memory_space<vmem>>
      %dma_start3A_262 = arith.constant 0 : i32
      %dma_start3A_263 = tpu.memref_slice %arg2[%squeeze3A_253, %dma_start3A_262] : memref<1000000x16xf32, #tpu.memory_space<hbm>> -> memref<1x16xf32, #tpu.memory_space<hbm>>
      tpu.enqueue_dma source(%dma_start3A_263 : memref<1x16xf32, #tpu.memory_space<hbm>>) target(%dma_start3A_261 : memref<1x16xf32, #tpu.memory_space<vmem>>) target_semaphore(%arg8 : memref<!tpu.dma_semaphore, #tpu.memory_space<semaphore_mem>>)
      %slice3A_264 = vector.extract_strided_slice %get3A_215 {offsets = [4], sizes = [1], strides = [1]} : vector<16xi32> to vector<1xi32>
      %squeeze3A_265 = vector.extract %slice3A_264[0] : i32 from vector<1xi32>
      %dma_start3A_266 = arith.constant 20 : i32
      %dma_start3A_267 = arith.constant 0 : i32
      %dma_start3A_268 = tpu.memref_slice %arg6[%dma_start3A_266, %dma_start3A_267] : memref<64x16xf32, #tpu.memory_space<vmem>> -> memref<1x16xf32, #tpu.memory_space<vmem>>
      %dma_start3A_269 = arith.constant 0 : i32
      %dma_start3A_270 = tpu.memref_slice %arg2[%squeeze3A_265, %dma_start3A_269] : memref<1000000x16xf32, #tpu.memory_space<hbm>> -> memref<1x16xf32, #tpu.memory_space<hbm>>
      %dma_start3A_271 = arith.constant 20 : i32
      %dma_start3A_272 = arith.constant 0 : i32
      %dma_start3A_273 = tpu.memref_slice %arg6[%dma_start3A_271, %dma_start3A_272] : memref<64x16xf32, #tpu.memory_space<vmem>> -> memref<1x16xf32, #tpu.memory_space<vmem>>
      %dma_start3A_274 = arith.constant 0 : i32
      %dma_start3A_275 = tpu.memref_slice %arg2[%squeeze3A_265, %dma_start3A_274] : memref<1000000x16xf32, #tpu.memory_space<hbm>> -> memref<1x16xf32, #tpu.memory_space<hbm>>
      tpu.enqueue_dma source(%dma_start3A_275 : memref<1x16xf32, #tpu.memory_space<hbm>>) target(%dma_start3A_273 : memref<1x16xf32, #tpu.memory_space<vmem>>) target_semaphore(%arg8 : memref<!tpu.dma_semaphore, #tpu.memory_space<semaphore_mem>>)
      %slice3A_276 = vector.extract_strided_slice %get3A_215 {offsets = [5], sizes = [1], strides = [1]} : vector<16xi32> to vector<1xi32>
      %squeeze3A_277 = vector.extract %slice3A_276[0] : i32 from vector<1xi32>
      %dma_start3A_278 = arith.constant 21 : i32
      %dma_start3A_279 = arith.constant 0 : i32
      %dma_start3A_280 = tpu.memref_slice %arg6[%dma_start3A_278, %dma_start3A_279] : memref<64x16xf32, #tpu.memory_space<vmem>> -> memref<1x16xf32, #tpu.memory_space<vmem>>
      %dma_start3A_281 = arith.constant 0 : i32
      %dma_start3A_282 = tpu.memref_slice %arg2[%squeeze3A_277, %dma_start3A_281] : memref<1000000x16xf32, #tpu.memory_space<hbm>> -> memref<1x16xf32, #tpu.memory_space<hbm>>
      %dma_start3A_283 = arith.constant 21 : i32
      %dma_start3A_284 = arith.constant 0 : i32
      %dma_start3A_285 = tpu.memref_slice %arg6[%dma_start3A_283, %dma_start3A_284] : memref<64x16xf32, #tpu.memory_space<vmem>> -> memref<1x16xf32, #tpu.memory_space<vmem>>
      %dma_start3A_286 = arith.constant 0 : i32
      %dma_start3A_287 = tpu.memref_slice %arg2[%squeeze3A_277, %dma_start3A_286] : memref<1000000x16xf32, #tpu.memory_space<hbm>> -> memref<1x16xf32, #tpu.memory_space<hbm>>
      tpu.enqueue_dma source(%dma_start3A_287 : memref<1x16xf32, #tpu.memory_space<hbm>>) target(%dma_start3A_285 : memref<1x16xf32, #tpu.memory_space<vmem>>) target_semaphore(%arg8 : memref<!tpu.dma_semaphore, #tpu.memory_space<semaphore_mem>>)
      %slice3A_288 = vector.extract_strided_slice %get3A_215 {offsets = [6], sizes = [1], strides = [1]} : vector<16xi32> to vector<1xi32>
      %squeeze3A_289 = vector.extract %slice3A_288[0] : i32 from vector<1xi32>
      %dma_start3A_290 = arith.constant 22 : i32
      %dma_start3A_291 = arith.constant 0 : i32
      %dma_start3A_292 = tpu.memref_slice %arg6[%dma_start3A_290, %dma_start3A_291] : memref<64x16xf32, #tpu.memory_space<vmem>> -> memref<1x16xf32, #tpu.memory_space<vmem>>
      %dma_start3A_293 = arith.constant 0 : i32
      %dma_start3A_294 = tpu.memref_slice %arg2[%squeeze3A_289, %dma_start3A_293] : memref<1000000x16xf32, #tpu.memory_space<hbm>> -> memref<1x16xf32, #tpu.memory_space<hbm>>
      %dma_start3A_295 = arith.constant 22 : i32
      %dma_start3A_296 = arith.constant 0 : i32
      %dma_start3A_297 = tpu.memref_slice %arg6[%dma_start3A_295, %dma_start3A_296] : memref<64x16xf32, #tpu.memory_space<vmem>> -> memref<1x16xf32, #tpu.memory_space<vmem>>
      %dma_start3A_298 = arith.constant 0 : i32
      %dma_start3A_299 = tpu.memref_slice %arg2[%squeeze3A_289, %dma_start3A_298] : memref<1000000x16xf32, #tpu.memory_space<hbm>> -> memref<1x16xf32, #tpu.memory_space<hbm>>
      tpu.enqueue_dma source(%dma_start3A_299 : memref<1x16xf32, #tpu.memory_space<hbm>>) target(%dma_start3A_297 : memref<1x16xf32, #tpu.memory_space<vmem>>) target_semaphore(%arg8 : memref<!tpu.dma_semaphore, #tpu.memory_space<semaphore_mem>>)
      %slice3A_300 = vector.extract_strided_slice %get3A_215 {offsets = [7], sizes = [1], strides = [1]} : vector<16xi32> to vector<1xi32>
      %squeeze3A_301 = vector.extract %slice3A_300[0] : i32 from vector<1xi32>
      %dma_start3A_302 = arith.constant 23 : i32
      %dma_start3A_303 = arith.constant 0 : i32
      %dma_start3A_304 = tpu.memref_slice %arg6[%dma_start3A_302, %dma_start3A_303] : memref<64x16xf32, #tpu.memory_space<vmem>> -> memref<1x16xf32, #tpu.memory_space<vmem>>
      %dma_start3A_305 = arith.constant 0 : i32
      %dma_start3A_306 = tpu.memref_slice %arg2[%squeeze3A_301, %dma_start3A_305] : memref<1000000x16xf32, #tpu.memory_space<hbm>> -> memref<1x16xf32, #tpu.memory_space<hbm>>
      %dma_start3A_307 = arith.constant 23 : i32
      %dma_start3A_308 = arith.constant 0 : i32
      %dma_start3A_309 = tpu.memref_slice %arg6[%dma_start3A_307, %dma_start3A_308] : memref<64x16xf32, #tpu.memory_space<vmem>> -> memref<1x16xf32, #tpu.memory_space<vmem>>
      %dma_start3A_310 = arith.constant 0 : i32
      %dma_start3A_311 = tpu.memref_slice %arg2[%squeeze3A_301, %dma_start3A_310] : memref<1000000x16xf32, #tpu.memory_space<hbm>> -> memref<1x16xf32, #tpu.memory_space<hbm>>
      tpu.enqueue_dma source(%dma_start3A_311 : memref<1x16xf32, #tpu.memory_space<hbm>>) target(%dma_start3A_309 : memref<1x16xf32, #tpu.memory_space<vmem>>) target_semaphore(%arg8 : memref<!tpu.dma_semaphore, #tpu.memory_space<semaphore_mem>>)
      %slice3A_312 = vector.extract_strided_slice %get3A_215 {offsets = [8], sizes = [1], strides = [1]} : vector<16xi32> to vector<1xi32>
      %squeeze3A_313 = vector.extract %slice3A_312[0] : i32 from vector<1xi32>
      %dma_start3A_314 = arith.constant 24 : i32
      %dma_start3A_315 = arith.constant 0 : i32
      %dma_start3A_316 = tpu.memref_slice %arg6[%dma_start3A_314, %dma_start3A_315] : memref<64x16xf32, #tpu.memory_space<vmem>> -> memref<1x16xf32, #tpu.memory_space<vmem>>
      %dma_start3A_317 = arith.constant 0 : i32
      %dma_start3A_318 = tpu.memref_slice %arg2[%squeeze3A_313, %dma_start3A_317] : memref<1000000x16xf32, #tpu.memory_space<hbm>> -> memref<1x16xf32, #tpu.memory_space<hbm>>
      %dma_start3A_319 = arith.constant 24 : i32
      %dma_start3A_320 = arith.constant 0 : i32
      %dma_start3A_321 = tpu.memref_slice %arg6[%dma_start3A_319, %dma_start3A_320] : memref<64x16xf32, #tpu.memory_space<vmem>> -> memref<1x16xf32, #tpu.memory_space<vmem>>
      %dma_start3A_322 = arith.constant 0 : i32
      %dma_start3A_323 = tpu.memref_slice %arg2[%squeeze3A_313, %dma_start3A_322] : memref<1000000x16xf32, #tpu.memory_space<hbm>> -> memref<1x16xf32, #tpu.memory_space<hbm>>
      tpu.enqueue_dma source(%dma_start3A_323 : memref<1x16xf32, #tpu.memory_space<hbm>>) target(%dma_start3A_321 : memref<1x16xf32, #tpu.memory_space<vmem>>) target_semaphore(%arg8 : memref<!tpu.dma_semaphore, #tpu.memory_space<semaphore_mem>>)
      %slice3A_324 = vector.extract_strided_slice %get3A_215 {offsets = [9], sizes = [1], strides = [1]} : vector<16xi32> to vector<1xi32>
      %squeeze3A_325 = vector.extract %slice3A_324[0] : i32 from vector<1xi32>
      %dma_start3A_326 = arith.constant 25 : i32
      %dma_start3A_327 = arith.constant 0 : i32
      %dma_start3A_328 = tpu.memref_slice %arg6[%dma_start3A_326, %dma_start3A_327] : memref<64x16xf32, #tpu.memory_space<vmem>> -> memref<1x16xf32, #tpu.memory_space<vmem>>
      %dma_start3A_329 = arith.constant 0 : i32
      %dma_start3A_330 = tpu.memref_slice %arg2[%squeeze3A_325, %dma_start3A_329] : memref<1000000x16xf32, #tpu.memory_space<hbm>> -> memref<1x16xf32, #tpu.memory_space<hbm>>
      %dma_start3A_331 = arith.constant 25 : i32
      %dma_start3A_332 = arith.constant 0 : i32
      %dma_start3A_333 = tpu.memref_slice %arg6[%dma_start3A_331, %dma_start3A_332] : memref<64x16xf32, #tpu.memory_space<vmem>> -> memref<1x16xf32, #tpu.memory_space<vmem>>
      %dma_start3A_334 = arith.constant 0 : i32
      %dma_start3A_335 = tpu.memref_slice %arg2[%squeeze3A_325, %dma_start3A_334] : memref<1000000x16xf32, #tpu.memory_space<hbm>> -> memref<1x16xf32, #tpu.memory_space<hbm>>
      tpu.enqueue_dma source(%dma_start3A_335 : memref<1x16xf32, #tpu.memory_space<hbm>>) target(%dma_start3A_333 : memref<1x16xf32, #tpu.memory_space<vmem>>) target_semaphore(%arg8 : memref<!tpu.dma_semaphore, #tpu.memory_space<semaphore_mem>>)
      %slice3A_336 = vector.extract_strided_slice %get3A_215 {offsets = [10], sizes = [1], strides = [1]} : vector<16xi32> to vector<1xi32>
      %squeeze3A_337 = vector.extract %slice3A_336[0] : i32 from vector<1xi32>
      %dma_start3A_338 = arith.constant 26 : i32
      %dma_start3A_339 = arith.constant 0 : i32
      %dma_start3A_340 = tpu.memref_slice %arg6[%dma_start3A_338, %dma_start3A_339] : memref<64x16xf32, #tpu.memory_space<vmem>> -> memref<1x16xf32, #tpu.memory_space<vmem>>
      %dma_start3A_341 = arith.constant 0 : i32
      %dma_start3A_342 = tpu.memref_slice %arg2[%squeeze3A_337, %dma_start3A_341] : memref<1000000x16xf32, #tpu.memory_space<hbm>> -> memref<1x16xf32, #tpu.memory_space<hbm>>
      %dma_start3A_343 = arith.constant 26 : i32
      %dma_start3A_344 = arith.constant 0 : i32
      %dma_start3A_345 = tpu.memref_slice %arg6[%dma_start3A_343, %dma_start3A_344] : memref<64x16xf32, #tpu.memory_space<vmem>> -> memref<1x16xf32, #tpu.memory_space<vmem>>
      %dma_start3A_346 = arith.constant 0 : i32
      %dma_start3A_347 = tpu.memref_slice %arg2[%squeeze3A_337, %dma_start3A_346] : memref<1000000x16xf32, #tpu.memory_space<hbm>> -> memref<1x16xf32, #tpu.memory_space<hbm>>
      tpu.enqueue_dma source(%dma_start3A_347 : memref<1x16xf32, #tpu.memory_space<hbm>>) target(%dma_start3A_345 : memref<1x16xf32, #tpu.memory_space<vmem>>) target_semaphore(%arg8 : memref<!tpu.dma_semaphore, #tpu.memory_space<semaphore_mem>>)
      %slice3A_348 = vector.extract_strided_slice %get3A_215 {offsets = [11], sizes = [1], strides = [1]} : vector<16xi32> to vector<1xi32>
      %squeeze3A_349 = vector.extract %slice3A_348[0] : i32 from vector<1xi32>
      %dma_start3A_350 = arith.constant 27 : i32
      %dma_start3A_351 = arith.constant 0 : i32
      %dma_start3A_352 = tpu.memref_slice %arg6[%dma_start3A_350, %dma_start3A_351] : memref<64x16xf32, #tpu.memory_space<vmem>> -> memref<1x16xf32, #tpu.memory_space<vmem>>
      %dma_start3A_353 = arith.constant 0 : i32
      %dma_start3A_354 = tpu.memref_slice %arg2[%squeeze3A_349, %dma_start3A_353] : memref<1000000x16xf32, #tpu.memory_space<hbm>> -> memref<1x16xf32, #tpu.memory_space<hbm>>
      %dma_start3A_355 = arith.constant 27 : i32
      %dma_start3A_356 = arith.constant 0 : i32
      %dma_start3A_357 = tpu.memref_slice %arg6[%dma_start3A_355, %dma_start3A_356] : memref<64x16xf32, #tpu.memory_space<vmem>> -> memref<1x16xf32, #tpu.memory_space<vmem>>
      %dma_start3A_358 = arith.constant 0 : i32
      %dma_start3A_359 = tpu.memref_slice %arg2[%squeeze3A_349, %dma_start3A_358] : memref<1000000x16xf32, #tpu.memory_space<hbm>> -> memref<1x16xf32, #tpu.memory_space<hbm>>
      tpu.enqueue_dma source(%dma_start3A_359 : memref<1x16xf32, #tpu.memory_space<hbm>>) target(%dma_start3A_357 : memref<1x16xf32, #tpu.memory_space<vmem>>) target_semaphore(%arg8 : memref<!tpu.dma_semaphore, #tpu.memory_space<semaphore_mem>>)
      %slice3A_360 = vector.extract_strided_slice %get3A_215 {offsets = [12], sizes = [1], strides = [1]} : vector<16xi32> to vector<1xi32>
      %squeeze3A_361 = vector.extract %slice3A_360[0] : i32 from vector<1xi32>
      %dma_start3A_362 = arith.constant 28 : i32
      %dma_start3A_363 = arith.constant 0 : i32
      %dma_start3A_364 = tpu.memref_slice %arg6[%dma_start3A_362, %dma_start3A_363] : memref<64x16xf32, #tpu.memory_space<vmem>> -> memref<1x16xf32, #tpu.memory_space<vmem>>
      %dma_start3A_365 = arith.constant 0 : i32
      %dma_start3A_366 = tpu.memref_slice %arg2[%squeeze3A_361, %dma_start3A_365] : memref<1000000x16xf32, #tpu.memory_space<hbm>> -> memref<1x16xf32, #tpu.memory_space<hbm>>
      %dma_start3A_367 = arith.constant 28 : i32
      %dma_start3A_368 = arith.constant 0 : i32
      %dma_start3A_369 = tpu.memref_slice %arg6[%dma_start3A_367, %dma_start3A_368] : memref<64x16xf32, #tpu.memory_space<vmem>> -> memref<1x16xf32, #tpu.memory_space<vmem>>
      %dma_start3A_370 = arith.constant 0 : i32
      %dma_start3A_371 = tpu.memref_slice %arg2[%squeeze3A_361, %dma_start3A_370] : memref<1000000x16xf32, #tpu.memory_space<hbm>> -> memref<1x16xf32, #tpu.memory_space<hbm>>
      tpu.enqueue_dma source(%dma_start3A_371 : memref<1x16xf32, #tpu.memory_space<hbm>>) target(%dma_start3A_369 : memref<1x16xf32, #tpu.memory_space<vmem>>) target_semaphore(%arg8 : memref<!tpu.dma_semaphore, #tpu.memory_space<semaphore_mem>>)
      %slice3A_372 = vector.extract_strided_slice %get3A_215 {offsets = [13], sizes = [1], strides = [1]} : vector<16xi32> to vector<1xi32>
      %squeeze3A_373 = vector.extract %slice3A_372[0] : i32 from vector<1xi32>
      %dma_start3A_374 = arith.constant 29 : i32
      %dma_start3A_375 = arith.constant 0 : i32
      %dma_start3A_376 = tpu.memref_slice %arg6[%dma_start3A_374, %dma_start3A_375] : memref<64x16xf32, #tpu.memory_space<vmem>> -> memref<1x16xf32, #tpu.memory_space<vmem>>
      %dma_start3A_377 = arith.constant 0 : i32
      %dma_start3A_378 = tpu.memref_slice %arg2[%squeeze3A_373, %dma_start3A_377] : memref<1000000x16xf32, #tpu.memory_space<hbm>> -> memref<1x16xf32, #tpu.memory_space<hbm>>
      %dma_start3A_379 = arith.constant 29 : i32
      %dma_start3A_380 = arith.constant 0 : i32
      %dma_start3A_381 = tpu.memref_slice %arg6[%dma_start3A_379, %dma_start3A_380] : memref<64x16xf32, #tpu.memory_space<vmem>> -> memref<1x16xf32, #tpu.memory_space<vmem>>
      %dma_start3A_382 = arith.constant 0 : i32
      %dma_start3A_383 = tpu.memref_slice %arg2[%squeeze3A_373, %dma_start3A_382] : memref<1000000x16xf32, #tpu.memory_space<hbm>> -> memref<1x16xf32, #tpu.memory_space<hbm>>
      tpu.enqueue_dma source(%dma_start3A_383 : memref<1x16xf32, #tpu.memory_space<hbm>>) target(%dma_start3A_381 : memref<1x16xf32, #tpu.memory_space<vmem>>) target_semaphore(%arg8 : memref<!tpu.dma_semaphore, #tpu.memory_space<semaphore_mem>>)
      %slice3A_384 = vector.extract_strided_slice %get3A_215 {offsets = [14], sizes = [1], strides = [1]} : vector<16xi32> to vector<1xi32>
      %squeeze3A_385 = vector.extract %slice3A_384[0] : i32 from vector<1xi32>
      %dma_start3A_386 = arith.constant 30 : i32
      %dma_start3A_387 = arith.constant 0 : i32
      %dma_start3A_388 = tpu.memref_slice %arg6[%dma_start3A_386, %dma_start3A_387] : memref<64x16xf32, #tpu.memory_space<vmem>> -> memref<1x16xf32, #tpu.memory_space<vmem>>
      %dma_start3A_389 = arith.constant 0 : i32
      %dma_start3A_390 = tpu.memref_slice %arg2[%squeeze3A_385, %dma_start3A_389] : memref<1000000x16xf32, #tpu.memory_space<hbm>> -> memref<1x16xf32, #tpu.memory_space<hbm>>
      %dma_start3A_391 = arith.constant 30 : i32
      %dma_start3A_392 = arith.constant 0 : i32
      %dma_start3A_393 = tpu.memref_slice %arg6[%dma_start3A_391, %dma_start3A_392] : memref<64x16xf32, #tpu.memory_space<vmem>> -> memref<1x16xf32, #tpu.memory_space<vmem>>
      %dma_start3A_394 = arith.constant 0 : i32
      %dma_start3A_395 = tpu.memref_slice %arg2[%squeeze3A_385, %dma_start3A_394] : memref<1000000x16xf32, #tpu.memory_space<hbm>> -> memref<1x16xf32, #tpu.memory_space<hbm>>
      tpu.enqueue_dma source(%dma_start3A_395 : memref<1x16xf32, #tpu.memory_space<hbm>>) target(%dma_start3A_393 : memref<1x16xf32, #tpu.memory_space<vmem>>) target_semaphore(%arg8 : memref<!tpu.dma_semaphore, #tpu.memory_space<semaphore_mem>>)
      %slice3A_396 = vector.extract_strided_slice %get3A_215 {offsets = [15], sizes = [1], strides = [1]} : vector<16xi32> to vector<1xi32>
      %squeeze3A_397 = vector.extract %slice3A_396[0] : i32 from vector<1xi32>
      %dma_start3A_398 = arith.constant 31 : i32
      %dma_start3A_399 = arith.constant 0 : i32
      %dma_start3A_400 = tpu.memref_slice %arg6[%dma_start3A_398, %dma_start3A_399] : memref<64x16xf32, #tpu.memory_space<vmem>> -> memref<1x16xf32, #tpu.memory_space<vmem>>
      %dma_start3A_401 = arith.constant 0 : i32
      %dma_start3A_402 = tpu.memref_slice %arg2[%squeeze3A_397, %dma_start3A_401] : memref<1000000x16xf32, #tpu.memory_space<hbm>> -> memref<1x16xf32, #tpu.memory_space<hbm>>
      %dma_start3A_403 = arith.constant 31 : i32
      %dma_start3A_404 = arith.constant 0 : i32
      %dma_start3A_405 = tpu.memref_slice %arg6[%dma_start3A_403, %dma_start3A_404] : memref<64x16xf32, #tpu.memory_space<vmem>> -> memref<1x16xf32, #tpu.memory_space<vmem>>
      %dma_start3A_406 = arith.constant 0 : i32
      %dma_start3A_407 = tpu.memref_slice %arg2[%squeeze3A_397, %dma_start3A_406] : memref<1000000x16xf32, #tpu.memory_space<hbm>> -> memref<1x16xf32, #tpu.memory_space<hbm>>
      tpu.enqueue_dma source(%dma_start3A_407 : memref<1x16xf32, #tpu.memory_space<hbm>>) target(%dma_start3A_405 : memref<1x16xf32, #tpu.memory_space<vmem>>) target_semaphore(%arg8 : memref<!tpu.dma_semaphore, #tpu.memory_space<semaphore_mem>>)
      %mul3A_408 = arith.constant 64 : i32
      %mul3A_409 = arith.muli %add3A_13, %mul3A_408 : i32
      %add3A_410 = arith.constant 32 : i32
      %add3A_411 = arith.addi %mul3A_409, %add3A_410 : i32
      %get3A_412 = arith.index_cast %add3A_411 : i32 to index
      %get3A_413 = tpu.vector_load %arg5[%get3A_412] {strides = array<i32>} : memref<3328xi32, #tpu.memory_space<vmem>>, vector<16xi32>,
      %get3A_414 = vector.shape_cast %get3A_413 : vector<16xi32> to vector<16xi32>
      %slice3A_415 = vector.extract_strided_slice %get3A_414 {offsets = [0], sizes = [1], strides = [1]} : vector<16xi32> to vector<1xi32>
      %squeeze3A_416 = vector.extract %slice3A_415[0] : i32 from vector<1xi32>
      %dma_start3A_417 = arith.constant 32 : i32
      %dma_start3A_418 = arith.constant 0 : i32
      %dma_start3A_419 = tpu.memref_slice %arg6[%dma_start3A_417, %dma_start3A_418] : memref<64x16xf32, #tpu.memory_space<vmem>> -> memref<1x16xf32, #tpu.memory_space<vmem>>
      %dma_start3A_420 = arith.constant 0 : i32
      %dma_start3A_421 = tpu.memref_slice %arg2[%squeeze3A_416, %dma_start3A_420] : memref<1000000x16xf32, #tpu.memory_space<hbm>> -> memref<1x16xf32, #tpu.memory_space<hbm>>
      %dma_start3A_422 = arith.constant 32 : i32
      %dma_start3A_423 = arith.constant 0 : i32
      %dma_start3A_424 = tpu.memref_slice %arg6[%dma_start3A_422, %dma_start3A_423] : memref<64x16xf32, #tpu.memory_space<vmem>> -> memref<1x16xf32, #tpu.memory_space<vmem>>
      %dma_start3A_425 = arith.constant 0 : i32
      %dma_start3A_426 = tpu.memref_slice %arg2[%squeeze3A_416, %dma_start3A_425] : memref<1000000x16xf32, #tpu.memory_space<hbm>> -> memref<1x16xf32, #tpu.memory_space<hbm>>
      tpu.enqueue_dma source(%dma_start3A_426 : memref<1x16xf32, #tpu.memory_space<hbm>>) target(%dma_start3A_424 : memref<1x16xf32, #tpu.memory_space<vmem>>) target_semaphore(%arg8 : memref<!tpu.dma_semaphore, #tpu.memory_space<semaphore_mem>>)
      %slice3A_427 = vector.extract_strided_slice %get3A_414 {offsets = [1], sizes = [1], strides = [1]} : vector<16xi32> to vector<1xi32>
      %squeeze3A_428 = vector.extract %slice3A_427[0] : i32 from vector<1xi32>
      %dma_start3A_429 = arith.constant 33 : i32
      %dma_start3A_430 = arith.constant 0 : i32
      %dma_start3A_431 = tpu.memref_slice %arg6[%dma_start3A_429, %dma_start3A_430] : memref<64x16xf32, #tpu.memory_space<vmem>> -> memref<1x16xf32, #tpu.memory_space<vmem>>
      %dma_start3A_432 = arith.constant 0 : i32
      %dma_start3A_433 = tpu.memref_slice %arg2[%squeeze3A_428, %dma_start3A_432] : memref<1000000x16xf32, #tpu.memory_space<hbm>> -> memref<1x16xf32, #tpu.memory_space<hbm>>
      %dma_start3A_434 = arith.constant 33 : i32
      %dma_start3A_435 = arith.constant 0 : i32
      %dma_start3A_436 = tpu.memref_slice %arg6[%dma_start3A_434, %dma_start3A_435] : memref<64x16xf32, #tpu.memory_space<vmem>> -> memref<1x16xf32, #tpu.memory_space<vmem>>
      %dma_start3A_437 = arith.constant 0 : i32
      %dma_start3A_438 = tpu.memref_slice %arg2[%squeeze3A_428, %dma_start3A_437] : memref<1000000x16xf32, #tpu.memory_space<hbm>> -> memref<1x16xf32, #tpu.memory_space<hbm>>
      tpu.enqueue_dma source(%dma_start3A_438 : memref<1x16xf32, #tpu.memory_space<hbm>>) target(%dma_start3A_436 : memref<1x16xf32, #tpu.memory_space<vmem>>) target_semaphore(%arg8 : memref<!tpu.dma_semaphore, #tpu.memory_space<semaphore_mem>>)
      %slice3A_439 = vector.extract_strided_slice %get3A_414 {offsets = [2], sizes = [1], strides = [1]} : vector<16xi32> to vector<1xi32>
      %squeeze3A_440 = vector.extract %slice3A_439[0] : i32 from vector<1xi32>
      %dma_start3A_441 = arith.constant 34 : i32
      %dma_start3A_442 = arith.constant 0 : i32
      %dma_start3A_443 = tpu.memref_slice %arg6[%dma_start3A_441, %dma_start3A_442] : memref<64x16xf32, #tpu.memory_space<vmem>> -> memref<1x16xf32, #tpu.memory_space<vmem>>
      %dma_start3A_444 = arith.constant 0 : i32
      %dma_start3A_445 = tpu.memref_slice %arg2[%squeeze3A_440, %dma_start3A_444] : memref<1000000x16xf32, #tpu.memory_space<hbm>> -> memref<1x16xf32, #tpu.memory_space<hbm>>
      %dma_start3A_446 = arith.constant 34 : i32
      %dma_start3A_447 = arith.constant 0 : i32
      %dma_start3A_448 = tpu.memref_slice %arg6[%dma_start3A_446, %dma_start3A_447] : memref<64x16xf32, #tpu.memory_space<vmem>> -> memref<1x16xf32, #tpu.memory_space<vmem>>
      %dma_start3A_449 = arith.constant 0 : i32
      %dma_start3A_450 = tpu.memref_slice %arg2[%squeeze3A_440, %dma_start3A_449] : memref<1000000x16xf32, #tpu.memory_space<hbm>> -> memref<1x16xf32, #tpu.memory_space<hbm>>
      tpu.enqueue_dma source(%dma_start3A_450 : memref<1x16xf32, #tpu.memory_space<hbm>>) target(%dma_start3A_448 : memref<1x16xf32, #tpu.memory_space<vmem>>) target_semaphore(%arg8 : memref<!tpu.dma_semaphore, #tpu.memory_space<semaphore_mem>>)
      %slice3A_451 = vector.extract_strided_slice %get3A_414 {offsets = [3], sizes = [1], strides = [1]} : vector<16xi32> to vector<1xi32>
      %squeeze3A_452 = vector.extract %slice3A_451[0] : i32 from vector<1xi32>
      %dma_start3A_453 = arith.constant 35 : i32
      %dma_start3A_454 = arith.constant 0 : i32
      %dma_start3A_455 = tpu.memref_slice %arg6[%dma_start3A_453, %dma_start3A_454] : memref<64x16xf32, #tpu.memory_space<vmem>> -> memref<1x16xf32, #tpu.memory_space<vmem>>
      %dma_start3A_456 = arith.constant 0 : i32
      %dma_start3A_457 = tpu.memref_slice %arg2[%squeeze3A_452, %dma_start3A_456] : memref<1000000x16xf32, #tpu.memory_space<hbm>> -> memref<1x16xf32, #tpu.memory_space<hbm>>
      %dma_start3A_458 = arith.constant 35 : i32
      %dma_start3A_459 = arith.constant 0 : i32
      %dma_start3A_460 = tpu.memref_slice %arg6[%dma_start3A_458, %dma_start3A_459] : memref<64x16xf32, #tpu.memory_space<vmem>> -> memref<1x16xf32, #tpu.memory_space<vmem>>
      %dma_start3A_461 = arith.constant 0 : i32
      %dma_start3A_462 = tpu.memref_slice %arg2[%squeeze3A_452, %dma_start3A_461] : memref<1000000x16xf32, #tpu.memory_space<hbm>> -> memref<1x16xf32, #tpu.memory_space<hbm>>
      tpu.enqueue_dma source(%dma_start3A_462 : memref<1x16xf32, #tpu.memory_space<hbm>>) target(%dma_start3A_460 : memref<1x16xf32, #tpu.memory_space<vmem>>) target_semaphore(%arg8 : memref<!tpu.dma_semaphore, #tpu.memory_space<semaphore_mem>>)
      %slice3A_463 = vector.extract_strided_slice %get3A_414 {offsets = [4], sizes = [1], strides = [1]} : vector<16xi32> to vector<1xi32>
      %squeeze3A_464 = vector.extract %slice3A_463[0] : i32 from vector<1xi32>
      %dma_start3A_465 = arith.constant 36 : i32
      %dma_start3A_466 = arith.constant 0 : i32
      %dma_start3A_467 = tpu.memref_slice %arg6[%dma_start3A_465, %dma_start3A_466] : memref<64x16xf32, #tpu.memory_space<vmem>> -> memref<1x16xf32, #tpu.memory_space<vmem>>
      %dma_start3A_468 = arith.constant 0 : i32
      %dma_start3A_469 = tpu.memref_slice %arg2[%squeeze3A_464, %dma_start3A_468] : memref<1000000x16xf32, #tpu.memory_space<hbm>> -> memref<1x16xf32, #tpu.memory_space<hbm>>
      %dma_start3A_470 = arith.constant 36 : i32
      %dma_start3A_471 = arith.constant 0 : i32
      %dma_start3A_472 = tpu.memref_slice %arg6[%dma_start3A_470, %dma_start3A_471] : memref<64x16xf32, #tpu.memory_space<vmem>> -> memref<1x16xf32, #tpu.memory_space<vmem>>
      %dma_start3A_473 = arith.constant 0 : i32
      %dma_start3A_474 = tpu.memref_slice %arg2[%squeeze3A_464, %dma_start3A_473] : memref<1000000x16xf32, #tpu.memory_space<hbm>> -> memref<1x16xf32, #tpu.memory_space<hbm>>
      tpu.enqueue_dma source(%dma_start3A_474 : memref<1x16xf32, #tpu.memory_space<hbm>>) target(%dma_start3A_472 : memref<1x16xf32, #tpu.memory_space<vmem>>) target_semaphore(%arg8 : memref<!tpu.dma_semaphore, #tpu.memory_space<semaphore_mem>>)
      %slice3A_475 = vector.extract_strided_slice %get3A_414 {offsets = [5], sizes = [1], strides = [1]} : vector<16xi32> to vector<1xi32>
      %squeeze3A_476 = vector.extract %slice3A_475[0] : i32 from vector<1xi32>
      %dma_start3A_477 = arith.constant 37 : i32
      %dma_start3A_478 = arith.constant 0 : i32
      %dma_start3A_479 = tpu.memref_slice %arg6[%dma_start3A_477, %dma_start3A_478] : memref<64x16xf32, #tpu.memory_space<vmem>> -> memref<1x16xf32, #tpu.memory_space<vmem>>
      %dma_start3A_480 = arith.constant 0 : i32
      %dma_start3A_481 = tpu.memref_slice %arg2[%squeeze3A_476, %dma_start3A_480] : memref<1000000x16xf32, #tpu.memory_space<hbm>> -> memref<1x16xf32, #tpu.memory_space<hbm>>
      %dma_start3A_482 = arith.constant 37 : i32
      %dma_start3A_483 = arith.constant 0 : i32
      %dma_start3A_484 = tpu.memref_slice %arg6[%dma_start3A_482, %dma_start3A_483] : memref<64x16xf32, #tpu.memory_space<vmem>> -> memref<1x16xf32, #tpu.memory_space<vmem>>
      %dma_start3A_485 = arith.constant 0 : i32
      %dma_start3A_486 = tpu.memref_slice %arg2[%squeeze3A_476, %dma_start3A_485] : memref<1000000x16xf32, #tpu.memory_space<hbm>> -> memref<1x16xf32, #tpu.memory_space<hbm>>
      tpu.enqueue_dma source(%dma_start3A_486 : memref<1x16xf32, #tpu.memory_space<hbm>>) target(%dma_start3A_484 : memref<1x16xf32, #tpu.memory_space<vmem>>) target_semaphore(%arg8 : memref<!tpu.dma_semaphore, #tpu.memory_space<semaphore_mem>>)
      %slice3A_487 = vector.extract_strided_slice %get3A_414 {offsets = [6], sizes = [1], strides = [1]} : vector<16xi32> to vector<1xi32>
      %squeeze3A_488 = vector.extract %slice3A_487[0] : i32 from vector<1xi32>
      %dma_start3A_489 = arith.constant 38 : i32
      %dma_start3A_490 = arith.constant 0 : i32
      %dma_start3A_491 = tpu.memref_slice %arg6[%dma_start3A_489, %dma_start3A_490] : memref<64x16xf32, #tpu.memory_space<vmem>> -> memref<1x16xf32, #tpu.memory_space<vmem>>
      %dma_start3A_492 = arith.constant 0 : i32
      %dma_start3A_493 = tpu.memref_slice %arg2[%squeeze3A_488, %dma_start3A_492] : memref<1000000x16xf32, #tpu.memory_space<hbm>> -> memref<1x16xf32, #tpu.memory_space<hbm>>
      %dma_start3A_494 = arith.constant 38 : i32
      %dma_start3A_495 = arith.constant 0 : i32
      %dma_start3A_496 = tpu.memref_slice %arg6[%dma_start3A_494, %dma_start3A_495] : memref<64x16xf32, #tpu.memory_space<vmem>> -> memref<1x16xf32, #tpu.memory_space<vmem>>
      %dma_start3A_497 = arith.constant 0 : i32
      %dma_start3A_498 = tpu.memref_slice %arg2[%squeeze3A_488, %dma_start3A_497] : memref<1000000x16xf32, #tpu.memory_space<hbm>> -> memref<1x16xf32, #tpu.memory_space<hbm>>
      tpu.enqueue_dma source(%dma_start3A_498 : memref<1x16xf32, #tpu.memory_space<hbm>>) target(%dma_start3A_496 : memref<1x16xf32, #tpu.memory_space<vmem>>) target_semaphore(%arg8 : memref<!tpu.dma_semaphore, #tpu.memory_space<semaphore_mem>>)
      %slice3A_499 = vector.extract_strided_slice %get3A_414 {offsets = [7], sizes = [1], strides = [1]} : vector<16xi32> to vector<1xi32>
      %squeeze3A_500 = vector.extract %slice3A_499[0] : i32 from vector<1xi32>
      %dma_start3A_501 = arith.constant 39 : i32
      %dma_start3A_502 = arith.constant 0 : i32
      %dma_start3A_503 = tpu.memref_slice %arg6[%dma_start3A_501, %dma_start3A_502] : memref<64x16xf32, #tpu.memory_space<vmem>> -> memref<1x16xf32, #tpu.memory_space<vmem>>
      %dma_start3A_504 = arith.constant 0 : i32
      %dma_start3A_505 = tpu.memref_slice %arg2[%squeeze3A_500, %dma_start3A_504] : memref<1000000x16xf32, #tpu.memory_space<hbm>> -> memref<1x16xf32, #tpu.memory_space<hbm>>
      %dma_start3A_506 = arith.constant 39 : i32
      %dma_start3A_507 = arith.constant 0 : i32
      %dma_start3A_508 = tpu.memref_slice %arg6[%dma_start3A_506, %dma_start3A_507] : memref<64x16xf32, #tpu.memory_space<vmem>> -> memref<1x16xf32, #tpu.memory_space<vmem>>
      %dma_start3A_509 = arith.constant 0 : i32
      %dma_start3A_510 = tpu.memref_slice %arg2[%squeeze3A_500, %dma_start3A_509] : memref<1000000x16xf32, #tpu.memory_space<hbm>> -> memref<1x16xf32, #tpu.memory_space<hbm>>
      tpu.enqueue_dma source(%dma_start3A_510 : memref<1x16xf32, #tpu.memory_space<hbm>>) target(%dma_start3A_508 : memref<1x16xf32, #tpu.memory_space<vmem>>) target_semaphore(%arg8 : memref<!tpu.dma_semaphore, #tpu.memory_space<semaphore_mem>>)
      %slice3A_511 = vector.extract_strided_slice %get3A_414 {offsets = [8], sizes = [1], strides = [1]} : vector<16xi32> to vector<1xi32>
      %squeeze3A_512 = vector.extract %slice3A_511[0] : i32 from vector<1xi32>
      %dma_start3A_513 = arith.constant 40 : i32
      %dma_start3A_514 = arith.constant 0 : i32
      %dma_start3A_515 = tpu.memref_slice %arg6[%dma_start3A_513, %dma_start3A_514] : memref<64x16xf32, #tpu.memory_space<vmem>> -> memref<1x16xf32, #tpu.memory_space<vmem>>
      %dma_start3A_516 = arith.constant 0 : i32
      %dma_start3A_517 = tpu.memref_slice %arg2[%squeeze3A_512, %dma_start3A_516] : memref<1000000x16xf32, #tpu.memory_space<hbm>> -> memref<1x16xf32, #tpu.memory_space<hbm>>
      %dma_start3A_518 = arith.constant 40 : i32
      %dma_start3A_519 = arith.constant 0 : i32
      %dma_start3A_520 = tpu.memref_slice %arg6[%dma_start3A_518, %dma_start3A_519] : memref<64x16xf32, #tpu.memory_space<vmem>> -> memref<1x16xf32, #tpu.memory_space<vmem>>
      %dma_start3A_521 = arith.constant 0 : i32
      %dma_start3A_522 = tpu.memref_slice %arg2[%squeeze3A_512, %dma_start3A_521] : memref<1000000x16xf32, #tpu.memory_space<hbm>> -> memref<1x16xf32, #tpu.memory_space<hbm>>
      tpu.enqueue_dma source(%dma_start3A_522 : memref<1x16xf32, #tpu.memory_space<hbm>>) target(%dma_start3A_520 : memref<1x16xf32, #tpu.memory_space<vmem>>) target_semaphore(%arg8 : memref<!tpu.dma_semaphore, #tpu.memory_space<semaphore_mem>>)
      %slice3A_523 = vector.extract_strided_slice %get3A_414 {offsets = [9], sizes = [1], strides = [1]} : vector<16xi32> to vector<1xi32>
      %squeeze3A_524 = vector.extract %slice3A_523[0] : i32 from vector<1xi32>
      %dma_start3A_525 = arith.constant 41 : i32
      %dma_start3A_526 = arith.constant 0 : i32
      %dma_start3A_527 = tpu.memref_slice %arg6[%dma_start3A_525, %dma_start3A_526] : memref<64x16xf32, #tpu.memory_space<vmem>> -> memref<1x16xf32, #tpu.memory_space<vmem>>
      %dma_start3A_528 = arith.constant 0 : i32
      %dma_start3A_529 = tpu.memref_slice %arg2[%squeeze3A_524, %dma_start3A_528] : memref<1000000x16xf32, #tpu.memory_space<hbm>> -> memref<1x16xf32, #tpu.memory_space<hbm>>
      %dma_start3A_530 = arith.constant 41 : i32
      %dma_start3A_531 = arith.constant 0 : i32
      %dma_start3A_532 = tpu.memref_slice %arg6[%dma_start3A_530, %dma_start3A_531] : memref<64x16xf32, #tpu.memory_space<vmem>> -> memref<1x16xf32, #tpu.memory_space<vmem>>
      %dma_start3A_533 = arith.constant 0 : i32
      %dma_start3A_534 = tpu.memref_slice %arg2[%squeeze3A_524, %dma_start3A_533] : memref<1000000x16xf32, #tpu.memory_space<hbm>> -> memref<1x16xf32, #tpu.memory_space<hbm>>
      tpu.enqueue_dma source(%dma_start3A_534 : memref<1x16xf32, #tpu.memory_space<hbm>>) target(%dma_start3A_532 : memref<1x16xf32, #tpu.memory_space<vmem>>) target_semaphore(%arg8 : memref<!tpu.dma_semaphore, #tpu.memory_space<semaphore_mem>>)
      %slice3A_535 = vector.extract_strided_slice %get3A_414 {offsets = [10], sizes = [1], strides = [1]} : vector<16xi32> to vector<1xi32>
      %squeeze3A_536 = vector.extract %slice3A_535[0] : i32 from vector<1xi32>
      %dma_start3A_537 = arith.constant 42 : i32
      %dma_start3A_538 = arith.constant 0 : i32
      %dma_start3A_539 = tpu.memref_slice %arg6[%dma_start3A_537, %dma_start3A_538] : memref<64x16xf32, #tpu.memory_space<vmem>> -> memref<1x16xf32, #tpu.memory_space<vmem>>
      %dma_start3A_540 = arith.constant 0 : i32
      %dma_start3A_541 = tpu.memref_slice %arg2[%squeeze3A_536, %dma_start3A_540] : memref<1000000x16xf32, #tpu.memory_space<hbm>> -> memref<1x16xf32, #tpu.memory_space<hbm>>
      %dma_start3A_542 = arith.constant 42 : i32
      %dma_start3A_543 = arith.constant 0 : i32
      %dma_start3A_544 = tpu.memref_slice %arg6[%dma_start3A_542, %dma_start3A_543] : memref<64x16xf32, #tpu.memory_space<vmem>> -> memref<1x16xf32, #tpu.memory_space<vmem>>
      %dma_start3A_545 = arith.constant 0 : i32
      %dma_start3A_546 = tpu.memref_slice %arg2[%squeeze3A_536, %dma_start3A_545] : memref<1000000x16xf32, #tpu.memory_space<hbm>> -> memref<1x16xf32, #tpu.memory_space<hbm>>
      tpu.enqueue_dma source(%dma_start3A_546 : memref<1x16xf32, #tpu.memory_space<hbm>>) target(%dma_start3A_544 : memref<1x16xf32, #tpu.memory_space<vmem>>) target_semaphore(%arg8 : memref<!tpu.dma_semaphore, #tpu.memory_space<semaphore_mem>>)
      %slice3A_547 = vector.extract_strided_slice %get3A_414 {offsets = [11], sizes = [1], strides = [1]} : vector<16xi32> to vector<1xi32>
      %squeeze3A_548 = vector.extract %slice3A_547[0] : i32 from vector<1xi32>
      %dma_start3A_549 = arith.constant 43 : i32
      %dma_start3A_550 = arith.constant 0 : i32
      %dma_start3A_551 = tpu.memref_slice %arg6[%dma_start3A_549, %dma_start3A_550] : memref<64x16xf32, #tpu.memory_space<vmem>> -> memref<1x16xf32, #tpu.memory_space<vmem>>
      %dma_start3A_552 = arith.constant 0 : i32
      %dma_start3A_553 = tpu.memref_slice %arg2[%squeeze3A_548, %dma_start3A_552] : memref<1000000x16xf32, #tpu.memory_space<hbm>> -> memref<1x16xf32, #tpu.memory_space<hbm>>
      %dma_start3A_554 = arith.constant 43 : i32
      %dma_start3A_555 = arith.constant 0 : i32
      %dma_start3A_556 = tpu.memref_slice %arg6[%dma_start3A_554, %dma_start3A_555] : memref<64x16xf32, #tpu.memory_space<vmem>> -> memref<1x16xf32, #tpu.memory_space<vmem>>
      %dma_start3A_557 = arith.constant 0 : i32
      %dma_start3A_558 = tpu.memref_slice %arg2[%squeeze3A_548, %dma_start3A_557] : memref<1000000x16xf32, #tpu.memory_space<hbm>> -> memref<1x16xf32, #tpu.memory_space<hbm>>
      tpu.enqueue_dma source(%dma_start3A_558 : memref<1x16xf32, #tpu.memory_space<hbm>>) target(%dma_start3A_556 : memref<1x16xf32, #tpu.memory_space<vmem>>) target_semaphore(%arg8 : memref<!tpu.dma_semaphore, #tpu.memory_space<semaphore_mem>>)
      %slice3A_559 = vector.extract_strided_slice %get3A_414 {offsets = [12], sizes = [1], strides = [1]} : vector<16xi32> to vector<1xi32>
      %squeeze3A_560 = vector.extract %slice3A_559[0] : i32 from vector<1xi32>
      %dma_start3A_561 = arith.constant 44 : i32
      %dma_start3A_562 = arith.constant 0 : i32
      %dma_start3A_563 = tpu.memref_slice %arg6[%dma_start3A_561, %dma_start3A_562] : memref<64x16xf32, #tpu.memory_space<vmem>> -> memref<1x16xf32, #tpu.memory_space<vmem>>
      %dma_start3A_564 = arith.constant 0 : i32
      %dma_start3A_565 = tpu.memref_slice %arg2[%squeeze3A_560, %dma_start3A_564] : memref<1000000x16xf32, #tpu.memory_space<hbm>> -> memref<1x16xf32, #tpu.memory_space<hbm>>
      %dma_start3A_566 = arith.constant 44 : i32
      %dma_start3A_567 = arith.constant 0 : i32
      %dma_start3A_568 = tpu.memref_slice %arg6[%dma_start3A_566, %dma_start3A_567] : memref<64x16xf32, #tpu.memory_space<vmem>> -> memref<1x16xf32, #tpu.memory_space<vmem>>
      %dma_start3A_569 = arith.constant 0 : i32
      %dma_start3A_570 = tpu.memref_slice %arg2[%squeeze3A_560, %dma_start3A_569] : memref<1000000x16xf32, #tpu.memory_space<hbm>> -> memref<1x16xf32, #tpu.memory_space<hbm>>
      tpu.enqueue_dma source(%dma_start3A_570 : memref<1x16xf32, #tpu.memory_space<hbm>>) target(%dma_start3A_568 : memref<1x16xf32, #tpu.memory_space<vmem>>) target_semaphore(%arg8 : memref<!tpu.dma_semaphore, #tpu.memory_space<semaphore_mem>>)
      %slice3A_571 = vector.extract_strided_slice %get3A_414 {offsets = [13], sizes = [1], strides = [1]} : vector<16xi32> to vector<1xi32>
      %squeeze3A_572 = vector.extract %slice3A_571[0] : i32 from vector<1xi32>
      %dma_start3A_573 = arith.constant 45 : i32
      %dma_start3A_574 = arith.constant 0 : i32
      %dma_start3A_575 = tpu.memref_slice %arg6[%dma_start3A_573, %dma_start3A_574] : memref<64x16xf32, #tpu.memory_space<vmem>> -> memref<1x16xf32, #tpu.memory_space<vmem>>
      %dma_start3A_576 = arith.constant 0 : i32
      %dma_start3A_577 = tpu.memref_slice %arg2[%squeeze3A_572, %dma_start3A_576] : memref<1000000x16xf32, #tpu.memory_space<hbm>> -> memref<1x16xf32, #tpu.memory_space<hbm>>
      %dma_start3A_578 = arith.constant 45 : i32
      %dma_start3A_579 = arith.constant 0 : i32
      %dma_start3A_580 = tpu.memref_slice %arg6[%dma_start3A_578, %dma_start3A_579] : memref<64x16xf32, #tpu.memory_space<vmem>> -> memref<1x16xf32, #tpu.memory_space<vmem>>
      %dma_start3A_581 = arith.constant 0 : i32
      %dma_start3A_582 = tpu.memref_slice %arg2[%squeeze3A_572, %dma_start3A_581] : memref<1000000x16xf32, #tpu.memory_space<hbm>> -> memref<1x16xf32, #tpu.memory_space<hbm>>
      tpu.enqueue_dma source(%dma_start3A_582 : memref<1x16xf32, #tpu.memory_space<hbm>>) target(%dma_start3A_580 : memref<1x16xf32, #tpu.memory_space<vmem>>) target_semaphore(%arg8 : memref<!tpu.dma_semaphore, #tpu.memory_space<semaphore_mem>>)
      %slice3A_583 = vector.extract_strided_slice %get3A_414 {offsets = [14], sizes = [1], strides = [1]} : vector<16xi32> to vector<1xi32>
      %squeeze3A_584 = vector.extract %slice3A_583[0] : i32 from vector<1xi32>
      %dma_start3A_585 = arith.constant 46 : i32
      %dma_start3A_586 = arith.constant 0 : i32
      %dma_start3A_587 = tpu.memref_slice %arg6[%dma_start3A_585, %dma_start3A_586] : memref<64x16xf32, #tpu.memory_space<vmem>> -> memref<1x16xf32, #tpu.memory_space<vmem>>
      %dma_start3A_588 = arith.constant 0 : i32
      %dma_start3A_589 = tpu.memref_slice %arg2[%squeeze3A_584, %dma_start3A_588] : memref<1000000x16xf32, #tpu.memory_space<hbm>> -> memref<1x16xf32, #tpu.memory_space<hbm>>
      %dma_start3A_590 = arith.constant 46 : i32
      %dma_start3A_591 = arith.constant 0 : i32
      %dma_start3A_592 = tpu.memref_slice %arg6[%dma_start3A_590, %dma_start3A_591] : memref<64x16xf32, #tpu.memory_space<vmem>> -> memref<1x16xf32, #tpu.memory_space<vmem>>
      %dma_start3A_593 = arith.constant 0 : i32
      %dma_start3A_594 = tpu.memref_slice %arg2[%squeeze3A_584, %dma_start3A_593] : memref<1000000x16xf32, #tpu.memory_space<hbm>> -> memref<1x16xf32, #tpu.memory_space<hbm>>
      tpu.enqueue_dma source(%dma_start3A_594 : memref<1x16xf32, #tpu.memory_space<hbm>>) target(%dma_start3A_592 : memref<1x16xf32, #tpu.memory_space<vmem>>) target_semaphore(%arg8 : memref<!tpu.dma_semaphore, #tpu.memory_space<semaphore_mem>>)
      %slice3A_595 = vector.extract_strided_slice %get3A_414 {offsets = [15], sizes = [1], strides = [1]} : vector<16xi32> to vector<1xi32>
      %squeeze3A_596 = vector.extract %slice3A_595[0] : i32 from vector<1xi32>
      %dma_start3A_597 = arith.constant 47 : i32
      %dma_start3A_598 = arith.constant 0 : i32
      %dma_start3A_599 = tpu.memref_slice %arg6[%dma_start3A_597, %dma_start3A_598] : memref<64x16xf32, #tpu.memory_space<vmem>> -> memref<1x16xf32, #tpu.memory_space<vmem>>
      %dma_start3A_600 = arith.constant 0 : i32
      %dma_start3A_601 = tpu.memref_slice %arg2[%squeeze3A_596, %dma_start3A_600] : memref<1000000x16xf32, #tpu.memory_space<hbm>> -> memref<1x16xf32, #tpu.memory_space<hbm>>
      %dma_start3A_602 = arith.constant 47 : i32
      %dma_start3A_603 = arith.constant 0 : i32
      %dma_start3A_604 = tpu.memref_slice %arg6[%dma_start3A_602, %dma_start3A_603] : memref<64x16xf32, #tpu.memory_space<vmem>> -> memref<1x16xf32, #tpu.memory_space<vmem>>
      %dma_start3A_605 = arith.constant 0 : i32
      %dma_start3A_606 = tpu.memref_slice %arg2[%squeeze3A_596, %dma_start3A_605] : memref<1000000x16xf32, #tpu.memory_space<hbm>> -> memref<1x16xf32, #tpu.memory_space<hbm>>
      tpu.enqueue_dma source(%dma_start3A_606 : memref<1x16xf32, #tpu.memory_space<hbm>>) target(%dma_start3A_604 : memref<1x16xf32, #tpu.memory_space<vmem>>) target_semaphore(%arg8 : memref<!tpu.dma_semaphore, #tpu.memory_space<semaphore_mem>>)
      %mul3A_607 = arith.constant 64 : i32
      %mul3A_608 = arith.muli %add3A_13, %mul3A_607 : i32
      %add3A_609 = arith.constant 48 : i32
      %add3A_610 = arith.addi %mul3A_608, %add3A_609 : i32
      %get3A_611 = arith.index_cast %add3A_610 : i32 to index
      %get3A_612 = tpu.vector_load %arg5[%get3A_611] {strides = array<i32>} : memref<3328xi32, #tpu.memory_space<vmem>>, vector<16xi32>,
      %get3A_613 = vector.shape_cast %get3A_612 : vector<16xi32> to vector<16xi32>
      %slice3A_614 = vector.extract_strided_slice %get3A_613 {offsets = [0], sizes = [1], strides = [1]} : vector<16xi32> to vector<1xi32>
      %squeeze3A_615 = vector.extract %slice3A_614[0] : i32 from vector<1xi32>
      %dma_start3A_616 = arith.constant 48 : i32
      %dma_start3A_617 = arith.constant 0 : i32
      %dma_start3A_618 = tpu.memref_slice %arg6[%dma_start3A_616, %dma_start3A_617] : memref<64x16xf32, #tpu.memory_space<vmem>> -> memref<1x16xf32, #tpu.memory_space<vmem>>
      %dma_start3A_619 = arith.constant 0 : i32
      %dma_start3A_620 = tpu.memref_slice %arg2[%squeeze3A_615, %dma_start3A_619] : memref<1000000x16xf32, #tpu.memory_space<hbm>> -> memref<1x16xf32, #tpu.memory_space<hbm>>
      %dma_start3A_621 = arith.constant 48 : i32
      %dma_start3A_622 = arith.constant 0 : i32
      %dma_start3A_623 = tpu.memref_slice %arg6[%dma_start3A_621, %dma_start3A_622] : memref<64x16xf32, #tpu.memory_space<vmem>> -> memref<1x16xf32, #tpu.memory_space<vmem>>
      %dma_start3A_624 = arith.constant 0 : i32
      %dma_start3A_625 = tpu.memref_slice %arg2[%squeeze3A_615, %dma_start3A_624] : memref<1000000x16xf32, #tpu.memory_space<hbm>> -> memref<1x16xf32, #tpu.memory_space<hbm>>
      tpu.enqueue_dma source(%dma_start3A_625 : memref<1x16xf32, #tpu.memory_space<hbm>>) target(%dma_start3A_623 : memref<1x16xf32, #tpu.memory_space<vmem>>) target_semaphore(%arg8 : memref<!tpu.dma_semaphore, #tpu.memory_space<semaphore_mem>>)
      %slice3A_626 = vector.extract_strided_slice %get3A_613 {offsets = [1], sizes = [1], strides = [1]} : vector<16xi32> to vector<1xi32>
      %squeeze3A_627 = vector.extract %slice3A_626[0] : i32 from vector<1xi32>
      %dma_start3A_628 = arith.constant 49 : i32
      %dma_start3A_629 = arith.constant 0 : i32
      %dma_start3A_630 = tpu.memref_slice %arg6[%dma_start3A_628, %dma_start3A_629] : memref<64x16xf32, #tpu.memory_space<vmem>> -> memref<1x16xf32, #tpu.memory_space<vmem>>
      %dma_start3A_631 = arith.constant 0 : i32
      %dma_start3A_632 = tpu.memref_slice %arg2[%squeeze3A_627, %dma_start3A_631] : memref<1000000x16xf32, #tpu.memory_space<hbm>> -> memref<1x16xf32, #tpu.memory_space<hbm>>
      %dma_start3A_633 = arith.constant 49 : i32
      %dma_start3A_634 = arith.constant 0 : i32
      %dma_start3A_635 = tpu.memref_slice %arg6[%dma_start3A_633, %dma_start3A_634] : memref<64x16xf32, #tpu.memory_space<vmem>> -> memref<1x16xf32, #tpu.memory_space<vmem>>
      %dma_start3A_636 = arith.constant 0 : i32
      %dma_start3A_637 = tpu.memref_slice %arg2[%squeeze3A_627, %dma_start3A_636] : memref<1000000x16xf32, #tpu.memory_space<hbm>> -> memref<1x16xf32, #tpu.memory_space<hbm>>
      tpu.enqueue_dma source(%dma_start3A_637 : memref<1x16xf32, #tpu.memory_space<hbm>>) target(%dma_start3A_635 : memref<1x16xf32, #tpu.memory_space<vmem>>) target_semaphore(%arg8 : memref<!tpu.dma_semaphore, #tpu.memory_space<semaphore_mem>>)
      %slice3A_638 = vector.extract_strided_slice %get3A_613 {offsets = [2], sizes = [1], strides = [1]} : vector<16xi32> to vector<1xi32>
      %squeeze3A_639 = vector.extract %slice3A_638[0] : i32 from vector<1xi32>
      %dma_start3A_640 = arith.constant 50 : i32
      %dma_start3A_641 = arith.constant 0 : i32
      %dma_start3A_642 = tpu.memref_slice %arg6[%dma_start3A_640, %dma_start3A_641] : memref<64x16xf32, #tpu.memory_space<vmem>> -> memref<1x16xf32, #tpu.memory_space<vmem>>
      %dma_start3A_643 = arith.constant 0 : i32
      %dma_start3A_644 = tpu.memref_slice %arg2[%squeeze3A_639, %dma_start3A_643] : memref<1000000x16xf32, #tpu.memory_space<hbm>> -> memref<1x16xf32, #tpu.memory_space<hbm>>
      %dma_start3A_645 = arith.constant 50 : i32
      %dma_start3A_646 = arith.constant 0 : i32
      %dma_start3A_647 = tpu.memref_slice %arg6[%dma_start3A_645, %dma_start3A_646] : memref<64x16xf32, #tpu.memory_space<vmem>> -> memref<1x16xf32, #tpu.memory_space<vmem>>
      %dma_start3A_648 = arith.constant 0 : i32
      %dma_start3A_649 = tpu.memref_slice %arg2[%squeeze3A_639, %dma_start3A_648] : memref<1000000x16xf32, #tpu.memory_space<hbm>> -> memref<1x16xf32, #tpu.memory_space<hbm>>
      tpu.enqueue_dma source(%dma_start3A_649 : memref<1x16xf32, #tpu.memory_space<hbm>>) target(%dma_start3A_647 : memref<1x16xf32, #tpu.memory_space<vmem>>) target_semaphore(%arg8 : memref<!tpu.dma_semaphore, #tpu.memory_space<semaphore_mem>>)
      %slice3A_650 = vector.extract_strided_slice %get3A_613 {offsets = [3], sizes = [1], strides = [1]} : vector<16xi32> to vector<1xi32>
      %squeeze3A_651 = vector.extract %slice3A_650[0] : i32 from vector<1xi32>
      %dma_start3A_652 = arith.constant 51 : i32
      %dma_start3A_653 = arith.constant 0 : i32
      %dma_start3A_654 = tpu.memref_slice %arg6[%dma_start3A_652, %dma_start3A_653] : memref<64x16xf32, #tpu.memory_space<vmem>> -> memref<1x16xf32, #tpu.memory_space<vmem>>
      %dma_start3A_655 = arith.constant 0 : i32
      %dma_start3A_656 = tpu.memref_slice %arg2[%squeeze3A_651, %dma_start3A_655] : memref<1000000x16xf32, #tpu.memory_space<hbm>> -> memref<1x16xf32, #tpu.memory_space<hbm>>
      %dma_start3A_657 = arith.constant 51 : i32
      %dma_start3A_658 = arith.constant 0 : i32
      %dma_start3A_659 = tpu.memref_slice %arg6[%dma_start3A_657, %dma_start3A_658] : memref<64x16xf32, #tpu.memory_space<vmem>> -> memref<1x16xf32, #tpu.memory_space<vmem>>
      %dma_start3A_660 = arith.constant 0 : i32
      %dma_start3A_661 = tpu.memref_slice %arg2[%squeeze3A_651, %dma_start3A_660] : memref<1000000x16xf32, #tpu.memory_space<hbm>> -> memref<1x16xf32, #tpu.memory_space<hbm>>
      tpu.enqueue_dma source(%dma_start3A_661 : memref<1x16xf32, #tpu.memory_space<hbm>>) target(%dma_start3A_659 : memref<1x16xf32, #tpu.memory_space<vmem>>) target_semaphore(%arg8 : memref<!tpu.dma_semaphore, #tpu.memory_space<semaphore_mem>>)
      %slice3A_662 = vector.extract_strided_slice %get3A_613 {offsets = [4], sizes = [1], strides = [1]} : vector<16xi32> to vector<1xi32>
      %squeeze3A_663 = vector.extract %slice3A_662[0] : i32 from vector<1xi32>
      %dma_start3A_664 = arith.constant 52 : i32
      %dma_start3A_665 = arith.constant 0 : i32
      %dma_start3A_666 = tpu.memref_slice %arg6[%dma_start3A_664, %dma_start3A_665] : memref<64x16xf32, #tpu.memory_space<vmem>> -> memref<1x16xf32, #tpu.memory_space<vmem>>
      %dma_start3A_667 = arith.constant 0 : i32
      %dma_start3A_668 = tpu.memref_slice %arg2[%squeeze3A_663, %dma_start3A_667] : memref<1000000x16xf32, #tpu.memory_space<hbm>> -> memref<1x16xf32, #tpu.memory_space<hbm>>
      %dma_start3A_669 = arith.constant 52 : i32
      %dma_start3A_670 = arith.constant 0 : i32
      %dma_start3A_671 = tpu.memref_slice %arg6[%dma_start3A_669, %dma_start3A_670] : memref<64x16xf32, #tpu.memory_space<vmem>> -> memref<1x16xf32, #tpu.memory_space<vmem>>
      %dma_start3A_672 = arith.constant 0 : i32
      %dma_start3A_673 = tpu.memref_slice %arg2[%squeeze3A_663, %dma_start3A_672] : memref<1000000x16xf32, #tpu.memory_space<hbm>> -> memref<1x16xf32, #tpu.memory_space<hbm>>
      tpu.enqueue_dma source(%dma_start3A_673 : memref<1x16xf32, #tpu.memory_space<hbm>>) target(%dma_start3A_671 : memref<1x16xf32, #tpu.memory_space<vmem>>) target_semaphore(%arg8 : memref<!tpu.dma_semaphore, #tpu.memory_space<semaphore_mem>>)
      %slice3A_674 = vector.extract_strided_slice %get3A_613 {offsets = [5], sizes = [1], strides = [1]} : vector<16xi32> to vector<1xi32>
      %squeeze3A_675 = vector.extract %slice3A_674[0] : i32 from vector<1xi32>
      %dma_start3A_676 = arith.constant 53 : i32
      %dma_start3A_677 = arith.constant 0 : i32
      %dma_start3A_678 = tpu.memref_slice %arg6[%dma_start3A_676, %dma_start3A_677] : memref<64x16xf32, #tpu.memory_space<vmem>> -> memref<1x16xf32, #tpu.memory_space<vmem>>
      %dma_start3A_679 = arith.constant 0 : i32
      %dma_start3A_680 = tpu.memref_slice %arg2[%squeeze3A_675, %dma_start3A_679] : memref<1000000x16xf32, #tpu.memory_space<hbm>> -> memref<1x16xf32, #tpu.memory_space<hbm>>
      %dma_start3A_681 = arith.constant 53 : i32
      %dma_start3A_682 = arith.constant 0 : i32
      %dma_start3A_683 = tpu.memref_slice %arg6[%dma_start3A_681, %dma_start3A_682] : memref<64x16xf32, #tpu.memory_space<vmem>> -> memref<1x16xf32, #tpu.memory_space<vmem>>
      %dma_start3A_684 = arith.constant 0 : i32
      %dma_start3A_685 = tpu.memref_slice %arg2[%squeeze3A_675, %dma_start3A_684] : memref<1000000x16xf32, #tpu.memory_space<hbm>> -> memref<1x16xf32, #tpu.memory_space<hbm>>
      tpu.enqueue_dma source(%dma_start3A_685 : memref<1x16xf32, #tpu.memory_space<hbm>>) target(%dma_start3A_683 : memref<1x16xf32, #tpu.memory_space<vmem>>) target_semaphore(%arg8 : memref<!tpu.dma_semaphore, #tpu.memory_space<semaphore_mem>>)
      %slice3A_686 = vector.extract_strided_slice %get3A_613 {offsets = [6], sizes = [1], strides = [1]} : vector<16xi32> to vector<1xi32>
      %squeeze3A_687 = vector.extract %slice3A_686[0] : i32 from vector<1xi32>
      %dma_start3A_688 = arith.constant 54 : i32
      %dma_start3A_689 = arith.constant 0 : i32
      %dma_start3A_690 = tpu.memref_slice %arg6[%dma_start3A_688, %dma_start3A_689] : memref<64x16xf32, #tpu.memory_space<vmem>> -> memref<1x16xf32, #tpu.memory_space<vmem>>
      %dma_start3A_691 = arith.constant 0 : i32
      %dma_start3A_692 = tpu.memref_slice %arg2[%squeeze3A_687, %dma_start3A_691] : memref<1000000x16xf32, #tpu.memory_space<hbm>> -> memref<1x16xf32, #tpu.memory_space<hbm>>
      %dma_start3A_693 = arith.constant 54 : i32
      %dma_start3A_694 = arith.constant 0 : i32
      %dma_start3A_695 = tpu.memref_slice %arg6[%dma_start3A_693, %dma_start3A_694] : memref<64x16xf32, #tpu.memory_space<vmem>> -> memref<1x16xf32, #tpu.memory_space<vmem>>
      %dma_start3A_696 = arith.constant 0 : i32
      %dma_start3A_697 = tpu.memref_slice %arg2[%squeeze3A_687, %dma_start3A_696] : memref<1000000x16xf32, #tpu.memory_space<hbm>> -> memref<1x16xf32, #tpu.memory_space<hbm>>
      tpu.enqueue_dma source(%dma_start3A_697 : memref<1x16xf32, #tpu.memory_space<hbm>>) target(%dma_start3A_695 : memref<1x16xf32, #tpu.memory_space<vmem>>) target_semaphore(%arg8 : memref<!tpu.dma_semaphore, #tpu.memory_space<semaphore_mem>>)
      %slice3A_698 = vector.extract_strided_slice %get3A_613 {offsets = [7], sizes = [1], strides = [1]} : vector<16xi32> to vector<1xi32>
      %squeeze3A_699 = vector.extract %slice3A_698[0] : i32 from vector<1xi32>
      %dma_start3A_700 = arith.constant 55 : i32
      %dma_start3A_701 = arith.constant 0 : i32
      %dma_start3A_702 = tpu.memref_slice %arg6[%dma_start3A_700, %dma_start3A_701] : memref<64x16xf32, #tpu.memory_space<vmem>> -> memref<1x16xf32, #tpu.memory_space<vmem>>
      %dma_start3A_703 = arith.constant 0 : i32
      %dma_start3A_704 = tpu.memref_slice %arg2[%squeeze3A_699, %dma_start3A_703] : memref<1000000x16xf32, #tpu.memory_space<hbm>> -> memref<1x16xf32, #tpu.memory_space<hbm>>
      %dma_start3A_705 = arith.constant 55 : i32
      %dma_start3A_706 = arith.constant 0 : i32
      %dma_start3A_707 = tpu.memref_slice %arg6[%dma_start3A_705, %dma_start3A_706] : memref<64x16xf32, #tpu.memory_space<vmem>> -> memref<1x16xf32, #tpu.memory_space<vmem>>
      %dma_start3A_708 = arith.constant 0 : i32
      %dma_start3A_709 = tpu.memref_slice %arg2[%squeeze3A_699, %dma_start3A_708] : memref<1000000x16xf32, #tpu.memory_space<hbm>> -> memref<1x16xf32, #tpu.memory_space<hbm>>
      tpu.enqueue_dma source(%dma_start3A_709 : memref<1x16xf32, #tpu.memory_space<hbm>>) target(%dma_start3A_707 : memref<1x16xf32, #tpu.memory_space<vmem>>) target_semaphore(%arg8 : memref<!tpu.dma_semaphore, #tpu.memory_space<semaphore_mem>>)
      %slice3A_710 = vector.extract_strided_slice %get3A_613 {offsets = [8], sizes = [1], strides = [1]} : vector<16xi32> to vector<1xi32>
      %squeeze3A_711 = vector.extract %slice3A_710[0] : i32 from vector<1xi32>
      %dma_start3A_712 = arith.constant 56 : i32
      %dma_start3A_713 = arith.constant 0 : i32
      %dma_start3A_714 = tpu.memref_slice %arg6[%dma_start3A_712, %dma_start3A_713] : memref<64x16xf32, #tpu.memory_space<vmem>> -> memref<1x16xf32, #tpu.memory_space<vmem>>
      %dma_start3A_715 = arith.constant 0 : i32
      %dma_start3A_716 = tpu.memref_slice %arg2[%squeeze3A_711, %dma_start3A_715] : memref<1000000x16xf32, #tpu.memory_space<hbm>> -> memref<1x16xf32, #tpu.memory_space<hbm>>
      %dma_start3A_717 = arith.constant 56 : i32
      %dma_start3A_718 = arith.constant 0 : i32
      %dma_start3A_719 = tpu.memref_slice %arg6[%dma_start3A_717, %dma_start3A_718] : memref<64x16xf32, #tpu.memory_space<vmem>> -> memref<1x16xf32, #tpu.memory_space<vmem>>
      %dma_start3A_720 = arith.constant 0 : i32
      %dma_start3A_721 = tpu.memref_slice %arg2[%squeeze3A_711, %dma_start3A_720] : memref<1000000x16xf32, #tpu.memory_space<hbm>> -> memref<1x16xf32, #tpu.memory_space<hbm>>
      tpu.enqueue_dma source(%dma_start3A_721 : memref<1x16xf32, #tpu.memory_space<hbm>>) target(%dma_start3A_719 : memref<1x16xf32, #tpu.memory_space<vmem>>) target_semaphore(%arg8 : memref<!tpu.dma_semaphore, #tpu.memory_space<semaphore_mem>>)
      %slice3A_722 = vector.extract_strided_slice %get3A_613 {offsets = [9], sizes = [1], strides = [1]} : vector<16xi32> to vector<1xi32>
      %squeeze3A_723 = vector.extract %slice3A_722[0] : i32 from vector<1xi32>
      %dma_start3A_724 = arith.constant 57 : i32
      %dma_start3A_725 = arith.constant 0 : i32
      %dma_start3A_726 = tpu.memref_slice %arg6[%dma_start3A_724, %dma_start3A_725] : memref<64x16xf32, #tpu.memory_space<vmem>> -> memref<1x16xf32, #tpu.memory_space<vmem>>
      %dma_start3A_727 = arith.constant 0 : i32
      %dma_start3A_728 = tpu.memref_slice %arg2[%squeeze3A_723, %dma_start3A_727] : memref<1000000x16xf32, #tpu.memory_space<hbm>> -> memref<1x16xf32, #tpu.memory_space<hbm>>
      %dma_start3A_729 = arith.constant 57 : i32
      %dma_start3A_730 = arith.constant 0 : i32
      %dma_start3A_731 = tpu.memref_slice %arg6[%dma_start3A_729, %dma_start3A_730] : memref<64x16xf32, #tpu.memory_space<vmem>> -> memref<1x16xf32, #tpu.memory_space<vmem>>
      %dma_start3A_732 = arith.constant 0 : i32
      %dma_start3A_733 = tpu.memref_slice %arg2[%squeeze3A_723, %dma_start3A_732] : memref<1000000x16xf32, #tpu.memory_space<hbm>> -> memref<1x16xf32, #tpu.memory_space<hbm>>
      tpu.enqueue_dma source(%dma_start3A_733 : memref<1x16xf32, #tpu.memory_space<hbm>>) target(%dma_start3A_731 : memref<1x16xf32, #tpu.memory_space<vmem>>) target_semaphore(%arg8 : memref<!tpu.dma_semaphore, #tpu.memory_space<semaphore_mem>>)
      %slice3A_734 = vector.extract_strided_slice %get3A_613 {offsets = [10], sizes = [1], strides = [1]} : vector<16xi32> to vector<1xi32>
      %squeeze3A_735 = vector.extract %slice3A_734[0] : i32 from vector<1xi32>
      %dma_start3A_736 = arith.constant 58 : i32
      %dma_start3A_737 = arith.constant 0 : i32
      %dma_start3A_738 = tpu.memref_slice %arg6[%dma_start3A_736, %dma_start3A_737] : memref<64x16xf32, #tpu.memory_space<vmem>> -> memref<1x16xf32, #tpu.memory_space<vmem>>
      %dma_start3A_739 = arith.constant 0 : i32
      %dma_start3A_740 = tpu.memref_slice %arg2[%squeeze3A_735, %dma_start3A_739] : memref<1000000x16xf32, #tpu.memory_space<hbm>> -> memref<1x16xf32, #tpu.memory_space<hbm>>
      %dma_start3A_741 = arith.constant 58 : i32
      %dma_start3A_742 = arith.constant 0 : i32
      %dma_start3A_743 = tpu.memref_slice %arg6[%dma_start3A_741, %dma_start3A_742] : memref<64x16xf32, #tpu.memory_space<vmem>> -> memref<1x16xf32, #tpu.memory_space<vmem>>
      %dma_start3A_744 = arith.constant 0 : i32
      %dma_start3A_745 = tpu.memref_slice %arg2[%squeeze3A_735, %dma_start3A_744] : memref<1000000x16xf32, #tpu.memory_space<hbm>> -> memref<1x16xf32, #tpu.memory_space<hbm>>
      tpu.enqueue_dma source(%dma_start3A_745 : memref<1x16xf32, #tpu.memory_space<hbm>>) target(%dma_start3A_743 : memref<1x16xf32, #tpu.memory_space<vmem>>) target_semaphore(%arg8 : memref<!tpu.dma_semaphore, #tpu.memory_space<semaphore_mem>>)
      %slice3A_746 = vector.extract_strided_slice %get3A_613 {offsets = [11], sizes = [1], strides = [1]} : vector<16xi32> to vector<1xi32>
      %squeeze3A_747 = vector.extract %slice3A_746[0] : i32 from vector<1xi32>
      %dma_start3A_748 = arith.constant 59 : i32
      %dma_start3A_749 = arith.constant 0 : i32
      %dma_start3A_750 = tpu.memref_slice %arg6[%dma_start3A_748, %dma_start3A_749] : memref<64x16xf32, #tpu.memory_space<vmem>> -> memref<1x16xf32, #tpu.memory_space<vmem>>
      %dma_start3A_751 = arith.constant 0 : i32
      %dma_start3A_752 = tpu.memref_slice %arg2[%squeeze3A_747, %dma_start3A_751] : memref<1000000x16xf32, #tpu.memory_space<hbm>> -> memref<1x16xf32, #tpu.memory_space<hbm>>
      %dma_start3A_753 = arith.constant 59 : i32
      %dma_start3A_754 = arith.constant 0 : i32
      %dma_start3A_755 = tpu.memref_slice %arg6[%dma_start3A_753, %dma_start3A_754] : memref<64x16xf32, #tpu.memory_space<vmem>> -> memref<1x16xf32, #tpu.memory_space<vmem>>
      %dma_start3A_756 = arith.constant 0 : i32
      %dma_start3A_757 = tpu.memref_slice %arg2[%squeeze3A_747, %dma_start3A_756] : memref<1000000x16xf32, #tpu.memory_space<hbm>> -> memref<1x16xf32, #tpu.memory_space<hbm>>
      tpu.enqueue_dma source(%dma_start3A_757 : memref<1x16xf32, #tpu.memory_space<hbm>>) target(%dma_start3A_755 : memref<1x16xf32, #tpu.memory_space<vmem>>) target_semaphore(%arg8 : memref<!tpu.dma_semaphore, #tpu.memory_space<semaphore_mem>>)
      %slice3A_758 = vector.extract_strided_slice %get3A_613 {offsets = [12], sizes = [1], strides = [1]} : vector<16xi32> to vector<1xi32>
      %squeeze3A_759 = vector.extract %slice3A_758[0] : i32 from vector<1xi32>
      %dma_start3A_760 = arith.constant 60 : i32
      %dma_start3A_761 = arith.constant 0 : i32
      %dma_start3A_762 = tpu.memref_slice %arg6[%dma_start3A_760, %dma_start3A_761] : memref<64x16xf32, #tpu.memory_space<vmem>> -> memref<1x16xf32, #tpu.memory_space<vmem>>
      %dma_start3A_763 = arith.constant 0 : i32
      %dma_start3A_764 = tpu.memref_slice %arg2[%squeeze3A_759, %dma_start3A_763] : memref<1000000x16xf32, #tpu.memory_space<hbm>> -> memref<1x16xf32, #tpu.memory_space<hbm>>
      %dma_start3A_765 = arith.constant 60 : i32
      %dma_start3A_766 = arith.constant 0 : i32
      %dma_start3A_767 = tpu.memref_slice %arg6[%dma_start3A_765, %dma_start3A_766] : memref<64x16xf32, #tpu.memory_space<vmem>> -> memref<1x16xf32, #tpu.memory_space<vmem>>
      %dma_start3A_768 = arith.constant 0 : i32
      %dma_start3A_769 = tpu.memref_slice %arg2[%squeeze3A_759, %dma_start3A_768] : memref<1000000x16xf32, #tpu.memory_space<hbm>> -> memref<1x16xf32, #tpu.memory_space<hbm>>
      tpu.enqueue_dma source(%dma_start3A_769 : memref<1x16xf32, #tpu.memory_space<hbm>>) target(%dma_start3A_767 : memref<1x16xf32, #tpu.memory_space<vmem>>) target_semaphore(%arg8 : memref<!tpu.dma_semaphore, #tpu.memory_space<semaphore_mem>>)
      %slice3A_770 = vector.extract_strided_slice %get3A_613 {offsets = [13], sizes = [1], strides = [1]} : vector<16xi32> to vector<1xi32>
      %squeeze3A_771 = vector.extract %slice3A_770[0] : i32 from vector<1xi32>
      %dma_start3A_772 = arith.constant 61 : i32
      %dma_start3A_773 = arith.constant 0 : i32
      %dma_start3A_774 = tpu.memref_slice %arg6[%dma_start3A_772, %dma_start3A_773] : memref<64x16xf32, #tpu.memory_space<vmem>> -> memref<1x16xf32, #tpu.memory_space<vmem>>
      %dma_start3A_775 = arith.constant 0 : i32
      %dma_start3A_776 = tpu.memref_slice %arg2[%squeeze3A_771, %dma_start3A_775] : memref<1000000x16xf32, #tpu.memory_space<hbm>> -> memref<1x16xf32, #tpu.memory_space<hbm>>
      %dma_start3A_777 = arith.constant 61 : i32
      %dma_start3A_778 = arith.constant 0 : i32
      %dma_start3A_779 = tpu.memref_slice %arg6[%dma_start3A_777, %dma_start3A_778] : memref<64x16xf32, #tpu.memory_space<vmem>> -> memref<1x16xf32, #tpu.memory_space<vmem>>
      %dma_start3A_780 = arith.constant 0 : i32
      %dma_start3A_781 = tpu.memref_slice %arg2[%squeeze3A_771, %dma_start3A_780] : memref<1000000x16xf32, #tpu.memory_space<hbm>> -> memref<1x16xf32, #tpu.memory_space<hbm>>
      tpu.enqueue_dma source(%dma_start3A_781 : memref<1x16xf32, #tpu.memory_space<hbm>>) target(%dma_start3A_779 : memref<1x16xf32, #tpu.memory_space<vmem>>) target_semaphore(%arg8 : memref<!tpu.dma_semaphore, #tpu.memory_space<semaphore_mem>>)
      %slice3A_782 = vector.extract_strided_slice %get3A_613 {offsets = [14], sizes = [1], strides = [1]} : vector<16xi32> to vector<1xi32>
      %squeeze3A_783 = vector.extract %slice3A_782[0] : i32 from vector<1xi32>
      %dma_start3A_784 = arith.constant 62 : i32
      %dma_start3A_785 = arith.constant 0 : i32
      %dma_start3A_786 = tpu.memref_slice %arg6[%dma_start3A_784, %dma_start3A_785] : memref<64x16xf32, #tpu.memory_space<vmem>> -> memref<1x16xf32, #tpu.memory_space<vmem>>
      %dma_start3A_787 = arith.constant 0 : i32
      %dma_start3A_788 = tpu.memref_slice %arg2[%squeeze3A_783, %dma_start3A_787] : memref<1000000x16xf32, #tpu.memory_space<hbm>> -> memref<1x16xf32, #tpu.memory_space<hbm>>
      %dma_start3A_789 = arith.constant 62 : i32
      %dma_start3A_790 = arith.constant 0 : i32
      %dma_start3A_791 = tpu.memref_slice %arg6[%dma_start3A_789, %dma_start3A_790] : memref<64x16xf32, #tpu.memory_space<vmem>> -> memref<1x16xf32, #tpu.memory_space<vmem>>
      %dma_start3A_792 = arith.constant 0 : i32
      %dma_start3A_793 = tpu.memref_slice %arg2[%squeeze3A_783, %dma_start3A_792] : memref<1000000x16xf32, #tpu.memory_space<hbm>> -> memref<1x16xf32, #tpu.memory_space<hbm>>
      tpu.enqueue_dma source(%dma_start3A_793 : memref<1x16xf32, #tpu.memory_space<hbm>>) target(%dma_start3A_791 : memref<1x16xf32, #tpu.memory_space<vmem>>) target_semaphore(%arg8 : memref<!tpu.dma_semaphore, #tpu.memory_space<semaphore_mem>>)
      %slice3A_794 = vector.extract_strided_slice %get3A_613 {offsets = [15], sizes = [1], strides = [1]} : vector<16xi32> to vector<1xi32>
      %squeeze3A_795 = vector.extract %slice3A_794[0] : i32 from vector<1xi32>
      %dma_start3A_796 = arith.constant 63 : i32
      %dma_start3A_797 = arith.constant 0 : i32
      %dma_start3A_798 = tpu.memref_slice %arg6[%dma_start3A_796, %dma_start3A_797] : memref<64x16xf32, #tpu.memory_space<vmem>> -> memref<1x16xf32, #tpu.memory_space<vmem>>
      %dma_start3A_799 = arith.constant 0 : i32
      %dma_start3A_800 = tpu.memref_slice %arg2[%squeeze3A_795, %dma_start3A_799] : memref<1000000x16xf32, #tpu.memory_space<hbm>> -> memref<1x16xf32, #tpu.memory_space<hbm>>
      %dma_start3A_801 = arith.constant 63 : i32
      %dma_start3A_802 = arith.constant 0 : i32
      %dma_start3A_803 = tpu.memref_slice %arg6[%dma_start3A_801, %dma_start3A_802] : memref<64x16xf32, #tpu.memory_space<vmem>> -> memref<1x16xf32, #tpu.memory_space<vmem>>
      %dma_start3A_804 = arith.constant 0 : i32
      %dma_start3A_805 = tpu.memref_slice %arg2[%squeeze3A_795, %dma_start3A_804] : memref<1000000x16xf32, #tpu.memory_space<hbm>> -> memref<1x16xf32, #tpu.memory_space<hbm>>
      tpu.enqueue_dma source(%dma_start3A_805 : memref<1x16xf32, #tpu.memory_space<hbm>>) target(%dma_start3A_803 : memref<1x16xf32, #tpu.memory_space<vmem>>) target_semaphore(%arg8 : memref<!tpu.dma_semaphore, #tpu.memory_space<semaphore_mem>>)
      %dma_wait3A = arith.constant 0 : i32
      %dma_wait3A_806 = arith.constant 0 : i32
      %dma_wait3A_807 = tpu.memref_slice %arg6[%dma_wait3A, %dma_wait3A_806] : memref<64x16xf32, #tpu.memory_space<vmem>> -> memref<1x16xf32, #tpu.memory_space<vmem>>
      %dma_wait3A_808 = arith.constant 0 : i32
      %dma_wait3A_809 = tpu.memref_slice %arg2[%squeeze3A, %dma_wait3A_808] : memref<1000000x16xf32, #tpu.memory_space<hbm>> -> memref<1x16xf32, #tpu.memory_space<hbm>>
      %dma_wait3A_810 = arith.constant 0 : i32
      %dma_wait3A_811 = arith.constant 0 : i32
      %dma_wait3A_812 = tpu.memref_slice %arg6[%dma_wait3A_810, %dma_wait3A_811] : memref<64x16xf32, #tpu.memory_space<vmem>> -> memref<1x16xf32, #tpu.memory_space<vmem>>
      %dma_wait3A_813 = arith.constant 0 : i32
      %dma_wait3A_814 = tpu.memref_slice %arg2[%squeeze3A, %dma_wait3A_813] : memref<1000000x16xf32, #tpu.memory_space<hbm>> -> memref<1x16xf32, #tpu.memory_space<hbm>>
      tpu.wait_dma2 semaphore(%arg8 : memref<!tpu.dma_semaphore, #tpu.memory_space<semaphore_mem>>) src(%dma_wait3A_814 : memref<1x16xf32, #tpu.memory_space<hbm>>) dst(%dma_wait3A_812 : memref<1x16xf32, #tpu.memory_space<vmem>>)
      %dma_wait3A_815 = arith.constant 1 : i32
      %dma_wait3A_816 = arith.constant 0 : i32
      %dma_wait3A_817 = tpu.memref_slice %arg6[%dma_wait3A_815, %dma_wait3A_816] : memref<64x16xf32, #tpu.memory_space<vmem>> -> memref<1x16xf32, #tpu.memory_space<vmem>>
      %dma_wait3A_818 = arith.constant 0 : i32
      %dma_wait3A_819 = tpu.memref_slice %arg2[%squeeze3A_30, %dma_wait3A_818] : memref<1000000x16xf32, #tpu.memory_space<hbm>> -> memref<1x16xf32, #tpu.memory_space<hbm>>
      %dma_wait3A_820 = arith.constant 1 : i32
      %dma_wait3A_821 = arith.constant 0 : i32
      %dma_wait3A_822 = tpu.memref_slice %arg6[%dma_wait3A_820, %dma_wait3A_821] : memref<64x16xf32, #tpu.memory_space<vmem>> -> memref<1x16xf32, #tpu.memory_space<vmem>>
      %dma_wait3A_823 = arith.constant 0 : i32
      %dma_wait3A_824 = tpu.memref_slice %arg2[%squeeze3A_30, %dma_wait3A_823] : memref<1000000x16xf32, #tpu.memory_space<hbm>> -> memref<1x16xf32, #tpu.memory_space<hbm>>
      tpu.wait_dma2 semaphore(%arg8 : memref<!tpu.dma_semaphore, #tpu.memory_space<semaphore_mem>>) src(%dma_wait3A_824 : memref<1x16xf32, #tpu.memory_space<hbm>>) dst(%dma_wait3A_822 : memref<1x16xf32, #tpu.memory_space<vmem>>)
      %dma_wait3A_825 = arith.constant 2 : i32
      %dma_wait3A_826 = arith.constant 0 : i32
      %dma_wait3A_827 = tpu.memref_slice %arg6[%dma_wait3A_825, %dma_wait3A_826] : memref<64x16xf32, #tpu.memory_space<vmem>> -> memref<1x16xf32, #tpu.memory_space<vmem>>
      %dma_wait3A_828 = arith.constant 0 : i32
      %dma_wait3A_829 = tpu.memref_slice %arg2[%squeeze3A_42, %dma_wait3A_828] : memref<1000000x16xf32, #tpu.memory_space<hbm>> -> memref<1x16xf32, #tpu.memory_space<hbm>>
      %dma_wait3A_830 = arith.constant 2 : i32
      %dma_wait3A_831 = arith.constant 0 : i32
      %dma_wait3A_832 = tpu.memref_slice %arg6[%dma_wait3A_830, %dma_wait3A_831] : memref<64x16xf32, #tpu.memory_space<vmem>> -> memref<1x16xf32, #tpu.memory_space<vmem>>
      %dma_wait3A_833 = arith.constant 0 : i32
      %dma_wait3A_834 = tpu.memref_slice %arg2[%squeeze3A_42, %dma_wait3A_833] : memref<1000000x16xf32, #tpu.memory_space<hbm>> -> memref<1x16xf32, #tpu.memory_space<hbm>>
      tpu.wait_dma2 semaphore(%arg8 : memref<!tpu.dma_semaphore, #tpu.memory_space<semaphore_mem>>) src(%dma_wait3A_834 : memref<1x16xf32, #tpu.memory_space<hbm>>) dst(%dma_wait3A_832 : memref<1x16xf32, #tpu.memory_space<vmem>>)
      %dma_wait3A_835 = arith.constant 3 : i32
      %dma_wait3A_836 = arith.constant 0 : i32
      %dma_wait3A_837 = tpu.memref_slice %arg6[%dma_wait3A_835, %dma_wait3A_836] : memref<64x16xf32, #tpu.memory_space<vmem>> -> memref<1x16xf32, #tpu.memory_space<vmem>>
      %dma_wait3A_838 = arith.constant 0 : i32
      %dma_wait3A_839 = tpu.memref_slice %arg2[%squeeze3A_54, %dma_wait3A_838] : memref<1000000x16xf32, #tpu.memory_space<hbm>> -> memref<1x16xf32, #tpu.memory_space<hbm>>
      %dma_wait3A_840 = arith.constant 3 : i32
      %dma_wait3A_841 = arith.constant 0 : i32
      %dma_wait3A_842 = tpu.memref_slice %arg6[%dma_wait3A_840, %dma_wait3A_841] : memref<64x16xf32, #tpu.memory_space<vmem>> -> memref<1x16xf32, #tpu.memory_space<vmem>>
      %dma_wait3A_843 = arith.constant 0 : i32
      %dma_wait3A_844 = tpu.memref_slice %arg2[%squeeze3A_54, %dma_wait3A_843] : memref<1000000x16xf32, #tpu.memory_space<hbm>> -> memref<1x16xf32, #tpu.memory_space<hbm>>
      tpu.wait_dma2 semaphore(%arg8 : memref<!tpu.dma_semaphore, #tpu.memory_space<semaphore_mem>>) src(%dma_wait3A_844 : memref<1x16xf32, #tpu.memory_space<hbm>>) dst(%dma_wait3A_842 : memref<1x16xf32, #tpu.memory_space<vmem>>)
      %dma_wait3A_845 = arith.constant 4 : i32
      %dma_wait3A_846 = arith.constant 0 : i32
      %dma_wait3A_847 = tpu.memref_slice %arg6[%dma_wait3A_845, %dma_wait3A_846] : memref<64x16xf32, #tpu.memory_space<vmem>> -> memref<1x16xf32, #tpu.memory_space<vmem>>
      %dma_wait3A_848 = arith.constant 0 : i32
      %dma_wait3A_849 = tpu.memref_slice %arg2[%squeeze3A_66, %dma_wait3A_848] : memref<1000000x16xf32, #tpu.memory_space<hbm>> -> memref<1x16xf32, #tpu.memory_space<hbm>>
      %dma_wait3A_850 = arith.constant 4 : i32
      %dma_wait3A_851 = arith.constant 0 : i32
      %dma_wait3A_852 = tpu.memref_slice %arg6[%dma_wait3A_850, %dma_wait3A_851] : memref<64x16xf32, #tpu.memory_space<vmem>> -> memref<1x16xf32, #tpu.memory_space<vmem>>
      %dma_wait3A_853 = arith.constant 0 : i32
      %dma_wait3A_854 = tpu.memref_slice %arg2[%squeeze3A_66, %dma_wait3A_853] : memref<1000000x16xf32, #tpu.memory_space<hbm>> -> memref<1x16xf32, #tpu.memory_space<hbm>>
      tpu.wait_dma2 semaphore(%arg8 : memref<!tpu.dma_semaphore, #tpu.memory_space<semaphore_mem>>) src(%dma_wait3A_854 : memref<1x16xf32, #tpu.memory_space<hbm>>) dst(%dma_wait3A_852 : memref<1x16xf32, #tpu.memory_space<vmem>>)
      %dma_wait3A_855 = arith.constant 5 : i32
      %dma_wait3A_856 = arith.constant 0 : i32
      %dma_wait3A_857 = tpu.memref_slice %arg6[%dma_wait3A_855, %dma_wait3A_856] : memref<64x16xf32, #tpu.memory_space<vmem>> -> memref<1x16xf32, #tpu.memory_space<vmem>>
      %dma_wait3A_858 = arith.constant 0 : i32
      %dma_wait3A_859 = tpu.memref_slice %arg2[%squeeze3A_78, %dma_wait3A_858] : memref<1000000x16xf32, #tpu.memory_space<hbm>> -> memref<1x16xf32, #tpu.memory_space<hbm>>
      %dma_wait3A_860 = arith.constant 5 : i32
      %dma_wait3A_861 = arith.constant 0 : i32
      %dma_wait3A_862 = tpu.memref_slice %arg6[%dma_wait3A_860, %dma_wait3A_861] : memref<64x16xf32, #tpu.memory_space<vmem>> -> memref<1x16xf32, #tpu.memory_space<vmem>>
      %dma_wait3A_863 = arith.constant 0 : i32
      %dma_wait3A_864 = tpu.memref_slice %arg2[%squeeze3A_78, %dma_wait3A_863] : memref<1000000x16xf32, #tpu.memory_space<hbm>> -> memref<1x16xf32, #tpu.memory_space<hbm>>
      tpu.wait_dma2 semaphore(%arg8 : memref<!tpu.dma_semaphore, #tpu.memory_space<semaphore_mem>>) src(%dma_wait3A_864 : memref<1x16xf32, #tpu.memory_space<hbm>>) dst(%dma_wait3A_862 : memref<1x16xf32, #tpu.memory_space<vmem>>)
      %dma_wait3A_865 = arith.constant 6 : i32
      %dma_wait3A_866 = arith.constant 0 : i32
      %dma_wait3A_867 = tpu.memref_slice %arg6[%dma_wait3A_865, %dma_wait3A_866] : memref<64x16xf32, #tpu.memory_space<vmem>> -> memref<1x16xf32, #tpu.memory_space<vmem>>
      %dma_wait3A_868 = arith.constant 0 : i32
      %dma_wait3A_869 = tpu.memref_slice %arg2[%squeeze3A_90, %dma_wait3A_868] : memref<1000000x16xf32, #tpu.memory_space<hbm>> -> memref<1x16xf32, #tpu.memory_space<hbm>>
      %dma_wait3A_870 = arith.constant 6 : i32
      %dma_wait3A_871 = arith.constant 0 : i32
      %dma_wait3A_872 = tpu.memref_slice %arg6[%dma_wait3A_870, %dma_wait3A_871] : memref<64x16xf32, #tpu.memory_space<vmem>> -> memref<1x16xf32, #tpu.memory_space<vmem>>
      %dma_wait3A_873 = arith.constant 0 : i32
      %dma_wait3A_874 = tpu.memref_slice %arg2[%squeeze3A_90, %dma_wait3A_873] : memref<1000000x16xf32, #tpu.memory_space<hbm>> -> memref<1x16xf32, #tpu.memory_space<hbm>>
      tpu.wait_dma2 semaphore(%arg8 : memref<!tpu.dma_semaphore, #tpu.memory_space<semaphore_mem>>) src(%dma_wait3A_874 : memref<1x16xf32, #tpu.memory_space<hbm>>) dst(%dma_wait3A_872 : memref<1x16xf32, #tpu.memory_space<vmem>>)
      %dma_wait3A_875 = arith.constant 7 : i32
      %dma_wait3A_876 = arith.constant 0 : i32
      %dma_wait3A_877 = tpu.memref_slice %arg6[%dma_wait3A_875, %dma_wait3A_876] : memref<64x16xf32, #tpu.memory_space<vmem>> -> memref<1x16xf32, #tpu.memory_space<vmem>>
      %dma_wait3A_878 = arith.constant 0 : i32
      %dma_wait3A_879 = tpu.memref_slice %arg2[%squeeze3A_102, %dma_wait3A_878] : memref<1000000x16xf32, #tpu.memory_space<hbm>> -> memref<1x16xf32, #tpu.memory_space<hbm>>
      %dma_wait3A_880 = arith.constant 7 : i32
      %dma_wait3A_881 = arith.constant 0 : i32
      %dma_wait3A_882 = tpu.memref_slice %arg6[%dma_wait3A_880, %dma_wait3A_881] : memref<64x16xf32, #tpu.memory_space<vmem>> -> memref<1x16xf32, #tpu.memory_space<vmem>>
      %dma_wait3A_883 = arith.constant 0 : i32
      %dma_wait3A_884 = tpu.memref_slice %arg2[%squeeze3A_102, %dma_wait3A_883] : memref<1000000x16xf32, #tpu.memory_space<hbm>> -> memref<1x16xf32, #tpu.memory_space<hbm>>
      tpu.wait_dma2 semaphore(%arg8 : memref<!tpu.dma_semaphore, #tpu.memory_space<semaphore_mem>>) src(%dma_wait3A_884 : memref<1x16xf32, #tpu.memory_space<hbm>>) dst(%dma_wait3A_882 : memref<1x16xf32, #tpu.memory_space<vmem>>)
      %dma_wait3A_885 = arith.constant 8 : i32
      %dma_wait3A_886 = arith.constant 0 : i32
      %dma_wait3A_887 = tpu.memref_slice %arg6[%dma_wait3A_885, %dma_wait3A_886] : memref<64x16xf32, #tpu.memory_space<vmem>> -> memref<1x16xf32, #tpu.memory_space<vmem>>
      %dma_wait3A_888 = arith.constant 0 : i32
      %dma_wait3A_889 = tpu.memref_slice %arg2[%squeeze3A_114, %dma_wait3A_888] : memref<1000000x16xf32, #tpu.memory_space<hbm>> -> memref<1x16xf32, #tpu.memory_space<hbm>>
      %dma_wait3A_890 = arith.constant 8 : i32
      %dma_wait3A_891 = arith.constant 0 : i32
      %dma_wait3A_892 = tpu.memref_slice %arg6[%dma_wait3A_890, %dma_wait3A_891] : memref<64x16xf32, #tpu.memory_space<vmem>> -> memref<1x16xf32, #tpu.memory_space<vmem>>
      %dma_wait3A_893 = arith.constant 0 : i32
      %dma_wait3A_894 = tpu.memref_slice %arg2[%squeeze3A_114, %dma_wait3A_893] : memref<1000000x16xf32, #tpu.memory_space<hbm>> -> memref<1x16xf32, #tpu.memory_space<hbm>>
      tpu.wait_dma2 semaphore(%arg8 : memref<!tpu.dma_semaphore, #tpu.memory_space<semaphore_mem>>) src(%dma_wait3A_894 : memref<1x16xf32, #tpu.memory_space<hbm>>) dst(%dma_wait3A_892 : memref<1x16xf32, #tpu.memory_space<vmem>>)
      %dma_wait3A_895 = arith.constant 9 : i32
      %dma_wait3A_896 = arith.constant 0 : i32
      %dma_wait3A_897 = tpu.memref_slice %arg6[%dma_wait3A_895, %dma_wait3A_896] : memref<64x16xf32, #tpu.memory_space<vmem>> -> memref<1x16xf32, #tpu.memory_space<vmem>>
      %dma_wait3A_898 = arith.constant 0 : i32
      %dma_wait3A_899 = tpu.memref_slice %arg2[%squeeze3A_126, %dma_wait3A_898] : memref<1000000x16xf32, #tpu.memory_space<hbm>> -> memref<1x16xf32, #tpu.memory_space<hbm>>
      %dma_wait3A_900 = arith.constant 9 : i32
      %dma_wait3A_901 = arith.constant 0 : i32
      %dma_wait3A_902 = tpu.memref_slice %arg6[%dma_wait3A_900, %dma_wait3A_901] : memref<64x16xf32, #tpu.memory_space<vmem>> -> memref<1x16xf32, #tpu.memory_space<vmem>>
      %dma_wait3A_903 = arith.constant 0 : i32
      %dma_wait3A_904 = tpu.memref_slice %arg2[%squeeze3A_126, %dma_wait3A_903] : memref<1000000x16xf32, #tpu.memory_space<hbm>> -> memref<1x16xf32, #tpu.memory_space<hbm>>
      tpu.wait_dma2 semaphore(%arg8 : memref<!tpu.dma_semaphore, #tpu.memory_space<semaphore_mem>>) src(%dma_wait3A_904 : memref<1x16xf32, #tpu.memory_space<hbm>>) dst(%dma_wait3A_902 : memref<1x16xf32, #tpu.memory_space<vmem>>)
      %dma_wait3A_905 = arith.constant 10 : i32
      %dma_wait3A_906 = arith.constant 0 : i32
      %dma_wait3A_907 = tpu.memref_slice %arg6[%dma_wait3A_905, %dma_wait3A_906] : memref<64x16xf32, #tpu.memory_space<vmem>> -> memref<1x16xf32, #tpu.memory_space<vmem>>
      %dma_wait3A_908 = arith.constant 0 : i32
      %dma_wait3A_909 = tpu.memref_slice %arg2[%squeeze3A_138, %dma_wait3A_908] : memref<1000000x16xf32, #tpu.memory_space<hbm>> -> memref<1x16xf32, #tpu.memory_space<hbm>>
      %dma_wait3A_910 = arith.constant 10 : i32
      %dma_wait3A_911 = arith.constant 0 : i32
      %dma_wait3A_912 = tpu.memref_slice %arg6[%dma_wait3A_910, %dma_wait3A_911] : memref<64x16xf32, #tpu.memory_space<vmem>> -> memref<1x16xf32, #tpu.memory_space<vmem>>
      %dma_wait3A_913 = arith.constant 0 : i32
      %dma_wait3A_914 = tpu.memref_slice %arg2[%squeeze3A_138, %dma_wait3A_913] : memref<1000000x16xf32, #tpu.memory_space<hbm>> -> memref<1x16xf32, #tpu.memory_space<hbm>>
      tpu.wait_dma2 semaphore(%arg8 : memref<!tpu.dma_semaphore, #tpu.memory_space<semaphore_mem>>) src(%dma_wait3A_914 : memref<1x16xf32, #tpu.memory_space<hbm>>) dst(%dma_wait3A_912 : memref<1x16xf32, #tpu.memory_space<vmem>>)
      %dma_wait3A_915 = arith.constant 11 : i32
      %dma_wait3A_916 = arith.constant 0 : i32
      %dma_wait3A_917 = tpu.memref_slice %arg6[%dma_wait3A_915, %dma_wait3A_916] : memref<64x16xf32, #tpu.memory_space<vmem>> -> memref<1x16xf32, #tpu.memory_space<vmem>>
      %dma_wait3A_918 = arith.constant 0 : i32
      %dma_wait3A_919 = tpu.memref_slice %arg2[%squeeze3A_150, %dma_wait3A_918] : memref<1000000x16xf32, #tpu.memory_space<hbm>> -> memref<1x16xf32, #tpu.memory_space<hbm>>
      %dma_wait3A_920 = arith.constant 11 : i32
      %dma_wait3A_921 = arith.constant 0 : i32
      %dma_wait3A_922 = tpu.memref_slice %arg6[%dma_wait3A_920, %dma_wait3A_921] : memref<64x16xf32, #tpu.memory_space<vmem>> -> memref<1x16xf32, #tpu.memory_space<vmem>>
      %dma_wait3A_923 = arith.constant 0 : i32
      %dma_wait3A_924 = tpu.memref_slice %arg2[%squeeze3A_150, %dma_wait3A_923] : memref<1000000x16xf32, #tpu.memory_space<hbm>> -> memref<1x16xf32, #tpu.memory_space<hbm>>
      tpu.wait_dma2 semaphore(%arg8 : memref<!tpu.dma_semaphore, #tpu.memory_space<semaphore_mem>>) src(%dma_wait3A_924 : memref<1x16xf32, #tpu.memory_space<hbm>>) dst(%dma_wait3A_922 : memref<1x16xf32, #tpu.memory_space<vmem>>)
      %dma_wait3A_925 = arith.constant 12 : i32
      %dma_wait3A_926 = arith.constant 0 : i32
      %dma_wait3A_927 = tpu.memref_slice %arg6[%dma_wait3A_925, %dma_wait3A_926] : memref<64x16xf32, #tpu.memory_space<vmem>> -> memref<1x16xf32, #tpu.memory_space<vmem>>
      %dma_wait3A_928 = arith.constant 0 : i32
      %dma_wait3A_929 = tpu.memref_slice %arg2[%squeeze3A_162, %dma_wait3A_928] : memref<1000000x16xf32, #tpu.memory_space<hbm>> -> memref<1x16xf32, #tpu.memory_space<hbm>>
      %dma_wait3A_930 = arith.constant 12 : i32
      %dma_wait3A_931 = arith.constant 0 : i32
      %dma_wait3A_932 = tpu.memref_slice %arg6[%dma_wait3A_930, %dma_wait3A_931] : memref<64x16xf32, #tpu.memory_space<vmem>> -> memref<1x16xf32, #tpu.memory_space<vmem>>
      %dma_wait3A_933 = arith.constant 0 : i32
      %dma_wait3A_934 = tpu.memref_slice %arg2[%squeeze3A_162, %dma_wait3A_933] : memref<1000000x16xf32, #tpu.memory_space<hbm>> -> memref<1x16xf32, #tpu.memory_space<hbm>>
      tpu.wait_dma2 semaphore(%arg8 : memref<!tpu.dma_semaphore, #tpu.memory_space<semaphore_mem>>) src(%dma_wait3A_934 : memref<1x16xf32, #tpu.memory_space<hbm>>) dst(%dma_wait3A_932 : memref<1x16xf32, #tpu.memory_space<vmem>>)
      %dma_wait3A_935 = arith.constant 13 : i32
      %dma_wait3A_936 = arith.constant 0 : i32
      %dma_wait3A_937 = tpu.memref_slice %arg6[%dma_wait3A_935, %dma_wait3A_936] : memref<64x16xf32, #tpu.memory_space<vmem>> -> memref<1x16xf32, #tpu.memory_space<vmem>>
      %dma_wait3A_938 = arith.constant 0 : i32
      %dma_wait3A_939 = tpu.memref_slice %arg2[%squeeze3A_174, %dma_wait3A_938] : memref<1000000x16xf32, #tpu.memory_space<hbm>> -> memref<1x16xf32, #tpu.memory_space<hbm>>
      %dma_wait3A_940 = arith.constant 13 : i32
      %dma_wait3A_941 = arith.constant 0 : i32
      %dma_wait3A_942 = tpu.memref_slice %arg6[%dma_wait3A_940, %dma_wait3A_941] : memref<64x16xf32, #tpu.memory_space<vmem>> -> memref<1x16xf32, #tpu.memory_space<vmem>>
      %dma_wait3A_943 = arith.constant 0 : i32
      %dma_wait3A_944 = tpu.memref_slice %arg2[%squeeze3A_174, %dma_wait3A_943] : memref<1000000x16xf32, #tpu.memory_space<hbm>> -> memref<1x16xf32, #tpu.memory_space<hbm>>
      tpu.wait_dma2 semaphore(%arg8 : memref<!tpu.dma_semaphore, #tpu.memory_space<semaphore_mem>>) src(%dma_wait3A_944 : memref<1x16xf32, #tpu.memory_space<hbm>>) dst(%dma_wait3A_942 : memref<1x16xf32, #tpu.memory_space<vmem>>)
      %dma_wait3A_945 = arith.constant 14 : i32
      %dma_wait3A_946 = arith.constant 0 : i32
      %dma_wait3A_947 = tpu.memref_slice %arg6[%dma_wait3A_945, %dma_wait3A_946] : memref<64x16xf32, #tpu.memory_space<vmem>> -> memref<1x16xf32, #tpu.memory_space<vmem>>
      %dma_wait3A_948 = arith.constant 0 : i32
      %dma_wait3A_949 = tpu.memref_slice %arg2[%squeeze3A_186, %dma_wait3A_948] : memref<1000000x16xf32, #tpu.memory_space<hbm>> -> memref<1x16xf32, #tpu.memory_space<hbm>>
      %dma_wait3A_950 = arith.constant 14 : i32
      %dma_wait3A_951 = arith.constant 0 : i32
      %dma_wait3A_952 = tpu.memref_slice %arg6[%dma_wait3A_950, %dma_wait3A_951] : memref<64x16xf32, #tpu.memory_space<vmem>> -> memref<1x16xf32, #tpu.memory_space<vmem>>
      %dma_wait3A_953 = arith.constant 0 : i32
      %dma_wait3A_954 = tpu.memref_slice %arg2[%squeeze3A_186, %dma_wait3A_953] : memref<1000000x16xf32, #tpu.memory_space<hbm>> -> memref<1x16xf32, #tpu.memory_space<hbm>>
      tpu.wait_dma2 semaphore(%arg8 : memref<!tpu.dma_semaphore, #tpu.memory_space<semaphore_mem>>) src(%dma_wait3A_954 : memref<1x16xf32, #tpu.memory_space<hbm>>) dst(%dma_wait3A_952 : memref<1x16xf32, #tpu.memory_space<vmem>>)
      %dma_wait3A_955 = arith.constant 15 : i32
      %dma_wait3A_956 = arith.constant 0 : i32
      %dma_wait3A_957 = tpu.memref_slice %arg6[%dma_wait3A_955, %dma_wait3A_956] : memref<64x16xf32, #tpu.memory_space<vmem>> -> memref<1x16xf32, #tpu.memory_space<vmem>>
      %dma_wait3A_958 = arith.constant 0 : i32
      %dma_wait3A_959 = tpu.memref_slice %arg2[%squeeze3A_198, %dma_wait3A_958] : memref<1000000x16xf32, #tpu.memory_space<hbm>> -> memref<1x16xf32, #tpu.memory_space<hbm>>
      %dma_wait3A_960 = arith.constant 15 : i32
      %dma_wait3A_961 = arith.constant 0 : i32
      %dma_wait3A_962 = tpu.memref_slice %arg6[%dma_wait3A_960, %dma_wait3A_961] : memref<64x16xf32, #tpu.memory_space<vmem>> -> memref<1x16xf32, #tpu.memory_space<vmem>>
      %dma_wait3A_963 = arith.constant 0 : i32
      %dma_wait3A_964 = tpu.memref_slice %arg2[%squeeze3A_198, %dma_wait3A_963] : memref<1000000x16xf32, #tpu.memory_space<hbm>> -> memref<1x16xf32, #tpu.memory_space<hbm>>
      tpu.wait_dma2 semaphore(%arg8 : memref<!tpu.dma_semaphore, #tpu.memory_space<semaphore_mem>>) src(%dma_wait3A_964 : memref<1x16xf32, #tpu.memory_space<hbm>>) dst(%dma_wait3A_962 : memref<1x16xf32, #tpu.memory_space<vmem>>)
      %dma_wait3A_965 = arith.constant 16 : i32
      %dma_wait3A_966 = arith.constant 0 : i32
      %dma_wait3A_967 = tpu.memref_slice %arg6[%dma_wait3A_965, %dma_wait3A_966] : memref<64x16xf32, #tpu.memory_space<vmem>> -> memref<1x16xf32, #tpu.memory_space<vmem>>
      %dma_wait3A_968 = arith.constant 0 : i32
      %dma_wait3A_969 = tpu.memref_slice %arg2[%squeeze3A_217, %dma_wait3A_968] : memref<1000000x16xf32, #tpu.memory_space<hbm>> -> memref<1x16xf32, #tpu.memory_space<hbm>>
      %dma_wait3A_970 = arith.constant 16 : i32
      %dma_wait3A_971 = arith.constant 0 : i32
      %dma_wait3A_972 = tpu.memref_slice %arg6[%dma_wait3A_970, %dma_wait3A_971] : memref<64x16xf32, #tpu.memory_space<vmem>> -> memref<1x16xf32, #tpu.memory_space<vmem>>
      %dma_wait3A_973 = arith.constant 0 : i32
      %dma_wait3A_974 = tpu.memref_slice %arg2[%squeeze3A_217, %dma_wait3A_973] : memref<1000000x16xf32, #tpu.memory_space<hbm>> -> memref<1x16xf32, #tpu.memory_space<hbm>>
      tpu.wait_dma2 semaphore(%arg8 : memref<!tpu.dma_semaphore, #tpu.memory_space<semaphore_mem>>) src(%dma_wait3A_974 : memref<1x16xf32, #tpu.memory_space<hbm>>) dst(%dma_wait3A_972 : memref<1x16xf32, #tpu.memory_space<vmem>>)
      %dma_wait3A_975 = arith.constant 17 : i32
      %dma_wait3A_976 = arith.constant 0 : i32
      %dma_wait3A_977 = tpu.memref_slice %arg6[%dma_wait3A_975, %dma_wait3A_976] : memref<64x16xf32, #tpu.memory_space<vmem>> -> memref<1x16xf32, #tpu.memory_space<vmem>>
      %dma_wait3A_978 = arith.constant 0 : i32
      %dma_wait3A_979 = tpu.memref_slice %arg2[%squeeze3A_229, %dma_wait3A_978] : memref<1000000x16xf32, #tpu.memory_space<hbm>> -> memref<1x16xf32, #tpu.memory_space<hbm>>
      %dma_wait3A_980 = arith.constant 17 : i32
      %dma_wait3A_981 = arith.constant 0 : i32
      %dma_wait3A_982 = tpu.memref_slice %arg6[%dma_wait3A_980, %dma_wait3A_981] : memref<64x16xf32, #tpu.memory_space<vmem>> -> memref<1x16xf32, #tpu.memory_space<vmem>>
      %dma_wait3A_983 = arith.constant 0 : i32
      %dma_wait3A_984 = tpu.memref_slice %arg2[%squeeze3A_229, %dma_wait3A_983] : memref<1000000x16xf32, #tpu.memory_space<hbm>> -> memref<1x16xf32, #tpu.memory_space<hbm>>
      tpu.wait_dma2 semaphore(%arg8 : memref<!tpu.dma_semaphore, #tpu.memory_space<semaphore_mem>>) src(%dma_wait3A_984 : memref<1x16xf32, #tpu.memory_space<hbm>>) dst(%dma_wait3A_982 : memref<1x16xf32, #tpu.memory_space<vmem>>)
      %dma_wait3A_985 = arith.constant 18 : i32
      %dma_wait3A_986 = arith.constant 0 : i32
      %dma_wait3A_987 = tpu.memref_slice %arg6[%dma_wait3A_985, %dma_wait3A_986] : memref<64x16xf32, #tpu.memory_space<vmem>> -> memref<1x16xf32, #tpu.memory_space<vmem>>
      %dma_wait3A_988 = arith.constant 0 : i32
      %dma_wait3A_989 = tpu.memref_slice %arg2[%squeeze3A_241, %dma_wait3A_988] : memref<1000000x16xf32, #tpu.memory_space<hbm>> -> memref<1x16xf32, #tpu.memory_space<hbm>>
      %dma_wait3A_990 = arith.constant 18 : i32
      %dma_wait3A_991 = arith.constant 0 : i32
      %dma_wait3A_992 = tpu.memref_slice %arg6[%dma_wait3A_990, %dma_wait3A_991] : memref<64x16xf32, #tpu.memory_space<vmem>> -> memref<1x16xf32, #tpu.memory_space<vmem>>
      %dma_wait3A_993 = arith.constant 0 : i32
      %dma_wait3A_994 = tpu.memref_slice %arg2[%squeeze3A_241, %dma_wait3A_993] : memref<1000000x16xf32, #tpu.memory_space<hbm>> -> memref<1x16xf32, #tpu.memory_space<hbm>>
      tpu.wait_dma2 semaphore(%arg8 : memref<!tpu.dma_semaphore, #tpu.memory_space<semaphore_mem>>) src(%dma_wait3A_994 : memref<1x16xf32, #tpu.memory_space<hbm>>) dst(%dma_wait3A_992 : memref<1x16xf32, #tpu.memory_space<vmem>>)
      %dma_wait3A_995 = arith.constant 19 : i32
      %dma_wait3A_996 = arith.constant 0 : i32
      %dma_wait3A_997 = tpu.memref_slice %arg6[%dma_wait3A_995, %dma_wait3A_996] : memref<64x16xf32, #tpu.memory_space<vmem>> -> memref<1x16xf32, #tpu.memory_space<vmem>>
      %dma_wait3A_998 = arith.constant 0 : i32
      %dma_wait3A_999 = tpu.memref_slice %arg2[%squeeze3A_253, %dma_wait3A_998] : memref<1000000x16xf32, #tpu.memory_space<hbm>> -> memref<1x16xf32, #tpu.memory_space<hbm>>
      %dma_wait3A_1000 = arith.constant 19 : i32
      %dma_wait3A_1001 = arith.constant 0 : i32
      %dma_wait3A_1002 = tpu.memref_slice %arg6[%dma_wait3A_1000, %dma_wait3A_1001] : memref<64x16xf32, #tpu.memory_space<vmem>> -> memref<1x16xf32, #tpu.memory_space<vmem>>
      %dma_wait3A_1003 = arith.constant 0 : i32
      %dma_wait3A_1004 = tpu.memref_slice %arg2[%squeeze3A_253, %dma_wait3A_1003] : memref<1000000x16xf32, #tpu.memory_space<hbm>> -> memref<1x16xf32, #tpu.memory_space<hbm>>
      tpu.wait_dma2 semaphore(%arg8 : memref<!tpu.dma_semaphore, #tpu.memory_space<semaphore_mem>>) src(%dma_wait3A_1004 : memref<1x16xf32, #tpu.memory_space<hbm>>) dst(%dma_wait3A_1002 : memref<1x16xf32, #tpu.memory_space<vmem>>)
      %dma_wait3A_1005 = arith.constant 20 : i32
      %dma_wait3A_1006 = arith.constant 0 : i32
      %dma_wait3A_1007 = tpu.memref_slice %arg6[%dma_wait3A_1005, %dma_wait3A_1006] : memref<64x16xf32, #tpu.memory_space<vmem>> -> memref<1x16xf32, #tpu.memory_space<vmem>>
      %dma_wait3A_1008 = arith.constant 0 : i32
      %dma_wait3A_1009 = tpu.memref_slice %arg2[%squeeze3A_265, %dma_wait3A_1008] : memref<1000000x16xf32, #tpu.memory_space<hbm>> -> memref<1x16xf32, #tpu.memory_space<hbm>>
      %dma_wait3A_1010 = arith.constant 20 : i32
      %dma_wait3A_1011 = arith.constant 0 : i32
      %dma_wait3A_1012 = tpu.memref_slice %arg6[%dma_wait3A_1010, %dma_wait3A_1011] : memref<64x16xf32, #tpu.memory_space<vmem>> -> memref<1x16xf32, #tpu.memory_space<vmem>>
      %dma_wait3A_1013 = arith.constant 0 : i32
      %dma_wait3A_1014 = tpu.memref_slice %arg2[%squeeze3A_265, %dma_wait3A_1013] : memref<1000000x16xf32, #tpu.memory_space<hbm>> -> memref<1x16xf32, #tpu.memory_space<hbm>>
      tpu.wait_dma2 semaphore(%arg8 : memref<!tpu.dma_semaphore, #tpu.memory_space<semaphore_mem>>) src(%dma_wait3A_1014 : memref<1x16xf32, #tpu.memory_space<hbm>>) dst(%dma_wait3A_1012 : memref<1x16xf32, #tpu.memory_space<vmem>>)
      %dma_wait3A_1015 = arith.constant 21 : i32
      %dma_wait3A_1016 = arith.constant 0 : i32
      %dma_wait3A_1017 = tpu.memref_slice %arg6[%dma_wait3A_1015, %dma_wait3A_1016] : memref<64x16xf32, #tpu.memory_space<vmem>> -> memref<1x16xf32, #tpu.memory_space<vmem>>
      %dma_wait3A_1018 = arith.constant 0 : i32
      %dma_wait3A_1019 = tpu.memref_slice %arg2[%squeeze3A_277, %dma_wait3A_1018] : memref<1000000x16xf32, #tpu.memory_space<hbm>> -> memref<1x16xf32, #tpu.memory_space<hbm>>
      %dma_wait3A_1020 = arith.constant 21 : i32
      %dma_wait3A_1021 = arith.constant 0 : i32
      %dma_wait3A_1022 = tpu.memref_slice %arg6[%dma_wait3A_1020, %dma_wait3A_1021] : memref<64x16xf32, #tpu.memory_space<vmem>> -> memref<1x16xf32, #tpu.memory_space<vmem>>
      %dma_wait3A_1023 = arith.constant 0 : i32
      %dma_wait3A_1024 = tpu.memref_slice %arg2[%squeeze3A_277, %dma_wait3A_1023] : memref<1000000x16xf32, #tpu.memory_space<hbm>> -> memref<1x16xf32, #tpu.memory_space<hbm>>
      tpu.wait_dma2 semaphore(%arg8 : memref<!tpu.dma_semaphore, #tpu.memory_space<semaphore_mem>>) src(%dma_wait3A_1024 : memref<1x16xf32, #tpu.memory_space<hbm>>) dst(%dma_wait3A_1022 : memref<1x16xf32, #tpu.memory_space<vmem>>)
      %dma_wait3A_1025 = arith.constant 22 : i32
      %dma_wait3A_1026 = arith.constant 0 : i32
      %dma_wait3A_1027 = tpu.memref_slice %arg6[%dma_wait3A_1025, %dma_wait3A_1026] : memref<64x16xf32, #tpu.memory_space<vmem>> -> memref<1x16xf32, #tpu.memory_space<vmem>>
      %dma_wait3A_1028 = arith.constant 0 : i32
      %dma_wait3A_1029 = tpu.memref_slice %arg2[%squeeze3A_289, %dma_wait3A_1028] : memref<1000000x16xf32, #tpu.memory_space<hbm>> -> memref<1x16xf32, #tpu.memory_space<hbm>>
      %dma_wait3A_1030 = arith.constant 22 : i32
      %dma_wait3A_1031 = arith.constant 0 : i32
      %dma_wait3A_1032 = tpu.memref_slice %arg6[%dma_wait3A_1030, %dma_wait3A_1031] : memref<64x16xf32, #tpu.memory_space<vmem>> -> memref<1x16xf32, #tpu.memory_space<vmem>>
      %dma_wait3A_1033 = arith.constant 0 : i32
      %dma_wait3A_1034 = tpu.memref_slice %arg2[%squeeze3A_289, %dma_wait3A_1033] : memref<1000000x16xf32, #tpu.memory_space<hbm>> -> memref<1x16xf32, #tpu.memory_space<hbm>>
      tpu.wait_dma2 semaphore(%arg8 : memref<!tpu.dma_semaphore, #tpu.memory_space<semaphore_mem>>) src(%dma_wait3A_1034 : memref<1x16xf32, #tpu.memory_space<hbm>>) dst(%dma_wait3A_1032 : memref<1x16xf32, #tpu.memory_space<vmem>>)
      %dma_wait3A_1035 = arith.constant 23 : i32
      %dma_wait3A_1036 = arith.constant 0 : i32
      %dma_wait3A_1037 = tpu.memref_slice %arg6[%dma_wait3A_1035, %dma_wait3A_1036] : memref<64x16xf32, #tpu.memory_space<vmem>> -> memref<1x16xf32, #tpu.memory_space<vmem>>
      %dma_wait3A_1038 = arith.constant 0 : i32
      %dma_wait3A_1039 = tpu.memref_slice %arg2[%squeeze3A_301, %dma_wait3A_1038] : memref<1000000x16xf32, #tpu.memory_space<hbm>> -> memref<1x16xf32, #tpu.memory_space<hbm>>
      %dma_wait3A_1040 = arith.constant 23 : i32
      %dma_wait3A_1041 = arith.constant 0 : i32
      %dma_wait3A_1042 = tpu.memref_slice %arg6[%dma_wait3A_1040, %dma_wait3A_1041] : memref<64x16xf32, #tpu.memory_space<vmem>> -> memref<1x16xf32, #tpu.memory_space<vmem>>
      %dma_wait3A_1043 = arith.constant 0 : i32
      %dma_wait3A_1044 = tpu.memref_slice %arg2[%squeeze3A_301, %dma_wait3A_1043] : memref<1000000x16xf32, #tpu.memory_space<hbm>> -> memref<1x16xf32, #tpu.memory_space<hbm>>
      tpu.wait_dma2 semaphore(%arg8 : memref<!tpu.dma_semaphore, #tpu.memory_space<semaphore_mem>>) src(%dma_wait3A_1044 : memref<1x16xf32, #tpu.memory_space<hbm>>) dst(%dma_wait3A_1042 : memref<1x16xf32, #tpu.memory_space<vmem>>)
      %dma_wait3A_1045 = arith.constant 24 : i32
      %dma_wait3A_1046 = arith.constant 0 : i32
      %dma_wait3A_1047 = tpu.memref_slice %arg6[%dma_wait3A_1045, %dma_wait3A_1046] : memref<64x16xf32, #tpu.memory_space<vmem>> -> memref<1x16xf32, #tpu.memory_space<vmem>>
      %dma_wait3A_1048 = arith.constant 0 : i32
      %dma_wait3A_1049 = tpu.memref_slice %arg2[%squeeze3A_313, %dma_wait3A_1048] : memref<1000000x16xf32, #tpu.memory_space<hbm>> -> memref<1x16xf32, #tpu.memory_space<hbm>>
      %dma_wait3A_1050 = arith.constant 24 : i32
      %dma_wait3A_1051 = arith.constant 0 : i32
      %dma_wait3A_1052 = tpu.memref_slice %arg6[%dma_wait3A_1050, %dma_wait3A_1051] : memref<64x16xf32, #tpu.memory_space<vmem>> -> memref<1x16xf32, #tpu.memory_space<vmem>>
      %dma_wait3A_1053 = arith.constant 0 : i32
      %dma_wait3A_1054 = tpu.memref_slice %arg2[%squeeze3A_313, %dma_wait3A_1053] : memref<1000000x16xf32, #tpu.memory_space<hbm>> -> memref<1x16xf32, #tpu.memory_space<hbm>>
      tpu.wait_dma2 semaphore(%arg8 : memref<!tpu.dma_semaphore, #tpu.memory_space<semaphore_mem>>) src(%dma_wait3A_1054 : memref<1x16xf32, #tpu.memory_space<hbm>>) dst(%dma_wait3A_1052 : memref<1x16xf32, #tpu.memory_space<vmem>>)
      %dma_wait3A_1055 = arith.constant 25 : i32
      %dma_wait3A_1056 = arith.constant 0 : i32
      %dma_wait3A_1057 = tpu.memref_slice %arg6[%dma_wait3A_1055, %dma_wait3A_1056] : memref<64x16xf32, #tpu.memory_space<vmem>> -> memref<1x16xf32, #tpu.memory_space<vmem>>
      %dma_wait3A_1058 = arith.constant 0 : i32
      %dma_wait3A_1059 = tpu.memref_slice %arg2[%squeeze3A_325, %dma_wait3A_1058] : memref<1000000x16xf32, #tpu.memory_space<hbm>> -> memref<1x16xf32, #tpu.memory_space<hbm>>
      %dma_wait3A_1060 = arith.constant 25 : i32
      %dma_wait3A_1061 = arith.constant 0 : i32
      %dma_wait3A_1062 = tpu.memref_slice %arg6[%dma_wait3A_1060, %dma_wait3A_1061] : memref<64x16xf32, #tpu.memory_space<vmem>> -> memref<1x16xf32, #tpu.memory_space<vmem>>
      %dma_wait3A_1063 = arith.constant 0 : i32
      %dma_wait3A_1064 = tpu.memref_slice %arg2[%squeeze3A_325, %dma_wait3A_1063] : memref<1000000x16xf32, #tpu.memory_space<hbm>> -> memref<1x16xf32, #tpu.memory_space<hbm>>
      tpu.wait_dma2 semaphore(%arg8 : memref<!tpu.dma_semaphore, #tpu.memory_space<semaphore_mem>>) src(%dma_wait3A_1064 : memref<1x16xf32, #tpu.memory_space<hbm>>) dst(%dma_wait3A_1062 : memref<1x16xf32, #tpu.memory_space<vmem>>)
      %dma_wait3A_1065 = arith.constant 26 : i32
      %dma_wait3A_1066 = arith.constant 0 : i32
      %dma_wait3A_1067 = tpu.memref_slice %arg6[%dma_wait3A_1065, %dma_wait3A_1066] : memref<64x16xf32, #tpu.memory_space<vmem>> -> memref<1x16xf32, #tpu.memory_space<vmem>>
      %dma_wait3A_1068 = arith.constant 0 : i32
      %dma_wait3A_1069 = tpu.memref_slice %arg2[%squeeze3A_337, %dma_wait3A_1068] : memref<1000000x16xf32, #tpu.memory_space<hbm>> -> memref<1x16xf32, #tpu.memory_space<hbm>>
      %dma_wait3A_1070 = arith.constant 26 : i32
      %dma_wait3A_1071 = arith.constant 0 : i32
      %dma_wait3A_1072 = tpu.memref_slice %arg6[%dma_wait3A_1070, %dma_wait3A_1071] : memref<64x16xf32, #tpu.memory_space<vmem>> -> memref<1x16xf32, #tpu.memory_space<vmem>>
      %dma_wait3A_1073 = arith.constant 0 : i32
      %dma_wait3A_1074 = tpu.memref_slice %arg2[%squeeze3A_337, %dma_wait3A_1073] : memref<1000000x16xf32, #tpu.memory_space<hbm>> -> memref<1x16xf32, #tpu.memory_space<hbm>>
      tpu.wait_dma2 semaphore(%arg8 : memref<!tpu.dma_semaphore, #tpu.memory_space<semaphore_mem>>) src(%dma_wait3A_1074 : memref<1x16xf32, #tpu.memory_space<hbm>>) dst(%dma_wait3A_1072 : memref<1x16xf32, #tpu.memory_space<vmem>>)
      %dma_wait3A_1075 = arith.constant 27 : i32
      %dma_wait3A_1076 = arith.constant 0 : i32
      %dma_wait3A_1077 = tpu.memref_slice %arg6[%dma_wait3A_1075, %dma_wait3A_1076] : memref<64x16xf32, #tpu.memory_space<vmem>> -> memref<1x16xf32, #tpu.memory_space<vmem>>
      %dma_wait3A_1078 = arith.constant 0 : i32
      %dma_wait3A_1079 = tpu.memref_slice %arg2[%squeeze3A_349, %dma_wait3A_1078] : memref<1000000x16xf32, #tpu.memory_space<hbm>> -> memref<1x16xf32, #tpu.memory_space<hbm>>
      %dma_wait3A_1080 = arith.constant 27 : i32
      %dma_wait3A_1081 = arith.constant 0 : i32
      %dma_wait3A_1082 = tpu.memref_slice %arg6[%dma_wait3A_1080, %dma_wait3A_1081] : memref<64x16xf32, #tpu.memory_space<vmem>> -> memref<1x16xf32, #tpu.memory_space<vmem>>
      %dma_wait3A_1083 = arith.constant 0 : i32
      %dma_wait3A_1084 = tpu.memref_slice %arg2[%squeeze3A_349, %dma_wait3A_1083] : memref<1000000x16xf32, #tpu.memory_space<hbm>> -> memref<1x16xf32, #tpu.memory_space<hbm>>
      tpu.wait_dma2 semaphore(%arg8 : memref<!tpu.dma_semaphore, #tpu.memory_space<semaphore_mem>>) src(%dma_wait3A_1084 : memref<1x16xf32, #tpu.memory_space<hbm>>) dst(%dma_wait3A_1082 : memref<1x16xf32, #tpu.memory_space<vmem>>)
      %dma_wait3A_1085 = arith.constant 28 : i32
      %dma_wait3A_1086 = arith.constant 0 : i32
      %dma_wait3A_1087 = tpu.memref_slice %arg6[%dma_wait3A_1085, %dma_wait3A_1086] : memref<64x16xf32, #tpu.memory_space<vmem>> -> memref<1x16xf32, #tpu.memory_space<vmem>>
      %dma_wait3A_1088 = arith.constant 0 : i32
      %dma_wait3A_1089 = tpu.memref_slice %arg2[%squeeze3A_361, %dma_wait3A_1088] : memref<1000000x16xf32, #tpu.memory_space<hbm>> -> memref<1x16xf32, #tpu.memory_space<hbm>>
      %dma_wait3A_1090 = arith.constant 28 : i32
      %dma_wait3A_1091 = arith.constant 0 : i32
      %dma_wait3A_1092 = tpu.memref_slice %arg6[%dma_wait3A_1090, %dma_wait3A_1091] : memref<64x16xf32, #tpu.memory_space<vmem>> -> memref<1x16xf32, #tpu.memory_space<vmem>>
      %dma_wait3A_1093 = arith.constant 0 : i32
      %dma_wait3A_1094 = tpu.memref_slice %arg2[%squeeze3A_361, %dma_wait3A_1093] : memref<1000000x16xf32, #tpu.memory_space<hbm>> -> memref<1x16xf32, #tpu.memory_space<hbm>>
      tpu.wait_dma2 semaphore(%arg8 : memref<!tpu.dma_semaphore, #tpu.memory_space<semaphore_mem>>) src(%dma_wait3A_1094 : memref<1x16xf32, #tpu.memory_space<hbm>>) dst(%dma_wait3A_1092 : memref<1x16xf32, #tpu.memory_space<vmem>>)
      %dma_wait3A_1095 = arith.constant 29 : i32
      %dma_wait3A_1096 = arith.constant 0 : i32
      %dma_wait3A_1097 = tpu.memref_slice %arg6[%dma_wait3A_1095, %dma_wait3A_1096] : memref<64x16xf32, #tpu.memory_space<vmem>> -> memref<1x16xf32, #tpu.memory_space<vmem>>
      %dma_wait3A_1098 = arith.constant 0 : i32
      %dma_wait3A_1099 = tpu.memref_slice %arg2[%squeeze3A_373, %dma_wait3A_1098] : memref<1000000x16xf32, #tpu.memory_space<hbm>> -> memref<1x16xf32, #tpu.memory_space<hbm>>
      %dma_wait3A_1100 = arith.constant 29 : i32
      %dma_wait3A_1101 = arith.constant 0 : i32
      %dma_wait3A_1102 = tpu.memref_slice %arg6[%dma_wait3A_1100, %dma_wait3A_1101] : memref<64x16xf32, #tpu.memory_space<vmem>> -> memref<1x16xf32, #tpu.memory_space<vmem>>
      %dma_wait3A_1103 = arith.constant 0 : i32
      %dma_wait3A_1104 = tpu.memref_slice %arg2[%squeeze3A_373, %dma_wait3A_1103] : memref<1000000x16xf32, #tpu.memory_space<hbm>> -> memref<1x16xf32, #tpu.memory_space<hbm>>
      tpu.wait_dma2 semaphore(%arg8 : memref<!tpu.dma_semaphore, #tpu.memory_space<semaphore_mem>>) src(%dma_wait3A_1104 : memref<1x16xf32, #tpu.memory_space<hbm>>) dst(%dma_wait3A_1102 : memref<1x16xf32, #tpu.memory_space<vmem>>)
      %dma_wait3A_1105 = arith.constant 30 : i32
      %dma_wait3A_1106 = arith.constant 0 : i32
      %dma_wait3A_1107 = tpu.memref_slice %arg6[%dma_wait3A_1105, %dma_wait3A_1106] : memref<64x16xf32, #tpu.memory_space<vmem>> -> memref<1x16xf32, #tpu.memory_space<vmem>>
      %dma_wait3A_1108 = arith.constant 0 : i32
      %dma_wait3A_1109 = tpu.memref_slice %arg2[%squeeze3A_385, %dma_wait3A_1108] : memref<1000000x16xf32, #tpu.memory_space<hbm>> -> memref<1x16xf32, #tpu.memory_space<hbm>>
      %dma_wait3A_1110 = arith.constant 30 : i32
      %dma_wait3A_1111 = arith.constant 0 : i32
      %dma_wait3A_1112 = tpu.memref_slice %arg6[%dma_wait3A_1110, %dma_wait3A_1111] : memref<64x16xf32, #tpu.memory_space<vmem>> -> memref<1x16xf32, #tpu.memory_space<vmem>>
      %dma_wait3A_1113 = arith.constant 0 : i32
      %dma_wait3A_1114 = tpu.memref_slice %arg2[%squeeze3A_385, %dma_wait3A_1113] : memref<1000000x16xf32, #tpu.memory_space<hbm>> -> memref<1x16xf32, #tpu.memory_space<hbm>>
      tpu.wait_dma2 semaphore(%arg8 : memref<!tpu.dma_semaphore, #tpu.memory_space<semaphore_mem>>) src(%dma_wait3A_1114 : memref<1x16xf32, #tpu.memory_space<hbm>>) dst(%dma_wait3A_1112 : memref<1x16xf32, #tpu.memory_space<vmem>>)
      %dma_wait3A_1115 = arith.constant 31 : i32
      %dma_wait3A_1116 = arith.constant 0 : i32
      %dma_wait3A_1117 = tpu.memref_slice %arg6[%dma_wait3A_1115, %dma_wait3A_1116] : memref<64x16xf32, #tpu.memory_space<vmem>> -> memref<1x16xf32, #tpu.memory_space<vmem>>
      %dma_wait3A_1118 = arith.constant 0 : i32
      %dma_wait3A_1119 = tpu.memref_slice %arg2[%squeeze3A_397, %dma_wait3A_1118] : memref<1000000x16xf32, #tpu.memory_space<hbm>> -> memref<1x16xf32, #tpu.memory_space<hbm>>
      %dma_wait3A_1120 = arith.constant 31 : i32
      %dma_wait3A_1121 = arith.constant 0 : i32
      %dma_wait3A_1122 = tpu.memref_slice %arg6[%dma_wait3A_1120, %dma_wait3A_1121] : memref<64x16xf32, #tpu.memory_space<vmem>> -> memref<1x16xf32, #tpu.memory_space<vmem>>
      %dma_wait3A_1123 = arith.constant 0 : i32
      %dma_wait3A_1124 = tpu.memref_slice %arg2[%squeeze3A_397, %dma_wait3A_1123] : memref<1000000x16xf32, #tpu.memory_space<hbm>> -> memref<1x16xf32, #tpu.memory_space<hbm>>
      tpu.wait_dma2 semaphore(%arg8 : memref<!tpu.dma_semaphore, #tpu.memory_space<semaphore_mem>>) src(%dma_wait3A_1124 : memref<1x16xf32, #tpu.memory_space<hbm>>) dst(%dma_wait3A_1122 : memref<1x16xf32, #tpu.memory_space<vmem>>)
      %dma_wait3A_1125 = arith.constant 32 : i32
      %dma_wait3A_1126 = arith.constant 0 : i32
      %dma_wait3A_1127 = tpu.memref_slice %arg6[%dma_wait3A_1125, %dma_wait3A_1126] : memref<64x16xf32, #tpu.memory_space<vmem>> -> memref<1x16xf32, #tpu.memory_space<vmem>>
      %dma_wait3A_1128 = arith.constant 0 : i32
      %dma_wait3A_1129 = tpu.memref_slice %arg2[%squeeze3A_416, %dma_wait3A_1128] : memref<1000000x16xf32, #tpu.memory_space<hbm>> -> memref<1x16xf32, #tpu.memory_space<hbm>>
      %dma_wait3A_1130 = arith.constant 32 : i32
      %dma_wait3A_1131 = arith.constant 0 : i32
      %dma_wait3A_1132 = tpu.memref_slice %arg6[%dma_wait3A_1130, %dma_wait3A_1131] : memref<64x16xf32, #tpu.memory_space<vmem>> -> memref<1x16xf32, #tpu.memory_space<vmem>>
      %dma_wait3A_1133 = arith.constant 0 : i32
      %dma_wait3A_1134 = tpu.memref_slice %arg2[%squeeze3A_416, %dma_wait3A_1133] : memref<1000000x16xf32, #tpu.memory_space<hbm>> -> memref<1x16xf32, #tpu.memory_space<hbm>>
      tpu.wait_dma2 semaphore(%arg8 : memref<!tpu.dma_semaphore, #tpu.memory_space<semaphore_mem>>) src(%dma_wait3A_1134 : memref<1x16xf32, #tpu.memory_space<hbm>>) dst(%dma_wait3A_1132 : memref<1x16xf32, #tpu.memory_space<vmem>>)
      %dma_wait3A_1135 = arith.constant 33 : i32
      %dma_wait3A_1136 = arith.constant 0 : i32
      %dma_wait3A_1137 = tpu.memref_slice %arg6[%dma_wait3A_1135, %dma_wait3A_1136] : memref<64x16xf32, #tpu.memory_space<vmem>> -> memref<1x16xf32, #tpu.memory_space<vmem>>
      %dma_wait3A_1138 = arith.constant 0 : i32
      %dma_wait3A_1139 = tpu.memref_slice %arg2[%squeeze3A_428, %dma_wait3A_1138] : memref<1000000x16xf32, #tpu.memory_space<hbm>> -> memref<1x16xf32, #tpu.memory_space<hbm>>
      %dma_wait3A_1140 = arith.constant 33 : i32
      %dma_wait3A_1141 = arith.constant 0 : i32
      %dma_wait3A_1142 = tpu.memref_slice %arg6[%dma_wait3A_1140, %dma_wait3A_1141] : memref<64x16xf32, #tpu.memory_space<vmem>> -> memref<1x16xf32, #tpu.memory_space<vmem>>
      %dma_wait3A_1143 = arith.constant 0 : i32
      %dma_wait3A_1144 = tpu.memref_slice %arg2[%squeeze3A_428, %dma_wait3A_1143] : memref<1000000x16xf32, #tpu.memory_space<hbm>> -> memref<1x16xf32, #tpu.memory_space<hbm>>
      tpu.wait_dma2 semaphore(%arg8 : memref<!tpu.dma_semaphore, #tpu.memory_space<semaphore_mem>>) src(%dma_wait3A_1144 : memref<1x16xf32, #tpu.memory_space<hbm>>) dst(%dma_wait3A_1142 : memref<1x16xf32, #tpu.memory_space<vmem>>)
      %dma_wait3A_1145 = arith.constant 34 : i32
      %dma_wait3A_1146 = arith.constant 0 : i32
      %dma_wait3A_1147 = tpu.memref_slice %arg6[%dma_wait3A_1145, %dma_wait3A_1146] : memref<64x16xf32, #tpu.memory_space<vmem>> -> memref<1x16xf32, #tpu.memory_space<vmem>>
      %dma_wait3A_1148 = arith.constant 0 : i32
      %dma_wait3A_1149 = tpu.memref_slice %arg2[%squeeze3A_440, %dma_wait3A_1148] : memref<1000000x16xf32, #tpu.memory_space<hbm>> -> memref<1x16xf32, #tpu.memory_space<hbm>>
      %dma_wait3A_1150 = arith.constant 34 : i32
      %dma_wait3A_1151 = arith.constant 0 : i32
      %dma_wait3A_1152 = tpu.memref_slice %arg6[%dma_wait3A_1150, %dma_wait3A_1151] : memref<64x16xf32, #tpu.memory_space<vmem>> -> memref<1x16xf32, #tpu.memory_space<vmem>>
      %dma_wait3A_1153 = arith.constant 0 : i32
      %dma_wait3A_1154 = tpu.memref_slice %arg2[%squeeze3A_440, %dma_wait3A_1153] : memref<1000000x16xf32, #tpu.memory_space<hbm>> -> memref<1x16xf32, #tpu.memory_space<hbm>>
      tpu.wait_dma2 semaphore(%arg8 : memref<!tpu.dma_semaphore, #tpu.memory_space<semaphore_mem>>) src(%dma_wait3A_1154 : memref<1x16xf32, #tpu.memory_space<hbm>>) dst(%dma_wait3A_1152 : memref<1x16xf32, #tpu.memory_space<vmem>>)
      %dma_wait3A_1155 = arith.constant 35 : i32
      %dma_wait3A_1156 = arith.constant 0 : i32
      %dma_wait3A_1157 = tpu.memref_slice %arg6[%dma_wait3A_1155, %dma_wait3A_1156] : memref<64x16xf32, #tpu.memory_space<vmem>> -> memref<1x16xf32, #tpu.memory_space<vmem>>
      %dma_wait3A_1158 = arith.constant 0 : i32
      %dma_wait3A_1159 = tpu.memref_slice %arg2[%squeeze3A_452, %dma_wait3A_1158] : memref<1000000x16xf32, #tpu.memory_space<hbm>> -> memref<1x16xf32, #tpu.memory_space<hbm>>
      %dma_wait3A_1160 = arith.constant 35 : i32
      %dma_wait3A_1161 = arith.constant 0 : i32
      %dma_wait3A_1162 = tpu.memref_slice %arg6[%dma_wait3A_1160, %dma_wait3A_1161] : memref<64x16xf32, #tpu.memory_space<vmem>> -> memref<1x16xf32, #tpu.memory_space<vmem>>
      %dma_wait3A_1163 = arith.constant 0 : i32
      %dma_wait3A_1164 = tpu.memref_slice %arg2[%squeeze3A_452, %dma_wait3A_1163] : memref<1000000x16xf32, #tpu.memory_space<hbm>> -> memref<1x16xf32, #tpu.memory_space<hbm>>
      tpu.wait_dma2 semaphore(%arg8 : memref<!tpu.dma_semaphore, #tpu.memory_space<semaphore_mem>>) src(%dma_wait3A_1164 : memref<1x16xf32, #tpu.memory_space<hbm>>) dst(%dma_wait3A_1162 : memref<1x16xf32, #tpu.memory_space<vmem>>)
      %dma_wait3A_1165 = arith.constant 36 : i32
      %dma_wait3A_1166 = arith.constant 0 : i32
      %dma_wait3A_1167 = tpu.memref_slice %arg6[%dma_wait3A_1165, %dma_wait3A_1166] : memref<64x16xf32, #tpu.memory_space<vmem>> -> memref<1x16xf32, #tpu.memory_space<vmem>>
      %dma_wait3A_1168 = arith.constant 0 : i32
      %dma_wait3A_1169 = tpu.memref_slice %arg2[%squeeze3A_464, %dma_wait3A_1168] : memref<1000000x16xf32, #tpu.memory_space<hbm>> -> memref<1x16xf32, #tpu.memory_space<hbm>>
      %dma_wait3A_1170 = arith.constant 36 : i32
      %dma_wait3A_1171 = arith.constant 0 : i32
      %dma_wait3A_1172 = tpu.memref_slice %arg6[%dma_wait3A_1170, %dma_wait3A_1171] : memref<64x16xf32, #tpu.memory_space<vmem>> -> memref<1x16xf32, #tpu.memory_space<vmem>>
      %dma_wait3A_1173 = arith.constant 0 : i32
      %dma_wait3A_1174 = tpu.memref_slice %arg2[%squeeze3A_464, %dma_wait3A_1173] : memref<1000000x16xf32, #tpu.memory_space<hbm>> -> memref<1x16xf32, #tpu.memory_space<hbm>>
      tpu.wait_dma2 semaphore(%arg8 : memref<!tpu.dma_semaphore, #tpu.memory_space<semaphore_mem>>) src(%dma_wait3A_1174 : memref<1x16xf32, #tpu.memory_space<hbm>>) dst(%dma_wait3A_1172 : memref<1x16xf32, #tpu.memory_space<vmem>>)
      %dma_wait3A_1175 = arith.constant 37 : i32
      %dma_wait3A_1176 = arith.constant 0 : i32
      %dma_wait3A_1177 = tpu.memref_slice %arg6[%dma_wait3A_1175, %dma_wait3A_1176] : memref<64x16xf32, #tpu.memory_space<vmem>> -> memref<1x16xf32, #tpu.memory_space<vmem>>
      %dma_wait3A_1178 = arith.constant 0 : i32
      %dma_wait3A_1179 = tpu.memref_slice %arg2[%squeeze3A_476, %dma_wait3A_1178] : memref<1000000x16xf32, #tpu.memory_space<hbm>> -> memref<1x16xf32, #tpu.memory_space<hbm>>
      %dma_wait3A_1180 = arith.constant 37 : i32
      %dma_wait3A_1181 = arith.constant 0 : i32
      %dma_wait3A_1182 = tpu.memref_slice %arg6[%dma_wait3A_1180, %dma_wait3A_1181] : memref<64x16xf32, #tpu.memory_space<vmem>> -> memref<1x16xf32, #tpu.memory_space<vmem>>
      %dma_wait3A_1183 = arith.constant 0 : i32
      %dma_wait3A_1184 = tpu.memref_slice %arg2[%squeeze3A_476, %dma_wait3A_1183] : memref<1000000x16xf32, #tpu.memory_space<hbm>> -> memref<1x16xf32, #tpu.memory_space<hbm>>
      tpu.wait_dma2 semaphore(%arg8 : memref<!tpu.dma_semaphore, #tpu.memory_space<semaphore_mem>>) src(%dma_wait3A_1184 : memref<1x16xf32, #tpu.memory_space<hbm>>) dst(%dma_wait3A_1182 : memref<1x16xf32, #tpu.memory_space<vmem>>)
      %dma_wait3A_1185 = arith.constant 38 : i32
      %dma_wait3A_1186 = arith.constant 0 : i32
      %dma_wait3A_1187 = tpu.memref_slice %arg6[%dma_wait3A_1185, %dma_wait3A_1186] : memref<64x16xf32, #tpu.memory_space<vmem>> -> memref<1x16xf32, #tpu.memory_space<vmem>>
      %dma_wait3A_1188 = arith.constant 0 : i32
      %dma_wait3A_1189 = tpu.memref_slice %arg2[%squeeze3A_488, %dma_wait3A_1188] : memref<1000000x16xf32, #tpu.memory_space<hbm>> -> memref<1x16xf32, #tpu.memory_space<hbm>>
      %dma_wait3A_1190 = arith.constant 38 : i32
      %dma_wait3A_1191 = arith.constant 0 : i32
      %dma_wait3A_1192 = tpu.memref_slice %arg6[%dma_wait3A_1190, %dma_wait3A_1191] : memref<64x16xf32, #tpu.memory_space<vmem>> -> memref<1x16xf32, #tpu.memory_space<vmem>>
      %dma_wait3A_1193 = arith.constant 0 : i32
      %dma_wait3A_1194 = tpu.memref_slice %arg2[%squeeze3A_488, %dma_wait3A_1193] : memref<1000000x16xf32, #tpu.memory_space<hbm>> -> memref<1x16xf32, #tpu.memory_space<hbm>>
      tpu.wait_dma2 semaphore(%arg8 : memref<!tpu.dma_semaphore, #tpu.memory_space<semaphore_mem>>) src(%dma_wait3A_1194 : memref<1x16xf32, #tpu.memory_space<hbm>>) dst(%dma_wait3A_1192 : memref<1x16xf32, #tpu.memory_space<vmem>>)
      %dma_wait3A_1195 = arith.constant 39 : i32
      %dma_wait3A_1196 = arith.constant 0 : i32
      %dma_wait3A_1197 = tpu.memref_slice %arg6[%dma_wait3A_1195, %dma_wait3A_1196] : memref<64x16xf32, #tpu.memory_space<vmem>> -> memref<1x16xf32, #tpu.memory_space<vmem>>
      %dma_wait3A_1198 = arith.constant 0 : i32
      %dma_wait3A_1199 = tpu.memref_slice %arg2[%squeeze3A_500, %dma_wait3A_1198] : memref<1000000x16xf32, #tpu.memory_space<hbm>> -> memref<1x16xf32, #tpu.memory_space<hbm>>
      %dma_wait3A_1200 = arith.constant 39 : i32
      %dma_wait3A_1201 = arith.constant 0 : i32
      %dma_wait3A_1202 = tpu.memref_slice %arg6[%dma_wait3A_1200, %dma_wait3A_1201] : memref<64x16xf32, #tpu.memory_space<vmem>> -> memref<1x16xf32, #tpu.memory_space<vmem>>
      %dma_wait3A_1203 = arith.constant 0 : i32
      %dma_wait3A_1204 = tpu.memref_slice %arg2[%squeeze3A_500, %dma_wait3A_1203] : memref<1000000x16xf32, #tpu.memory_space<hbm>> -> memref<1x16xf32, #tpu.memory_space<hbm>>
      tpu.wait_dma2 semaphore(%arg8 : memref<!tpu.dma_semaphore, #tpu.memory_space<semaphore_mem>>) src(%dma_wait3A_1204 : memref<1x16xf32, #tpu.memory_space<hbm>>) dst(%dma_wait3A_1202 : memref<1x16xf32, #tpu.memory_space<vmem>>)
      %dma_wait3A_1205 = arith.constant 40 : i32
      %dma_wait3A_1206 = arith.constant 0 : i32
      %dma_wait3A_1207 = tpu.memref_slice %arg6[%dma_wait3A_1205, %dma_wait3A_1206] : memref<64x16xf32, #tpu.memory_space<vmem>> -> memref<1x16xf32, #tpu.memory_space<vmem>>
      %dma_wait3A_1208 = arith.constant 0 : i32
      %dma_wait3A_1209 = tpu.memref_slice %arg2[%squeeze3A_512, %dma_wait3A_1208] : memref<1000000x16xf32, #tpu.memory_space<hbm>> -> memref<1x16xf32, #tpu.memory_space<hbm>>
      %dma_wait3A_1210 = arith.constant 40 : i32
      %dma_wait3A_1211 = arith.constant 0 : i32
      %dma_wait3A_1212 = tpu.memref_slice %arg6[%dma_wait3A_1210, %dma_wait3A_1211] : memref<64x16xf32, #tpu.memory_space<vmem>> -> memref<1x16xf32, #tpu.memory_space<vmem>>
      %dma_wait3A_1213 = arith.constant 0 : i32
      %dma_wait3A_1214 = tpu.memref_slice %arg2[%squeeze3A_512, %dma_wait3A_1213] : memref<1000000x16xf32, #tpu.memory_space<hbm>> -> memref<1x16xf32, #tpu.memory_space<hbm>>
      tpu.wait_dma2 semaphore(%arg8 : memref<!tpu.dma_semaphore, #tpu.memory_space<semaphore_mem>>) src(%dma_wait3A_1214 : memref<1x16xf32, #tpu.memory_space<hbm>>) dst(%dma_wait3A_1212 : memref<1x16xf32, #tpu.memory_space<vmem>>)
      %dma_wait3A_1215 = arith.constant 41 : i32
      %dma_wait3A_1216 = arith.constant 0 : i32
      %dma_wait3A_1217 = tpu.memref_slice %arg6[%dma_wait3A_1215, %dma_wait3A_1216] : memref<64x16xf32, #tpu.memory_space<vmem>> -> memref<1x16xf32, #tpu.memory_space<vmem>>
      %dma_wait3A_1218 = arith.constant 0 : i32
      %dma_wait3A_1219 = tpu.memref_slice %arg2[%squeeze3A_524, %dma_wait3A_1218] : memref<1000000x16xf32, #tpu.memory_space<hbm>> -> memref<1x16xf32, #tpu.memory_space<hbm>>
      %dma_wait3A_1220 = arith.constant 41 : i32
      %dma_wait3A_1221 = arith.constant 0 : i32
      %dma_wait3A_1222 = tpu.memref_slice %arg6[%dma_wait3A_1220, %dma_wait3A_1221] : memref<64x16xf32, #tpu.memory_space<vmem>> -> memref<1x16xf32, #tpu.memory_space<vmem>>
      %dma_wait3A_1223 = arith.constant 0 : i32
      %dma_wait3A_1224 = tpu.memref_slice %arg2[%squeeze3A_524, %dma_wait3A_1223] : memref<1000000x16xf32, #tpu.memory_space<hbm>> -> memref<1x16xf32, #tpu.memory_space<hbm>>
      tpu.wait_dma2 semaphore(%arg8 : memref<!tpu.dma_semaphore, #tpu.memory_space<semaphore_mem>>) src(%dma_wait3A_1224 : memref<1x16xf32, #tpu.memory_space<hbm>>) dst(%dma_wait3A_1222 : memref<1x16xf32, #tpu.memory_space<vmem>>)
      %dma_wait3A_1225 = arith.constant 42 : i32
      %dma_wait3A_1226 = arith.constant 0 : i32
      %dma_wait3A_1227 = tpu.memref_slice %arg6[%dma_wait3A_1225, %dma_wait3A_1226] : memref<64x16xf32, #tpu.memory_space<vmem>> -> memref<1x16xf32, #tpu.memory_space<vmem>>
      %dma_wait3A_1228 = arith.constant 0 : i32
      %dma_wait3A_1229 = tpu.memref_slice %arg2[%squeeze3A_536, %dma_wait3A_1228] : memref<1000000x16xf32, #tpu.memory_space<hbm>> -> memref<1x16xf32, #tpu.memory_space<hbm>>
      %dma_wait3A_1230 = arith.constant 42 : i32
      %dma_wait3A_1231 = arith.constant 0 : i32
      %dma_wait3A_1232 = tpu.memref_slice %arg6[%dma_wait3A_1230, %dma_wait3A_1231] : memref<64x16xf32, #tpu.memory_space<vmem>> -> memref<1x16xf32, #tpu.memory_space<vmem>>
      %dma_wait3A_1233 = arith.constant 0 : i32
      %dma_wait3A_1234 = tpu.memref_slice %arg2[%squeeze3A_536, %dma_wait3A_1233] : memref<1000000x16xf32, #tpu.memory_space<hbm>> -> memref<1x16xf32, #tpu.memory_space<hbm>>
      tpu.wait_dma2 semaphore(%arg8 : memref<!tpu.dma_semaphore, #tpu.memory_space<semaphore_mem>>) src(%dma_wait3A_1234 : memref<1x16xf32, #tpu.memory_space<hbm>>) dst(%dma_wait3A_1232 : memref<1x16xf32, #tpu.memory_space<vmem>>)
      %dma_wait3A_1235 = arith.constant 43 : i32
      %dma_wait3A_1236 = arith.constant 0 : i32
      %dma_wait3A_1237 = tpu.memref_slice %arg6[%dma_wait3A_1235, %dma_wait3A_1236] : memref<64x16xf32, #tpu.memory_space<vmem>> -> memref<1x16xf32, #tpu.memory_space<vmem>>
      %dma_wait3A_1238 = arith.constant 0 : i32
      %dma_wait3A_1239 = tpu.memref_slice %arg2[%squeeze3A_548, %dma_wait3A_1238] : memref<1000000x16xf32, #tpu.memory_space<hbm>> -> memref<1x16xf32, #tpu.memory_space<hbm>>
      %dma_wait3A_1240 = arith.constant 43 : i32
      %dma_wait3A_1241 = arith.constant 0 : i32
      %dma_wait3A_1242 = tpu.memref_slice %arg6[%dma_wait3A_1240, %dma_wait3A_1241] : memref<64x16xf32, #tpu.memory_space<vmem>> -> memref<1x16xf32, #tpu.memory_space<vmem>>
      %dma_wait3A_1243 = arith.constant 0 : i32
      %dma_wait3A_1244 = tpu.memref_slice %arg2[%squeeze3A_548, %dma_wait3A_1243] : memref<1000000x16xf32, #tpu.memory_space<hbm>> -> memref<1x16xf32, #tpu.memory_space<hbm>>
      tpu.wait_dma2 semaphore(%arg8 : memref<!tpu.dma_semaphore, #tpu.memory_space<semaphore_mem>>) src(%dma_wait3A_1244 : memref<1x16xf32, #tpu.memory_space<hbm>>) dst(%dma_wait3A_1242 : memref<1x16xf32, #tpu.memory_space<vmem>>)
      %dma_wait3A_1245 = arith.constant 44 : i32
      %dma_wait3A_1246 = arith.constant 0 : i32
      %dma_wait3A_1247 = tpu.memref_slice %arg6[%dma_wait3A_1245, %dma_wait3A_1246] : memref<64x16xf32, #tpu.memory_space<vmem>> -> memref<1x16xf32, #tpu.memory_space<vmem>>
      %dma_wait3A_1248 = arith.constant 0 : i32
      %dma_wait3A_1249 = tpu.memref_slice %arg2[%squeeze3A_560, %dma_wait3A_1248] : memref<1000000x16xf32, #tpu.memory_space<hbm>> -> memref<1x16xf32, #tpu.memory_space<hbm>>
      %dma_wait3A_1250 = arith.constant 44 : i32
      %dma_wait3A_1251 = arith.constant 0 : i32
      %dma_wait3A_1252 = tpu.memref_slice %arg6[%dma_wait3A_1250, %dma_wait3A_1251] : memref<64x16xf32, #tpu.memory_space<vmem>> -> memref<1x16xf32, #tpu.memory_space<vmem>>
      %dma_wait3A_1253 = arith.constant 0 : i32
      %dma_wait3A_1254 = tpu.memref_slice %arg2[%squeeze3A_560, %dma_wait3A_1253] : memref<1000000x16xf32, #tpu.memory_space<hbm>> -> memref<1x16xf32, #tpu.memory_space<hbm>>
      tpu.wait_dma2 semaphore(%arg8 : memref<!tpu.dma_semaphore, #tpu.memory_space<semaphore_mem>>) src(%dma_wait3A_1254 : memref<1x16xf32, #tpu.memory_space<hbm>>) dst(%dma_wait3A_1252 : memref<1x16xf32, #tpu.memory_space<vmem>>)
      %dma_wait3A_1255 = arith.constant 45 : i32
      %dma_wait3A_1256 = arith.constant 0 : i32
      %dma_wait3A_1257 = tpu.memref_slice %arg6[%dma_wait3A_1255, %dma_wait3A_1256] : memref<64x16xf32, #tpu.memory_space<vmem>> -> memref<1x16xf32, #tpu.memory_space<vmem>>
      %dma_wait3A_1258 = arith.constant 0 : i32
      %dma_wait3A_1259 = tpu.memref_slice %arg2[%squeeze3A_572, %dma_wait3A_1258] : memref<1000000x16xf32, #tpu.memory_space<hbm>> -> memref<1x16xf32, #tpu.memory_space<hbm>>
      %dma_wait3A_1260 = arith.constant 45 : i32
      %dma_wait3A_1261 = arith.constant 0 : i32
      %dma_wait3A_1262 = tpu.memref_slice %arg6[%dma_wait3A_1260, %dma_wait3A_1261] : memref<64x16xf32, #tpu.memory_space<vmem>> -> memref<1x16xf32, #tpu.memory_space<vmem>>
      %dma_wait3A_1263 = arith.constant 0 : i32
      %dma_wait3A_1264 = tpu.memref_slice %arg2[%squeeze3A_572, %dma_wait3A_1263] : memref<1000000x16xf32, #tpu.memory_space<hbm>> -> memref<1x16xf32, #tpu.memory_space<hbm>>
      tpu.wait_dma2 semaphore(%arg8 : memref<!tpu.dma_semaphore, #tpu.memory_space<semaphore_mem>>) src(%dma_wait3A_1264 : memref<1x16xf32, #tpu.memory_space<hbm>>) dst(%dma_wait3A_1262 : memref<1x16xf32, #tpu.memory_space<vmem>>)
      %dma_wait3A_1265 = arith.constant 46 : i32
      %dma_wait3A_1266 = arith.constant 0 : i32
      %dma_wait3A_1267 = tpu.memref_slice %arg6[%dma_wait3A_1265, %dma_wait3A_1266] : memref<64x16xf32, #tpu.memory_space<vmem>> -> memref<1x16xf32, #tpu.memory_space<vmem>>
      %dma_wait3A_1268 = arith.constant 0 : i32
      %dma_wait3A_1269 = tpu.memref_slice %arg2[%squeeze3A_584, %dma_wait3A_1268] : memref<1000000x16xf32, #tpu.memory_space<hbm>> -> memref<1x16xf32, #tpu.memory_space<hbm>>
      %dma_wait3A_1270 = arith.constant 46 : i32
      %dma_wait3A_1271 = arith.constant 0 : i32
      %dma_wait3A_1272 = tpu.memref_slice %arg6[%dma_wait3A_1270, %dma_wait3A_1271] : memref<64x16xf32, #tpu.memory_space<vmem>> -> memref<1x16xf32, #tpu.memory_space<vmem>>
      %dma_wait3A_1273 = arith.constant 0 : i32
      %dma_wait3A_1274 = tpu.memref_slice %arg2[%squeeze3A_584, %dma_wait3A_1273] : memref<1000000x16xf32, #tpu.memory_space<hbm>> -> memref<1x16xf32, #tpu.memory_space<hbm>>
      tpu.wait_dma2 semaphore(%arg8 : memref<!tpu.dma_semaphore, #tpu.memory_space<semaphore_mem>>) src(%dma_wait3A_1274 : memref<1x16xf32, #tpu.memory_space<hbm>>) dst(%dma_wait3A_1272 : memref<1x16xf32, #tpu.memory_space<vmem>>)
      %dma_wait3A_1275 = arith.constant 47 : i32
      %dma_wait3A_1276 = arith.constant 0 : i32
      %dma_wait3A_1277 = tpu.memref_slice %arg6[%dma_wait3A_1275, %dma_wait3A_1276] : memref<64x16xf32, #tpu.memory_space<vmem>> -> memref<1x16xf32, #tpu.memory_space<vmem>>
      %dma_wait3A_1278 = arith.constant 0 : i32
      %dma_wait3A_1279 = tpu.memref_slice %arg2[%squeeze3A_596, %dma_wait3A_1278] : memref<1000000x16xf32, #tpu.memory_space<hbm>> -> memref<1x16xf32, #tpu.memory_space<hbm>>
      %dma_wait3A_1280 = arith.constant 47 : i32
      %dma_wait3A_1281 = arith.constant 0 : i32
      %dma_wait3A_1282 = tpu.memref_slice %arg6[%dma_wait3A_1280, %dma_wait3A_1281] : memref<64x16xf32, #tpu.memory_space<vmem>> -> memref<1x16xf32, #tpu.memory_space<vmem>>
      %dma_wait3A_1283 = arith.constant 0 : i32
      %dma_wait3A_1284 = tpu.memref_slice %arg2[%squeeze3A_596, %dma_wait3A_1283] : memref<1000000x16xf32, #tpu.memory_space<hbm>> -> memref<1x16xf32, #tpu.memory_space<hbm>>
      tpu.wait_dma2 semaphore(%arg8 : memref<!tpu.dma_semaphore, #tpu.memory_space<semaphore_mem>>) src(%dma_wait3A_1284 : memref<1x16xf32, #tpu.memory_space<hbm>>) dst(%dma_wait3A_1282 : memref<1x16xf32, #tpu.memory_space<vmem>>)
      %dma_wait3A_1285 = arith.constant 48 : i32
      %dma_wait3A_1286 = arith.constant 0 : i32
      %dma_wait3A_1287 = tpu.memref_slice %arg6[%dma_wait3A_1285, %dma_wait3A_1286] : memref<64x16xf32, #tpu.memory_space<vmem>> -> memref<1x16xf32, #tpu.memory_space<vmem>>
      %dma_wait3A_1288 = arith.constant 0 : i32
      %dma_wait3A_1289 = tpu.memref_slice %arg2[%squeeze3A_615, %dma_wait3A_1288] : memref<1000000x16xf32, #tpu.memory_space<hbm>> -> memref<1x16xf32, #tpu.memory_space<hbm>>
      %dma_wait3A_1290 = arith.constant 48 : i32
      %dma_wait3A_1291 = arith.constant 0 : i32
      %dma_wait3A_1292 = tpu.memref_slice %arg6[%dma_wait3A_1290, %dma_wait3A_1291] : memref<64x16xf32, #tpu.memory_space<vmem>> -> memref<1x16xf32, #tpu.memory_space<vmem>>
      %dma_wait3A_1293 = arith.constant 0 : i32
      %dma_wait3A_1294 = tpu.memref_slice %arg2[%squeeze3A_615, %dma_wait3A_1293] : memref<1000000x16xf32, #tpu.memory_space<hbm>> -> memref<1x16xf32, #tpu.memory_space<hbm>>
      tpu.wait_dma2 semaphore(%arg8 : memref<!tpu.dma_semaphore, #tpu.memory_space<semaphore_mem>>) src(%dma_wait3A_1294 : memref<1x16xf32, #tpu.memory_space<hbm>>) dst(%dma_wait3A_1292 : memref<1x16xf32, #tpu.memory_space<vmem>>)
      %dma_wait3A_1295 = arith.constant 49 : i32
      %dma_wait3A_1296 = arith.constant 0 : i32
      %dma_wait3A_1297 = tpu.memref_slice %arg6[%dma_wait3A_1295, %dma_wait3A_1296] : memref<64x16xf32, #tpu.memory_space<vmem>> -> memref<1x16xf32, #tpu.memory_space<vmem>>
      %dma_wait3A_1298 = arith.constant 0 : i32
      %dma_wait3A_1299 = tpu.memref_slice %arg2[%squeeze3A_627, %dma_wait3A_1298] : memref<1000000x16xf32, #tpu.memory_space<hbm>> -> memref<1x16xf32, #tpu.memory_space<hbm>>
      %dma_wait3A_1300 = arith.constant 49 : i32
      %dma_wait3A_1301 = arith.constant 0 : i32
      %dma_wait3A_1302 = tpu.memref_slice %arg6[%dma_wait3A_1300, %dma_wait3A_1301] : memref<64x16xf32, #tpu.memory_space<vmem>> -> memref<1x16xf32, #tpu.memory_space<vmem>>
      %dma_wait3A_1303 = arith.constant 0 : i32
      %dma_wait3A_1304 = tpu.memref_slice %arg2[%squeeze3A_627, %dma_wait3A_1303] : memref<1000000x16xf32, #tpu.memory_space<hbm>> -> memref<1x16xf32, #tpu.memory_space<hbm>>
      tpu.wait_dma2 semaphore(%arg8 : memref<!tpu.dma_semaphore, #tpu.memory_space<semaphore_mem>>) src(%dma_wait3A_1304 : memref<1x16xf32, #tpu.memory_space<hbm>>) dst(%dma_wait3A_1302 : memref<1x16xf32, #tpu.memory_space<vmem>>)
      %dma_wait3A_1305 = arith.constant 50 : i32
      %dma_wait3A_1306 = arith.constant 0 : i32
      %dma_wait3A_1307 = tpu.memref_slice %arg6[%dma_wait3A_1305, %dma_wait3A_1306] : memref<64x16xf32, #tpu.memory_space<vmem>> -> memref<1x16xf32, #tpu.memory_space<vmem>>
      %dma_wait3A_1308 = arith.constant 0 : i32
      %dma_wait3A_1309 = tpu.memref_slice %arg2[%squeeze3A_639, %dma_wait3A_1308] : memref<1000000x16xf32, #tpu.memory_space<hbm>> -> memref<1x16xf32, #tpu.memory_space<hbm>>
      %dma_wait3A_1310 = arith.constant 50 : i32
      %dma_wait3A_1311 = arith.constant 0 : i32
      %dma_wait3A_1312 = tpu.memref_slice %arg6[%dma_wait3A_1310, %dma_wait3A_1311] : memref<64x16xf32, #tpu.memory_space<vmem>> -> memref<1x16xf32, #tpu.memory_space<vmem>>
      %dma_wait3A_1313 = arith.constant 0 : i32
      %dma_wait3A_1314 = tpu.memref_slice %arg2[%squeeze3A_639, %dma_wait3A_1313] : memref<1000000x16xf32, #tpu.memory_space<hbm>> -> memref<1x16xf32, #tpu.memory_space<hbm>>
      tpu.wait_dma2 semaphore(%arg8 : memref<!tpu.dma_semaphore, #tpu.memory_space<semaphore_mem>>) src(%dma_wait3A_1314 : memref<1x16xf32, #tpu.memory_space<hbm>>) dst(%dma_wait3A_1312 : memref<1x16xf32, #tpu.memory_space<vmem>>)
      %dma_wait3A_1315 = arith.constant 51 : i32
      %dma_wait3A_1316 = arith.constant 0 : i32
      %dma_wait3A_1317 = tpu.memref_slice %arg6[%dma_wait3A_1315, %dma_wait3A_1316] : memref<64x16xf32, #tpu.memory_space<vmem>> -> memref<1x16xf32, #tpu.memory_space<vmem>>
      %dma_wait3A_1318 = arith.constant 0 : i32
      %dma_wait3A_1319 = tpu.memref_slice %arg2[%squeeze3A_651, %dma_wait3A_1318] : memref<1000000x16xf32, #tpu.memory_space<hbm>> -> memref<1x16xf32, #tpu.memory_space<hbm>>
      %dma_wait3A_1320 = arith.constant 51 : i32
      %dma_wait3A_1321 = arith.constant 0 : i32
      %dma_wait3A_1322 = tpu.memref_slice %arg6[%dma_wait3A_1320, %dma_wait3A_1321] : memref<64x16xf32, #tpu.memory_space<vmem>> -> memref<1x16xf32, #tpu.memory_space<vmem>>
      %dma_wait3A_1323 = arith.constant 0 : i32
      %dma_wait3A_1324 = tpu.memref_slice %arg2[%squeeze3A_651, %dma_wait3A_1323] : memref<1000000x16xf32, #tpu.memory_space<hbm>> -> memref<1x16xf32, #tpu.memory_space<hbm>>
      tpu.wait_dma2 semaphore(%arg8 : memref<!tpu.dma_semaphore, #tpu.memory_space<semaphore_mem>>) src(%dma_wait3A_1324 : memref<1x16xf32, #tpu.memory_space<hbm>>) dst(%dma_wait3A_1322 : memref<1x16xf32, #tpu.memory_space<vmem>>)
      %dma_wait3A_1325 = arith.constant 52 : i32
      %dma_wait3A_1326 = arith.constant 0 : i32
      %dma_wait3A_1327 = tpu.memref_slice %arg6[%dma_wait3A_1325, %dma_wait3A_1326] : memref<64x16xf32, #tpu.memory_space<vmem>> -> memref<1x16xf32, #tpu.memory_space<vmem>>
      %dma_wait3A_1328 = arith.constant 0 : i32
      %dma_wait3A_1329 = tpu.memref_slice %arg2[%squeeze3A_663, %dma_wait3A_1328] : memref<1000000x16xf32, #tpu.memory_space<hbm>> -> memref<1x16xf32, #tpu.memory_space<hbm>>
      %dma_wait3A_1330 = arith.constant 52 : i32
      %dma_wait3A_1331 = arith.constant 0 : i32
      %dma_wait3A_1332 = tpu.memref_slice %arg6[%dma_wait3A_1330, %dma_wait3A_1331] : memref<64x16xf32, #tpu.memory_space<vmem>> -> memref<1x16xf32, #tpu.memory_space<vmem>>
      %dma_wait3A_1333 = arith.constant 0 : i32
      %dma_wait3A_1334 = tpu.memref_slice %arg2[%squeeze3A_663, %dma_wait3A_1333] : memref<1000000x16xf32, #tpu.memory_space<hbm>> -> memref<1x16xf32, #tpu.memory_space<hbm>>
      tpu.wait_dma2 semaphore(%arg8 : memref<!tpu.dma_semaphore, #tpu.memory_space<semaphore_mem>>) src(%dma_wait3A_1334 : memref<1x16xf32, #tpu.memory_space<hbm>>) dst(%dma_wait3A_1332 : memref<1x16xf32, #tpu.memory_space<vmem>>)
      %dma_wait3A_1335 = arith.constant 53 : i32
      %dma_wait3A_1336 = arith.constant 0 : i32
      %dma_wait3A_1337 = tpu.memref_slice %arg6[%dma_wait3A_1335, %dma_wait3A_1336] : memref<64x16xf32, #tpu.memory_space<vmem>> -> memref<1x16xf32, #tpu.memory_space<vmem>>
      %dma_wait3A_1338 = arith.constant 0 : i32
      %dma_wait3A_1339 = tpu.memref_slice %arg2[%squeeze3A_675, %dma_wait3A_1338] : memref<1000000x16xf32, #tpu.memory_space<hbm>> -> memref<1x16xf32, #tpu.memory_space<hbm>>
      %dma_wait3A_1340 = arith.constant 53 : i32
      %dma_wait3A_1341 = arith.constant 0 : i32
      %dma_wait3A_1342 = tpu.memref_slice %arg6[%dma_wait3A_1340, %dma_wait3A_1341] : memref<64x16xf32, #tpu.memory_space<vmem>> -> memref<1x16xf32, #tpu.memory_space<vmem>>
      %dma_wait3A_1343 = arith.constant 0 : i32
      %dma_wait3A_1344 = tpu.memref_slice %arg2[%squeeze3A_675, %dma_wait3A_1343] : memref<1000000x16xf32, #tpu.memory_space<hbm>> -> memref<1x16xf32, #tpu.memory_space<hbm>>
      tpu.wait_dma2 semaphore(%arg8 : memref<!tpu.dma_semaphore, #tpu.memory_space<semaphore_mem>>) src(%dma_wait3A_1344 : memref<1x16xf32, #tpu.memory_space<hbm>>) dst(%dma_wait3A_1342 : memref<1x16xf32, #tpu.memory_space<vmem>>)
      %dma_wait3A_1345 = arith.constant 54 : i32
      %dma_wait3A_1346 = arith.constant 0 : i32
      %dma_wait3A_1347 = tpu.memref_slice %arg6[%dma_wait3A_1345, %dma_wait3A_1346] : memref<64x16xf32, #tpu.memory_space<vmem>> -> memref<1x16xf32, #tpu.memory_space<vmem>>
      %dma_wait3A_1348 = arith.constant 0 : i32
      %dma_wait3A_1349 = tpu.memref_slice %arg2[%squeeze3A_687, %dma_wait3A_1348] : memref<1000000x16xf32, #tpu.memory_space<hbm>> -> memref<1x16xf32, #tpu.memory_space<hbm>>
      %dma_wait3A_1350 = arith.constant 54 : i32
      %dma_wait3A_1351 = arith.constant 0 : i32
      %dma_wait3A_1352 = tpu.memref_slice %arg6[%dma_wait3A_1350, %dma_wait3A_1351] : memref<64x16xf32, #tpu.memory_space<vmem>> -> memref<1x16xf32, #tpu.memory_space<vmem>>
      %dma_wait3A_1353 = arith.constant 0 : i32
      %dma_wait3A_1354 = tpu.memref_slice %arg2[%squeeze3A_687, %dma_wait3A_1353] : memref<1000000x16xf32, #tpu.memory_space<hbm>> -> memref<1x16xf32, #tpu.memory_space<hbm>>
      tpu.wait_dma2 semaphore(%arg8 : memref<!tpu.dma_semaphore, #tpu.memory_space<semaphore_mem>>) src(%dma_wait3A_1354 : memref<1x16xf32, #tpu.memory_space<hbm>>) dst(%dma_wait3A_1352 : memref<1x16xf32, #tpu.memory_space<vmem>>)
      %dma_wait3A_1355 = arith.constant 55 : i32
      %dma_wait3A_1356 = arith.constant 0 : i32
      %dma_wait3A_1357 = tpu.memref_slice %arg6[%dma_wait3A_1355, %dma_wait3A_1356] : memref<64x16xf32, #tpu.memory_space<vmem>> -> memref<1x16xf32, #tpu.memory_space<vmem>>
      %dma_wait3A_1358 = arith.constant 0 : i32
      %dma_wait3A_1359 = tpu.memref_slice %arg2[%squeeze3A_699, %dma_wait3A_1358] : memref<1000000x16xf32, #tpu.memory_space<hbm>> -> memref<1x16xf32, #tpu.memory_space<hbm>>
      %dma_wait3A_1360 = arith.constant 55 : i32
      %dma_wait3A_1361 = arith.constant 0 : i32
      %dma_wait3A_1362 = tpu.memref_slice %arg6[%dma_wait3A_1360, %dma_wait3A_1361] : memref<64x16xf32, #tpu.memory_space<vmem>> -> memref<1x16xf32, #tpu.memory_space<vmem>>
      %dma_wait3A_1363 = arith.constant 0 : i32
      %dma_wait3A_1364 = tpu.memref_slice %arg2[%squeeze3A_699, %dma_wait3A_1363] : memref<1000000x16xf32, #tpu.memory_space<hbm>> -> memref<1x16xf32, #tpu.memory_space<hbm>>
      tpu.wait_dma2 semaphore(%arg8 : memref<!tpu.dma_semaphore, #tpu.memory_space<semaphore_mem>>) src(%dma_wait3A_1364 : memref<1x16xf32, #tpu.memory_space<hbm>>) dst(%dma_wait3A_1362 : memref<1x16xf32, #tpu.memory_space<vmem>>)
      %dma_wait3A_1365 = arith.constant 56 : i32
      %dma_wait3A_1366 = arith.constant 0 : i32
      %dma_wait3A_1367 = tpu.memref_slice %arg6[%dma_wait3A_1365, %dma_wait3A_1366] : memref<64x16xf32, #tpu.memory_space<vmem>> -> memref<1x16xf32, #tpu.memory_space<vmem>>
      %dma_wait3A_1368 = arith.constant 0 : i32
      %dma_wait3A_1369 = tpu.memref_slice %arg2[%squeeze3A_711, %dma_wait3A_1368] : memref<1000000x16xf32, #tpu.memory_space<hbm>> -> memref<1x16xf32, #tpu.memory_space<hbm>>
      %dma_wait3A_1370 = arith.constant 56 : i32
      %dma_wait3A_1371 = arith.constant 0 : i32
      %dma_wait3A_1372 = tpu.memref_slice %arg6[%dma_wait3A_1370, %dma_wait3A_1371] : memref<64x16xf32, #tpu.memory_space<vmem>> -> memref<1x16xf32, #tpu.memory_space<vmem>>
      %dma_wait3A_1373 = arith.constant 0 : i32
      %dma_wait3A_1374 = tpu.memref_slice %arg2[%squeeze3A_711, %dma_wait3A_1373] : memref<1000000x16xf32, #tpu.memory_space<hbm>> -> memref<1x16xf32, #tpu.memory_space<hbm>>
      tpu.wait_dma2 semaphore(%arg8 : memref<!tpu.dma_semaphore, #tpu.memory_space<semaphore_mem>>) src(%dma_wait3A_1374 : memref<1x16xf32, #tpu.memory_space<hbm>>) dst(%dma_wait3A_1372 : memref<1x16xf32, #tpu.memory_space<vmem>>)
      %dma_wait3A_1375 = arith.constant 57 : i32
      %dma_wait3A_1376 = arith.constant 0 : i32
      %dma_wait3A_1377 = tpu.memref_slice %arg6[%dma_wait3A_1375, %dma_wait3A_1376] : memref<64x16xf32, #tpu.memory_space<vmem>> -> memref<1x16xf32, #tpu.memory_space<vmem>>
      %dma_wait3A_1378 = arith.constant 0 : i32
      %dma_wait3A_1379 = tpu.memref_slice %arg2[%squeeze3A_723, %dma_wait3A_1378] : memref<1000000x16xf32, #tpu.memory_space<hbm>> -> memref<1x16xf32, #tpu.memory_space<hbm>>
      %dma_wait3A_1380 = arith.constant 57 : i32
      %dma_wait3A_1381 = arith.constant 0 : i32
      %dma_wait3A_1382 = tpu.memref_slice %arg6[%dma_wait3A_1380, %dma_wait3A_1381] : memref<64x16xf32, #tpu.memory_space<vmem>> -> memref<1x16xf32, #tpu.memory_space<vmem>>
      %dma_wait3A_1383 = arith.constant 0 : i32
      %dma_wait3A_1384 = tpu.memref_slice %arg2[%squeeze3A_723, %dma_wait3A_1383] : memref<1000000x16xf32, #tpu.memory_space<hbm>> -> memref<1x16xf32, #tpu.memory_space<hbm>>
      tpu.wait_dma2 semaphore(%arg8 : memref<!tpu.dma_semaphore, #tpu.memory_space<semaphore_mem>>) src(%dma_wait3A_1384 : memref<1x16xf32, #tpu.memory_space<hbm>>) dst(%dma_wait3A_1382 : memref<1x16xf32, #tpu.memory_space<vmem>>)
      %dma_wait3A_1385 = arith.constant 58 : i32
      %dma_wait3A_1386 = arith.constant 0 : i32
      %dma_wait3A_1387 = tpu.memref_slice %arg6[%dma_wait3A_1385, %dma_wait3A_1386] : memref<64x16xf32, #tpu.memory_space<vmem>> -> memref<1x16xf32, #tpu.memory_space<vmem>>
      %dma_wait3A_1388 = arith.constant 0 : i32
      %dma_wait3A_1389 = tpu.memref_slice %arg2[%squeeze3A_735, %dma_wait3A_1388] : memref<1000000x16xf32, #tpu.memory_space<hbm>> -> memref<1x16xf32, #tpu.memory_space<hbm>>
      %dma_wait3A_1390 = arith.constant 58 : i32
      %dma_wait3A_1391 = arith.constant 0 : i32
      %dma_wait3A_1392 = tpu.memref_slice %arg6[%dma_wait3A_1390, %dma_wait3A_1391] : memref<64x16xf32, #tpu.memory_space<vmem>> -> memref<1x16xf32, #tpu.memory_space<vmem>>
      %dma_wait3A_1393 = arith.constant 0 : i32
      %dma_wait3A_1394 = tpu.memref_slice %arg2[%squeeze3A_735, %dma_wait3A_1393] : memref<1000000x16xf32, #tpu.memory_space<hbm>> -> memref<1x16xf32, #tpu.memory_space<hbm>>
      tpu.wait_dma2 semaphore(%arg8 : memref<!tpu.dma_semaphore, #tpu.memory_space<semaphore_mem>>) src(%dma_wait3A_1394 : memref<1x16xf32, #tpu.memory_space<hbm>>) dst(%dma_wait3A_1392 : memref<1x16xf32, #tpu.memory_space<vmem>>)
      %dma_wait3A_1395 = arith.constant 59 : i32
      %dma_wait3A_1396 = arith.constant 0 : i32
      %dma_wait3A_1397 = tpu.memref_slice %arg6[%dma_wait3A_1395, %dma_wait3A_1396] : memref<64x16xf32, #tpu.memory_space<vmem>> -> memref<1x16xf32, #tpu.memory_space<vmem>>
      %dma_wait3A_1398 = arith.constant 0 : i32
      %dma_wait3A_1399 = tpu.memref_slice %arg2[%squeeze3A_747, %dma_wait3A_1398] : memref<1000000x16xf32, #tpu.memory_space<hbm>> -> memref<1x16xf32, #tpu.memory_space<hbm>>
      %dma_wait3A_1400 = arith.constant 59 : i32
      %dma_wait3A_1401 = arith.constant 0 : i32
      %dma_wait3A_1402 = tpu.memref_slice %arg6[%dma_wait3A_1400, %dma_wait3A_1401] : memref<64x16xf32, #tpu.memory_space<vmem>> -> memref<1x16xf32, #tpu.memory_space<vmem>>
      %dma_wait3A_1403 = arith.constant 0 : i32
      %dma_wait3A_1404 = tpu.memref_slice %arg2[%squeeze3A_747, %dma_wait3A_1403] : memref<1000000x16xf32, #tpu.memory_space<hbm>> -> memref<1x16xf32, #tpu.memory_space<hbm>>
      tpu.wait_dma2 semaphore(%arg8 : memref<!tpu.dma_semaphore, #tpu.memory_space<semaphore_mem>>) src(%dma_wait3A_1404 : memref<1x16xf32, #tpu.memory_space<hbm>>) dst(%dma_wait3A_1402 : memref<1x16xf32, #tpu.memory_space<vmem>>)
      %dma_wait3A_1405 = arith.constant 60 : i32
      %dma_wait3A_1406 = arith.constant 0 : i32
      %dma_wait3A_1407 = tpu.memref_slice %arg6[%dma_wait3A_1405, %dma_wait3A_1406] : memref<64x16xf32, #tpu.memory_space<vmem>> -> memref<1x16xf32, #tpu.memory_space<vmem>>
      %dma_wait3A_1408 = arith.constant 0 : i32
      %dma_wait3A_1409 = tpu.memref_slice %arg2[%squeeze3A_759, %dma_wait3A_1408] : memref<1000000x16xf32, #tpu.memory_space<hbm>> -> memref<1x16xf32, #tpu.memory_space<hbm>>
      %dma_wait3A_1410 = arith.constant 60 : i32
      %dma_wait3A_1411 = arith.constant 0 : i32
      %dma_wait3A_1412 = tpu.memref_slice %arg6[%dma_wait3A_1410, %dma_wait3A_1411] : memref<64x16xf32, #tpu.memory_space<vmem>> -> memref<1x16xf32, #tpu.memory_space<vmem>>
      %dma_wait3A_1413 = arith.constant 0 : i32
      %dma_wait3A_1414 = tpu.memref_slice %arg2[%squeeze3A_759, %dma_wait3A_1413] : memref<1000000x16xf32, #tpu.memory_space<hbm>> -> memref<1x16xf32, #tpu.memory_space<hbm>>
      tpu.wait_dma2 semaphore(%arg8 : memref<!tpu.dma_semaphore, #tpu.memory_space<semaphore_mem>>) src(%dma_wait3A_1414 : memref<1x16xf32, #tpu.memory_space<hbm>>) dst(%dma_wait3A_1412 : memref<1x16xf32, #tpu.memory_space<vmem>>)
      %dma_wait3A_1415 = arith.constant 61 : i32
      %dma_wait3A_1416 = arith.constant 0 : i32
      %dma_wait3A_1417 = tpu.memref_slice %arg6[%dma_wait3A_1415, %dma_wait3A_1416] : memref<64x16xf32, #tpu.memory_space<vmem>> -> memref<1x16xf32, #tpu.memory_space<vmem>>
      %dma_wait3A_1418 = arith.constant 0 : i32
      %dma_wait3A_1419 = tpu.memref_slice %arg2[%squeeze3A_771, %dma_wait3A_1418] : memref<1000000x16xf32, #tpu.memory_space<hbm>> -> memref<1x16xf32, #tpu.memory_space<hbm>>
      %dma_wait3A_1420 = arith.constant 61 : i32
      %dma_wait3A_1421 = arith.constant 0 : i32
      %dma_wait3A_1422 = tpu.memref_slice %arg6[%dma_wait3A_1420, %dma_wait3A_1421] : memref<64x16xf32, #tpu.memory_space<vmem>> -> memref<1x16xf32, #tpu.memory_space<vmem>>
      %dma_wait3A_1423 = arith.constant 0 : i32
      %dma_wait3A_1424 = tpu.memref_slice %arg2[%squeeze3A_771, %dma_wait3A_1423] : memref<1000000x16xf32, #tpu.memory_space<hbm>> -> memref<1x16xf32, #tpu.memory_space<hbm>>
      tpu.wait_dma2 semaphore(%arg8 : memref<!tpu.dma_semaphore, #tpu.memory_space<semaphore_mem>>) src(%dma_wait3A_1424 : memref<1x16xf32, #tpu.memory_space<hbm>>) dst(%dma_wait3A_1422 : memref<1x16xf32, #tpu.memory_space<vmem>>)
      %dma_wait3A_1425 = arith.constant 62 : i32
      %dma_wait3A_1426 = arith.constant 0 : i32
      %dma_wait3A_1427 = tpu.memref_slice %arg6[%dma_wait3A_1425, %dma_wait3A_1426] : memref<64x16xf32, #tpu.memory_space<vmem>> -> memref<1x16xf32, #tpu.memory_space<vmem>>
      %dma_wait3A_1428 = arith.constant 0 : i32
      %dma_wait3A_1429 = tpu.memref_slice %arg2[%squeeze3A_783, %dma_wait3A_1428] : memref<1000000x16xf32, #tpu.memory_space<hbm>> -> memref<1x16xf32, #tpu.memory_space<hbm>>
      %dma_wait3A_1430 = arith.constant 62 : i32
      %dma_wait3A_1431 = arith.constant 0 : i32
      %dma_wait3A_1432 = tpu.memref_slice %arg6[%dma_wait3A_1430, %dma_wait3A_1431] : memref<64x16xf32, #tpu.memory_space<vmem>> -> memref<1x16xf32, #tpu.memory_space<vmem>>
      %dma_wait3A_1433 = arith.constant 0 : i32
      %dma_wait3A_1434 = tpu.memref_slice %arg2[%squeeze3A_783, %dma_wait3A_1433] : memref<1000000x16xf32, #tpu.memory_space<hbm>> -> memref<1x16xf32, #tpu.memory_space<hbm>>
      tpu.wait_dma2 semaphore(%arg8 : memref<!tpu.dma_semaphore, #tpu.memory_space<semaphore_mem>>) src(%dma_wait3A_1434 : memref<1x16xf32, #tpu.memory_space<hbm>>) dst(%dma_wait3A_1432 : memref<1x16xf32, #tpu.memory_space<vmem>>)
      %dma_wait3A_1435 = arith.constant 63 : i32
      %dma_wait3A_1436 = arith.constant 0 : i32
      %dma_wait3A_1437 = tpu.memref_slice %arg6[%dma_wait3A_1435, %dma_wait3A_1436] : memref<64x16xf32, #tpu.memory_space<vmem>> -> memref<1x16xf32, #tpu.memory_space<vmem>>
      %dma_wait3A_1438 = arith.constant 0 : i32
      %dma_wait3A_1439 = tpu.memref_slice %arg2[%squeeze3A_795, %dma_wait3A_1438] : memref<1000000x16xf32, #tpu.memory_space<hbm>> -> memref<1x16xf32, #tpu.memory_space<hbm>>
      %dma_wait3A_1440 = arith.constant 63 : i32
      %dma_wait3A_1441 = arith.constant 0 : i32
      %dma_wait3A_1442 = tpu.memref_slice %arg6[%dma_wait3A_1440, %dma_wait3A_1441] : memref<64x16xf32, #tpu.memory_space<vmem>> -> memref<1x16xf32, #tpu.memory_space<vmem>>
      %dma_wait3A_1443 = arith.constant 0 : i32
      %dma_wait3A_1444 = tpu.memref_slice %arg2[%squeeze3A_795, %dma_wait3A_1443] : memref<1000000x16xf32, #tpu.memory_space<hbm>> -> memref<1x16xf32, #tpu.memory_space<hbm>>
      tpu.wait_dma2 semaphore(%arg8 : memref<!tpu.dma_semaphore, #tpu.memory_space<semaphore_mem>>) src(%dma_wait3A_1444 : memref<1x16xf32, #tpu.memory_space<hbm>>) dst(%dma_wait3A_1442 : memref<1x16xf32, #tpu.memory_space<vmem>>)
      %get3A_1445 = arith.constant 0 : i32
      %get3A_1446 = arith.index_cast %get3A_1445 : i32 to index
      %get3A_1447 = arith.constant 0 : index
      %get3A_1448 = tpu.vector_load %arg6[%get3A_1446, %get3A_1447] {strides = array<i32>} : memref<64x16xf32, #tpu.memory_space<vmem>>, vector<1x16xf32>,
      %get3A_1449 = vector.shape_cast %get3A_1448 : vector<1x16xf32> to vector<16xf32>
      %mul3A_1450 = arith.constant 8 : i32
      %mul3A_1451 = arith.muli %add3A_13, %mul3A_1450 : i32
      %add3A_1452 = arith.constant 0 : i32
      %add3A_1453 = arith.addi %mul3A_1451, %add3A_1452 : i32
      %swap3A = arith.index_cast %add3A_1453 : i32 to index
      %swap3A_1454 = arith.constant 0 : index
      %swap3A_1455 = tpu.vector_load %arg7[%swap3A, %swap3A_1454] {strides = array<i32>} : memref<416x128xf32, #tpu.memory_space<vmem>>, vector<1x16xf32>,
      %swap3A_1456 = vector.shape_cast %swap3A_1455 : vector<1x16xf32> to vector<16xf32>
      %swap3A_1457 = vector.shape_cast %get3A_1449 : vector<16xf32> to vector<1x16xf32>
      tpu.vector_store %arg7[%swap3A, %swap3A_1454], %swap3A_1457 {strides = array<i32>} : memref<416x128xf32, #tpu.memory_space<vmem>>, vector<1x16xf32>,
      %get3A_1458 = arith.constant 1 : i32
      %get3A_1459 = arith.index_cast %get3A_1458 : i32 to index
      %get3A_1460 = arith.constant 0 : index
      %get3A_1461 = tpu.vector_load %arg6[%get3A_1459, %get3A_1460] {strides = array<i32>} : memref<64x16xf32, #tpu.memory_space<vmem>>, vector<1x16xf32>,
      %get3A_1462 = vector.shape_cast %get3A_1461 : vector<1x16xf32> to vector<16xf32>
      %mul3A_1463 = arith.constant 8 : i32
      %mul3A_1464 = arith.muli %add3A_13, %mul3A_1463 : i32
      %add3A_1465 = arith.constant 0 : i32
      %add3A_1466 = arith.addi %mul3A_1464, %add3A_1465 : i32
      %swap3A_1467 = arith.index_cast %add3A_1466 : i32 to index
      %swap3A_1468 = arith.constant 16 : index
      %swap3A_1469 = tpu.vector_load %arg7[%swap3A_1467, %swap3A_1468] {strides = array<i32>} : memref<416x128xf32, #tpu.memory_space<vmem>>, vector<1x16xf32>,
      %swap3A_1470 = vector.shape_cast %swap3A_1469 : vector<1x16xf32> to vector<16xf32>
      %swap3A_1471 = vector.shape_cast %get3A_1462 : vector<16xf32> to vector<1x16xf32>
      tpu.vector_store %arg7[%swap3A_1467, %swap3A_1468], %swap3A_1471 {strides = array<i32>} : memref<416x128xf32, #tpu.memory_space<vmem>>, vector<1x16xf32>,
      %get3A_1472 = arith.constant 2 : i32
      %get3A_1473 = arith.index_cast %get3A_1472 : i32 to index
      %get3A_1474 = arith.constant 0 : index
      %get3A_1475 = tpu.vector_load %arg6[%get3A_1473, %get3A_1474] {strides = array<i32>} : memref<64x16xf32, #tpu.memory_space<vmem>>, vector<1x16xf32>,
      %get3A_1476 = vector.shape_cast %get3A_1475 : vector<1x16xf32> to vector<16xf32>
      %mul3A_1477 = arith.constant 8 : i32
      %mul3A_1478 = arith.muli %add3A_13, %mul3A_1477 : i32
      %add3A_1479 = arith.constant 0 : i32
      %add3A_1480 = arith.addi %mul3A_1478, %add3A_1479 : i32
      %swap3A_1481 = arith.index_cast %add3A_1480 : i32 to index
      %swap3A_1482 = arith.constant 32 : index
      %swap3A_1483 = tpu.vector_load %arg7[%swap3A_1481, %swap3A_1482] {strides = array<i32>} : memref<416x128xf32, #tpu.memory_space<vmem>>, vector<1x16xf32>,
      %swap3A_1484 = vector.shape_cast %swap3A_1483 : vector<1x16xf32> to vector<16xf32>
      %swap3A_1485 = vector.shape_cast %get3A_1476 : vector<16xf32> to vector<1x16xf32>
      tpu.vector_store %arg7[%swap3A_1481, %swap3A_1482], %swap3A_1485 {strides = array<i32>} : memref<416x128xf32, #tpu.memory_space<vmem>>, vector<1x16xf32>,
      %get3A_1486 = arith.constant 3 : i32
      %get3A_1487 = arith.index_cast %get3A_1486 : i32 to index
      %get3A_1488 = arith.constant 0 : index
      %get3A_1489 = tpu.vector_load %arg6[%get3A_1487, %get3A_1488] {strides = array<i32>} : memref<64x16xf32, #tpu.memory_space<vmem>>, vector<1x16xf32>,
      %get3A_1490 = vector.shape_cast %get3A_1489 : vector<1x16xf32> to vector<16xf32>
      %mul3A_1491 = arith.constant 8 : i32
      %mul3A_1492 = arith.muli %add3A_13, %mul3A_1491 : i32
      %add3A_1493 = arith.constant 0 : i32
      %add3A_1494 = arith.addi %mul3A_1492, %add3A_1493 : i32
      %swap3A_1495 = arith.index_cast %add3A_1494 : i32 to index
      %swap3A_1496 = arith.constant 48 : index
      %swap3A_1497 = tpu.vector_load %arg7[%swap3A_1495, %swap3A_1496] {strides = array<i32>} : memref<416x128xf32, #tpu.memory_space<vmem>>, vector<1x16xf32>,
      %swap3A_1498 = vector.shape_cast %swap3A_1497 : vector<1x16xf32> to vector<16xf32>
      %swap3A_1499 = vector.shape_cast %get3A_1490 : vector<16xf32> to vector<1x16xf32>
      tpu.vector_store %arg7[%swap3A_1495, %swap3A_1496], %swap3A_1499 {strides = array<i32>} : memref<416x128xf32, #tpu.memory_space<vmem>>, vector<1x16xf32>,
      %get3A_1500 = arith.constant 4 : i32
      %get3A_1501 = arith.index_cast %get3A_1500 : i32 to index
      %get3A_1502 = arith.constant 0 : index
      %get3A_1503 = tpu.vector_load %arg6[%get3A_1501, %get3A_1502] {strides = array<i32>} : memref<64x16xf32, #tpu.memory_space<vmem>>, vector<1x16xf32>,
      %get3A_1504 = vector.shape_cast %get3A_1503 : vector<1x16xf32> to vector<16xf32>
      %mul3A_1505 = arith.constant 8 : i32
      %mul3A_1506 = arith.muli %add3A_13, %mul3A_1505 : i32
      %add3A_1507 = arith.constant 0 : i32
      %add3A_1508 = arith.addi %mul3A_1506, %add3A_1507 : i32
      %swap3A_1509 = arith.index_cast %add3A_1508 : i32 to index
      %swap3A_1510 = arith.constant 64 : index
      %swap3A_1511 = tpu.vector_load %arg7[%swap3A_1509, %swap3A_1510] {strides = array<i32>} : memref<416x128xf32, #tpu.memory_space<vmem>>, vector<1x16xf32>,
      %swap3A_1512 = vector.shape_cast %swap3A_1511 : vector<1x16xf32> to vector<16xf32>
      %swap3A_1513 = vector.shape_cast %get3A_1504 : vector<16xf32> to vector<1x16xf32>
      tpu.vector_store %arg7[%swap3A_1509, %swap3A_1510], %swap3A_1513 {strides = array<i32>} : memref<416x128xf32, #tpu.memory_space<vmem>>, vector<1x16xf32>,
      %get3A_1514 = arith.constant 5 : i32
      %get3A_1515 = arith.index_cast %get3A_1514 : i32 to index
      %get3A_1516 = arith.constant 0 : index
      %get3A_1517 = tpu.vector_load %arg6[%get3A_1515, %get3A_1516] {strides = array<i32>} : memref<64x16xf32, #tpu.memory_space<vmem>>, vector<1x16xf32>,
      %get3A_1518 = vector.shape_cast %get3A_1517 : vector<1x16xf32> to vector<16xf32>
      %mul3A_1519 = arith.constant 8 : i32
      %mul3A_1520 = arith.muli %add3A_13, %mul3A_1519 : i32
      %add3A_1521 = arith.constant 0 : i32
      %add3A_1522 = arith.addi %mul3A_1520, %add3A_1521 : i32
      %swap3A_1523 = arith.index_cast %add3A_1522 : i32 to index
      %swap3A_1524 = arith.constant 80 : index
      %swap3A_1525 = tpu.vector_load %arg7[%swap3A_1523, %swap3A_1524] {strides = array<i32>} : memref<416x128xf32, #tpu.memory_space<vmem>>, vector<1x16xf32>,
      %swap3A_1526 = vector.shape_cast %swap3A_1525 : vector<1x16xf32> to vector<16xf32>
      %swap3A_1527 = vector.shape_cast %get3A_1518 : vector<16xf32> to vector<1x16xf32>
      tpu.vector_store %arg7[%swap3A_1523, %swap3A_1524], %swap3A_1527 {strides = array<i32>} : memref<416x128xf32, #tpu.memory_space<vmem>>, vector<1x16xf32>,
      %get3A_1528 = arith.constant 6 : i32
      %get3A_1529 = arith.index_cast %get3A_1528 : i32 to index
      %get3A_1530 = arith.constant 0 : index
      %get3A_1531 = tpu.vector_load %arg6[%get3A_1529, %get3A_1530] {strides = array<i32>} : memref<64x16xf32, #tpu.memory_space<vmem>>, vector<1x16xf32>,
      %get3A_1532 = vector.shape_cast %get3A_1531 : vector<1x16xf32> to vector<16xf32>
      %mul3A_1533 = arith.constant 8 : i32
      %mul3A_1534 = arith.muli %add3A_13, %mul3A_1533 : i32
      %add3A_1535 = arith.constant 0 : i32
      %add3A_1536 = arith.addi %mul3A_1534, %add3A_1535 : i32
      %swap3A_1537 = arith.index_cast %add3A_1536 : i32 to index
      %swap3A_1538 = arith.constant 96 : index
      %swap3A_1539 = tpu.vector_load %arg7[%swap3A_1537, %swap3A_1538] {strides = array<i32>} : memref<416x128xf32, #tpu.memory_space<vmem>>, vector<1x16xf32>,
      %swap3A_1540 = vector.shape_cast %swap3A_1539 : vector<1x16xf32> to vector<16xf32>
      %swap3A_1541 = vector.shape_cast %get3A_1532 : vector<16xf32> to vector<1x16xf32>
      tpu.vector_store %arg7[%swap3A_1537, %swap3A_1538], %swap3A_1541 {strides = array<i32>} : memref<416x128xf32, #tpu.memory_space<vmem>>, vector<1x16xf32>,
      %get3A_1542 = arith.constant 7 : i32
      %get3A_1543 = arith.index_cast %get3A_1542 : i32 to index
      %get3A_1544 = arith.constant 0 : index
      %get3A_1545 = tpu.vector_load %arg6[%get3A_1543, %get3A_1544] {strides = array<i32>} : memref<64x16xf32, #tpu.memory_space<vmem>>, vector<1x16xf32>,
      %get3A_1546 = vector.shape_cast %get3A_1545 : vector<1x16xf32> to vector<16xf32>
      %mul3A_1547 = arith.constant 8 : i32
      %mul3A_1548 = arith.muli %add3A_13, %mul3A_1547 : i32
      %add3A_1549 = arith.constant 0 : i32
      %add3A_1550 = arith.addi %mul3A_1548, %add3A_1549 : i32
      %swap3A_1551 = arith.index_cast %add3A_1550 : i32 to index
      %swap3A_1552 = arith.constant 112 : index
      %swap3A_1553 = tpu.vector_load %arg7[%swap3A_1551, %swap3A_1552] {strides = array<i32>} : memref<416x128xf32, #tpu.memory_space<vmem>>, vector<1x16xf32>,
      %swap3A_1554 = vector.shape_cast %swap3A_1553 : vector<1x16xf32> to vector<16xf32>
      %swap3A_1555 = vector.shape_cast %get3A_1546 : vector<16xf32> to vector<1x16xf32>
      tpu.vector_store %arg7[%swap3A_1551, %swap3A_1552], %swap3A_1555 {strides = array<i32>} : memref<416x128xf32, #tpu.memory_space<vmem>>, vector<1x16xf32>,
      %get3A_1556 = arith.constant 8 : i32
      %get3A_1557 = arith.index_cast %get3A_1556 : i32 to index
      %get3A_1558 = arith.constant 0 : index
      %get3A_1559 = tpu.vector_load %arg6[%get3A_1557, %get3A_1558] {strides = array<i32>} : memref<64x16xf32, #tpu.memory_space<vmem>>, vector<1x16xf32>,
      %get3A_1560 = vector.shape_cast %get3A_1559 : vector<1x16xf32> to vector<16xf32>
      %mul3A_1561 = arith.constant 8 : i32
      %mul3A_1562 = arith.muli %add3A_13, %mul3A_1561 : i32
      %add3A_1563 = arith.constant 1 : i32
      %add3A_1564 = arith.addi %mul3A_1562, %add3A_1563 : i32
      %swap3A_1565 = arith.index_cast %add3A_1564 : i32 to index
      %swap3A_1566 = arith.constant 0 : index
      %swap3A_1567 = tpu.vector_load %arg7[%swap3A_1565, %swap3A_1566] {strides = array<i32>} : memref<416x128xf32, #tpu.memory_space<vmem>>, vector<1x16xf32>,
      %swap3A_1568 = vector.shape_cast %swap3A_1567 : vector<1x16xf32> to vector<16xf32>
      %swap3A_1569 = vector.shape_cast %get3A_1560 : vector<16xf32> to vector<1x16xf32>
      tpu.vector_store %arg7[%swap3A_1565, %swap3A_1566], %swap3A_1569 {strides = array<i32>} : memref<416x128xf32, #tpu.memory_space<vmem>>, vector<1x16xf32>,
      %get3A_1570 = arith.constant 9 : i32
      %get3A_1571 = arith.index_cast %get3A_1570 : i32 to index
      %get3A_1572 = arith.constant 0 : index
      %get3A_1573 = tpu.vector_load %arg6[%get3A_1571, %get3A_1572] {strides = array<i32>} : memref<64x16xf32, #tpu.memory_space<vmem>>, vector<1x16xf32>,
      %get3A_1574 = vector.shape_cast %get3A_1573 : vector<1x16xf32> to vector<16xf32>
      %mul3A_1575 = arith.constant 8 : i32
      %mul3A_1576 = arith.muli %add3A_13, %mul3A_1575 : i32
      %add3A_1577 = arith.constant 1 : i32
      %add3A_1578 = arith.addi %mul3A_1576, %add3A_1577 : i32
      %swap3A_1579 = arith.index_cast %add3A_1578 : i32 to index
      %swap3A_1580 = arith.constant 16 : index
      %swap3A_1581 = tpu.vector_load %arg7[%swap3A_1579, %swap3A_1580] {strides = array<i32>} : memref<416x128xf32, #tpu.memory_space<vmem>>, vector<1x16xf32>,
      %swap3A_1582 = vector.shape_cast %swap3A_1581 : vector<1x16xf32> to vector<16xf32>
      %swap3A_1583 = vector.shape_cast %get3A_1574 : vector<16xf32> to vector<1x16xf32>
      tpu.vector_store %arg7[%swap3A_1579, %swap3A_1580], %swap3A_1583 {strides = array<i32>} : memref<416x128xf32, #tpu.memory_space<vmem>>, vector<1x16xf32>,
      %get3A_1584 = arith.constant 10 : i32
      %get3A_1585 = arith.index_cast %get3A_1584 : i32 to index
      %get3A_1586 = arith.constant 0 : index
      %get3A_1587 = tpu.vector_load %arg6[%get3A_1585, %get3A_1586] {strides = array<i32>} : memref<64x16xf32, #tpu.memory_space<vmem>>, vector<1x16xf32>,
      %get3A_1588 = vector.shape_cast %get3A_1587 : vector<1x16xf32> to vector<16xf32>
      %mul3A_1589 = arith.constant 8 : i32
      %mul3A_1590 = arith.muli %add3A_13, %mul3A_1589 : i32
      %add3A_1591 = arith.constant 1 : i32
      %add3A_1592 = arith.addi %mul3A_1590, %add3A_1591 : i32
      %swap3A_1593 = arith.index_cast %add3A_1592 : i32 to index
      %swap3A_1594 = arith.constant 32 : index
      %swap3A_1595 = tpu.vector_load %arg7[%swap3A_1593, %swap3A_1594] {strides = array<i32>} : memref<416x128xf32, #tpu.memory_space<vmem>>, vector<1x16xf32>,
      %swap3A_1596 = vector.shape_cast %swap3A_1595 : vector<1x16xf32> to vector<16xf32>
      %swap3A_1597 = vector.shape_cast %get3A_1588 : vector<16xf32> to vector<1x16xf32>
      tpu.vector_store %arg7[%swap3A_1593, %swap3A_1594], %swap3A_1597 {strides = array<i32>} : memref<416x128xf32, #tpu.memory_space<vmem>>, vector<1x16xf32>,
      %get3A_1598 = arith.constant 11 : i32
      %get3A_1599 = arith.index_cast %get3A_1598 : i32 to index
      %get3A_1600 = arith.constant 0 : index
      %get3A_1601 = tpu.vector_load %arg6[%get3A_1599, %get3A_1600] {strides = array<i32>} : memref<64x16xf32, #tpu.memory_space<vmem>>, vector<1x16xf32>,
      %get3A_1602 = vector.shape_cast %get3A_1601 : vector<1x16xf32> to vector<16xf32>
      %mul3A_1603 = arith.constant 8 : i32
      %mul3A_1604 = arith.muli %add3A_13, %mul3A_1603 : i32
      %add3A_1605 = arith.constant 1 : i32
      %add3A_1606 = arith.addi %mul3A_1604, %add3A_1605 : i32
      %swap3A_1607 = arith.index_cast %add3A_1606 : i32 to index
      %swap3A_1608 = arith.constant 48 : index
      %swap3A_1609 = tpu.vector_load %arg7[%swap3A_1607, %swap3A_1608] {strides = array<i32>} : memref<416x128xf32, #tpu.memory_space<vmem>>, vector<1x16xf32>,
      %swap3A_1610 = vector.shape_cast %swap3A_1609 : vector<1x16xf32> to vector<16xf32>
      %swap3A_1611 = vector.shape_cast %get3A_1602 : vector<16xf32> to vector<1x16xf32>
      tpu.vector_store %arg7[%swap3A_1607, %swap3A_1608], %swap3A_1611 {strides = array<i32>} : memref<416x128xf32, #tpu.memory_space<vmem>>, vector<1x16xf32>,
      %get3A_1612 = arith.constant 12 : i32
      %get3A_1613 = arith.index_cast %get3A_1612 : i32 to index
      %get3A_1614 = arith.constant 0 : index
      %get3A_1615 = tpu.vector_load %arg6[%get3A_1613, %get3A_1614] {strides = array<i32>} : memref<64x16xf32, #tpu.memory_space<vmem>>, vector<1x16xf32>,
      %get3A_1616 = vector.shape_cast %get3A_1615 : vector<1x16xf32> to vector<16xf32>
      %mul3A_1617 = arith.constant 8 : i32
      %mul3A_1618 = arith.muli %add3A_13, %mul3A_1617 : i32
      %add3A_1619 = arith.constant 1 : i32
      %add3A_1620 = arith.addi %mul3A_1618, %add3A_1619 : i32
      %swap3A_1621 = arith.index_cast %add3A_1620 : i32 to index
      %swap3A_1622 = arith.constant 64 : index
      %swap3A_1623 = tpu.vector_load %arg7[%swap3A_1621, %swap3A_1622] {strides = array<i32>} : memref<416x128xf32, #tpu.memory_space<vmem>>, vector<1x16xf32>,
      %swap3A_1624 = vector.shape_cast %swap3A_1623 : vector<1x16xf32> to vector<16xf32>
      %swap3A_1625 = vector.shape_cast %get3A_1616 : vector<16xf32> to vector<1x16xf32>
      tpu.vector_store %arg7[%swap3A_1621, %swap3A_1622], %swap3A_1625 {strides = array<i32>} : memref<416x128xf32, #tpu.memory_space<vmem>>, vector<1x16xf32>,
      %get3A_1626 = arith.constant 13 : i32
      %get3A_1627 = arith.index_cast %get3A_1626 : i32 to index
      %get3A_1628 = arith.constant 0 : index
      %get3A_1629 = tpu.vector_load %arg6[%get3A_1627, %get3A_1628] {strides = array<i32>} : memref<64x16xf32, #tpu.memory_space<vmem>>, vector<1x16xf32>,
      %get3A_1630 = vector.shape_cast %get3A_1629 : vector<1x16xf32> to vector<16xf32>
      %mul3A_1631 = arith.constant 8 : i32
      %mul3A_1632 = arith.muli %add3A_13, %mul3A_1631 : i32
      %add3A_1633 = arith.constant 1 : i32
      %add3A_1634 = arith.addi %mul3A_1632, %add3A_1633 : i32
      %swap3A_1635 = arith.index_cast %add3A_1634 : i32 to index
      %swap3A_1636 = arith.constant 80 : index
      %swap3A_1637 = tpu.vector_load %arg7[%swap3A_1635, %swap3A_1636] {strides = array<i32>} : memref<416x128xf32, #tpu.memory_space<vmem>>, vector<1x16xf32>,
      %swap3A_1638 = vector.shape_cast %swap3A_1637 : vector<1x16xf32> to vector<16xf32>
      %swap3A_1639 = vector.shape_cast %get3A_1630 : vector<16xf32> to vector<1x16xf32>
      tpu.vector_store %arg7[%swap3A_1635, %swap3A_1636], %swap3A_1639 {strides = array<i32>} : memref<416x128xf32, #tpu.memory_space<vmem>>, vector<1x16xf32>,
      %get3A_1640 = arith.constant 14 : i32
      %get3A_1641 = arith.index_cast %get3A_1640 : i32 to index
      %get3A_1642 = arith.constant 0 : index
      %get3A_1643 = tpu.vector_load %arg6[%get3A_1641, %get3A_1642] {strides = array<i32>} : memref<64x16xf32, #tpu.memory_space<vmem>>, vector<1x16xf32>,
      %get3A_1644 = vector.shape_cast %get3A_1643 : vector<1x16xf32> to vector<16xf32>
      %mul3A_1645 = arith.constant 8 : i32
      %mul3A_1646 = arith.muli %add3A_13, %mul3A_1645 : i32
      %add3A_1647 = arith.constant 1 : i32
      %add3A_1648 = arith.addi %mul3A_1646, %add3A_1647 : i32
      %swap3A_1649 = arith.index_cast %add3A_1648 : i32 to index
      %swap3A_1650 = arith.constant 96 : index
      %swap3A_1651 = tpu.vector_load %arg7[%swap3A_1649, %swap3A_1650] {strides = array<i32>} : memref<416x128xf32, #tpu.memory_space<vmem>>, vector<1x16xf32>,
      %swap3A_1652 = vector.shape_cast %swap3A_1651 : vector<1x16xf32> to vector<16xf32>
      %swap3A_1653 = vector.shape_cast %get3A_1644 : vector<16xf32> to vector<1x16xf32>
      tpu.vector_store %arg7[%swap3A_1649, %swap3A_1650], %swap3A_1653 {strides = array<i32>} : memref<416x128xf32, #tpu.memory_space<vmem>>, vector<1x16xf32>,
      %get3A_1654 = arith.constant 15 : i32
      %get3A_1655 = arith.index_cast %get3A_1654 : i32 to index
      %get3A_1656 = arith.constant 0 : index
      %get3A_1657 = tpu.vector_load %arg6[%get3A_1655, %get3A_1656] {strides = array<i32>} : memref<64x16xf32, #tpu.memory_space<vmem>>, vector<1x16xf32>,
      %get3A_1658 = vector.shape_cast %get3A_1657 : vector<1x16xf32> to vector<16xf32>
      %mul3A_1659 = arith.constant 8 : i32
      %mul3A_1660 = arith.muli %add3A_13, %mul3A_1659 : i32
      %add3A_1661 = arith.constant 1 : i32
      %add3A_1662 = arith.addi %mul3A_1660, %add3A_1661 : i32
      %swap3A_1663 = arith.index_cast %add3A_1662 : i32 to index
      %swap3A_1664 = arith.constant 112 : index
      %swap3A_1665 = tpu.vector_load %arg7[%swap3A_1663, %swap3A_1664] {strides = array<i32>} : memref<416x128xf32, #tpu.memory_space<vmem>>, vector<1x16xf32>,
      %swap3A_1666 = vector.shape_cast %swap3A_1665 : vector<1x16xf32> to vector<16xf32>
      %swap3A_1667 = vector.shape_cast %get3A_1658 : vector<16xf32> to vector<1x16xf32>
      tpu.vector_store %arg7[%swap3A_1663, %swap3A_1664], %swap3A_1667 {strides = array<i32>} : memref<416x128xf32, #tpu.memory_space<vmem>>, vector<1x16xf32>,
      %get3A_1668 = arith.constant 16 : i32
      %get3A_1669 = arith.index_cast %get3A_1668 : i32 to index
      %get3A_1670 = arith.constant 0 : index
      %get3A_1671 = tpu.vector_load %arg6[%get3A_1669, %get3A_1670] {strides = array<i32>} : memref<64x16xf32, #tpu.memory_space<vmem>>, vector<1x16xf32>,
      %get3A_1672 = vector.shape_cast %get3A_1671 : vector<1x16xf32> to vector<16xf32>
      %mul3A_1673 = arith.constant 8 : i32
      %mul3A_1674 = arith.muli %add3A_13, %mul3A_1673 : i32
      %add3A_1675 = arith.constant 2 : i32
      %add3A_1676 = arith.addi %mul3A_1674, %add3A_1675 : i32
      %swap3A_1677 = arith.index_cast %add3A_1676 : i32 to index
      %swap3A_1678 = arith.constant 0 : index
      %swap3A_1679 = tpu.vector_load %arg7[%swap3A_1677, %swap3A_1678] {strides = array<i32>} : memref<416x128xf32, #tpu.memory_space<vmem>>, vector<1x16xf32>,
      %swap3A_1680 = vector.shape_cast %swap3A_1679 : vector<1x16xf32> to vector<16xf32>
      %swap3A_1681 = vector.shape_cast %get3A_1672 : vector<16xf32> to vector<1x16xf32>
      tpu.vector_store %arg7[%swap3A_1677, %swap3A_1678], %swap3A_1681 {strides = array<i32>} : memref<416x128xf32, #tpu.memory_space<vmem>>, vector<1x16xf32>,
      %get3A_1682 = arith.constant 17 : i32
      %get3A_1683 = arith.index_cast %get3A_1682 : i32 to index
      %get3A_1684 = arith.constant 0 : index
      %get3A_1685 = tpu.vector_load %arg6[%get3A_1683, %get3A_1684] {strides = array<i32>} : memref<64x16xf32, #tpu.memory_space<vmem>>, vector<1x16xf32>,
      %get3A_1686 = vector.shape_cast %get3A_1685 : vector<1x16xf32> to vector<16xf32>
      %mul3A_1687 = arith.constant 8 : i32
      %mul3A_1688 = arith.muli %add3A_13, %mul3A_1687 : i32
      %add3A_1689 = arith.constant 2 : i32
      %add3A_1690 = arith.addi %mul3A_1688, %add3A_1689 : i32
      %swap3A_1691 = arith.index_cast %add3A_1690 : i32 to index
      %swap3A_1692 = arith.constant 16 : index
      %swap3A_1693 = tpu.vector_load %arg7[%swap3A_1691, %swap3A_1692] {strides = array<i32>} : memref<416x128xf32, #tpu.memory_space<vmem>>, vector<1x16xf32>,
      %swap3A_1694 = vector.shape_cast %swap3A_1693 : vector<1x16xf32> to vector<16xf32>
      %swap3A_1695 = vector.shape_cast %get3A_1686 : vector<16xf32> to vector<1x16xf32>
      tpu.vector_store %arg7[%swap3A_1691, %swap3A_1692], %swap3A_1695 {strides = array<i32>} : memref<416x128xf32, #tpu.memory_space<vmem>>, vector<1x16xf32>,
      %get3A_1696 = arith.constant 18 : i32
      %get3A_1697 = arith.index_cast %get3A_1696 : i32 to index
      %get3A_1698 = arith.constant 0 : index
      %get3A_1699 = tpu.vector_load %arg6[%get3A_1697, %get3A_1698] {strides = array<i32>} : memref<64x16xf32, #tpu.memory_space<vmem>>, vector<1x16xf32>,
      %get3A_1700 = vector.shape_cast %get3A_1699 : vector<1x16xf32> to vector<16xf32>
      %mul3A_1701 = arith.constant 8 : i32
      %mul3A_1702 = arith.muli %add3A_13, %mul3A_1701 : i32
      %add3A_1703 = arith.constant 2 : i32
      %add3A_1704 = arith.addi %mul3A_1702, %add3A_1703 : i32
      %swap3A_1705 = arith.index_cast %add3A_1704 : i32 to index
      %swap3A_1706 = arith.constant 32 : index
      %swap3A_1707 = tpu.vector_load %arg7[%swap3A_1705, %swap3A_1706] {strides = array<i32>} : memref<416x128xf32, #tpu.memory_space<vmem>>, vector<1x16xf32>,
      %swap3A_1708 = vector.shape_cast %swap3A_1707 : vector<1x16xf32> to vector<16xf32>
      %swap3A_1709 = vector.shape_cast %get3A_1700 : vector<16xf32> to vector<1x16xf32>
      tpu.vector_store %arg7[%swap3A_1705, %swap3A_1706], %swap3A_1709 {strides = array<i32>} : memref<416x128xf32, #tpu.memory_space<vmem>>, vector<1x16xf32>,
      %get3A_1710 = arith.constant 19 : i32
      %get3A_1711 = arith.index_cast %get3A_1710 : i32 to index
      %get3A_1712 = arith.constant 0 : index
      %get3A_1713 = tpu.vector_load %arg6[%get3A_1711, %get3A_1712] {strides = array<i32>} : memref<64x16xf32, #tpu.memory_space<vmem>>, vector<1x16xf32>,
      %get3A_1714 = vector.shape_cast %get3A_1713 : vector<1x16xf32> to vector<16xf32>
      %mul3A_1715 = arith.constant 8 : i32
      %mul3A_1716 = arith.muli %add3A_13, %mul3A_1715 : i32
      %add3A_1717 = arith.constant 2 : i32
      %add3A_1718 = arith.addi %mul3A_1716, %add3A_1717 : i32
      %swap3A_1719 = arith.index_cast %add3A_1718 : i32 to index
      %swap3A_1720 = arith.constant 48 : index
      %swap3A_1721 = tpu.vector_load %arg7[%swap3A_1719, %swap3A_1720] {strides = array<i32>} : memref<416x128xf32, #tpu.memory_space<vmem>>, vector<1x16xf32>,
      %swap3A_1722 = vector.shape_cast %swap3A_1721 : vector<1x16xf32> to vector<16xf32>
      %swap3A_1723 = vector.shape_cast %get3A_1714 : vector<16xf32> to vector<1x16xf32>
      tpu.vector_store %arg7[%swap3A_1719, %swap3A_1720], %swap3A_1723 {strides = array<i32>} : memref<416x128xf32, #tpu.memory_space<vmem>>, vector<1x16xf32>,
      %get3A_1724 = arith.constant 20 : i32
      %get3A_1725 = arith.index_cast %get3A_1724 : i32 to index
      %get3A_1726 = arith.constant 0 : index
      %get3A_1727 = tpu.vector_load %arg6[%get3A_1725, %get3A_1726] {strides = array<i32>} : memref<64x16xf32, #tpu.memory_space<vmem>>, vector<1x16xf32>,
      %get3A_1728 = vector.shape_cast %get3A_1727 : vector<1x16xf32> to vector<16xf32>
      %mul3A_1729 = arith.constant 8 : i32
      %mul3A_1730 = arith.muli %add3A_13, %mul3A_1729 : i32
      %add3A_1731 = arith.constant 2 : i32
      %add3A_1732 = arith.addi %mul3A_1730, %add3A_1731 : i32
      %swap3A_1733 = arith.index_cast %add3A_1732 : i32 to index
      %swap3A_1734 = arith.constant 64 : index
      %swap3A_1735 = tpu.vector_load %arg7[%swap3A_1733, %swap3A_1734] {strides = array<i32>} : memref<416x128xf32, #tpu.memory_space<vmem>>, vector<1x16xf32>,
      %swap3A_1736 = vector.shape_cast %swap3A_1735 : vector<1x16xf32> to vector<16xf32>
      %swap3A_1737 = vector.shape_cast %get3A_1728 : vector<16xf32> to vector<1x16xf32>
      tpu.vector_store %arg7[%swap3A_1733, %swap3A_1734], %swap3A_1737 {strides = array<i32>} : memref<416x128xf32, #tpu.memory_space<vmem>>, vector<1x16xf32>,
      %get3A_1738 = arith.constant 21 : i32
      %get3A_1739 = arith.index_cast %get3A_1738 : i32 to index
      %get3A_1740 = arith.constant 0 : index
      %get3A_1741 = tpu.vector_load %arg6[%get3A_1739, %get3A_1740] {strides = array<i32>} : memref<64x16xf32, #tpu.memory_space<vmem>>, vector<1x16xf32>,
      %get3A_1742 = vector.shape_cast %get3A_1741 : vector<1x16xf32> to vector<16xf32>
      %mul3A_1743 = arith.constant 8 : i32
      %mul3A_1744 = arith.muli %add3A_13, %mul3A_1743 : i32
      %add3A_1745 = arith.constant 2 : i32
      %add3A_1746 = arith.addi %mul3A_1744, %add3A_1745 : i32
      %swap3A_1747 = arith.index_cast %add3A_1746 : i32 to index
      %swap3A_1748 = arith.constant 80 : index
      %swap3A_1749 = tpu.vector_load %arg7[%swap3A_1747, %swap3A_1748] {strides = array<i32>} : memref<416x128xf32, #tpu.memory_space<vmem>>, vector<1x16xf32>,
      %swap3A_1750 = vector.shape_cast %swap3A_1749 : vector<1x16xf32> to vector<16xf32>
      %swap3A_1751 = vector.shape_cast %get3A_1742 : vector<16xf32> to vector<1x16xf32>
      tpu.vector_store %arg7[%swap3A_1747, %swap3A_1748], %swap3A_1751 {strides = array<i32>} : memref<416x128xf32, #tpu.memory_space<vmem>>, vector<1x16xf32>,
      %get3A_1752 = arith.constant 22 : i32
      %get3A_1753 = arith.index_cast %get3A_1752 : i32 to index
      %get3A_1754 = arith.constant 0 : index
      %get3A_1755 = tpu.vector_load %arg6[%get3A_1753, %get3A_1754] {strides = array<i32>} : memref<64x16xf32, #tpu.memory_space<vmem>>, vector<1x16xf32>,
      %get3A_1756 = vector.shape_cast %get3A_1755 : vector<1x16xf32> to vector<16xf32>
      %mul3A_1757 = arith.constant 8 : i32
      %mul3A_1758 = arith.muli %add3A_13, %mul3A_1757 : i32
      %add3A_1759 = arith.constant 2 : i32
      %add3A_1760 = arith.addi %mul3A_1758, %add3A_1759 : i32
      %swap3A_1761 = arith.index_cast %add3A_1760 : i32 to index
      %swap3A_1762 = arith.constant 96 : index
      %swap3A_1763 = tpu.vector_load %arg7[%swap3A_1761, %swap3A_1762] {strides = array<i32>} : memref<416x128xf32, #tpu.memory_space<vmem>>, vector<1x16xf32>,
      %swap3A_1764 = vector.shape_cast %swap3A_1763 : vector<1x16xf32> to vector<16xf32>
      %swap3A_1765 = vector.shape_cast %get3A_1756 : vector<16xf32> to vector<1x16xf32>
      tpu.vector_store %arg7[%swap3A_1761, %swap3A_1762], %swap3A_1765 {strides = array<i32>} : memref<416x128xf32, #tpu.memory_space<vmem>>, vector<1x16xf32>,
      %get3A_1766 = arith.constant 23 : i32
      %get3A_1767 = arith.index_cast %get3A_1766 : i32 to index
      %get3A_1768 = arith.constant 0 : index
      %get3A_1769 = tpu.vector_load %arg6[%get3A_1767, %get3A_1768] {strides = array<i32>} : memref<64x16xf32, #tpu.memory_space<vmem>>, vector<1x16xf32>,
      %get3A_1770 = vector.shape_cast %get3A_1769 : vector<1x16xf32> to vector<16xf32>
      %mul3A_1771 = arith.constant 8 : i32
      %mul3A_1772 = arith.muli %add3A_13, %mul3A_1771 : i32
      %add3A_1773 = arith.constant 2 : i32
      %add3A_1774 = arith.addi %mul3A_1772, %add3A_1773 : i32
      %swap3A_1775 = arith.index_cast %add3A_1774 : i32 to index
      %swap3A_1776 = arith.constant 112 : index
      %swap3A_1777 = tpu.vector_load %arg7[%swap3A_1775, %swap3A_1776] {strides = array<i32>} : memref<416x128xf32, #tpu.memory_space<vmem>>, vector<1x16xf32>,
      %swap3A_1778 = vector.shape_cast %swap3A_1777 : vector<1x16xf32> to vector<16xf32>
      %swap3A_1779 = vector.shape_cast %get3A_1770 : vector<16xf32> to vector<1x16xf32>
      tpu.vector_store %arg7[%swap3A_1775, %swap3A_1776], %swap3A_1779 {strides = array<i32>} : memref<416x128xf32, #tpu.memory_space<vmem>>, vector<1x16xf32>,
      %get3A_1780 = arith.constant 24 : i32
      %get3A_1781 = arith.index_cast %get3A_1780 : i32 to index
      %get3A_1782 = arith.constant 0 : index
      %get3A_1783 = tpu.vector_load %arg6[%get3A_1781, %get3A_1782] {strides = array<i32>} : memref<64x16xf32, #tpu.memory_space<vmem>>, vector<1x16xf32>,
      %get3A_1784 = vector.shape_cast %get3A_1783 : vector<1x16xf32> to vector<16xf32>
      %mul3A_1785 = arith.constant 8 : i32
      %mul3A_1786 = arith.muli %add3A_13, %mul3A_1785 : i32
      %add3A_1787 = arith.constant 3 : i32
      %add3A_1788 = arith.addi %mul3A_1786, %add3A_1787 : i32
      %swap3A_1789 = arith.index_cast %add3A_1788 : i32 to index
      %swap3A_1790 = arith.constant 0 : index
      %swap3A_1791 = tpu.vector_load %arg7[%swap3A_1789, %swap3A_1790] {strides = array<i32>} : memref<416x128xf32, #tpu.memory_space<vmem>>, vector<1x16xf32>,
      %swap3A_1792 = vector.shape_cast %swap3A_1791 : vector<1x16xf32> to vector<16xf32>
      %swap3A_1793 = vector.shape_cast %get3A_1784 : vector<16xf32> to vector<1x16xf32>
      tpu.vector_store %arg7[%swap3A_1789, %swap3A_1790], %swap3A_1793 {strides = array<i32>} : memref<416x128xf32, #tpu.memory_space<vmem>>, vector<1x16xf32>,
      %get3A_1794 = arith.constant 25 : i32
      %get3A_1795 = arith.index_cast %get3A_1794 : i32 to index
      %get3A_1796 = arith.constant 0 : index
      %get3A_1797 = tpu.vector_load %arg6[%get3A_1795, %get3A_1796] {strides = array<i32>} : memref<64x16xf32, #tpu.memory_space<vmem>>, vector<1x16xf32>,
      %get3A_1798 = vector.shape_cast %get3A_1797 : vector<1x16xf32> to vector<16xf32>
      %mul3A_1799 = arith.constant 8 : i32
      %mul3A_1800 = arith.muli %add3A_13, %mul3A_1799 : i32
      %add3A_1801 = arith.constant 3 : i32
      %add3A_1802 = arith.addi %mul3A_1800, %add3A_1801 : i32
      %swap3A_1803 = arith.index_cast %add3A_1802 : i32 to index
      %swap3A_1804 = arith.constant 16 : index
      %swap3A_1805 = tpu.vector_load %arg7[%swap3A_1803, %swap3A_1804] {strides = array<i32>} : memref<416x128xf32, #tpu.memory_space<vmem>>, vector<1x16xf32>,
      %swap3A_1806 = vector.shape_cast %swap3A_1805 : vector<1x16xf32> to vector<16xf32>
      %swap3A_1807 = vector.shape_cast %get3A_1798 : vector<16xf32> to vector<1x16xf32>
      tpu.vector_store %arg7[%swap3A_1803, %swap3A_1804], %swap3A_1807 {strides = array<i32>} : memref<416x128xf32, #tpu.memory_space<vmem>>, vector<1x16xf32>,
      %get3A_1808 = arith.constant 26 : i32
      %get3A_1809 = arith.index_cast %get3A_1808 : i32 to index
      %get3A_1810 = arith.constant 0 : index
      %get3A_1811 = tpu.vector_load %arg6[%get3A_1809, %get3A_1810] {strides = array<i32>} : memref<64x16xf32, #tpu.memory_space<vmem>>, vector<1x16xf32>,
      %get3A_1812 = vector.shape_cast %get3A_1811 : vector<1x16xf32> to vector<16xf32>
      %mul3A_1813 = arith.constant 8 : i32
      %mul3A_1814 = arith.muli %add3A_13, %mul3A_1813 : i32
      %add3A_1815 = arith.constant 3 : i32
      %add3A_1816 = arith.addi %mul3A_1814, %add3A_1815 : i32
      %swap3A_1817 = arith.index_cast %add3A_1816 : i32 to index
      %swap3A_1818 = arith.constant 32 : index
      %swap3A_1819 = tpu.vector_load %arg7[%swap3A_1817, %swap3A_1818] {strides = array<i32>} : memref<416x128xf32, #tpu.memory_space<vmem>>, vector<1x16xf32>,
      %swap3A_1820 = vector.shape_cast %swap3A_1819 : vector<1x16xf32> to vector<16xf32>
      %swap3A_1821 = vector.shape_cast %get3A_1812 : vector<16xf32> to vector<1x16xf32>
      tpu.vector_store %arg7[%swap3A_1817, %swap3A_1818], %swap3A_1821 {strides = array<i32>} : memref<416x128xf32, #tpu.memory_space<vmem>>, vector<1x16xf32>,
      %get3A_1822 = arith.constant 27 : i32
      %get3A_1823 = arith.index_cast %get3A_1822 : i32 to index
      %get3A_1824 = arith.constant 0 : index
      %get3A_1825 = tpu.vector_load %arg6[%get3A_1823, %get3A_1824] {strides = array<i32>} : memref<64x16xf32, #tpu.memory_space<vmem>>, vector<1x16xf32>,
      %get3A_1826 = vector.shape_cast %get3A_1825 : vector<1x16xf32> to vector<16xf32>
      %mul3A_1827 = arith.constant 8 : i32
      %mul3A_1828 = arith.muli %add3A_13, %mul3A_1827 : i32
      %add3A_1829 = arith.constant 3 : i32
      %add3A_1830 = arith.addi %mul3A_1828, %add3A_1829 : i32
      %swap3A_1831 = arith.index_cast %add3A_1830 : i32 to index
      %swap3A_1832 = arith.constant 48 : index
      %swap3A_1833 = tpu.vector_load %arg7[%swap3A_1831, %swap3A_1832] {strides = array<i32>} : memref<416x128xf32, #tpu.memory_space<vmem>>, vector<1x16xf32>,
      %swap3A_1834 = vector.shape_cast %swap3A_1833 : vector<1x16xf32> to vector<16xf32>
      %swap3A_1835 = vector.shape_cast %get3A_1826 : vector<16xf32> to vector<1x16xf32>
      tpu.vector_store %arg7[%swap3A_1831, %swap3A_1832], %swap3A_1835 {strides = array<i32>} : memref<416x128xf32, #tpu.memory_space<vmem>>, vector<1x16xf32>,
      %get3A_1836 = arith.constant 28 : i32
      %get3A_1837 = arith.index_cast %get3A_1836 : i32 to index
      %get3A_1838 = arith.constant 0 : index
      %get3A_1839 = tpu.vector_load %arg6[%get3A_1837, %get3A_1838] {strides = array<i32>} : memref<64x16xf32, #tpu.memory_space<vmem>>, vector<1x16xf32>,
      %get3A_1840 = vector.shape_cast %get3A_1839 : vector<1x16xf32> to vector<16xf32>
      %mul3A_1841 = arith.constant 8 : i32
      %mul3A_1842 = arith.muli %add3A_13, %mul3A_1841 : i32
      %add3A_1843 = arith.constant 3 : i32
      %add3A_1844 = arith.addi %mul3A_1842, %add3A_1843 : i32
      %swap3A_1845 = arith.index_cast %add3A_1844 : i32 to index
      %swap3A_1846 = arith.constant 64 : index
      %swap3A_1847 = tpu.vector_load %arg7[%swap3A_1845, %swap3A_1846] {strides = array<i32>} : memref<416x128xf32, #tpu.memory_space<vmem>>, vector<1x16xf32>,
      %swap3A_1848 = vector.shape_cast %swap3A_1847 : vector<1x16xf32> to vector<16xf32>
      %swap3A_1849 = vector.shape_cast %get3A_1840 : vector<16xf32> to vector<1x16xf32>
      tpu.vector_store %arg7[%swap3A_1845, %swap3A_1846], %swap3A_1849 {strides = array<i32>} : memref<416x128xf32, #tpu.memory_space<vmem>>, vector<1x16xf32>,
      %get3A_1850 = arith.constant 29 : i32
      %get3A_1851 = arith.index_cast %get3A_1850 : i32 to index
      %get3A_1852 = arith.constant 0 : index
      %get3A_1853 = tpu.vector_load %arg6[%get3A_1851, %get3A_1852] {strides = array<i32>} : memref<64x16xf32, #tpu.memory_space<vmem>>, vector<1x16xf32>,
      %get3A_1854 = vector.shape_cast %get3A_1853 : vector<1x16xf32> to vector<16xf32>
      %mul3A_1855 = arith.constant 8 : i32
      %mul3A_1856 = arith.muli %add3A_13, %mul3A_1855 : i32
      %add3A_1857 = arith.constant 3 : i32
      %add3A_1858 = arith.addi %mul3A_1856, %add3A_1857 : i32
      %swap3A_1859 = arith.index_cast %add3A_1858 : i32 to index
      %swap3A_1860 = arith.constant 80 : index
      %swap3A_1861 = tpu.vector_load %arg7[%swap3A_1859, %swap3A_1860] {strides = array<i32>} : memref<416x128xf32, #tpu.memory_space<vmem>>, vector<1x16xf32>,
      %swap3A_1862 = vector.shape_cast %swap3A_1861 : vector<1x16xf32> to vector<16xf32>
      %swap3A_1863 = vector.shape_cast %get3A_1854 : vector<16xf32> to vector<1x16xf32>
      tpu.vector_store %arg7[%swap3A_1859, %swap3A_1860], %swap3A_1863 {strides = array<i32>} : memref<416x128xf32, #tpu.memory_space<vmem>>, vector<1x16xf32>,
      %get3A_1864 = arith.constant 30 : i32
      %get3A_1865 = arith.index_cast %get3A_1864 : i32 to index
      %get3A_1866 = arith.constant 0 : index
      %get3A_1867 = tpu.vector_load %arg6[%get3A_1865, %get3A_1866] {strides = array<i32>} : memref<64x16xf32, #tpu.memory_space<vmem>>, vector<1x16xf32>,
      %get3A_1868 = vector.shape_cast %get3A_1867 : vector<1x16xf32> to vector<16xf32>
      %mul3A_1869 = arith.constant 8 : i32
      %mul3A_1870 = arith.muli %add3A_13, %mul3A_1869 : i32
      %add3A_1871 = arith.constant 3 : i32
      %add3A_1872 = arith.addi %mul3A_1870, %add3A_1871 : i32
      %swap3A_1873 = arith.index_cast %add3A_1872 : i32 to index
      %swap3A_1874 = arith.constant 96 : index
      %swap3A_1875 = tpu.vector_load %arg7[%swap3A_1873, %swap3A_1874] {strides = array<i32>} : memref<416x128xf32, #tpu.memory_space<vmem>>, vector<1x16xf32>,
      %swap3A_1876 = vector.shape_cast %swap3A_1875 : vector<1x16xf32> to vector<16xf32>
      %swap3A_1877 = vector.shape_cast %get3A_1868 : vector<16xf32> to vector<1x16xf32>
      tpu.vector_store %arg7[%swap3A_1873, %swap3A_1874], %swap3A_1877 {strides = array<i32>} : memref<416x128xf32, #tpu.memory_space<vmem>>, vector<1x16xf32>,
      %get3A_1878 = arith.constant 31 : i32
      %get3A_1879 = arith.index_cast %get3A_1878 : i32 to index
      %get3A_1880 = arith.constant 0 : index
      %get3A_1881 = tpu.vector_load %arg6[%get3A_1879, %get3A_1880] {strides = array<i32>} : memref<64x16xf32, #tpu.memory_space<vmem>>, vector<1x16xf32>,
      %get3A_1882 = vector.shape_cast %get3A_1881 : vector<1x16xf32> to vector<16xf32>
      %mul3A_1883 = arith.constant 8 : i32
      %mul3A_1884 = arith.muli %add3A_13, %mul3A_1883 : i32
      %add3A_1885 = arith.constant 3 : i32
      %add3A_1886 = arith.addi %mul3A_1884, %add3A_1885 : i32
      %swap3A_1887 = arith.index_cast %add3A_1886 : i32 to index
      %swap3A_1888 = arith.constant 112 : index
      %swap3A_1889 = tpu.vector_load %arg7[%swap3A_1887, %swap3A_1888] {strides = array<i32>} : memref<416x128xf32, #tpu.memory_space<vmem>>, vector<1x16xf32>,
      %swap3A_1890 = vector.shape_cast %swap3A_1889 : vector<1x16xf32> to vector<16xf32>
      %swap3A_1891 = vector.shape_cast %get3A_1882 : vector<16xf32> to vector<1x16xf32>
      tpu.vector_store %arg7[%swap3A_1887, %swap3A_1888], %swap3A_1891 {strides = array<i32>} : memref<416x128xf32, #tpu.memory_space<vmem>>, vector<1x16xf32>,
      %get3A_1892 = arith.constant 32 : i32
      %get3A_1893 = arith.index_cast %get3A_1892 : i32 to index
      %get3A_1894 = arith.constant 0 : index
      %get3A_1895 = tpu.vector_load %arg6[%get3A_1893, %get3A_1894] {strides = array<i32>} : memref<64x16xf32, #tpu.memory_space<vmem>>, vector<1x16xf32>,
      %get3A_1896 = vector.shape_cast %get3A_1895 : vector<1x16xf32> to vector<16xf32>
      %mul3A_1897 = arith.constant 8 : i32
      %mul3A_1898 = arith.muli %add3A_13, %mul3A_1897 : i32
      %add3A_1899 = arith.constant 4 : i32
      %add3A_1900 = arith.addi %mul3A_1898, %add3A_1899 : i32
      %swap3A_1901 = arith.index_cast %add3A_1900 : i32 to index
      %swap3A_1902 = arith.constant 0 : index
      %swap3A_1903 = tpu.vector_load %arg7[%swap3A_1901, %swap3A_1902] {strides = array<i32>} : memref<416x128xf32, #tpu.memory_space<vmem>>, vector<1x16xf32>,
      %swap3A_1904 = vector.shape_cast %swap3A_1903 : vector<1x16xf32> to vector<16xf32>
      %swap3A_1905 = vector.shape_cast %get3A_1896 : vector<16xf32> to vector<1x16xf32>
      tpu.vector_store %arg7[%swap3A_1901, %swap3A_1902], %swap3A_1905 {strides = array<i32>} : memref<416x128xf32, #tpu.memory_space<vmem>>, vector<1x16xf32>,
      %get3A_1906 = arith.constant 33 : i32
      %get3A_1907 = arith.index_cast %get3A_1906 : i32 to index
      %get3A_1908 = arith.constant 0 : index
      %get3A_1909 = tpu.vector_load %arg6[%get3A_1907, %get3A_1908] {strides = array<i32>} : memref<64x16xf32, #tpu.memory_space<vmem>>, vector<1x16xf32>,
      %get3A_1910 = vector.shape_cast %get3A_1909 : vector<1x16xf32> to vector<16xf32>
      %mul3A_1911 = arith.constant 8 : i32
      %mul3A_1912 = arith.muli %add3A_13, %mul3A_1911 : i32
      %add3A_1913 = arith.constant 4 : i32
      %add3A_1914 = arith.addi %mul3A_1912, %add3A_1913 : i32
      %swap3A_1915 = arith.index_cast %add3A_1914 : i32 to index
      %swap3A_1916 = arith.constant 16 : index
      %swap3A_1917 = tpu.vector_load %arg7[%swap3A_1915, %swap3A_1916] {strides = array<i32>} : memref<416x128xf32, #tpu.memory_space<vmem>>, vector<1x16xf32>,
      %swap3A_1918 = vector.shape_cast %swap3A_1917 : vector<1x16xf32> to vector<16xf32>
      %swap3A_1919 = vector.shape_cast %get3A_1910 : vector<16xf32> to vector<1x16xf32>
      tpu.vector_store %arg7[%swap3A_1915, %swap3A_1916], %swap3A_1919 {strides = array<i32>} : memref<416x128xf32, #tpu.memory_space<vmem>>, vector<1x16xf32>,
      %get3A_1920 = arith.constant 34 : i32
      %get3A_1921 = arith.index_cast %get3A_1920 : i32 to index
      %get3A_1922 = arith.constant 0 : index
      %get3A_1923 = tpu.vector_load %arg6[%get3A_1921, %get3A_1922] {strides = array<i32>} : memref<64x16xf32, #tpu.memory_space<vmem>>, vector<1x16xf32>,
      %get3A_1924 = vector.shape_cast %get3A_1923 : vector<1x16xf32> to vector<16xf32>
      %mul3A_1925 = arith.constant 8 : i32
      %mul3A_1926 = arith.muli %add3A_13, %mul3A_1925 : i32
      %add3A_1927 = arith.constant 4 : i32
      %add3A_1928 = arith.addi %mul3A_1926, %add3A_1927 : i32
      %swap3A_1929 = arith.index_cast %add3A_1928 : i32 to index
      %swap3A_1930 = arith.constant 32 : index
      %swap3A_1931 = tpu.vector_load %arg7[%swap3A_1929, %swap3A_1930] {strides = array<i32>} : memref<416x128xf32, #tpu.memory_space<vmem>>, vector<1x16xf32>,
      %swap3A_1932 = vector.shape_cast %swap3A_1931 : vector<1x16xf32> to vector<16xf32>
      %swap3A_1933 = vector.shape_cast %get3A_1924 : vector<16xf32> to vector<1x16xf32>
      tpu.vector_store %arg7[%swap3A_1929, %swap3A_1930], %swap3A_1933 {strides = array<i32>} : memref<416x128xf32, #tpu.memory_space<vmem>>, vector<1x16xf32>,
      %get3A_1934 = arith.constant 35 : i32
      %get3A_1935 = arith.index_cast %get3A_1934 : i32 to index
      %get3A_1936 = arith.constant 0 : index
      %get3A_1937 = tpu.vector_load %arg6[%get3A_1935, %get3A_1936] {strides = array<i32>} : memref<64x16xf32, #tpu.memory_space<vmem>>, vector<1x16xf32>,
      %get3A_1938 = vector.shape_cast %get3A_1937 : vector<1x16xf32> to vector<16xf32>
      %mul3A_1939 = arith.constant 8 : i32
      %mul3A_1940 = arith.muli %add3A_13, %mul3A_1939 : i32
      %add3A_1941 = arith.constant 4 : i32
      %add3A_1942 = arith.addi %mul3A_1940, %add3A_1941 : i32
      %swap3A_1943 = arith.index_cast %add3A_1942 : i32 to index
      %swap3A_1944 = arith.constant 48 : index
      %swap3A_1945 = tpu.vector_load %arg7[%swap3A_1943, %swap3A_1944] {strides = array<i32>} : memref<416x128xf32, #tpu.memory_space<vmem>>, vector<1x16xf32>,
      %swap3A_1946 = vector.shape_cast %swap3A_1945 : vector<1x16xf32> to vector<16xf32>
      %swap3A_1947 = vector.shape_cast %get3A_1938 : vector<16xf32> to vector<1x16xf32>
      tpu.vector_store %arg7[%swap3A_1943, %swap3A_1944], %swap3A_1947 {strides = array<i32>} : memref<416x128xf32, #tpu.memory_space<vmem>>, vector<1x16xf32>,
      %get3A_1948 = arith.constant 36 : i32
      %get3A_1949 = arith.index_cast %get3A_1948 : i32 to index
      %get3A_1950 = arith.constant 0 : index
      %get3A_1951 = tpu.vector_load %arg6[%get3A_1949, %get3A_1950] {strides = array<i32>} : memref<64x16xf32, #tpu.memory_space<vmem>>, vector<1x16xf32>,
      %get3A_1952 = vector.shape_cast %get3A_1951 : vector<1x16xf32> to vector<16xf32>
      %mul3A_1953 = arith.constant 8 : i32
      %mul3A_1954 = arith.muli %add3A_13, %mul3A_1953 : i32
      %add3A_1955 = arith.constant 4 : i32
      %add3A_1956 = arith.addi %mul3A_1954, %add3A_1955 : i32
      %swap3A_1957 = arith.index_cast %add3A_1956 : i32 to index
      %swap3A_1958 = arith.constant 64 : index
      %swap3A_1959 = tpu.vector_load %arg7[%swap3A_1957, %swap3A_1958] {strides = array<i32>} : memref<416x128xf32, #tpu.memory_space<vmem>>, vector<1x16xf32>,
      %swap3A_1960 = vector.shape_cast %swap3A_1959 : vector<1x16xf32> to vector<16xf32>
      %swap3A_1961 = vector.shape_cast %get3A_1952 : vector<16xf32> to vector<1x16xf32>
      tpu.vector_store %arg7[%swap3A_1957, %swap3A_1958], %swap3A_1961 {strides = array<i32>} : memref<416x128xf32, #tpu.memory_space<vmem>>, vector<1x16xf32>,
      %get3A_1962 = arith.constant 37 : i32
      %get3A_1963 = arith.index_cast %get3A_1962 : i32 to index
      %get3A_1964 = arith.constant 0 : index
      %get3A_1965 = tpu.vector_load %arg6[%get3A_1963, %get3A_1964] {strides = array<i32>} : memref<64x16xf32, #tpu.memory_space<vmem>>, vector<1x16xf32>,
      %get3A_1966 = vector.shape_cast %get3A_1965 : vector<1x16xf32> to vector<16xf32>
      %mul3A_1967 = arith.constant 8 : i32
      %mul3A_1968 = arith.muli %add3A_13, %mul3A_1967 : i32
      %add3A_1969 = arith.constant 4 : i32
      %add3A_1970 = arith.addi %mul3A_1968, %add3A_1969 : i32
      %swap3A_1971 = arith.index_cast %add3A_1970 : i32 to index
      %swap3A_1972 = arith.constant 80 : index
      %swap3A_1973 = tpu.vector_load %arg7[%swap3A_1971, %swap3A_1972] {strides = array<i32>} : memref<416x128xf32, #tpu.memory_space<vmem>>, vector<1x16xf32>,
      %swap3A_1974 = vector.shape_cast %swap3A_1973 : vector<1x16xf32> to vector<16xf32>
      %swap3A_1975 = vector.shape_cast %get3A_1966 : vector<16xf32> to vector<1x16xf32>
      tpu.vector_store %arg7[%swap3A_1971, %swap3A_1972], %swap3A_1975 {strides = array<i32>} : memref<416x128xf32, #tpu.memory_space<vmem>>, vector<1x16xf32>,
      %get3A_1976 = arith.constant 38 : i32
      %get3A_1977 = arith.index_cast %get3A_1976 : i32 to index
      %get3A_1978 = arith.constant 0 : index
      %get3A_1979 = tpu.vector_load %arg6[%get3A_1977, %get3A_1978] {strides = array<i32>} : memref<64x16xf32, #tpu.memory_space<vmem>>, vector<1x16xf32>,
      %get3A_1980 = vector.shape_cast %get3A_1979 : vector<1x16xf32> to vector<16xf32>
      %mul3A_1981 = arith.constant 8 : i32
      %mul3A_1982 = arith.muli %add3A_13, %mul3A_1981 : i32
      %add3A_1983 = arith.constant 4 : i32
      %add3A_1984 = arith.addi %mul3A_1982, %add3A_1983 : i32
      %swap3A_1985 = arith.index_cast %add3A_1984 : i32 to index
      %swap3A_1986 = arith.constant 96 : index
      %swap3A_1987 = tpu.vector_load %arg7[%swap3A_1985, %swap3A_1986] {strides = array<i32>} : memref<416x128xf32, #tpu.memory_space<vmem>>, vector<1x16xf32>,
      %swap3A_1988 = vector.shape_cast %swap3A_1987 : vector<1x16xf32> to vector<16xf32>
      %swap3A_1989 = vector.shape_cast %get3A_1980 : vector<16xf32> to vector<1x16xf32>
      tpu.vector_store %arg7[%swap3A_1985, %swap3A_1986], %swap3A_1989 {strides = array<i32>} : memref<416x128xf32, #tpu.memory_space<vmem>>, vector<1x16xf32>,
      %get3A_1990 = arith.constant 39 : i32
      %get3A_1991 = arith.index_cast %get3A_1990 : i32 to index
      %get3A_1992 = arith.constant 0 : index
      %get3A_1993 = tpu.vector_load %arg6[%get3A_1991, %get3A_1992] {strides = array<i32>} : memref<64x16xf32, #tpu.memory_space<vmem>>, vector<1x16xf32>,
      %get3A_1994 = vector.shape_cast %get3A_1993 : vector<1x16xf32> to vector<16xf32>
      %mul3A_1995 = arith.constant 8 : i32
      %mul3A_1996 = arith.muli %add3A_13, %mul3A_1995 : i32
      %add3A_1997 = arith.constant 4 : i32
      %add3A_1998 = arith.addi %mul3A_1996, %add3A_1997 : i32
      %swap3A_1999 = arith.index_cast %add3A_1998 : i32 to index
      %swap3A_2000 = arith.constant 112 : index
      %swap3A_2001 = tpu.vector_load %arg7[%swap3A_1999, %swap3A_2000] {strides = array<i32>} : memref<416x128xf32, #tpu.memory_space<vmem>>, vector<1x16xf32>,
      %swap3A_2002 = vector.shape_cast %swap3A_2001 : vector<1x16xf32> to vector<16xf32>
      %swap3A_2003 = vector.shape_cast %get3A_1994 : vector<16xf32> to vector<1x16xf32>
      tpu.vector_store %arg7[%swap3A_1999, %swap3A_2000], %swap3A_2003 {strides = array<i32>} : memref<416x128xf32, #tpu.memory_space<vmem>>, vector<1x16xf32>,
      %get3A_2004 = arith.constant 40 : i32
      %get3A_2005 = arith.index_cast %get3A_2004 : i32 to index
      %get3A_2006 = arith.constant 0 : index
      %get3A_2007 = tpu.vector_load %arg6[%get3A_2005, %get3A_2006] {strides = array<i32>} : memref<64x16xf32, #tpu.memory_space<vmem>>, vector<1x16xf32>,
      %get3A_2008 = vector.shape_cast %get3A_2007 : vector<1x16xf32> to vector<16xf32>
      %mul3A_2009 = arith.constant 8 : i32
      %mul3A_2010 = arith.muli %add3A_13, %mul3A_2009 : i32
      %add3A_2011 = arith.constant 5 : i32
      %add3A_2012 = arith.addi %mul3A_2010, %add3A_2011 : i32
      %swap3A_2013 = arith.index_cast %add3A_2012 : i32 to index
      %swap3A_2014 = arith.constant 0 : index
      %swap3A_2015 = tpu.vector_load %arg7[%swap3A_2013, %swap3A_2014] {strides = array<i32>} : memref<416x128xf32, #tpu.memory_space<vmem>>, vector<1x16xf32>,
      %swap3A_2016 = vector.shape_cast %swap3A_2015 : vector<1x16xf32> to vector<16xf32>
      %swap3A_2017 = vector.shape_cast %get3A_2008 : vector<16xf32> to vector<1x16xf32>
      tpu.vector_store %arg7[%swap3A_2013, %swap3A_2014], %swap3A_2017 {strides = array<i32>} : memref<416x128xf32, #tpu.memory_space<vmem>>, vector<1x16xf32>,
      %get3A_2018 = arith.constant 41 : i32
      %get3A_2019 = arith.index_cast %get3A_2018 : i32 to index
      %get3A_2020 = arith.constant 0 : index
      %get3A_2021 = tpu.vector_load %arg6[%get3A_2019, %get3A_2020] {strides = array<i32>} : memref<64x16xf32, #tpu.memory_space<vmem>>, vector<1x16xf32>,
      %get3A_2022 = vector.shape_cast %get3A_2021 : vector<1x16xf32> to vector<16xf32>
      %mul3A_2023 = arith.constant 8 : i32
      %mul3A_2024 = arith.muli %add3A_13, %mul3A_2023 : i32
      %add3A_2025 = arith.constant 5 : i32
      %add3A_2026 = arith.addi %mul3A_2024, %add3A_2025 : i32
      %swap3A_2027 = arith.index_cast %add3A_2026 : i32 to index
      %swap3A_2028 = arith.constant 16 : index
      %swap3A_2029 = tpu.vector_load %arg7[%swap3A_2027, %swap3A_2028] {strides = array<i32>} : memref<416x128xf32, #tpu.memory_space<vmem>>, vector<1x16xf32>,
      %swap3A_2030 = vector.shape_cast %swap3A_2029 : vector<1x16xf32> to vector<16xf32>
      %swap3A_2031 = vector.shape_cast %get3A_2022 : vector<16xf32> to vector<1x16xf32>
      tpu.vector_store %arg7[%swap3A_2027, %swap3A_2028], %swap3A_2031 {strides = array<i32>} : memref<416x128xf32, #tpu.memory_space<vmem>>, vector<1x16xf32>,
      %get3A_2032 = arith.constant 42 : i32
      %get3A_2033 = arith.index_cast %get3A_2032 : i32 to index
      %get3A_2034 = arith.constant 0 : index
      %get3A_2035 = tpu.vector_load %arg6[%get3A_2033, %get3A_2034] {strides = array<i32>} : memref<64x16xf32, #tpu.memory_space<vmem>>, vector<1x16xf32>,
      %get3A_2036 = vector.shape_cast %get3A_2035 : vector<1x16xf32> to vector<16xf32>
      %mul3A_2037 = arith.constant 8 : i32
      %mul3A_2038 = arith.muli %add3A_13, %mul3A_2037 : i32
      %add3A_2039 = arith.constant 5 : i32
      %add3A_2040 = arith.addi %mul3A_2038, %add3A_2039 : i32
      %swap3A_2041 = arith.index_cast %add3A_2040 : i32 to index
      %swap3A_2042 = arith.constant 32 : index
      %swap3A_2043 = tpu.vector_load %arg7[%swap3A_2041, %swap3A_2042] {strides = array<i32>} : memref<416x128xf32, #tpu.memory_space<vmem>>, vector<1x16xf32>,
      %swap3A_2044 = vector.shape_cast %swap3A_2043 : vector<1x16xf32> to vector<16xf32>
      %swap3A_2045 = vector.shape_cast %get3A_2036 : vector<16xf32> to vector<1x16xf32>
      tpu.vector_store %arg7[%swap3A_2041, %swap3A_2042], %swap3A_2045 {strides = array<i32>} : memref<416x128xf32, #tpu.memory_space<vmem>>, vector<1x16xf32>,
      %get3A_2046 = arith.constant 43 : i32
      %get3A_2047 = arith.index_cast %get3A_2046 : i32 to index
      %get3A_2048 = arith.constant 0 : index
      %get3A_2049 = tpu.vector_load %arg6[%get3A_2047, %get3A_2048] {strides = array<i32>} : memref<64x16xf32, #tpu.memory_space<vmem>>, vector<1x16xf32>,
      %get3A_2050 = vector.shape_cast %get3A_2049 : vector<1x16xf32> to vector<16xf32>
      %mul3A_2051 = arith.constant 8 : i32
      %mul3A_2052 = arith.muli %add3A_13, %mul3A_2051 : i32
      %add3A_2053 = arith.constant 5 : i32
      %add3A_2054 = arith.addi %mul3A_2052, %add3A_2053 : i32
      %swap3A_2055 = arith.index_cast %add3A_2054 : i32 to index
      %swap3A_2056 = arith.constant 48 : index
      %swap3A_2057 = tpu.vector_load %arg7[%swap3A_2055, %swap3A_2056] {strides = array<i32>} : memref<416x128xf32, #tpu.memory_space<vmem>>, vector<1x16xf32>,
      %swap3A_2058 = vector.shape_cast %swap3A_2057 : vector<1x16xf32> to vector<16xf32>
      %swap3A_2059 = vector.shape_cast %get3A_2050 : vector<16xf32> to vector<1x16xf32>
      tpu.vector_store %arg7[%swap3A_2055, %swap3A_2056], %swap3A_2059 {strides = array<i32>} : memref<416x128xf32, #tpu.memory_space<vmem>>, vector<1x16xf32>,
      %get3A_2060 = arith.constant 44 : i32
      %get3A_2061 = arith.index_cast %get3A_2060 : i32 to index
      %get3A_2062 = arith.constant 0 : index
      %get3A_2063 = tpu.vector_load %arg6[%get3A_2061, %get3A_2062] {strides = array<i32>} : memref<64x16xf32, #tpu.memory_space<vmem>>, vector<1x16xf32>,
      %get3A_2064 = vector.shape_cast %get3A_2063 : vector<1x16xf32> to vector<16xf32>
      %mul3A_2065 = arith.constant 8 : i32
      %mul3A_2066 = arith.muli %add3A_13, %mul3A_2065 : i32
      %add3A_2067 = arith.constant 5 : i32
      %add3A_2068 = arith.addi %mul3A_2066, %add3A_2067 : i32
      %swap3A_2069 = arith.index_cast %add3A_2068 : i32 to index
      %swap3A_2070 = arith.constant 64 : index
      %swap3A_2071 = tpu.vector_load %arg7[%swap3A_2069, %swap3A_2070] {strides = array<i32>} : memref<416x128xf32, #tpu.memory_space<vmem>>, vector<1x16xf32>,
      %swap3A_2072 = vector.shape_cast %swap3A_2071 : vector<1x16xf32> to vector<16xf32>
      %swap3A_2073 = vector.shape_cast %get3A_2064 : vector<16xf32> to vector<1x16xf32>
      tpu.vector_store %arg7[%swap3A_2069, %swap3A_2070], %swap3A_2073 {strides = array<i32>} : memref<416x128xf32, #tpu.memory_space<vmem>>, vector<1x16xf32>,
      %get3A_2074 = arith.constant 45 : i32
      %get3A_2075 = arith.index_cast %get3A_2074 : i32 to index
      %get3A_2076 = arith.constant 0 : index
      %get3A_2077 = tpu.vector_load %arg6[%get3A_2075, %get3A_2076] {strides = array<i32>} : memref<64x16xf32, #tpu.memory_space<vmem>>, vector<1x16xf32>,
      %get3A_2078 = vector.shape_cast %get3A_2077 : vector<1x16xf32> to vector<16xf32>
      %mul3A_2079 = arith.constant 8 : i32
      %mul3A_2080 = arith.muli %add3A_13, %mul3A_2079 : i32
      %add3A_2081 = arith.constant 5 : i32
      %add3A_2082 = arith.addi %mul3A_2080, %add3A_2081 : i32
      %swap3A_2083 = arith.index_cast %add3A_2082 : i32 to index
      %swap3A_2084 = arith.constant 80 : index
      %swap3A_2085 = tpu.vector_load %arg7[%swap3A_2083, %swap3A_2084] {strides = array<i32>} : memref<416x128xf32, #tpu.memory_space<vmem>>, vector<1x16xf32>,
      %swap3A_2086 = vector.shape_cast %swap3A_2085 : vector<1x16xf32> to vector<16xf32>
      %swap3A_2087 = vector.shape_cast %get3A_2078 : vector<16xf32> to vector<1x16xf32>
      tpu.vector_store %arg7[%swap3A_2083, %swap3A_2084], %swap3A_2087 {strides = array<i32>} : memref<416x128xf32, #tpu.memory_space<vmem>>, vector<1x16xf32>,
      %get3A_2088 = arith.constant 46 : i32
      %get3A_2089 = arith.index_cast %get3A_2088 : i32 to index
      %get3A_2090 = arith.constant 0 : index
      %get3A_2091 = tpu.vector_load %arg6[%get3A_2089, %get3A_2090] {strides = array<i32>} : memref<64x16xf32, #tpu.memory_space<vmem>>, vector<1x16xf32>,
      %get3A_2092 = vector.shape_cast %get3A_2091 : vector<1x16xf32> to vector<16xf32>
      %mul3A_2093 = arith.constant 8 : i32
      %mul3A_2094 = arith.muli %add3A_13, %mul3A_2093 : i32
      %add3A_2095 = arith.constant 5 : i32
      %add3A_2096 = arith.addi %mul3A_2094, %add3A_2095 : i32
      %swap3A_2097 = arith.index_cast %add3A_2096 : i32 to index
      %swap3A_2098 = arith.constant 96 : index
      %swap3A_2099 = tpu.vector_load %arg7[%swap3A_2097, %swap3A_2098] {strides = array<i32>} : memref<416x128xf32, #tpu.memory_space<vmem>>, vector<1x16xf32>,
      %swap3A_2100 = vector.shape_cast %swap3A_2099 : vector<1x16xf32> to vector<16xf32>
      %swap3A_2101 = vector.shape_cast %get3A_2092 : vector<16xf32> to vector<1x16xf32>
      tpu.vector_store %arg7[%swap3A_2097, %swap3A_2098], %swap3A_2101 {strides = array<i32>} : memref<416x128xf32, #tpu.memory_space<vmem>>, vector<1x16xf32>,
      %get3A_2102 = arith.constant 47 : i32
      %get3A_2103 = arith.index_cast %get3A_2102 : i32 to index
      %get3A_2104 = arith.constant 0 : index
      %get3A_2105 = tpu.vector_load %arg6[%get3A_2103, %get3A_2104] {strides = array<i32>} : memref<64x16xf32, #tpu.memory_space<vmem>>, vector<1x16xf32>,
      %get3A_2106 = vector.shape_cast %get3A_2105 : vector<1x16xf32> to vector<16xf32>
      %mul3A_2107 = arith.constant 8 : i32
      %mul3A_2108 = arith.muli %add3A_13, %mul3A_2107 : i32
      %add3A_2109 = arith.constant 5 : i32
      %add3A_2110 = arith.addi %mul3A_2108, %add3A_2109 : i32
      %swap3A_2111 = arith.index_cast %add3A_2110 : i32 to index
      %swap3A_2112 = arith.constant 112 : index
      %swap3A_2113 = tpu.vector_load %arg7[%swap3A_2111, %swap3A_2112] {strides = array<i32>} : memref<416x128xf32, #tpu.memory_space<vmem>>, vector<1x16xf32>,
      %swap3A_2114 = vector.shape_cast %swap3A_2113 : vector<1x16xf32> to vector<16xf32>
      %swap3A_2115 = vector.shape_cast %get3A_2106 : vector<16xf32> to vector<1x16xf32>
      tpu.vector_store %arg7[%swap3A_2111, %swap3A_2112], %swap3A_2115 {strides = array<i32>} : memref<416x128xf32, #tpu.memory_space<vmem>>, vector<1x16xf32>,
      %get3A_2116 = arith.constant 48 : i32
      %get3A_2117 = arith.index_cast %get3A_2116 : i32 to index
      %get3A_2118 = arith.constant 0 : index
      %get3A_2119 = tpu.vector_load %arg6[%get3A_2117, %get3A_2118] {strides = array<i32>} : memref<64x16xf32, #tpu.memory_space<vmem>>, vector<1x16xf32>,
      %get3A_2120 = vector.shape_cast %get3A_2119 : vector<1x16xf32> to vector<16xf32>
      %mul3A_2121 = arith.constant 8 : i32
      %mul3A_2122 = arith.muli %add3A_13, %mul3A_2121 : i32
      %add3A_2123 = arith.constant 6 : i32
      %add3A_2124 = arith.addi %mul3A_2122, %add3A_2123 : i32
      %swap3A_2125 = arith.index_cast %add3A_2124 : i32 to index
      %swap3A_2126 = arith.constant 0 : index
      %swap3A_2127 = tpu.vector_load %arg7[%swap3A_2125, %swap3A_2126] {strides = array<i32>} : memref<416x128xf32, #tpu.memory_space<vmem>>, vector<1x16xf32>,
      %swap3A_2128 = vector.shape_cast %swap3A_2127 : vector<1x16xf32> to vector<16xf32>
      %swap3A_2129 = vector.shape_cast %get3A_2120 : vector<16xf32> to vector<1x16xf32>
      tpu.vector_store %arg7[%swap3A_2125, %swap3A_2126], %swap3A_2129 {strides = array<i32>} : memref<416x128xf32, #tpu.memory_space<vmem>>, vector<1x16xf32>,
      %get3A_2130 = arith.constant 49 : i32
      %get3A_2131 = arith.index_cast %get3A_2130 : i32 to index
      %get3A_2132 = arith.constant 0 : index
      %get3A_2133 = tpu.vector_load %arg6[%get3A_2131, %get3A_2132] {strides = array<i32>} : memref<64x16xf32, #tpu.memory_space<vmem>>, vector<1x16xf32>,
      %get3A_2134 = vector.shape_cast %get3A_2133 : vector<1x16xf32> to vector<16xf32>
      %mul3A_2135 = arith.constant 8 : i32
      %mul3A_2136 = arith.muli %add3A_13, %mul3A_2135 : i32
      %add3A_2137 = arith.constant 6 : i32
      %add3A_2138 = arith.addi %mul3A_2136, %add3A_2137 : i32
      %swap3A_2139 = arith.index_cast %add3A_2138 : i32 to index
      %swap3A_2140 = arith.constant 16 : index
      %swap3A_2141 = tpu.vector_load %arg7[%swap3A_2139, %swap3A_2140] {strides = array<i32>} : memref<416x128xf32, #tpu.memory_space<vmem>>, vector<1x16xf32>,
      %swap3A_2142 = vector.shape_cast %swap3A_2141 : vector<1x16xf32> to vector<16xf32>
      %swap3A_2143 = vector.shape_cast %get3A_2134 : vector<16xf32> to vector<1x16xf32>
      tpu.vector_store %arg7[%swap3A_2139, %swap3A_2140], %swap3A_2143 {strides = array<i32>} : memref<416x128xf32, #tpu.memory_space<vmem>>, vector<1x16xf32>,
      %get3A_2144 = arith.constant 50 : i32
      %get3A_2145 = arith.index_cast %get3A_2144 : i32 to index
      %get3A_2146 = arith.constant 0 : index
      %get3A_2147 = tpu.vector_load %arg6[%get3A_2145, %get3A_2146] {strides = array<i32>} : memref<64x16xf32, #tpu.memory_space<vmem>>, vector<1x16xf32>,
      %get3A_2148 = vector.shape_cast %get3A_2147 : vector<1x16xf32> to vector<16xf32>
      %mul3A_2149 = arith.constant 8 : i32
      %mul3A_2150 = arith.muli %add3A_13, %mul3A_2149 : i32
      %add3A_2151 = arith.constant 6 : i32
      %add3A_2152 = arith.addi %mul3A_2150, %add3A_2151 : i32
      %swap3A_2153 = arith.index_cast %add3A_2152 : i32 to index
      %swap3A_2154 = arith.constant 32 : index
      %swap3A_2155 = tpu.vector_load %arg7[%swap3A_2153, %swap3A_2154] {strides = array<i32>} : memref<416x128xf32, #tpu.memory_space<vmem>>, vector<1x16xf32>,
      %swap3A_2156 = vector.shape_cast %swap3A_2155 : vector<1x16xf32> to vector<16xf32>
      %swap3A_2157 = vector.shape_cast %get3A_2148 : vector<16xf32> to vector<1x16xf32>
      tpu.vector_store %arg7[%swap3A_2153, %swap3A_2154], %swap3A_2157 {strides = array<i32>} : memref<416x128xf32, #tpu.memory_space<vmem>>, vector<1x16xf32>,
      %get3A_2158 = arith.constant 51 : i32
      %get3A_2159 = arith.index_cast %get3A_2158 : i32 to index
      %get3A_2160 = arith.constant 0 : index
      %get3A_2161 = tpu.vector_load %arg6[%get3A_2159, %get3A_2160] {strides = array<i32>} : memref<64x16xf32, #tpu.memory_space<vmem>>, vector<1x16xf32>,
      %get3A_2162 = vector.shape_cast %get3A_2161 : vector<1x16xf32> to vector<16xf32>
      %mul3A_2163 = arith.constant 8 : i32
      %mul3A_2164 = arith.muli %add3A_13, %mul3A_2163 : i32
      %add3A_2165 = arith.constant 6 : i32
      %add3A_2166 = arith.addi %mul3A_2164, %add3A_2165 : i32
      %swap3A_2167 = arith.index_cast %add3A_2166 : i32 to index
      %swap3A_2168 = arith.constant 48 : index
      %swap3A_2169 = tpu.vector_load %arg7[%swap3A_2167, %swap3A_2168] {strides = array<i32>} : memref<416x128xf32, #tpu.memory_space<vmem>>, vector<1x16xf32>,
      %swap3A_2170 = vector.shape_cast %swap3A_2169 : vector<1x16xf32> to vector<16xf32>
      %swap3A_2171 = vector.shape_cast %get3A_2162 : vector<16xf32> to vector<1x16xf32>
      tpu.vector_store %arg7[%swap3A_2167, %swap3A_2168], %swap3A_2171 {strides = array<i32>} : memref<416x128xf32, #tpu.memory_space<vmem>>, vector<1x16xf32>,
      %get3A_2172 = arith.constant 52 : i32
      %get3A_2173 = arith.index_cast %get3A_2172 : i32 to index
      %get3A_2174 = arith.constant 0 : index
      %get3A_2175 = tpu.vector_load %arg6[%get3A_2173, %get3A_2174] {strides = array<i32>} : memref<64x16xf32, #tpu.memory_space<vmem>>, vector<1x16xf32>,
      %get3A_2176 = vector.shape_cast %get3A_2175 : vector<1x16xf32> to vector<16xf32>
      %mul3A_2177 = arith.constant 8 : i32
      %mul3A_2178 = arith.muli %add3A_13, %mul3A_2177 : i32
      %add3A_2179 = arith.constant 6 : i32
      %add3A_2180 = arith.addi %mul3A_2178, %add3A_2179 : i32
      %swap3A_2181 = arith.index_cast %add3A_2180 : i32 to index
      %swap3A_2182 = arith.constant 64 : index
      %swap3A_2183 = tpu.vector_load %arg7[%swap3A_2181, %swap3A_2182] {strides = array<i32>} : memref<416x128xf32, #tpu.memory_space<vmem>>, vector<1x16xf32>,
      %swap3A_2184 = vector.shape_cast %swap3A_2183 : vector<1x16xf32> to vector<16xf32>
      %swap3A_2185 = vector.shape_cast %get3A_2176 : vector<16xf32> to vector<1x16xf32>
      tpu.vector_store %arg7[%swap3A_2181, %swap3A_2182], %swap3A_2185 {strides = array<i32>} : memref<416x128xf32, #tpu.memory_space<vmem>>, vector<1x16xf32>,
      %get3A_2186 = arith.constant 53 : i32
      %get3A_2187 = arith.index_cast %get3A_2186 : i32 to index
      %get3A_2188 = arith.constant 0 : index
      %get3A_2189 = tpu.vector_load %arg6[%get3A_2187, %get3A_2188] {strides = array<i32>} : memref<64x16xf32, #tpu.memory_space<vmem>>, vector<1x16xf32>,
      %get3A_2190 = vector.shape_cast %get3A_2189 : vector<1x16xf32> to vector<16xf32>
      %mul3A_2191 = arith.constant 8 : i32
      %mul3A_2192 = arith.muli %add3A_13, %mul3A_2191 : i32
      %add3A_2193 = arith.constant 6 : i32
      %add3A_2194 = arith.addi %mul3A_2192, %add3A_2193 : i32
      %swap3A_2195 = arith.index_cast %add3A_2194 : i32 to index
      %swap3A_2196 = arith.constant 80 : index
      %swap3A_2197 = tpu.vector_load %arg7[%swap3A_2195, %swap3A_2196] {strides = array<i32>} : memref<416x128xf32, #tpu.memory_space<vmem>>, vector<1x16xf32>,
      %swap3A_2198 = vector.shape_cast %swap3A_2197 : vector<1x16xf32> to vector<16xf32>
      %swap3A_2199 = vector.shape_cast %get3A_2190 : vector<16xf32> to vector<1x16xf32>
      tpu.vector_store %arg7[%swap3A_2195, %swap3A_2196], %swap3A_2199 {strides = array<i32>} : memref<416x128xf32, #tpu.memory_space<vmem>>, vector<1x16xf32>,
      %get3A_2200 = arith.constant 54 : i32
      %get3A_2201 = arith.index_cast %get3A_2200 : i32 to index
      %get3A_2202 = arith.constant 0 : index
      %get3A_2203 = tpu.vector_load %arg6[%get3A_2201, %get3A_2202] {strides = array<i32>} : memref<64x16xf32, #tpu.memory_space<vmem>>, vector<1x16xf32>,
      %get3A_2204 = vector.shape_cast %get3A_2203 : vector<1x16xf32> to vector<16xf32>
      %mul3A_2205 = arith.constant 8 : i32
      %mul3A_2206 = arith.muli %add3A_13, %mul3A_2205 : i32
      %add3A_2207 = arith.constant 6 : i32
      %add3A_2208 = arith.addi %mul3A_2206, %add3A_2207 : i32
      %swap3A_2209 = arith.index_cast %add3A_2208 : i32 to index
      %swap3A_2210 = arith.constant 96 : index
      %swap3A_2211 = tpu.vector_load %arg7[%swap3A_2209, %swap3A_2210] {strides = array<i32>} : memref<416x128xf32, #tpu.memory_space<vmem>>, vector<1x16xf32>,
      %swap3A_2212 = vector.shape_cast %swap3A_2211 : vector<1x16xf32> to vector<16xf32>
      %swap3A_2213 = vector.shape_cast %get3A_2204 : vector<16xf32> to vector<1x16xf32>
      tpu.vector_store %arg7[%swap3A_2209, %swap3A_2210], %swap3A_2213 {strides = array<i32>} : memref<416x128xf32, #tpu.memory_space<vmem>>, vector<1x16xf32>,
      %get3A_2214 = arith.constant 55 : i32
      %get3A_2215 = arith.index_cast %get3A_2214 : i32 to index
      %get3A_2216 = arith.constant 0 : index
      %get3A_2217 = tpu.vector_load %arg6[%get3A_2215, %get3A_2216] {strides = array<i32>} : memref<64x16xf32, #tpu.memory_space<vmem>>, vector<1x16xf32>,
      %get3A_2218 = vector.shape_cast %get3A_2217 : vector<1x16xf32> to vector<16xf32>
      %mul3A_2219 = arith.constant 8 : i32
      %mul3A_2220 = arith.muli %add3A_13, %mul3A_2219 : i32
      %add3A_2221 = arith.constant 6 : i32
      %add3A_2222 = arith.addi %mul3A_2220, %add3A_2221 : i32
      %swap3A_2223 = arith.index_cast %add3A_2222 : i32 to index
      %swap3A_2224 = arith.constant 112 : index
      %swap3A_2225 = tpu.vector_load %arg7[%swap3A_2223, %swap3A_2224] {strides = array<i32>} : memref<416x128xf32, #tpu.memory_space<vmem>>, vector<1x16xf32>,
      %swap3A_2226 = vector.shape_cast %swap3A_2225 : vector<1x16xf32> to vector<16xf32>
      %swap3A_2227 = vector.shape_cast %get3A_2218 : vector<16xf32> to vector<1x16xf32>
      tpu.vector_store %arg7[%swap3A_2223, %swap3A_2224], %swap3A_2227 {strides = array<i32>} : memref<416x128xf32, #tpu.memory_space<vmem>>, vector<1x16xf32>,
      %get3A_2228 = arith.constant 56 : i32
      %get3A_2229 = arith.index_cast %get3A_2228 : i32 to index
      %get3A_2230 = arith.constant 0 : index
      %get3A_2231 = tpu.vector_load %arg6[%get3A_2229, %get3A_2230] {strides = array<i32>} : memref<64x16xf32, #tpu.memory_space<vmem>>, vector<1x16xf32>,
      %get3A_2232 = vector.shape_cast %get3A_2231 : vector<1x16xf32> to vector<16xf32>
      %mul3A_2233 = arith.constant 8 : i32
      %mul3A_2234 = arith.muli %add3A_13, %mul3A_2233 : i32
      %add3A_2235 = arith.constant 7 : i32
      %add3A_2236 = arith.addi %mul3A_2234, %add3A_2235 : i32
      %swap3A_2237 = arith.index_cast %add3A_2236 : i32 to index
      %swap3A_2238 = arith.constant 0 : index
      %swap3A_2239 = tpu.vector_load %arg7[%swap3A_2237, %swap3A_2238] {strides = array<i32>} : memref<416x128xf32, #tpu.memory_space<vmem>>, vector<1x16xf32>,
      %swap3A_2240 = vector.shape_cast %swap3A_2239 : vector<1x16xf32> to vector<16xf32>
      %swap3A_2241 = vector.shape_cast %get3A_2232 : vector<16xf32> to vector<1x16xf32>
      tpu.vector_store %arg7[%swap3A_2237, %swap3A_2238], %swap3A_2241 {strides = array<i32>} : memref<416x128xf32, #tpu.memory_space<vmem>>, vector<1x16xf32>,
      %get3A_2242 = arith.constant 57 : i32
      %get3A_2243 = arith.index_cast %get3A_2242 : i32 to index
      %get3A_2244 = arith.constant 0 : index
      %get3A_2245 = tpu.vector_load %arg6[%get3A_2243, %get3A_2244] {strides = array<i32>} : memref<64x16xf32, #tpu.memory_space<vmem>>, vector<1x16xf32>,
      %get3A_2246 = vector.shape_cast %get3A_2245 : vector<1x16xf32> to vector<16xf32>
      %mul3A_2247 = arith.constant 8 : i32
      %mul3A_2248 = arith.muli %add3A_13, %mul3A_2247 : i32
      %add3A_2249 = arith.constant 7 : i32
      %add3A_2250 = arith.addi %mul3A_2248, %add3A_2249 : i32
      %swap3A_2251 = arith.index_cast %add3A_2250 : i32 to index
      %swap3A_2252 = arith.constant 16 : index
      %swap3A_2253 = tpu.vector_load %arg7[%swap3A_2251, %swap3A_2252] {strides = array<i32>} : memref<416x128xf32, #tpu.memory_space<vmem>>, vector<1x16xf32>,
      %swap3A_2254 = vector.shape_cast %swap3A_2253 : vector<1x16xf32> to vector<16xf32>
      %swap3A_2255 = vector.shape_cast %get3A_2246 : vector<16xf32> to vector<1x16xf32>
      tpu.vector_store %arg7[%swap3A_2251, %swap3A_2252], %swap3A_2255 {strides = array<i32>} : memref<416x128xf32, #tpu.memory_space<vmem>>, vector<1x16xf32>,
      %get3A_2256 = arith.constant 58 : i32
      %get3A_2257 = arith.index_cast %get3A_2256 : i32 to index
      %get3A_2258 = arith.constant 0 : index
      %get3A_2259 = tpu.vector_load %arg6[%get3A_2257, %get3A_2258] {strides = array<i32>} : memref<64x16xf32, #tpu.memory_space<vmem>>, vector<1x16xf32>,
      %get3A_2260 = vector.shape_cast %get3A_2259 : vector<1x16xf32> to vector<16xf32>
      %mul3A_2261 = arith.constant 8 : i32
      %mul3A_2262 = arith.muli %add3A_13, %mul3A_2261 : i32
      %add3A_2263 = arith.constant 7 : i32
      %add3A_2264 = arith.addi %mul3A_2262, %add3A_2263 : i32
      %swap3A_2265 = arith.index_cast %add3A_2264 : i32 to index
      %swap3A_2266 = arith.constant 32 : index
      %swap3A_2267 = tpu.vector_load %arg7[%swap3A_2265, %swap3A_2266] {strides = array<i32>} : memref<416x128xf32, #tpu.memory_space<vmem>>, vector<1x16xf32>,
      %swap3A_2268 = vector.shape_cast %swap3A_2267 : vector<1x16xf32> to vector<16xf32>
      %swap3A_2269 = vector.shape_cast %get3A_2260 : vector<16xf32> to vector<1x16xf32>
      tpu.vector_store %arg7[%swap3A_2265, %swap3A_2266], %swap3A_2269 {strides = array<i32>} : memref<416x128xf32, #tpu.memory_space<vmem>>, vector<1x16xf32>,
      %get3A_2270 = arith.constant 59 : i32
      %get3A_2271 = arith.index_cast %get3A_2270 : i32 to index
      %get3A_2272 = arith.constant 0 : index
      %get3A_2273 = tpu.vector_load %arg6[%get3A_2271, %get3A_2272] {strides = array<i32>} : memref<64x16xf32, #tpu.memory_space<vmem>>, vector<1x16xf32>,
      %get3A_2274 = vector.shape_cast %get3A_2273 : vector<1x16xf32> to vector<16xf32>
      %mul3A_2275 = arith.constant 8 : i32
      %mul3A_2276 = arith.muli %add3A_13, %mul3A_2275 : i32
      %add3A_2277 = arith.constant 7 : i32
      %add3A_2278 = arith.addi %mul3A_2276, %add3A_2277 : i32
      %swap3A_2279 = arith.index_cast %add3A_2278 : i32 to index
      %swap3A_2280 = arith.constant 48 : index
      %swap3A_2281 = tpu.vector_load %arg7[%swap3A_2279, %swap3A_2280] {strides = array<i32>} : memref<416x128xf32, #tpu.memory_space<vmem>>, vector<1x16xf32>,
      %swap3A_2282 = vector.shape_cast %swap3A_2281 : vector<1x16xf32> to vector<16xf32>
      %swap3A_2283 = vector.shape_cast %get3A_2274 : vector<16xf32> to vector<1x16xf32>
      tpu.vector_store %arg7[%swap3A_2279, %swap3A_2280], %swap3A_2283 {strides = array<i32>} : memref<416x128xf32, #tpu.memory_space<vmem>>, vector<1x16xf32>,
      %get3A_2284 = arith.constant 60 : i32
      %get3A_2285 = arith.index_cast %get3A_2284 : i32 to index
      %get3A_2286 = arith.constant 0 : index
      %get3A_2287 = tpu.vector_load %arg6[%get3A_2285, %get3A_2286] {strides = array<i32>} : memref<64x16xf32, #tpu.memory_space<vmem>>, vector<1x16xf32>,
      %get3A_2288 = vector.shape_cast %get3A_2287 : vector<1x16xf32> to vector<16xf32>
      %mul3A_2289 = arith.constant 8 : i32
      %mul3A_2290 = arith.muli %add3A_13, %mul3A_2289 : i32
      %add3A_2291 = arith.constant 7 : i32
      %add3A_2292 = arith.addi %mul3A_2290, %add3A_2291 : i32
      %swap3A_2293 = arith.index_cast %add3A_2292 : i32 to index
      %swap3A_2294 = arith.constant 64 : index
      %swap3A_2295 = tpu.vector_load %arg7[%swap3A_2293, %swap3A_2294] {strides = array<i32>} : memref<416x128xf32, #tpu.memory_space<vmem>>, vector<1x16xf32>,
      %swap3A_2296 = vector.shape_cast %swap3A_2295 : vector<1x16xf32> to vector<16xf32>
      %swap3A_2297 = vector.shape_cast %get3A_2288 : vector<16xf32> to vector<1x16xf32>
      tpu.vector_store %arg7[%swap3A_2293, %swap3A_2294], %swap3A_2297 {strides = array<i32>} : memref<416x128xf32, #tpu.memory_space<vmem>>, vector<1x16xf32>,
      %get3A_2298 = arith.constant 61 : i32
      %get3A_2299 = arith.index_cast %get3A_2298 : i32 to index
      %get3A_2300 = arith.constant 0 : index
      %get3A_2301 = tpu.vector_load %arg6[%get3A_2299, %get3A_2300] {strides = array<i32>} : memref<64x16xf32, #tpu.memory_space<vmem>>, vector<1x16xf32>,
      %get3A_2302 = vector.shape_cast %get3A_2301 : vector<1x16xf32> to vector<16xf32>
      %mul3A_2303 = arith.constant 8 : i32
      %mul3A_2304 = arith.muli %add3A_13, %mul3A_2303 : i32
      %add3A_2305 = arith.constant 7 : i32
      %add3A_2306 = arith.addi %mul3A_2304, %add3A_2305 : i32
      %swap3A_2307 = arith.index_cast %add3A_2306 : i32 to index
      %swap3A_2308 = arith.constant 80 : index
      %swap3A_2309 = tpu.vector_load %arg7[%swap3A_2307, %swap3A_2308] {strides = array<i32>} : memref<416x128xf32, #tpu.memory_space<vmem>>, vector<1x16xf32>,
      %swap3A_2310 = vector.shape_cast %swap3A_2309 : vector<1x16xf32> to vector<16xf32>
      %swap3A_2311 = vector.shape_cast %get3A_2302 : vector<16xf32> to vector<1x16xf32>
      tpu.vector_store %arg7[%swap3A_2307, %swap3A_2308], %swap3A_2311 {strides = array<i32>} : memref<416x128xf32, #tpu.memory_space<vmem>>, vector<1x16xf32>,
      %get3A_2312 = arith.constant 62 : i32
      %get3A_2313 = arith.index_cast %get3A_2312 : i32 to index
      %get3A_2314 = arith.constant 0 : index
      %get3A_2315 = tpu.vector_load %arg6[%get3A_2313, %get3A_2314] {strides = array<i32>} : memref<64x16xf32, #tpu.memory_space<vmem>>, vector<1x16xf32>,
      %get3A_2316 = vector.shape_cast %get3A_2315 : vector<1x16xf32> to vector<16xf32>
      %mul3A_2317 = arith.constant 8 : i32
      %mul3A_2318 = arith.muli %add3A_13, %mul3A_2317 : i32
      %add3A_2319 = arith.constant 7 : i32
      %add3A_2320 = arith.addi %mul3A_2318, %add3A_2319 : i32
      %swap3A_2321 = arith.index_cast %add3A_2320 : i32 to index
      %swap3A_2322 = arith.constant 96 : index
      %swap3A_2323 = tpu.vector_load %arg7[%swap3A_2321, %swap3A_2322] {strides = array<i32>} : memref<416x128xf32, #tpu.memory_space<vmem>>, vector<1x16xf32>,
      %swap3A_2324 = vector.shape_cast %swap3A_2323 : vector<1x16xf32> to vector<16xf32>
      %swap3A_2325 = vector.shape_cast %get3A_2316 : vector<16xf32> to vector<1x16xf32>
      tpu.vector_store %arg7[%swap3A_2321, %swap3A_2322], %swap3A_2325 {strides = array<i32>} : memref<416x128xf32, #tpu.memory_space<vmem>>, vector<1x16xf32>,
      %get3A_2326 = arith.constant 63 : i32
      %get3A_2327 = arith.index_cast %get3A_2326 : i32 to index
      %get3A_2328 = arith.constant 0 : index
      %get3A_2329 = tpu.vector_load %arg6[%get3A_2327, %get3A_2328] {strides = array<i32>} : memref<64x16xf32, #tpu.memory_space<vmem>>, vector<1x16xf32>,
      %get3A_2330 = vector.shape_cast %get3A_2329 : vector<1x16xf32> to vector<16xf32>
      %mul3A_2331 = arith.constant 8 : i32
      %mul3A_2332 = arith.muli %add3A_13, %mul3A_2331 : i32
      %add3A_2333 = arith.constant 7 : i32
      %add3A_2334 = arith.addi %mul3A_2332, %add3A_2333 : i32
      %swap3A_2335 = arith.index_cast %add3A_2334 : i32 to index
      %swap3A_2336 = arith.constant 112 : index
      %swap3A_2337 = tpu.vector_load %arg7[%swap3A_2335, %swap3A_2336] {strides = array<i32>} : memref<416x128xf32, #tpu.memory_space<vmem>>, vector<1x16xf32>,
      %swap3A_2338 = vector.shape_cast %swap3A_2337 : vector<1x16xf32> to vector<16xf32>
      %swap3A_2339 = vector.shape_cast %get3A_2330 : vector<16xf32> to vector<1x16xf32>
      tpu.vector_store %arg7[%swap3A_2335, %swap3A_2336], %swap3A_2339 {strides = array<i32>} : memref<416x128xf32, #tpu.memory_space<vmem>>, vector<1x16xf32>,
    }
    %scan3A_6 = arith.constant 52 : i32
    %mul3A_7 = arith.constant 416 : i32
    %mul3A_8 = arith.muli %add3A, %mul3A_7 : i32
    "tpu.region"() ({
      %run_scoped3A = tpu.sem_alloc : memref<!tpu.dma_semaphore, #tpu.memory_space<semaphore_mem>>
      %dma_start3A = arith.constant 0 : i32
      %dma_start3A_9 = tpu.memref_slice %arg4[%mul3A_8, %dma_start3A] : memref<13312x128xf32, #tpu.memory_space<hbm>> -> memref<416x128xf32, #tpu.memory_space<hbm>>
      %dma_start3A_10 = arith.constant 0 : i32
      %dma_start3A_11 = tpu.memref_slice %arg4[%mul3A_8, %dma_start3A_10] : memref<13312x128xf32, #tpu.memory_space<hbm>> -> memref<416x128xf32, #tpu.memory_space<hbm>>
      tpu.enqueue_dma source(%arg7 : memref<416x128xf32, #tpu.memory_space<vmem>>) target(%dma_start3A_11 : memref<416x128xf32, #tpu.memory_space<hbm>>) target_semaphore(%run_scoped3A : memref<!tpu.dma_semaphore, #tpu.memory_space<semaphore_mem>>)
      %dma_wait3A = arith.constant 0 : i32
      %dma_wait3A_12 = tpu.memref_slice %arg4[%mul3A_8, %dma_wait3A] : memref<13312x128xf32, #tpu.memory_space<hbm>> -> memref<416x128xf32, #tpu.memory_space<hbm>>
      %dma_wait3A_13 = arith.constant 0 : i32
      %dma_wait3A_14 = tpu.memref_slice %arg4[%mul3A_8, %dma_wait3A_13] : memref<13312x128xf32, #tpu.memory_space<hbm>> -> memref<416x128xf32, #tpu.memory_space<hbm>>
      tpu.wait_dma2 semaphore(%run_scoped3A : memref<!tpu.dma_semaphore, #tpu.memory_space<semaphore_mem>>) src(%arg7 : memref<416x128xf32, #tpu.memory_space<vmem>>) dst(%dma_wait3A_14 : memref<416x128xf32, #tpu.memory_space<hbm>>)
      tpu.yield
    }) : () -> ()
    return
  }
}

module attributes {stable_mosaic.version = 14 : i64} {
  func.func @_dense_body(%arg0: i32, %arg1: memref<26x32x128xf32, #tpu.memory_space<vmem>>, %arg2: memref<26x32x8xf32, #tpu.memory_space<vmem>>, %arg3: memref<128x256xf32, #tpu.memory_space<vmem>>, %arg4: memref<1x256xf32, #tpu.memory_space<vmem>>, %arg5: memref<256x8xf32, #tpu.memory_space<vmem>>, %arg6: memref<8x128xf32, #tpu.memory_space<vmem>>, %arg7: memref<128x8xf32, #tpu.memory_space<vmem>>, %arg8: memref<1xf32, #tpu.memory_space<smem>>, %arg9: memref<32x8xf32, #tpu.memory_space<vmem>>) attributes {dimension_semantics = [#tpu.dimension_semantics<arbitrary>], iteration_bounds = array<i64: 16>, scalar_prefetch = 0 : i64, scratch_operands = 0 : i64, tpu.core_type = #tpu.core_type<tc>, window_params = [{transform_indices = @transform_0, window_bounds = array<i64: 26, 32, 128>}, {transform_indices = @transform_1, window_bounds = array<i64: 26, 32, 8>}, {pipeline_mode = #tpu.pipeline_mode<synchronous>, transform_indices = @transform_2, window_bounds = array<i64: 128, 256>}, {pipeline_mode = #tpu.pipeline_mode<synchronous>, transform_indices = @transform_3, window_bounds = array<i64: 1, 256>}, {pipeline_mode = #tpu.pipeline_mode<synchronous>, transform_indices = @transform_4, window_bounds = array<i64: 256, 8>}, {pipeline_mode = #tpu.pipeline_mode<synchronous>, transform_indices = @transform_5, window_bounds = array<i64: 8, 128>}, {pipeline_mode = #tpu.pipeline_mode<synchronous>, transform_indices = @transform_6, window_bounds = array<i64: 128, 8>}, {transform_indices = @transform_7, window_bounds = array<i64: 1>}, {transform_indices = @transform_8, window_bounds = array<i64: 32, 8>}]} {
    %get3A = arith.constant 0 : index
    %get3A_0 = arith.constant 0 : index
    %get3A_1 = arith.constant 0 : index
    %get3A_2 = vector.load %arg1[%get3A, %get3A_0, %get3A_1] : memref<26x32x128xf32, #tpu.memory_space<vmem>>, vector<26x32x128xf32>
    %slice3A = vector.extract_strided_slice %get3A_2 {offsets = [0, 0, 0], sizes = [1, 32, 128], strides = [1, 1, 1]} : vector<26x32x128xf32> to vector<1x32x128xf32>
    %squeeze3A = vector.shape_cast %slice3A : vector<1x32x128xf32> to vector<32x128xf32>
    %slice3A_3 = vector.extract_strided_slice %get3A_2 {offsets = [1, 0, 0], sizes = [25, 32, 128], strides = [1, 1, 1]} : vector<26x32x128xf32> to vector<25x32x128xf32>
    %broadcast_in_dim3A = vector.shape_cast %squeeze3A : vector<32x128xf32> to vector<1x32x128xf32>
    %broadcast_in_dim3A_4 = vector.shape_cast %broadcast_in_dim3A : vector<1x32x128xf32> to vector<1x32x128xf32>
    %broadcast_in_dim3A_5 = vector.broadcast %broadcast_in_dim3A_4 : vector<1x32x128xf32> to vector<25x32x128xf32>
    %mul3A = arith.mulf %broadcast_in_dim3A_5, %slice3A_3 : vector<25x32x128xf32>
    %reshape3A = vector.shape_cast %mul3A : vector<25x32x128xf32> to vector<800x128xf32>
    %slice3A_6 = vector.extract_strided_slice %get3A_2 {offsets = [1, 0, 0], sizes = [1, 32, 128], strides = [1, 1, 1]} : vector<26x32x128xf32> to vector<1x32x128xf32>
    %squeeze3A_7 = vector.shape_cast %slice3A_6 : vector<1x32x128xf32> to vector<32x128xf32>
    %slice3A_8 = vector.extract_strided_slice %get3A_2 {offsets = [2, 0, 0], sizes = [24, 32, 128], strides = [1, 1, 1]} : vector<26x32x128xf32> to vector<24x32x128xf32>
    %broadcast_in_dim3A_9 = vector.shape_cast %squeeze3A_7 : vector<32x128xf32> to vector<1x32x128xf32>
    %broadcast_in_dim3A_10 = vector.shape_cast %broadcast_in_dim3A_9 : vector<1x32x128xf32> to vector<1x32x128xf32>
    %broadcast_in_dim3A_11 = vector.broadcast %broadcast_in_dim3A_10 : vector<1x32x128xf32> to vector<24x32x128xf32>
    %mul3A_12 = arith.mulf %broadcast_in_dim3A_11, %slice3A_8 : vector<24x32x128xf32>
    %reshape3A_13 = vector.shape_cast %mul3A_12 : vector<24x32x128xf32> to vector<768x128xf32>
    %slice3A_14 = vector.extract_strided_slice %get3A_2 {offsets = [2, 0, 0], sizes = [1, 32, 128], strides = [1, 1, 1]} : vector<26x32x128xf32> to vector<1x32x128xf32>
    %squeeze3A_15 = vector.shape_cast %slice3A_14 : vector<1x32x128xf32> to vector<32x128xf32>
    %slice3A_16 = vector.extract_strided_slice %get3A_2 {offsets = [3, 0, 0], sizes = [23, 32, 128], strides = [1, 1, 1]} : vector<26x32x128xf32> to vector<23x32x128xf32>
    %broadcast_in_dim3A_17 = vector.shape_cast %squeeze3A_15 : vector<32x128xf32> to vector<1x32x128xf32>
    %broadcast_in_dim3A_18 = vector.shape_cast %broadcast_in_dim3A_17 : vector<1x32x128xf32> to vector<1x32x128xf32>
    %broadcast_in_dim3A_19 = vector.broadcast %broadcast_in_dim3A_18 : vector<1x32x128xf32> to vector<23x32x128xf32>
    %mul3A_20 = arith.mulf %broadcast_in_dim3A_19, %slice3A_16 : vector<23x32x128xf32>
    %reshape3A_21 = vector.shape_cast %mul3A_20 : vector<23x32x128xf32> to vector<736x128xf32>
    %slice3A_22 = vector.extract_strided_slice %get3A_2 {offsets = [3, 0, 0], sizes = [1, 32, 128], strides = [1, 1, 1]} : vector<26x32x128xf32> to vector<1x32x128xf32>
    %squeeze3A_23 = vector.shape_cast %slice3A_22 : vector<1x32x128xf32> to vector<32x128xf32>
    %slice3A_24 = vector.extract_strided_slice %get3A_2 {offsets = [4, 0, 0], sizes = [22, 32, 128], strides = [1, 1, 1]} : vector<26x32x128xf32> to vector<22x32x128xf32>
    %broadcast_in_dim3A_25 = vector.shape_cast %squeeze3A_23 : vector<32x128xf32> to vector<1x32x128xf32>
    %broadcast_in_dim3A_26 = vector.shape_cast %broadcast_in_dim3A_25 : vector<1x32x128xf32> to vector<1x32x128xf32>
    %broadcast_in_dim3A_27 = vector.broadcast %broadcast_in_dim3A_26 : vector<1x32x128xf32> to vector<22x32x128xf32>
    %mul3A_28 = arith.mulf %broadcast_in_dim3A_27, %slice3A_24 : vector<22x32x128xf32>
    %reshape3A_29 = vector.shape_cast %mul3A_28 : vector<22x32x128xf32> to vector<704x128xf32>
    %slice3A_30 = vector.extract_strided_slice %get3A_2 {offsets = [4, 0, 0], sizes = [1, 32, 128], strides = [1, 1, 1]} : vector<26x32x128xf32> to vector<1x32x128xf32>
    %squeeze3A_31 = vector.shape_cast %slice3A_30 : vector<1x32x128xf32> to vector<32x128xf32>
    %slice3A_32 = vector.extract_strided_slice %get3A_2 {offsets = [5, 0, 0], sizes = [21, 32, 128], strides = [1, 1, 1]} : vector<26x32x128xf32> to vector<21x32x128xf32>
    %broadcast_in_dim3A_33 = vector.shape_cast %squeeze3A_31 : vector<32x128xf32> to vector<1x32x128xf32>
    %broadcast_in_dim3A_34 = vector.shape_cast %broadcast_in_dim3A_33 : vector<1x32x128xf32> to vector<1x32x128xf32>
    %broadcast_in_dim3A_35 = vector.broadcast %broadcast_in_dim3A_34 : vector<1x32x128xf32> to vector<21x32x128xf32>
    %mul3A_36 = arith.mulf %broadcast_in_dim3A_35, %slice3A_32 : vector<21x32x128xf32>
    %reshape3A_37 = vector.shape_cast %mul3A_36 : vector<21x32x128xf32> to vector<672x128xf32>
    %slice3A_38 = vector.extract_strided_slice %get3A_2 {offsets = [5, 0, 0], sizes = [1, 32, 128], strides = [1, 1, 1]} : vector<26x32x128xf32> to vector<1x32x128xf32>
    %squeeze3A_39 = vector.shape_cast %slice3A_38 : vector<1x32x128xf32> to vector<32x128xf32>
    %slice3A_40 = vector.extract_strided_slice %get3A_2 {offsets = [6, 0, 0], sizes = [20, 32, 128], strides = [1, 1, 1]} : vector<26x32x128xf32> to vector<20x32x128xf32>
    %broadcast_in_dim3A_41 = vector.shape_cast %squeeze3A_39 : vector<32x128xf32> to vector<1x32x128xf32>
    %broadcast_in_dim3A_42 = vector.shape_cast %broadcast_in_dim3A_41 : vector<1x32x128xf32> to vector<1x32x128xf32>
    %broadcast_in_dim3A_43 = vector.broadcast %broadcast_in_dim3A_42 : vector<1x32x128xf32> to vector<20x32x128xf32>
    %mul3A_44 = arith.mulf %broadcast_in_dim3A_43, %slice3A_40 : vector<20x32x128xf32>
    %reshape3A_45 = vector.shape_cast %mul3A_44 : vector<20x32x128xf32> to vector<640x128xf32>
    %slice3A_46 = vector.extract_strided_slice %get3A_2 {offsets = [6, 0, 0], sizes = [1, 32, 128], strides = [1, 1, 1]} : vector<26x32x128xf32> to vector<1x32x128xf32>
    %squeeze3A_47 = vector.shape_cast %slice3A_46 : vector<1x32x128xf32> to vector<32x128xf32>
    %slice3A_48 = vector.extract_strided_slice %get3A_2 {offsets = [7, 0, 0], sizes = [19, 32, 128], strides = [1, 1, 1]} : vector<26x32x128xf32> to vector<19x32x128xf32>
    %broadcast_in_dim3A_49 = vector.shape_cast %squeeze3A_47 : vector<32x128xf32> to vector<1x32x128xf32>
    %broadcast_in_dim3A_50 = vector.shape_cast %broadcast_in_dim3A_49 : vector<1x32x128xf32> to vector<1x32x128xf32>
    %broadcast_in_dim3A_51 = vector.broadcast %broadcast_in_dim3A_50 : vector<1x32x128xf32> to vector<19x32x128xf32>
    %mul3A_52 = arith.mulf %broadcast_in_dim3A_51, %slice3A_48 : vector<19x32x128xf32>
    %reshape3A_53 = vector.shape_cast %mul3A_52 : vector<19x32x128xf32> to vector<608x128xf32>
    %slice3A_54 = vector.extract_strided_slice %get3A_2 {offsets = [7, 0, 0], sizes = [1, 32, 128], strides = [1, 1, 1]} : vector<26x32x128xf32> to vector<1x32x128xf32>
    %squeeze3A_55 = vector.shape_cast %slice3A_54 : vector<1x32x128xf32> to vector<32x128xf32>
    %slice3A_56 = vector.extract_strided_slice %get3A_2 {offsets = [8, 0, 0], sizes = [18, 32, 128], strides = [1, 1, 1]} : vector<26x32x128xf32> to vector<18x32x128xf32>
    %broadcast_in_dim3A_57 = vector.shape_cast %squeeze3A_55 : vector<32x128xf32> to vector<1x32x128xf32>
    %broadcast_in_dim3A_58 = vector.shape_cast %broadcast_in_dim3A_57 : vector<1x32x128xf32> to vector<1x32x128xf32>
    %broadcast_in_dim3A_59 = vector.broadcast %broadcast_in_dim3A_58 : vector<1x32x128xf32> to vector<18x32x128xf32>
    %mul3A_60 = arith.mulf %broadcast_in_dim3A_59, %slice3A_56 : vector<18x32x128xf32>
    %reshape3A_61 = vector.shape_cast %mul3A_60 : vector<18x32x128xf32> to vector<576x128xf32>
    %slice3A_62 = vector.extract_strided_slice %get3A_2 {offsets = [8, 0, 0], sizes = [1, 32, 128], strides = [1, 1, 1]} : vector<26x32x128xf32> to vector<1x32x128xf32>
    %squeeze3A_63 = vector.shape_cast %slice3A_62 : vector<1x32x128xf32> to vector<32x128xf32>
    %slice3A_64 = vector.extract_strided_slice %get3A_2 {offsets = [9, 0, 0], sizes = [17, 32, 128], strides = [1, 1, 1]} : vector<26x32x128xf32> to vector<17x32x128xf32>
    %broadcast_in_dim3A_65 = vector.shape_cast %squeeze3A_63 : vector<32x128xf32> to vector<1x32x128xf32>
    %broadcast_in_dim3A_66 = vector.shape_cast %broadcast_in_dim3A_65 : vector<1x32x128xf32> to vector<1x32x128xf32>
    %broadcast_in_dim3A_67 = vector.broadcast %broadcast_in_dim3A_66 : vector<1x32x128xf32> to vector<17x32x128xf32>
    %mul3A_68 = arith.mulf %broadcast_in_dim3A_67, %slice3A_64 : vector<17x32x128xf32>
    %reshape3A_69 = vector.shape_cast %mul3A_68 : vector<17x32x128xf32> to vector<544x128xf32>
    %slice3A_70 = vector.extract_strided_slice %get3A_2 {offsets = [9, 0, 0], sizes = [1, 32, 128], strides = [1, 1, 1]} : vector<26x32x128xf32> to vector<1x32x128xf32>
    %squeeze3A_71 = vector.shape_cast %slice3A_70 : vector<1x32x128xf32> to vector<32x128xf32>
    %slice3A_72 = vector.extract_strided_slice %get3A_2 {offsets = [10, 0, 0], sizes = [16, 32, 128], strides = [1, 1, 1]} : vector<26x32x128xf32> to vector<16x32x128xf32>
    %broadcast_in_dim3A_73 = vector.shape_cast %squeeze3A_71 : vector<32x128xf32> to vector<1x32x128xf32>
    %broadcast_in_dim3A_74 = vector.shape_cast %broadcast_in_dim3A_73 : vector<1x32x128xf32> to vector<1x32x128xf32>
    %broadcast_in_dim3A_75 = vector.broadcast %broadcast_in_dim3A_74 : vector<1x32x128xf32> to vector<16x32x128xf32>
    %mul3A_76 = arith.mulf %broadcast_in_dim3A_75, %slice3A_72 : vector<16x32x128xf32>
    %reshape3A_77 = vector.shape_cast %mul3A_76 : vector<16x32x128xf32> to vector<512x128xf32>
    %slice3A_78 = vector.extract_strided_slice %get3A_2 {offsets = [10, 0, 0], sizes = [1, 32, 128], strides = [1, 1, 1]} : vector<26x32x128xf32> to vector<1x32x128xf32>
    %squeeze3A_79 = vector.shape_cast %slice3A_78 : vector<1x32x128xf32> to vector<32x128xf32>
    %slice3A_80 = vector.extract_strided_slice %get3A_2 {offsets = [11, 0, 0], sizes = [15, 32, 128], strides = [1, 1, 1]} : vector<26x32x128xf32> to vector<15x32x128xf32>
    %broadcast_in_dim3A_81 = vector.shape_cast %squeeze3A_79 : vector<32x128xf32> to vector<1x32x128xf32>
    %broadcast_in_dim3A_82 = vector.shape_cast %broadcast_in_dim3A_81 : vector<1x32x128xf32> to vector<1x32x128xf32>
    %broadcast_in_dim3A_83 = vector.broadcast %broadcast_in_dim3A_82 : vector<1x32x128xf32> to vector<15x32x128xf32>
    %mul3A_84 = arith.mulf %broadcast_in_dim3A_83, %slice3A_80 : vector<15x32x128xf32>
    %reshape3A_85 = vector.shape_cast %mul3A_84 : vector<15x32x128xf32> to vector<480x128xf32>
    %slice3A_86 = vector.extract_strided_slice %get3A_2 {offsets = [11, 0, 0], sizes = [1, 32, 128], strides = [1, 1, 1]} : vector<26x32x128xf32> to vector<1x32x128xf32>
    %squeeze3A_87 = vector.shape_cast %slice3A_86 : vector<1x32x128xf32> to vector<32x128xf32>
    %slice3A_88 = vector.extract_strided_slice %get3A_2 {offsets = [12, 0, 0], sizes = [14, 32, 128], strides = [1, 1, 1]} : vector<26x32x128xf32> to vector<14x32x128xf32>
    %broadcast_in_dim3A_89 = vector.shape_cast %squeeze3A_87 : vector<32x128xf32> to vector<1x32x128xf32>
    %broadcast_in_dim3A_90 = vector.shape_cast %broadcast_in_dim3A_89 : vector<1x32x128xf32> to vector<1x32x128xf32>
    %broadcast_in_dim3A_91 = vector.broadcast %broadcast_in_dim3A_90 : vector<1x32x128xf32> to vector<14x32x128xf32>
    %mul3A_92 = arith.mulf %broadcast_in_dim3A_91, %slice3A_88 : vector<14x32x128xf32>
    %reshape3A_93 = vector.shape_cast %mul3A_92 : vector<14x32x128xf32> to vector<448x128xf32>
    %slice3A_94 = vector.extract_strided_slice %get3A_2 {offsets = [12, 0, 0], sizes = [1, 32, 128], strides = [1, 1, 1]} : vector<26x32x128xf32> to vector<1x32x128xf32>
    %squeeze3A_95 = vector.shape_cast %slice3A_94 : vector<1x32x128xf32> to vector<32x128xf32>
    %slice3A_96 = vector.extract_strided_slice %get3A_2 {offsets = [13, 0, 0], sizes = [13, 32, 128], strides = [1, 1, 1]} : vector<26x32x128xf32> to vector<13x32x128xf32>
    %broadcast_in_dim3A_97 = vector.shape_cast %squeeze3A_95 : vector<32x128xf32> to vector<1x32x128xf32>
    %broadcast_in_dim3A_98 = vector.shape_cast %broadcast_in_dim3A_97 : vector<1x32x128xf32> to vector<1x32x128xf32>
    %broadcast_in_dim3A_99 = vector.broadcast %broadcast_in_dim3A_98 : vector<1x32x128xf32> to vector<13x32x128xf32>
    %mul3A_100 = arith.mulf %broadcast_in_dim3A_99, %slice3A_96 : vector<13x32x128xf32>
    %reshape3A_101 = vector.shape_cast %mul3A_100 : vector<13x32x128xf32> to vector<416x128xf32>
    %slice3A_102 = vector.extract_strided_slice %get3A_2 {offsets = [13, 0, 0], sizes = [1, 32, 128], strides = [1, 1, 1]} : vector<26x32x128xf32> to vector<1x32x128xf32>
    %squeeze3A_103 = vector.shape_cast %slice3A_102 : vector<1x32x128xf32> to vector<32x128xf32>
    %slice3A_104 = vector.extract_strided_slice %get3A_2 {offsets = [14, 0, 0], sizes = [12, 32, 128], strides = [1, 1, 1]} : vector<26x32x128xf32> to vector<12x32x128xf32>
    %broadcast_in_dim3A_105 = vector.shape_cast %squeeze3A_103 : vector<32x128xf32> to vector<1x32x128xf32>
    %broadcast_in_dim3A_106 = vector.shape_cast %broadcast_in_dim3A_105 : vector<1x32x128xf32> to vector<1x32x128xf32>
    %broadcast_in_dim3A_107 = vector.broadcast %broadcast_in_dim3A_106 : vector<1x32x128xf32> to vector<12x32x128xf32>
    %mul3A_108 = arith.mulf %broadcast_in_dim3A_107, %slice3A_104 : vector<12x32x128xf32>
    %reshape3A_109 = vector.shape_cast %mul3A_108 : vector<12x32x128xf32> to vector<384x128xf32>
    %slice3A_110 = vector.extract_strided_slice %get3A_2 {offsets = [14, 0, 0], sizes = [1, 32, 128], strides = [1, 1, 1]} : vector<26x32x128xf32> to vector<1x32x128xf32>
    %squeeze3A_111 = vector.shape_cast %slice3A_110 : vector<1x32x128xf32> to vector<32x128xf32>
    %slice3A_112 = vector.extract_strided_slice %get3A_2 {offsets = [15, 0, 0], sizes = [11, 32, 128], strides = [1, 1, 1]} : vector<26x32x128xf32> to vector<11x32x128xf32>
    %broadcast_in_dim3A_113 = vector.shape_cast %squeeze3A_111 : vector<32x128xf32> to vector<1x32x128xf32>
    %broadcast_in_dim3A_114 = vector.shape_cast %broadcast_in_dim3A_113 : vector<1x32x128xf32> to vector<1x32x128xf32>
    %broadcast_in_dim3A_115 = vector.broadcast %broadcast_in_dim3A_114 : vector<1x32x128xf32> to vector<11x32x128xf32>
    %mul3A_116 = arith.mulf %broadcast_in_dim3A_115, %slice3A_112 : vector<11x32x128xf32>
    %reshape3A_117 = vector.shape_cast %mul3A_116 : vector<11x32x128xf32> to vector<352x128xf32>
    %slice3A_118 = vector.extract_strided_slice %get3A_2 {offsets = [15, 0, 0], sizes = [1, 32, 128], strides = [1, 1, 1]} : vector<26x32x128xf32> to vector<1x32x128xf32>
    %squeeze3A_119 = vector.shape_cast %slice3A_118 : vector<1x32x128xf32> to vector<32x128xf32>
    %slice3A_120 = vector.extract_strided_slice %get3A_2 {offsets = [16, 0, 0], sizes = [10, 32, 128], strides = [1, 1, 1]} : vector<26x32x128xf32> to vector<10x32x128xf32>
    %broadcast_in_dim3A_121 = vector.shape_cast %squeeze3A_119 : vector<32x128xf32> to vector<1x32x128xf32>
    %broadcast_in_dim3A_122 = vector.shape_cast %broadcast_in_dim3A_121 : vector<1x32x128xf32> to vector<1x32x128xf32>
    %broadcast_in_dim3A_123 = vector.broadcast %broadcast_in_dim3A_122 : vector<1x32x128xf32> to vector<10x32x128xf32>
    %mul3A_124 = arith.mulf %broadcast_in_dim3A_123, %slice3A_120 : vector<10x32x128xf32>
    %reshape3A_125 = vector.shape_cast %mul3A_124 : vector<10x32x128xf32> to vector<320x128xf32>
    %slice3A_126 = vector.extract_strided_slice %get3A_2 {offsets = [16, 0, 0], sizes = [1, 32, 128], strides = [1, 1, 1]} : vector<26x32x128xf32> to vector<1x32x128xf32>
    %squeeze3A_127 = vector.shape_cast %slice3A_126 : vector<1x32x128xf32> to vector<32x128xf32>
    %slice3A_128 = vector.extract_strided_slice %get3A_2 {offsets = [17, 0, 0], sizes = [9, 32, 128], strides = [1, 1, 1]} : vector<26x32x128xf32> to vector<9x32x128xf32>
    %broadcast_in_dim3A_129 = vector.shape_cast %squeeze3A_127 : vector<32x128xf32> to vector<1x32x128xf32>
    %broadcast_in_dim3A_130 = vector.shape_cast %broadcast_in_dim3A_129 : vector<1x32x128xf32> to vector<1x32x128xf32>
    %broadcast_in_dim3A_131 = vector.broadcast %broadcast_in_dim3A_130 : vector<1x32x128xf32> to vector<9x32x128xf32>
    %mul3A_132 = arith.mulf %broadcast_in_dim3A_131, %slice3A_128 : vector<9x32x128xf32>
    %reshape3A_133 = vector.shape_cast %mul3A_132 : vector<9x32x128xf32> to vector<288x128xf32>
    %slice3A_134 = vector.extract_strided_slice %get3A_2 {offsets = [17, 0, 0], sizes = [1, 32, 128], strides = [1, 1, 1]} : vector<26x32x128xf32> to vector<1x32x128xf32>
    %squeeze3A_135 = vector.shape_cast %slice3A_134 : vector<1x32x128xf32> to vector<32x128xf32>
    %slice3A_136 = vector.extract_strided_slice %get3A_2 {offsets = [18, 0, 0], sizes = [8, 32, 128], strides = [1, 1, 1]} : vector<26x32x128xf32> to vector<8x32x128xf32>
    %broadcast_in_dim3A_137 = vector.shape_cast %squeeze3A_135 : vector<32x128xf32> to vector<1x32x128xf32>
    %broadcast_in_dim3A_138 = vector.shape_cast %broadcast_in_dim3A_137 : vector<1x32x128xf32> to vector<1x32x128xf32>
    %broadcast_in_dim3A_139 = vector.broadcast %broadcast_in_dim3A_138 : vector<1x32x128xf32> to vector<8x32x128xf32>
    %mul3A_140 = arith.mulf %broadcast_in_dim3A_139, %slice3A_136 : vector<8x32x128xf32>
    %reshape3A_141 = vector.shape_cast %mul3A_140 : vector<8x32x128xf32> to vector<256x128xf32>
    %slice3A_142 = vector.extract_strided_slice %get3A_2 {offsets = [18, 0, 0], sizes = [1, 32, 128], strides = [1, 1, 1]} : vector<26x32x128xf32> to vector<1x32x128xf32>
    %squeeze3A_143 = vector.shape_cast %slice3A_142 : vector<1x32x128xf32> to vector<32x128xf32>
    %slice3A_144 = vector.extract_strided_slice %get3A_2 {offsets = [19, 0, 0], sizes = [7, 32, 128], strides = [1, 1, 1]} : vector<26x32x128xf32> to vector<7x32x128xf32>
    %broadcast_in_dim3A_145 = vector.shape_cast %squeeze3A_143 : vector<32x128xf32> to vector<1x32x128xf32>
    %broadcast_in_dim3A_146 = vector.shape_cast %broadcast_in_dim3A_145 : vector<1x32x128xf32> to vector<1x32x128xf32>
    %broadcast_in_dim3A_147 = vector.broadcast %broadcast_in_dim3A_146 : vector<1x32x128xf32> to vector<7x32x128xf32>
    %mul3A_148 = arith.mulf %broadcast_in_dim3A_147, %slice3A_144 : vector<7x32x128xf32>
    %reshape3A_149 = vector.shape_cast %mul3A_148 : vector<7x32x128xf32> to vector<224x128xf32>
    %slice3A_150 = vector.extract_strided_slice %get3A_2 {offsets = [19, 0, 0], sizes = [1, 32, 128], strides = [1, 1, 1]} : vector<26x32x128xf32> to vector<1x32x128xf32>
    %squeeze3A_151 = vector.shape_cast %slice3A_150 : vector<1x32x128xf32> to vector<32x128xf32>
    %slice3A_152 = vector.extract_strided_slice %get3A_2 {offsets = [20, 0, 0], sizes = [6, 32, 128], strides = [1, 1, 1]} : vector<26x32x128xf32> to vector<6x32x128xf32>
    %broadcast_in_dim3A_153 = vector.shape_cast %squeeze3A_151 : vector<32x128xf32> to vector<1x32x128xf32>
    %broadcast_in_dim3A_154 = vector.shape_cast %broadcast_in_dim3A_153 : vector<1x32x128xf32> to vector<1x32x128xf32>
    %broadcast_in_dim3A_155 = vector.broadcast %broadcast_in_dim3A_154 : vector<1x32x128xf32> to vector<6x32x128xf32>
    %mul3A_156 = arith.mulf %broadcast_in_dim3A_155, %slice3A_152 : vector<6x32x128xf32>
    %reshape3A_157 = vector.shape_cast %mul3A_156 : vector<6x32x128xf32> to vector<192x128xf32>
    %slice3A_158 = vector.extract_strided_slice %get3A_2 {offsets = [20, 0, 0], sizes = [1, 32, 128], strides = [1, 1, 1]} : vector<26x32x128xf32> to vector<1x32x128xf32>
    %squeeze3A_159 = vector.shape_cast %slice3A_158 : vector<1x32x128xf32> to vector<32x128xf32>
    %slice3A_160 = vector.extract_strided_slice %get3A_2 {offsets = [21, 0, 0], sizes = [5, 32, 128], strides = [1, 1, 1]} : vector<26x32x128xf32> to vector<5x32x128xf32>
    %broadcast_in_dim3A_161 = vector.shape_cast %squeeze3A_159 : vector<32x128xf32> to vector<1x32x128xf32>
    %broadcast_in_dim3A_162 = vector.shape_cast %broadcast_in_dim3A_161 : vector<1x32x128xf32> to vector<1x32x128xf32>
    %broadcast_in_dim3A_163 = vector.broadcast %broadcast_in_dim3A_162 : vector<1x32x128xf32> to vector<5x32x128xf32>
    %mul3A_164 = arith.mulf %broadcast_in_dim3A_163, %slice3A_160 : vector<5x32x128xf32>
    %reshape3A_165 = vector.shape_cast %mul3A_164 : vector<5x32x128xf32> to vector<160x128xf32>
    %slice3A_166 = vector.extract_strided_slice %get3A_2 {offsets = [21, 0, 0], sizes = [1, 32, 128], strides = [1, 1, 1]} : vector<26x32x128xf32> to vector<1x32x128xf32>
    %squeeze3A_167 = vector.shape_cast %slice3A_166 : vector<1x32x128xf32> to vector<32x128xf32>
    %slice3A_168 = vector.extract_strided_slice %get3A_2 {offsets = [22, 0, 0], sizes = [4, 32, 128], strides = [1, 1, 1]} : vector<26x32x128xf32> to vector<4x32x128xf32>
    %broadcast_in_dim3A_169 = vector.shape_cast %squeeze3A_167 : vector<32x128xf32> to vector<1x32x128xf32>
    %broadcast_in_dim3A_170 = vector.shape_cast %broadcast_in_dim3A_169 : vector<1x32x128xf32> to vector<1x32x128xf32>
    %broadcast_in_dim3A_171 = vector.broadcast %broadcast_in_dim3A_170 : vector<1x32x128xf32> to vector<4x32x128xf32>
    %mul3A_172 = arith.mulf %broadcast_in_dim3A_171, %slice3A_168 : vector<4x32x128xf32>
    %reshape3A_173 = vector.shape_cast %mul3A_172 : vector<4x32x128xf32> to vector<128x128xf32>
    %slice3A_174 = vector.extract_strided_slice %get3A_2 {offsets = [22, 0, 0], sizes = [1, 32, 128], strides = [1, 1, 1]} : vector<26x32x128xf32> to vector<1x32x128xf32>
    %squeeze3A_175 = vector.shape_cast %slice3A_174 : vector<1x32x128xf32> to vector<32x128xf32>
    %slice3A_176 = vector.extract_strided_slice %get3A_2 {offsets = [23, 0, 0], sizes = [3, 32, 128], strides = [1, 1, 1]} : vector<26x32x128xf32> to vector<3x32x128xf32>
    %broadcast_in_dim3A_177 = vector.shape_cast %squeeze3A_175 : vector<32x128xf32> to vector<1x32x128xf32>
    %broadcast_in_dim3A_178 = vector.shape_cast %broadcast_in_dim3A_177 : vector<1x32x128xf32> to vector<1x32x128xf32>
    %broadcast_in_dim3A_179 = vector.broadcast %broadcast_in_dim3A_178 : vector<1x32x128xf32> to vector<3x32x128xf32>
    %mul3A_180 = arith.mulf %broadcast_in_dim3A_179, %slice3A_176 : vector<3x32x128xf32>
    %reshape3A_181 = vector.shape_cast %mul3A_180 : vector<3x32x128xf32> to vector<96x128xf32>
    %slice3A_182 = vector.extract_strided_slice %get3A_2 {offsets = [23, 0, 0], sizes = [1, 32, 128], strides = [1, 1, 1]} : vector<26x32x128xf32> to vector<1x32x128xf32>
    %squeeze3A_183 = vector.shape_cast %slice3A_182 : vector<1x32x128xf32> to vector<32x128xf32>
    %slice3A_184 = vector.extract_strided_slice %get3A_2 {offsets = [24, 0, 0], sizes = [2, 32, 128], strides = [1, 1, 1]} : vector<26x32x128xf32> to vector<2x32x128xf32>
    %broadcast_in_dim3A_185 = vector.shape_cast %squeeze3A_183 : vector<32x128xf32> to vector<1x32x128xf32>
    %broadcast_in_dim3A_186 = vector.shape_cast %broadcast_in_dim3A_185 : vector<1x32x128xf32> to vector<1x32x128xf32>
    %broadcast_in_dim3A_187 = vector.broadcast %broadcast_in_dim3A_186 : vector<1x32x128xf32> to vector<2x32x128xf32>
    %mul3A_188 = arith.mulf %broadcast_in_dim3A_187, %slice3A_184 : vector<2x32x128xf32>
    %reshape3A_189 = vector.shape_cast %mul3A_188 : vector<2x32x128xf32> to vector<64x128xf32>
    %slice3A_190 = vector.extract_strided_slice %get3A_2 {offsets = [24, 0, 0], sizes = [1, 32, 128], strides = [1, 1, 1]} : vector<26x32x128xf32> to vector<1x32x128xf32>
    %squeeze3A_191 = vector.shape_cast %slice3A_190 : vector<1x32x128xf32> to vector<32x128xf32>
    %slice3A_192 = vector.extract_strided_slice %get3A_2 {offsets = [25, 0, 0], sizes = [1, 32, 128], strides = [1, 1, 1]} : vector<26x32x128xf32> to vector<1x32x128xf32>
    %broadcast_in_dim3A_193 = vector.shape_cast %squeeze3A_191 : vector<32x128xf32> to vector<1x32x128xf32>
    %mul3A_194 = arith.mulf %broadcast_in_dim3A_193, %slice3A_192 : vector<1x32x128xf32>
    %reshape3A_195 = vector.shape_cast %mul3A_194 : vector<1x32x128xf32> to vector<32x128xf32>
    %concatenate3A = tpu.concatenate %reshape3A, %reshape3A_13, %reshape3A_21, %reshape3A_29, %reshape3A_37, %reshape3A_45, %reshape3A_53, %reshape3A_61, %reshape3A_69, %reshape3A_77, %reshape3A_85, %reshape3A_93, %reshape3A_101, %reshape3A_109, %reshape3A_117, %reshape3A_125, %reshape3A_133, %reshape3A_141, %reshape3A_149, %reshape3A_157, %reshape3A_165, %reshape3A_173, %reshape3A_181, %reshape3A_189, %reshape3A_195 in 0 : vector<800x128xf32>, vector<768x128xf32>, vector<736x128xf32>, vector<704x128xf32>, vector<672x128xf32>, vector<640x128xf32>, vector<608x128xf32>, vector<576x128xf32>, vector<544x128xf32>, vector<512x128xf32>, vector<480x128xf32>, vector<448x128xf32>, vector<416x128xf32>, vector<384x128xf32>, vector<352x128xf32>, vector<320x128xf32>, vector<288x128xf32>, vector<256x128xf32>, vector<224x128xf32>, vector<192x128xf32>, vector<160x128xf32>, vector<128x128xf32>, vector<96x128xf32>, vector<64x128xf32>, vector<32x128xf32> -> vector<10400x128xf32>
    %get3A_196 = arith.constant 0 : index
    %get3A_197 = arith.constant 0 : index
    %get3A_198 = vector.load %arg3[%get3A_196, %get3A_197] : memref<128x256xf32, #tpu.memory_space<vmem>>, vector<128x256xf32>
    %dot_general3A = arith.constant dense<0.000000e+00> : vector<10400x256xf32>
    %dot_general3A_199 = tpu.matmul %concatenate3A, %get3A_198, %dot_general3A {dimension_numbers = #tpu.dot_dimension_numbers<[1], [0], [0], [1], [0, 0, 1, 1], [], []>, transpose_lhs_hint = false} : vector<10400x128xf32>, vector<128x256xf32>, vector<10400x256xf32> -> vector<10400x256xf32>
    %get3A_200 = arith.constant 0 : index
    %get3A_201 = arith.constant 0 : index
    %get3A_202 = vector.load %arg4[%get3A_200, %get3A_201] : memref<1x256xf32, #tpu.memory_space<vmem>>, vector<1x256xf32>
    %add3A = vector.broadcast %get3A_202 : vector<1x256xf32> to vector<10400x256xf32>
    %add3A_203 = arith.addf %dot_general3A_199, %add3A : vector<10400x256xf32>
    %max3A = arith.constant 0.000000e+00 : f32
    %max3A_204 = vector.broadcast %max3A : f32 to vector<10400x256xf32>
    %max3A_205 = arith.maximumf %add3A_203, %max3A_204 : vector<10400x256xf32>
    %get3A_206 = arith.constant 0 : index
    %get3A_207 = arith.constant 0 : index
    %get3A_208 = vector.load %arg5[%get3A_206, %get3A_207] : memref<256x8xf32, #tpu.memory_space<vmem>>, vector<256x8xf32>
    %dot_general3A_209 = arith.constant dense<0.000000e+00> : vector<10400x8xf32>
    %dot_general3A_210 = tpu.matmul %max3A_205, %get3A_208, %dot_general3A_209 {dimension_numbers = #tpu.dot_dimension_numbers<[1], [0], [0], [1], [0, 0, 1, 1], [], []>, transpose_lhs_hint = false} : vector<10400x256xf32>, vector<256x8xf32>, vector<10400x8xf32> -> vector<10400x8xf32>
    %get3A_211 = arith.constant 0 : index
    %get3A_212 = arith.constant 0 : index
    %get3A_213 = vector.load %arg6[%get3A_211, %get3A_212] : memref<8x128xf32, #tpu.memory_space<vmem>>, vector<8x128xf32>
    %dot_general3A_214 = arith.constant dense<0.000000e+00> : vector<10400x128xf32>
    %dot_general3A_215 = tpu.matmul %dot_general3A_210, %get3A_213, %dot_general3A_214 {dimension_numbers = #tpu.dot_dimension_numbers<[1], [0], [0], [1], [0, 0, 1, 1], [], []>, transpose_lhs_hint = false} : vector<10400x8xf32>, vector<8x128xf32>, vector<10400x128xf32> -> vector<10400x128xf32>
    %mul3A_216 = arith.mulf %concatenate3A, %dot_general3A_215 : vector<10400x128xf32>
    %reshape3A_217 = vector.shape_cast %mul3A_216 : vector<10400x128xf32> to vector<325x32x128xf32>
    %reduce_sum3A = arith.constant dense<0.000000e+00> : vector<32x128xf32>
    %reduce_sum3A_218 = vector.multi_reduction <add>, %reshape3A_217, %reduce_sum3A [0] : vector<325x32x128xf32> to vector<32x128xf32>
    %get3A_219 = arith.constant 0 : index
    %get3A_220 = arith.constant 0 : index
    %get3A_221 = vector.load %arg7[%get3A_219, %get3A_220] : memref<128x8xf32, #tpu.memory_space<vmem>>, vector<128x8xf32>
    %dot_general3A_222 = arith.constant dense<0.000000e+00> : vector<32x8xf32>
    %dot_general3A_223 = tpu.matmul %reduce_sum3A_218, %get3A_221, %dot_general3A_222 {dimension_numbers = #tpu.dot_dimension_numbers<[1], [0], [0], [1], [0, 0, 1, 1], [], []>, transpose_lhs_hint = false} : vector<32x128xf32>, vector<128x8xf32>, vector<32x8xf32> -> vector<32x8xf32>
    %get3A_224 = arith.constant 0 : index
    %get3A_225 = arith.constant 0 : index
    %get3A_226 = arith.constant 0 : index
    %get3A_227 = vector.load %arg2[%get3A_224, %get3A_225, %get3A_226] : memref<26x32x8xf32, #tpu.memory_space<vmem>>, vector<26x32x8xf32>
    %reduce_sum3A_228 = arith.constant dense<0.000000e+00> : vector<32x8xf32>
    %reduce_sum3A_229 = vector.multi_reduction <add>, %get3A_227, %reduce_sum3A_228 [0] : vector<26x32x8xf32> to vector<32x8xf32>
    %add3A_230 = arith.addf %dot_general3A_223, %reduce_sum3A_229 : vector<32x8xf32>
    %get3A_231 = arith.constant 0 : index
    %get3A_232 = memref.load %arg8[%get3A_231] : memref<1xf32, #tpu.memory_space<smem>>
    %add3A_233 = vector.broadcast %get3A_232 : f32 to vector<32x8xf32>
    %add3A_234 = arith.addf %add3A_230, %add3A_233 : vector<32x8xf32>
    %logistic3A = arith.negf %add3A_234 : vector<32x8xf32>
    %logistic3A_235 = math.exp %logistic3A : vector<32x8xf32>
    %logistic3A_236 = arith.constant 1.000000e+00 : f32
    %logistic3A_237 = vector.broadcast %logistic3A_236 : f32 to vector<32x8xf32>
    %logistic3A_238 = arith.addf %logistic3A_237, %logistic3A_235 : vector<32x8xf32>
    %logistic3A_239 = arith.divf %logistic3A_237, %logistic3A_238 : vector<32x8xf32>
    %swap3A = arith.constant 0 : index
    %swap3A_240 = arith.constant 0 : index
    %swap3A_241 = vector.load %arg9[%swap3A, %swap3A_240] : memref<32x8xf32, #tpu.memory_space<vmem>>, vector<32x8xf32>
    tpu.vector_store %arg9[%swap3A, %swap3A_240], %logistic3A_239 {strides = array<i32>} : memref<32x8xf32, #tpu.memory_space<vmem>>, vector<32x8xf32>,
    return
  }
  func.func @transform_0(%arg0: i32) -> (i32, i32, i32) {
    %c0_i32 = arith.constant 0 : i32
    %c0_i32_0 = arith.constant 0 : i32
    %c0_i32_1 = arith.constant 0 : i32
    return %c0_i32, %arg0, %c0_i32_0 : i32, i32, i32
  }
  func.func @transform_1(%arg0: i32) -> (i32, i32, i32) {
    %c0_i32 = arith.constant 0 : i32
    %c0_i32_0 = arith.constant 0 : i32
    %c0_i32_1 = arith.constant 0 : i32
    return %c0_i32, %arg0, %c0_i32_0 : i32, i32, i32
  }
  func.func @transform_2(%arg0: i32) -> (i32, i32) {
    %c0_i32 = arith.constant 0 : i32
    %c0_i32_0 = arith.constant 0 : i32
    %c0_i32_1 = arith.constant 0 : i32
    return %c0_i32, %c0_i32_0 : i32, i32
  }
  func.func @transform_3(%arg0: i32) -> (i32, i32) {
    %c0_i32 = arith.constant 0 : i32
    %c0_i32_0 = arith.constant 0 : i32
    %c0_i32_1 = arith.constant 0 : i32
    return %c0_i32, %c0_i32_0 : i32, i32
  }
  func.func @transform_4(%arg0: i32) -> (i32, i32) {
    %c0_i32 = arith.constant 0 : i32
    %c0_i32_0 = arith.constant 0 : i32
    %c0_i32_1 = arith.constant 0 : i32
    return %c0_i32, %c0_i32_0 : i32, i32
  }
  func.func @transform_5(%arg0: i32) -> (i32, i32) {
    %c0_i32 = arith.constant 0 : i32
    %c0_i32_0 = arith.constant 0 : i32
    %c0_i32_1 = arith.constant 0 : i32
    return %c0_i32, %c0_i32_0 : i32, i32
  }
  func.func @transform_6(%arg0: i32) -> (i32, i32) {
    %c0_i32 = arith.constant 0 : i32
    %c0_i32_0 = arith.constant 0 : i32
    %c0_i32_1 = arith.constant 0 : i32
    return %c0_i32, %c0_i32_0 : i32, i32
  }
  func.func @transform_7(%arg0: i32) -> i32 {
    %c0_i32 = arith.constant 0 : i32
    %c0_i32_0 = arith.constant 0 : i32
    return %c0_i32 : i32
  }
  func.func @transform_8(%arg0: i32) -> (i32, i32) {
    %c0_i32 = arith.constant 0 : i32
    %c0_i32_0 = arith.constant 0 : i32
    return %arg0, %c0_i32 : i32, i32
  }
}

</mosaic_0001>

<sc_bundles>
// kernel: kernel.5.cloned.1.call-start
scs
__scs_entry_jumppad:
0x0: {  	(pc) =	sbr.rel $0x88, $3  }
0x1: {  	(tag) =	ssettag $0x0;
	lr =	simm.s32 $0x1  }
0x2: {  	[smem:$0x3F99] =	sst lr;
	_ =	strace $0xD0000000  }
0x3: {  	_ = 	snop  }
0x4: {  	_ = 	snop  }
0x5: {  	_ = 	snop  }
0x6: {  	_ = 	snop  }
0x7: {  	_ = 	snop  }
__scs_overlays_trampoline_lowered:
0x8: {  	[smem:$0x3FA8] =	sst s0  }
0x9: {  	[smem:$0x3FA9] =	sst s1  }
0xa: {  	[smem:$0x3FAA] =	sst s2  }
0xb: {  	[smem:$0x3FAB] =	sst s3  }
0xc: {  	[smem:$0x3FAC] =	sst s4  }
0xd: {  	[smem:$0x3FAD] =	sst s5  }
0xe: {  	[smem:$0x3FAE] =	sst s6  }
0xf: {  	[smem:$0x3FAF] =	sst s7  }
0x10: {  	[smem:$0x3FB0] =	sst s8  }
0x11: {  	[smem:$0x3FB1] =	sst s9;
	s0 =	simm.s32 @!p0 $0x0  }
0x12: {  	s1 =	sld [smem:$0x3F97];
	s0 =	simm.s32 @p0 $0x1  }
0x13: {  	[smem:$0x3FB2] =	sst s0;
	s0 =	simm.s32 @!p1 $0x0  }
0x14: {  	s2 =	sld [smem:$0x3F96];
	s0 =	simm.s32 @p1 $0x1  }
0x15: {  	[smem:$0x3FB3] =	sst s0;
	s0 =	simm.s32 @!p2 $0x0  }
0x16: {  	s3 =	sld [smem:$0x3FDB];
	s0 =	simm.s32 @p2 $0x1  }
0x17: {  	s4 =	simm.s32 $0x1BF5;
	[smem:$0x3FB5] =	sst s0  }
0x18: {  	s0 =	sld [smem:$0x3F98];
	_ =	swait.ge [sflag:s4], $0x0  }
0x19: {  	s7 =	sld [smem:$0x3F99]  }
0x1a: {  	s8 =	sadd.s32 $0xFFFFE003, lr  }
0x1b: {  	s9 =	sadd.s32 $0xFFFFFEF7, lr;
	s5 =	simm.s32 $0xFFFFFFFF;
	p2 =	slt.u32 s8, $0xFFFFF086  }
0x1c: {  	p1 =	slt.u32 s9, $0xF7A;
	s5 =	simm.s32 @!p2 $0x0  }
0x1d: {  	s5 =	simm.s32 @p1 $0x1;
	p0 =	seq.s32 s7, s2  }
0x1e: {  	s7 =	smul.u32 @!p0 $0xF7A, s2;
	p2 =	seq.s32 @!p0 s5, $0x0  }
0x1f: {  	s9 =	smul.u32 $0xF7A, s1;
	s8 =	simm.s32 @!p0 $0x1BF5;
	p2 =	por !p2, p0  }
0x20: {  	[sflag:s8] =	ssyncset.s32 @!p0 $0xFFFFF086;
	s6 =	sadd.s32 @!p0 s3, s7;
	s7 =	simm.s32 @!p0 $0x108  }
0x21: {  	s3 =	sadd.s32 s3, s9;
	s6 =	sadd.s32 @!p0 $0x88, s6;
	s7 =	simm.s32 @p2 $0x1082  }
0x22: {  	[simem:s7], [sflag:s8] =	dma.local @!p0 [hbm:s6], $0xF7A  }
0x23: {  	s9 =	sor.u32 $0xD0000000, s2;
	s6 =	simm.s32 $0x108;
	_ =	swait.ge @!p0 [sflag:s8], $0x0  }
0x24: {  	s3 =	sadd.s32 $0x88, s3;
	s6 =	simm.s32 @!p1 $0x1082;
	[sflag:s4] =	ssyncset.s32 $0xFFFFF086  }
0x25: {  	[simem:s6], [sflag:s4] =	dma.local [hbm:s3], $0xF7A  }
0x26: {  	[smem:$0x3F99] =	sst s1;
	(tag) =	ssettag s2;
	_ =	strace s9  }
0x27: {  	s1 =	sld [smem:$0x3FA9]  }
0x28: {  	s2 =	sld [smem:$0x3FAA]  }
0x29: {  	s4 =	sld [smem:$0x3FAC]  }
0x2a: {  	p0 =	seq.s32 s5, $0x0;
	s5 =	sld [smem:$0x3FAD]  }
0x2b: {  	s6 =	sld [smem:$0x3FAE]  }
0x2c: {  	s7 =	sld [smem:$0x3FAF]  }
0x2d: {  	s3 =	simm.s32 $0x108;
	s8 =	sld [smem:$0x3FB0]  }
0x2e: {  	s3 =	simm.s32 @!p0 $0x1082;
	s9 =	sld [smem:$0x3FB1]  }
0x2f: {  	lr =	sadd.s32 s0, s3;
	s0 =	sld [smem:$0x3FA8]  }
0x30: {  	s3 =	sld [smem:$0x3FAB]  }
0x31: {  	[smem:$0x3FB4] =	sst s10  }
0x32: {  	s10 =	sld [smem:$0x3FB2];
	_ =	sdelay $0x3  }
0x33: {  	p0 =	seq.s32 s10, $0x1;
	s10 =	sld [smem:$0x3FB4];
	_ =	sdelay $0x3  }
0x34: {  	[smem:$0x3FB4] =	sst s10  }
0x35: {  	s10 =	sld [smem:$0x3FB3];
	_ =	sdelay $0x3  }
0x36: {  	p1 =	seq.s32 s10, $0x1;
	s10 =	sld [smem:$0x3FB4];
	_ =	sdelay $0x3  }
0x37: {  	[smem:$0x3FB4] =	sst s10  }
0x38: {  	s10 =	sld [smem:$0x3FB5]  }
0x39: {  	_ = 	snop;
	(pc) =	sbr.ind lr, $3  }
0x3a: {  	_ = 	snop  }
0x3b: {  	_ = 	snop  }
0x3c: {  	p2 =	seq.s32 s10, $0x1;
	s10 =	sld [smem:$0x3FB4]  }
0x3d: {  	_ =	shalt  }
0x3e: {  	_ =	shalt  }
0x3f: {  	_ =	shalt  }
0x40: {  	_ =	shalt  }
0x41: {  	_ =	shalt  }
0x42: {  	_ =	shalt  }
0x43: {  	_ =	shalt  }
0x44: {  	_ =	shalt  }
0x45: {  	_ =	shalt  }
0x46: {  	_ =	shalt  }
0x47: {  	_ =	shalt  }
0x48: {  	_ =	shalt  }
0x49: {  	_ =	shalt  }
0x4a: {  	_ =	shalt  }
0x4b: {  	_ =	shalt  }
0x4c: {  	_ =	shalt  }
0x4d: {  	_ =	shalt  }
0x4e: {  	_ =	shalt  }
0x4f: {  	_ =	shalt  }
0x50: {  	_ =	shalt  }
0x51: {  	_ =	shalt  }
0x52: {  	_ =	shalt  }
0x53: {  	_ =	shalt  }
0x54: {  	_ =	shalt  }
0x55: {  	_ =	shalt  }
0x56: {  	_ =	shalt  }
0x57: {  	_ =	shalt  }
0x58: {  	_ =	shalt  }
0x59: {  	_ =	shalt  }
0x5a: {  	_ =	shalt  }
0x5b: {  	_ =	shalt  }
0x5c: {  	_ =	shalt  }
0x5d: {  	_ =	shalt  }
0x5e: {  	_ =	shalt  }
0x5f: {  	_ =	shalt  }
0x60: {  	_ =	shalt  }
0x61: {  	_ =	shalt  }
0x62: {  	_ =	shalt  }
0x63: {  	_ =	shalt  }
0x64: {  	_ =	shalt  }
0x65: {  	_ =	shalt  }
0x66: {  	_ =	shalt  }
0x67: {  	_ =	shalt  }
0x68: {  	_ =	shalt  }
0x69: {  	_ =	shalt  }
0x6a: {  	_ =	shalt  }
0x6b: {  	_ =	shalt  }
0x6c: {  	_ =	shalt  }
0x6d: {  	_ =	shalt  }
0x6e: {  	_ =	shalt  }
0x6f: {  	_ =	shalt  }
0x70: {  	_ =	shalt  }
0x71: {  	_ =	shalt  }
0x72: {  	_ =	shalt  }
0x73: {  	_ =	shalt  }
0x74: {  	_ =	shalt  }
0x75: {  	_ =	shalt  }
0x76: {  	_ =	shalt  }
0x77: {  	_ =	shalt  }
0x78: {  	_ =	shalt  }
0x79: {  	_ =	shalt  }
0x7a: {  	_ =	shalt  }
0x7b: {  	_ =	shalt  }
0x7c: {  	_ =	shalt  }
0x7d: {  	_ =	shalt  }
0x7e: {  	_ =	shalt  }
0x7f: {  	_ =	shalt  }
0x80: {  	_ =	shalt  }
0x81: {  	_ =	shalt  }
0x82: {  	_ =	shalt  }
0x83: {  	_ =	shalt  }
0x84: {  	_ =	shalt  }
0x85: {  	_ =	shalt  }
0x86: {  	_ =	shalt  }
0x87: {  	_ =	shalt  }
.Lfunc_end0:
.L_simem_size_0:
called_computation_lowered:
.L_overlay_start_0:
0x88: {  	s2 =	sld [smem:$0x3FD9]  }
0x89: {  	s3 =	sld [smem:$0x3FFE];
	_ =	sdelay $0x1  }
0x8a: {  	s1 =	srdreg.scid  }
0x8b: {  	s0 =	sand.u32 $0x1, s1  }
0x8c: {  	s17 =	sshll.u32 s0, $0xA;
	s2 =	sadd.s32 s3, s2  }
0x8d: {  	s2 =	sadd.s32 s2, s17  }
0x8e: {  	[smem:$0x3FC0] =	sst s2  }
0x8f: {  	_ = 	snop  }
0x90: {  	(tm) =	ssettm $0x1  }
0x91: {  	s18 =	sld [smem:$0x3FFB];
	_ =	sdelay $0x3  }
0x92: {  	_ =	strace s18  }
0x93: {  	s2 =	sld [smem:$0x3FFC];
	_ =	sdelay $0x3  }
0x94: {  	_ =	strace s2  }
0x95: {  	s2 =	sld [smem:$0x3FFD];
	_ =	sdelay $0x3  }
0x96: {  	_ =	strace s2  }
0x97: {  	_ =	strace $0x8FFFFFFF  }
0x98: {  	s19 =	sld [smem:$0x3FDB];
	_ =	sdelay $0x1  }
0x99: {  	s20 =	simm.s32 $_scs_section_size  }
0x9a: {  	s4 =	simm.s32 $_size__tile_overlayer_lowered;
	s5 =	simm.s32 $_tile_overlayer_lowered  }
0x9b: {  	s6 =	simm.s32 $0x1BFF;
	s21 =	sshll.u32 s5, $0x1;
	s3 =	sadd.s32 s20, s19  }
0x9c: {  	s22 =	simm.s32 $0x0;
	s4 =	sshll.u32 s4, $0x1;
	s5 =	sadd.s32 s21, s3  }
0x9d: {  	[timem:s22], [sflag:s6] =	dma.local [hbm:s5], s4  }
0x9e: {  	_ =	swait.ge [sflag:s6], s4  }
0x9f: {  	s4 =	ssub.s32 $0x0, s4;
	[sflag:s6] =	ssyncset.done $0x0  }
0xa0: {  	[sflag:s6] =	ssyncadd.s32 s4;
	_ =	sdelay $0x1  }
0xa1: {  	s23 =	simm.s32 $0x1B8B  }
0xa2: {  	_ =	swait.ge [sflag:s23], $0x1  }
0xa3: {  	[sflag:s23] =	ssyncset.done $0x0  }
0xa4: {  	[sflag:s23] =	ssyncadd.s32 $0xFFFFFFFF  }
0xa5: {  	s4 =	sld [smem:$0x0]  }
0xa6: {  	s5 =	sand.u32 $0xFFFFFFFE, s1  }
0xa7: {  	p0 =	sne.s32 s1, s5  }
0xa8: {  	s5 =	sshll.u32 @p0 s5, $0xE  }
0xa9: {  	s5 =	sadd.s32 @p0 $0x11B8D, s5;
	s6 =	sshll.u32 @p0 s4, $0x11  }
0xaa: {  	s5 =	sor.u32 @p0 s6, s5  }
0xab: {  	[sflag:s5] =	ssyncadd.remote.s32 @p0 $0x1;
	_ =	sdelay $0x1  }
0xac: {  	s5 =	simm.s32 @p0 $0x1B8D  }
0xad: {  	_ =	swait.eq @p0 [sflag:s5], $0x1  }
0xae: {  	[sflag:s5] =	ssyncadd.s32 @p0 $0xFFFFFFFF  }
0xaf: {  	s6 =	sshll.u32 @!p0 s1, $0xE  }
0xb0: {  	s6 =	sor.u32 @!p0 $0x4000, s6;
	s5 =	simm.s32 @!p0 $0x1B8D  }
0xb1: {  	s4 =	sshll.u32 @!p0 s4, $0x11;
	s6 =	sadd.s32 @!p0 $0x11B8D, s6;
	_ =	swait.eq @!p0 [sflag:s5], $0x1  }
0xb2: {  	s4 =	sor.u32 @!p0 s4, s6;
	[sflag:s5] =	ssyncadd.s32 @!p0 $0xFFFFFFFF  }
0xb3: {  	s25 =	simm.s32 $0x1B8E;
	s24 =	sld [smem:$0x3FFE];
	[sflag:s4] =	ssyncadd.remote.s32 @!p0 $0x1  }
0xb4: {  	s26 =	simm.s32 $execute0_lowered;
	[smem:$0x3FD2] =	sst s25  }
0xb5: {  	s5 =	sshll.u32 s26, $0x1;
	_ =	strace $0x80000049;
	[dreg:$0x1] =	wrdreg $0xFFFFFFFF  }
0xb6: {  	s28 =	simm.s32 $_size_execute0_lowered;
	s3 =	sadd.s32 s3, s5;
	[dreg:$0x0] =	wrdreg $0x0  }
0xb7: {  	s5 =	sshll.u32 s28, $0x1;
	[dreg:$0x2] =	wrdreg s3  }
0xb8: {  	[dreg:$0x3] =	wrdreg s5  }
0xb9: {  	[dreg:$0x4] =	wrdreg $0xC0  }
0xba: {  	_ =	task [dreg:s22], $0x5FFFF  }
0xbb: {  	[dreg:$0x1] =	wrdreg $0xFFFFFFFF  }
0xbc: {  	[dreg:$0x0] =	wrdreg $0x60  }
0xbd: {  	[dreg:$0x2] =	wrdreg s24  }
0xbe: {  	[dreg:$0x3] =	wrdreg $0x9  }
0xbf: {  	_ =	task.clear_ibuf [dreg:s22], $0x4FFFF;
	_ =	strace $0x90000049  }
0xc0: {  	s29 =	simm.s32 $0x9;
	_ =	strace $0x8000004B  }
0xc1: {  	_ =	swait.ge [sflag:s29], $0x1  }
0xc2: {  	[sflag:s29] =	ssyncadd.s32 $0xFFFFFFFF  }
0xc3: {  	_ =	strace $0x9000004B  }
0xc4: {  	_ =	sfence  }
0xc5: {  	s30 =	sld [smem:$0x0];
	_ =	sdelay $0x2  }
0xc6: {  	s31 =	sshll.u32 s1, $0xD;
	s1 =	sshrl.u32 s1, $0x2  }
0xc7: {  	s4 =	sand.u32 $0x4000, s31;
	s1 =	sadd.s32 s1, s30  }
0xc8: {  	s0 =	sor.u32 s4, s0;
	s1 =	sshll.u32 s1, $0x11  }
0xc9: {  	s0 =	sor.u32 s1, s0  }
0xca: {  	s0 =	sadd.s32 $0x8F2B, s0  }
0xcb: {  	[sflag:s0] =	ssyncadd.remote.s32 $0x1  }
0xcc: {  	_ =	sfence.sel $0xFFFF  }
0xcd: {  	[dreg:$0x0] =	wrdreg $0xFFFFFFFF;
	(pc) =	sbr.abs _section_cstart, $3  }
0xce: {  	[dreg:$0x1] =	wrdreg $0xFFFFFFFF  }
0xcf: {  	_ =	task.clear_ibuf [dreg:s22], $0x2FFFF;
	_ =	strace $0x9FFFFFFF  }
0xd0: {  	(tm) =	ssettm $0x7FFFFFFF  }
0xd1: {  	_ =	shalt  }
tec
execute0_lowered:
.L_overlay_start_1:
0x0: {  	(tag) =	ssettag $0x1  }
0x1: {  	s4 =	rddreg [dreg:$0x0]  }
0x2: {  	s0 =	rddreg [dreg:$0x1];
	s1 =	simm.s32 $0x0  }
0x3: {  	s2 =	simm.s32 $0xD00;
	[smem:$0x7FF] =	sst s1  }
0x4: {  	s23 =	simm.s32 $0xD80;
	_ =	strace $0x8000004A;
	[dreg:$0x2] =	wrdreg s2  }
0x5: {  	s24 =	simm.s32 $0xE00;
	[dreg:$0x3] =	wrdreg s23  }
0x6: {  	s25 =	simm.s32 $0xE80;
	[dreg:$0x4] =	wrdreg s24  }
0x7: {  	s26 =	simm.s32 $0xF00;
	[dreg:$0x5] =	wrdreg s25  }
0x8: {  	s28 =	simm.s32 $0xF80;
	[dreg:$0x6] =	wrdreg s26  }
0x9: {  	s29 =	simm.s32 $0x1000;
	[dreg:$0x7] =	wrdreg s28  }
0xa: {  	s30 =	simm.s32 $0x1080;
	[dreg:$0x8] =	wrdreg s29  }
0xb: {  	s31 =	simm.s32 $0x1100;
	[dreg:$0x9] =	wrdreg s30  }
0xc: {  	s3 =	simm.s32 $0x1180;
	[dreg:$0xa] =	wrdreg s31  }
0xd: {  	s5 =	simm.s32 $0x1200;
	[dreg:$0xb] =	wrdreg s3  }
0xe: {  	s6 =	simm.s32 $0x1280;
	[dreg:$0xc] =	wrdreg s5  }
0xf: {  	s7 =	simm.s32 $0x1300;
	[dreg:$0xd] =	wrdreg s6  }
0x10: {  	s8 =	simm.s32 $0x1380;
	[dreg:$0xe] =	wrdreg s7  }
0x11: {  	s9 =	simm.s32 $0x1400;
	[dreg:$0xf] =	wrdreg s8  }
0x12: {  	s10 =	simm.s32 $0x1480;
	[dreg:$0x10] =	wrdreg s9  }
0x13: {  	s11 =	simm.s32 $0x1500;
	[dreg:$0x11] =	wrdreg s10  }
0x14: {  	s12 =	simm.s32 $0x1580;
	[dreg:$0x12] =	wrdreg s11  }
0x15: {  	s13 =	simm.s32 $0x1600;
	[dreg:$0x13] =	wrdreg s12  }
0x16: {  	s14 =	simm.s32 $0x1680;
	[dreg:$0x14] =	wrdreg s13  }
0x17: {  	s15 =	simm.s32 $0x1700;
	[dreg:$0x15] =	wrdreg s14  }
0x18: {  	s16 =	simm.s32 $0x1780;
	[dreg:$0x16] =	wrdreg s15  }
0x19: {  	s17 =	simm.s32 $0x1800;
	[dreg:$0x17] =	wrdreg s16  }
0x1a: {  	s18 =	simm.s32 $0x1880;
	[dreg:$0x18] =	wrdreg s17  }
0x1b: {  	s19 =	simm.s32 $0x1900;
	[dreg:$0x19] =	wrdreg s18  }
0x1c: {  	s20 =	simm.s32 $0x1980;
	[dreg:$0x1a] =	wrdreg s19  }
0x1d: {  	s21 =	simm.s32 $0x1A00;
	[dreg:$0x1b] =	wrdreg s20  }
0x1e: {  	s22 =	simm.s32 $0x1A80;
	[dreg:$0x1c] =	wrdreg s21  }
0x1f: {  	[dreg:$0x1d] =	wrdreg s22;
	s23 =	simm.s32 $0x1B00  }
0x20: {  	s24 =	simm.s32 $0x1B80;
	[dreg:$0x1e] =	wrdreg s23  }
0x21: {  	s25 =	simm.s32 $0x1C00;
	[dreg:$0x1f] =	wrdreg s24  }
0x22: {  	s26 =	simm.s32 $0x1C80;
	[smem:$0x7DC] =	sst s25  }
0x23: {  	s28 =	simm.s32 $0x1D00;
	[smem:$0x7DD] =	sst s26  }
0x24: {  	s29 =	simm.s32 $0x1D80;
	[smem:$0x7DE] =	sst s28  }
0x25: {  	s30 =	simm.s32 $0x1E00;
	[smem:$0x7DF] =	sst s29  }
0x26: {  	s31 =	simm.s32 $0x1E80;
	[smem:$0x7E0] =	sst s30  }
0x27: {  	s3 =	simm.s32 $0x1F00;
	[smem:$0x7E1] =	sst s31  }
0x28: {  	s5 =	simm.s32 $0x1F80;
	[smem:$0x7E2] =	sst s3  }
0x29: {  	s6 =	simm.s32 $0x2000;
	[smem:$0x7E3] =	sst s5  }
0x2a: {  	s7 =	simm.s32 $0x2080;
	[smem:$0x7E4] =	sst s6  }
0x2b: {  	s8 =	simm.s32 $0x2100;
	[smem:$0x7E5] =	sst s7  }
0x2c: {  	s9 =	simm.s32 $0x2180;
	[smem:$0x7E6] =	sst s8  }
0x2d: {  	s10 =	simm.s32 $0x2200;
	[smem:$0x7E7] =	sst s9  }
0x2e: {  	s11 =	simm.s32 $0x2280;
	[smem:$0x7E8] =	sst s10  }
0x2f: {  	s12 =	simm.s32 $0x2300;
	[smem:$0x7E9] =	sst s11  }
0x30: {  	s13 =	simm.s32 $0x2380;
	[smem:$0x7EA] =	sst s12  }
0x31: {  	s14 =	simm.s32 $0x2400;
	[smem:$0x7EB] =	sst s13  }
0x32: {  	s15 =	simm.s32 $0x2480;
	[smem:$0x7EC] =	sst s14  }
0x33: {  	s16 =	simm.s32 $0x2580;
	[smem:$0x7ED] =	sst s15  }
0x34: {  	s17 =	simm.s32 $0x2680;
	[smem:$0x7EF] =	sst s16  }
0x35: {  	s18 =	simm.s32 $0x2700;
	[smem:$0x7F1] =	sst s17  }
0x36: {  	s19 =	simm.s32 $0x2780;
	[smem:$0x7F2] =	sst s18  }
0x37: {  	s2 =	sadd.s32 $0x26000, s4;
	s20 =	simm.s32 $0x2800;
	[smem:$0x7F3] =	sst s19  }
0x38: {  	s21 =	simm.s32 $0x2880;
	s22 =	simm.s32 $0x2900;
	[smem:$0x7F4] =	sst s20  }
0x39: {  	s3 =	simm.s32 $0x2500;
	s5 =	srdreg.scid;
	[smem:$0x7F5] =	sst s21  }
0x3a: {  	s6 =	simm.s32 $0x2600;
	[smem:$0x7F6] =	sst s22;
	s23 =	simm.s32 $0x2980  }
0x3b: {  	s24 =	simm.s32 $0x2A00;
	s25 =	simm.s32 $0x2A80;
	[smem:$0x7EE] =	sst s3  }
0x3c: {  	s28 =	simm.s32 $0x2B00;
	s29 =	simm.s32 $0x2B80;
	[smem:$0x7F0] =	sst s6  }
0x3d: {  	s30 =	simm.s32 $0x2C00;
	s31 =	simm.s32 $0x2C80;
	[smem:$0x7F7] =	sst s23  }
0x3e: {  	s9 =	simm.s32 $0x2D00;
	s3 =	stileid.u32;
	[smem:$0x7F8] =	sst s24  }
0x3f: {  	s5 =	sand.u32 $0x1, s5;
	[smem:$0x7F9] =	sst s25;
	s7 =	sshll.u32 s3, $0x1  }
0x40: {  	s10 =	simm.s32 $0x0;
	[smem:$0x7FA] =	sst s28;
	s7 =	sor.u32 s5, s7  }
0x41: {  	[smem:$0x7FB] =	sst s29;
	s5 =	ssub.s32 $0x2, s5;
	s8 =	smul.u32 $0x1A0, s7  }
0x42: {  	[smem:$0x7FC] =	sst s30;
	s7 =	smul.u32 $0x1A00, s7;
	s26 =	sshrl.u32 s5, $0x1  }
0x43: {  	[smem:$0x7FD] =	sst s31;
	s6 =	ssub.s32 s5, s26;
	s8 =	sadd.s32 s8, s4  }
0x44: {  	s7 =	sadd.s32 s7, s4;
	s6 =	smax.u32 s6, $0x1;
	s4 =	sadd.s32 $0xE00, s8  }
0x45: {  	s5 =	sadd.s32 $0xF68400, s7;
	s7 =	simm.s32 $0x2;
	s8 =	simm.s32 $0x1  }
.LBB2_1:
0x46: {  	[tilespmem:s1], [sflag:$0x2] =	stream.linear.gather [hbm4b:s4+s1], $0xD00, $0x38;
	[tilespmem:$0xFD00] =	vst v63  }
0x47: {  	_ =	swait.ge [sflag:s7], $0xD00  }
0x48: {  	[sflag:s7] =	ssyncset.done $0x0  }
0x49: {  	s11 =	simm.s32 $0x2F00;
	s12 =	simm.s32 $0x0;
	[sflag:s7] =	ssyncadd.s32 $0xFFFFF300  }
.LBB2_2:
0x4a: {  	s13 =	sshra.s32 s12, $0x2  }
0x4b: {  	v0 =	vld [tilespmem:s13+$0x0];
	_ =	sdelay $0x4  }
0x4c: {  	v0 =	vshll.u32 v0, $0x4  }
0x4d: {  	(v2sf) =	vpush v0, $0x0;
	_ =	sdelay $0x1  }
0x4e: {  	(v2sf) =	vpush v0, $0x1;
	_ =	sdelay $0x2  }
0x4f: {  	(v2sf) =	vpush v0, $0x2;
	_ =	sdelay $0x2  }
0x50: {  	(v2sf) =	vpush v0, $0x3;
	_ =	sdelay $0x6  }
0x51: {  	s14 =	spop (v2sf)  }
0x52: {  	s14 =	sand.u32 $0x1FFFFFF0, s14  }
0x53: {  	s15 =	rddreg [dreg:$0x2];
	s19 =	spop (v2sf);
	s14 =	sadd.s32 s2, s14  }
0x54: {  	[tilespmem:s15], [sflag:$0x1] =	stream.linear.gather [hbm4b:s14+s1], $0x80, $0x38;
	[tilespmem:$0xFD00] =	vst v63  }
0x55: {  	s14 =	sand.u32 $0x1FFFFFF0, s19  }
0x56: {  	s20 =	rddreg [dreg:$0x3];
	s21 =	spop (v2sf);
	s14 =	sadd.s32 s2, s14  }
0x57: {  	[tilespmem:s20], [sflag:$0x1] =	stream.linear.gather [hbm4b:s14+s1], $0x80, $0x38;
	[tilespmem:$0xFD00] =	vst v63  }
0x58: {  	s14 =	sand.u32 $0x1FFFFFF0, s21  }
0x59: {  	s22 =	rddreg [dreg:$0x4];
	s23 =	spop (v2sf);
	s14 =	sadd.s32 s2, s14  }
0x5a: {  	[tilespmem:s22], [sflag:$0x1] =	stream.linear.gather [hbm4b:s14+s1], $0x80, $0x38;
	[tilespmem:$0xFD00] =	vst v63  }
0x5b: {  	s14 =	sand.u32 $0x1FFFFFF0, s23  }
0x5c: {  	s24 =	rddreg [dreg:$0x5];
	s14 =	sadd.s32 s2, s14  }
0x5d: {  	[tilespmem:s24], [sflag:$0x1] =	stream.linear.gather [hbm4b:s14+s1], $0x80, $0x38;
	[tilespmem:$0xFD00] =	vst v63  }
0x5e: {  	(v2sf) =	vpush v0, $0x4;
	_ =	sdelay $0x1  }
0x5f: {  	(v2sf) =	vpush v0, $0x5;
	_ =	sdelay $0x1  }
0x60: {  	(v2sf) =	vpush v0, $0x6;
	_ =	sdelay $0x2  }
0x61: {  	(v2sf) =	vpush v0, $0x7;
	_ =	sdelay $0x7  }
0x62: {  	s14 =	spop (v2sf);
	(v2sf) =	vpush v0, $0x8;
	_ =	sdelay $0x1  }
0x63: {  	s25 =	spop (v2sf);
	(v2sf) =	vpush v0, $0x9;
	_ =	sdelay $0x1  }
0x64: {  	s14 =	sand.u32 $0x1FFFFFF0, s14;
	s28 =	spop (v2sf);
	(v2sf) =	vpush v0, $0xA  }
0x65: {  	s15 =	rddreg [dreg:$0x6];
	s14 =	sadd.s32 s2, s14  }
0x66: {  	[tilespmem:s15], [sflag:$0x1] =	stream.linear.gather [hbm4b:s14+s1], $0x80, $0x38;
	[tilespmem:$0xFD00] =	vst v63  }
0x67: {  	s30 =	spop (v2sf);
	(v2sf) =	vpush v0, $0xB  }
0x68: {  	s14 =	sand.u32 $0x1FFFFFF0, s25  }
0x69: {  	s26 =	rddreg [dreg:$0x7];
	s14 =	sadd.s32 s2, s14  }
0x6a: {  	[tilespmem:s26], [sflag:$0x1] =	stream.linear.gather [hbm4b:s14+s1], $0x80, $0x38;
	[tilespmem:$0xFD00] =	vst v63  }
0x6b: {  	s14 =	sand.u32 $0x1FFFFFF0, s28  }
0x6c: {  	s29 =	rddreg [dreg:$0x8];
	s14 =	sadd.s32 s2, s14  }
0x6d: {  	[tilespmem:s29], [sflag:$0x1] =	stream.linear.gather [hbm4b:s14+s1], $0x80, $0x38;
	[tilespmem:$0xFD00] =	vst v63  }
0x6e: {  	s14 =	sand.u32 $0x1FFFFFF0, s30  }
0x6f: {  	s31 =	rddreg [dreg:$0x9];
	s14 =	sadd.s32 s2, s14;
	s15 =	spop (v2sf);
	(v2sf) =	vpush v0, $0xC  }
0x70: {  	[tilespmem:s31], [sflag:$0x1] =	stream.linear.gather [hbm4b:s14+s1], $0x80, $0x38;
	[tilespmem:$0xFD00] =	vst v63  }
0x71: {  	s17 =	spop (v2sf);
	(v2sf) =	vpush v0, $0xD  }
0x72: {  	s14 =	sand.u32 $0x1FFFFFF0, s15  }
0x73: {  	s16 =	rddreg [dreg:$0xa];
	s14 =	sadd.s32 s2, s14;
	s19 =	spop (v2sf)  }
0x74: {  	(v2sf) =	vpush v0, $0xE;
	[tilespmem:s16], [sflag:$0x1] =	stream.linear.gather [hbm4b:s14+s1], $0x80, $0x38;
	[tilespmem:$0xFD00] =	vst v63  }
0x75: {  	s14 =	sand.u32 $0x1FFFFFF0, s17  }
0x76: {  	s18 =	rddreg [dreg:$0xb];
	s21 =	spop (v2sf);
	s14 =	sadd.s32 s2, s14  }
0x77: {  	(v2sf) =	vpush v0, $0xF;
	[tilespmem:s18], [sflag:$0x1] =	stream.linear.gather [hbm4b:s14+s1], $0x80, $0x38;
	[tilespmem:$0xFD00] =	vst v63  }
0x78: {  	s14 =	sand.u32 $0x1FFFFFF0, s19  }
0x79: {  	s20 =	rddreg [dreg:$0xc];
	s14 =	sadd.s32 s2, s14  }
0x7a: {  	[tilespmem:s20], [sflag:$0x1] =	stream.linear.gather [hbm4b:s14+s1], $0x80, $0x38;
	[tilespmem:$0xFD00] =	vst v63  }
0x7b: {  	s14 =	sand.u32 $0x1FFFFFF0, s21  }
0x7c: {  	s22 =	rddreg [dreg:$0xd];
	s14 =	sadd.s32 s2, s14  }
0x7d: {  	[tilespmem:s22], [sflag:$0x1] =	stream.linear.gather [hbm4b:s14+s1], $0x80, $0x38;
	[tilespmem:$0xFD00] =	vst v63  }
0x7e: {  	s23 =	spop (v2sf)  }
0x7f: {  	s14 =	sand.u32 $0x1FFFFFF0, s23  }
0x80: {  	s24 =	rddreg [dreg:$0xe];
	s25 =	spop (v2sf);
	s14 =	sadd.s32 s2, s14  }
0x81: {  	[tilespmem:s24], [sflag:$0x1] =	stream.linear.gather [hbm4b:s14+s1], $0x80, $0x38;
	[tilespmem:$0xFD00] =	vst v63  }
0x82: {  	s14 =	sand.u32 $0x1FFFFFF0, s25  }
0x83: {  	s26 =	rddreg [dreg:$0xf];
	s28 =	spop (v2sf);
	s14 =	sadd.s32 s2, s14  }
0x84: {  	[tilespmem:s26], [sflag:$0x1] =	stream.linear.gather [hbm4b:s14+s1], $0x80, $0x38;
	[tilespmem:$0xFD00] =	vst v63  }
0x85: {  	s14 =	sand.u32 $0x1FFFFFF0, s28  }
0x86: {  	s29 =	rddreg [dreg:$0x10];
	s30 =	spop (v2sf);
	s14 =	sadd.s32 s2, s14  }
0x87: {  	[tilespmem:s29], [sflag:$0x1] =	stream.linear.gather [hbm4b:s14+s1], $0x80, $0x38;
	[tilespmem:$0xFD00] =	vst v63  }
0x88: {  	s14 =	sand.u32 $0x1FFFFFF0, s30  }
0x89: {  	s31 =	rddreg [dreg:$0x11];
	s14 =	sadd.s32 s2, s14  }
0x8a: {  	[tilespmem:s31], [sflag:$0x1] =	stream.linear.gather [hbm4b:s14+s1], $0x80, $0x38;
	[tilespmem:$0xFD00] =	vst v63  }
0x8b: {  	v60 =	vld [tilespmem:s13+$0x10];
	_ =	sdelay $0x4  }
0x8c: {  	v0 =	vshll.u32 v60, $0x4  }
0x8d: {  	(v2sf) =	vpush v0, $0x0;
	_ =	sdelay $0x1  }
0x8e: {  	(v2sf) =	vpush v0, $0x1;
	_ =	sdelay $0x1  }
0x8f: {  	(v2sf) =	vpush v0, $0x2;
	_ =	sdelay $0x2  }
0x90: {  	(v2sf) =	vpush v0, $0x3;
	_ =	sdelay $0x7  }
0x91: {  	s15 =	spop (v2sf);
	(v2sf) =	vpush v0, $0x4;
	_ =	sdelay $0x1  }
0x92: {  	s17 =	spop (v2sf);
	(v2sf) =	vpush v0, $0x5;
	_ =	sdelay $0x1  }
0x93: {  	s19 =	spop (v2sf);
	(v2sf) =	vpush v0, $0x6;
	_ =	sdelay $0x1  }
0x94: {  	s14 =	sand.u32 $0x1FFFFFF0, s15  }
0x95: {  	s16 =	rddreg [dreg:$0x12];
	s14 =	sadd.s32 s2, s14;
	s21 =	spop (v2sf);
	(v2sf) =	vpush v0, $0x7  }
0x96: {  	[tilespmem:s16], [sflag:$0x1] =	stream.linear.gather [hbm4b:s14+s1], $0x80, $0x38;
	[tilespmem:$0xFD00] =	vst v63  }
0x97: {  	s14 =	sand.u32 $0x1FFFFFF0, s17  }
0x98: {  	s18 =	rddreg [dreg:$0x13];
	s14 =	sadd.s32 s2, s14  }
0x99: {  	[tilespmem:s18], [sflag:$0x1] =	stream.linear.gather [hbm4b:s14+s1], $0x80, $0x38;
	[tilespmem:$0xFD00] =	vst v63  }
0x9a: {  	s14 =	sand.u32 $0x1FFFFFF0, s19  }
0x9b: {  	s20 =	rddreg [dreg:$0x14];
	s14 =	sadd.s32 s2, s14  }
0x9c: {  	[tilespmem:s20], [sflag:$0x1] =	stream.linear.gather [hbm4b:s14+s1], $0x80, $0x38;
	[tilespmem:$0xFD00] =	vst v63  }
0x9d: {  	s23 =	spop (v2sf);
	(v2sf) =	vpush v0, $0x8  }
0x9e: {  	s14 =	sand.u32 $0x1FFFFFF0, s21  }
0x9f: {  	s22 =	rddreg [dreg:$0x15];
	s14 =	sadd.s32 s2, s14;
	s25 =	spop (v2sf);
	(v2sf) =	vpush v0, $0x9  }
0xa0: {  	[tilespmem:s22], [sflag:$0x1] =	stream.linear.gather [hbm4b:s14+s1], $0x80, $0x38;
	[tilespmem:$0xFD00] =	vst v63  }
0xa1: {  	s14 =	sand.u32 $0x1FFFFFF0, s23;
	s28 =	spop (v2sf);
	(v2sf) =	vpush v0, $0xA  }
0xa2: {  	s24 =	rddreg [dreg:$0x16];
	s14 =	sadd.s32 s2, s14  }
0xa3: {  	[tilespmem:s24], [sflag:$0x1] =	stream.linear.gather [hbm4b:s14+s1], $0x80, $0x38;
	[tilespmem:$0xFD00] =	vst v63  }
0xa4: {  	s30 =	spop (v2sf);
	(v2sf) =	vpush v0, $0xB  }
0xa5: {  	s14 =	sand.u32 $0x1FFFFFF0, s25  }
0xa6: {  	s26 =	rddreg [dreg:$0x17];
	s14 =	sadd.s32 s2, s14  }
0xa7: {  	[tilespmem:s26], [sflag:$0x1] =	stream.linear.gather [hbm4b:s14+s1], $0x80, $0x38;
	[tilespmem:$0xFD00] =	vst v63  }
0xa8: {  	s14 =	sand.u32 $0x1FFFFFF0, s28  }
0xa9: {  	s29 =	rddreg [dreg:$0x18];
	s14 =	sadd.s32 s2, s14  }
0xaa: {  	[tilespmem:s29], [sflag:$0x1] =	stream.linear.gather [hbm4b:s14+s1], $0x80, $0x38;
	[tilespmem:$0xFD00] =	vst v63  }
0xab: {  	s14 =	sand.u32 $0x1FFFFFF0, s30  }
0xac: {  	s31 =	rddreg [dreg:$0x19];
	s14 =	sadd.s32 s2, s14;
	s15 =	spop (v2sf);
	(v2sf) =	vpush v0, $0xC  }
0xad: {  	[tilespmem:s31], [sflag:$0x1] =	stream.linear.gather [hbm4b:s14+s1], $0x80, $0x38;
	[tilespmem:$0xFD00] =	vst v63  }
0xae: {  	s17 =	spop (v2sf);
	(v2sf) =	vpush v0, $0xD  }
0xaf: {  	s14 =	sand.u32 $0x1FFFFFF0, s15  }
0xb0: {  	s16 =	rddreg [dreg:$0x1a];
	s14 =	sadd.s32 s2, s14;
	s19 =	spop (v2sf)  }
0xb1: {  	(v2sf) =	vpush v0, $0xE;
	[tilespmem:s16], [sflag:$0x1] =	stream.linear.gather [hbm4b:s14+s1], $0x80, $0x38;
	[tilespmem:$0xFD00] =	vst v63  }
0xb2: {  	s14 =	sand.u32 $0x1FFFFFF0, s17  }
0xb3: {  	s18 =	rddreg [dreg:$0x1b];
	s21 =	spop (v2sf);
	s14 =	sadd.s32 s2, s14  }
0xb4: {  	(v2sf) =	vpush v0, $0xF;
	[tilespmem:s18], [sflag:$0x1] =	stream.linear.gather [hbm4b:s14+s1], $0x80, $0x38;
	[tilespmem:$0xFD00] =	vst v63  }
0xb5: {  	s14 =	sand.u32 $0x1FFFFFF0, s19  }
0xb6: {  	s20 =	rddreg [dreg:$0x1c];
	s14 =	sadd.s32 s2, s14  }
0xb7: {  	[tilespmem:s20], [sflag:$0x1] =	stream.linear.gather [hbm4b:s14+s1], $0x80, $0x38;
	[tilespmem:$0xFD00] =	vst v63  }
0xb8: {  	s14 =	sand.u32 $0x1FFFFFF0, s21  }
0xb9: {  	s22 =	rddreg [dreg:$0x1d];
	s14 =	sadd.s32 s2, s14  }
0xba: {  	[tilespmem:s22], [sflag:$0x1] =	stream.linear.gather [hbm4b:s14+s1], $0x80, $0x38;
	[tilespmem:$0xFD00] =	vst v63  }
0xbb: {  	s23 =	spop (v2sf)  }
0xbc: {  	s14 =	sand.u32 $0x1FFFFFF0, s23  }
0xbd: {  	s24 =	rddreg [dreg:$0x1e];
	s25 =	spop (v2sf);
	s14 =	sadd.s32 s2, s14  }
0xbe: {  	[tilespmem:s24], [sflag:$0x1] =	stream.linear.gather [hbm4b:s14+s1], $0x80, $0x38;
	[tilespmem:$0xFD00] =	vst v63  }
0xbf: {  	s26 =	rddreg [dreg:$0x1f];
	s14 =	sand.u32 $0x1FFFFFF0, s25  }
0xc0: {  	s29 =	sld [smem:$0x7DC];
	s28 =	spop (v2sf);
	s14 =	sadd.s32 s2, s14  }
0xc1: {  	[tilespmem:s26], [sflag:$0x1] =	stream.linear.gather [hbm4b:s14+s1], $0x80, $0x38;
	[tilespmem:$0xFD00] =	vst v63  }
0xc2: {  	s14 =	sand.u32 $0x1FFFFFF0, s28  }
0xc3: {  	s31 =	sld [smem:$0x7DD];
	s30 =	spop (v2sf);
	s14 =	sadd.s32 s2, s14  }
0xc4: {  	[tilespmem:s29], [sflag:$0x1] =	stream.linear.gather [hbm4b:s14+s1], $0x80, $0x38;
	[tilespmem:$0xFD00] =	vst v63  }
0xc5: {  	s14 =	sand.u32 $0x1FFFFFF0, s30  }
0xc6: {  	s14 =	sadd.s32 s2, s14  }
0xc7: {  	[tilespmem:s31], [sflag:$0x1] =	stream.linear.gather [hbm4b:s14+s1], $0x80, $0x38;
	[tilespmem:$0xFD00] =	vst v63  }
0xc8: {  	v61 =	vld [tilespmem:s13+$0x20];
	_ =	sdelay $0x4  }
0xc9: {  	v0 =	vshll.u32 v61, $0x4  }
0xca: {  	(v2sf) =	vpush v0, $0x0;
	_ =	sdelay $0x1  }
0xcb: {  	(v2sf) =	vpush v0, $0x1;
	_ =	sdelay $0x1  }
0xcc: {  	(v2sf) =	vpush v0, $0x2;
	_ =	sdelay $0x2  }
0xcd: {  	(v2sf) =	vpush v0, $0x3;
	_ =	sdelay $0x7  }
0xce: {  	s15 =	spop (v2sf);
	(v2sf) =	vpush v0, $0x4;
	_ =	sdelay $0x1  }
0xcf: {  	s17 =	spop (v2sf);
	(v2sf) =	vpush v0, $0x5;
	_ =	sdelay $0x1  }
0xd0: {  	s19 =	spop (v2sf);
	(v2sf) =	vpush v0, $0x6  }
0xd1: {  	s16 =	sld [smem:$0x7DE]  }
0xd2: {  	s14 =	sand.u32 $0x1FFFFFF0, s15  }
0xd3: {  	s18 =	sld [smem:$0x7DF];
	s14 =	sadd.s32 s2, s14;
	s21 =	spop (v2sf);
	(v2sf) =	vpush v0, $0x7  }
0xd4: {  	[tilespmem:s16], [sflag:$0x1] =	stream.linear.gather [hbm4b:s14+s1], $0x80, $0x38;
	[tilespmem:$0xFD00] =	vst v63  }
0xd5: {  	s14 =	sand.u32 $0x1FFFFFF0, s17  }
0xd6: {  	s20 =	sld [smem:$0x7E0];
	s14 =	sadd.s32 s2, s14  }
0xd7: {  	[tilespmem:s18], [sflag:$0x1] =	stream.linear.gather [hbm4b:s14+s1], $0x80, $0x38;
	[tilespmem:$0xFD00] =	vst v63  }
0xd8: {  	s14 =	sand.u32 $0x1FFFFFF0, s19  }
0xd9: {  	s14 =	sadd.s32 s2, s14  }
0xda: {  	[tilespmem:s20], [sflag:$0x1] =	stream.linear.gather [hbm4b:s14+s1], $0x80, $0x38;
	[tilespmem:$0xFD00] =	vst v63  }
0xdb: {  	s22 =	sld [smem:$0x7E1];
	s23 =	spop (v2sf);
	(v2sf) =	vpush v0, $0x8  }
0xdc: {  	s14 =	sand.u32 $0x1FFFFFF0, s21  }
0xdd: {  	s24 =	sld [smem:$0x7E2];
	s14 =	sadd.s32 s2, s14;
	s25 =	spop (v2sf);
	(v2sf) =	vpush v0, $0x9  }
0xde: {  	[tilespmem:s22], [sflag:$0x1] =	stream.linear.gather [hbm4b:s14+s1], $0x80, $0x38;
	[tilespmem:$0xFD00] =	vst v63  }
0xdf: {  	s14 =	sand.u32 $0x1FFFFFF0, s23;
	s28 =	spop (v2sf);
	(v2sf) =	vpush v0, $0xA  }
0xe0: {  	s14 =	sadd.s32 s2, s14  }
0xe1: {  	[tilespmem:s24], [sflag:$0x1] =	stream.linear.gather [hbm4b:s14+s1], $0x80, $0x38;
	[tilespmem:$0xFD00] =	vst v63  }
0xe2: {  	s26 =	sld [smem:$0x7E3];
	s30 =	spop (v2sf);
	(v2sf) =	vpush v0, $0xB  }
0xe3: {  	s14 =	sand.u32 $0x1FFFFFF0, s25  }
0xe4: {  	s29 =	sld [smem:$0x7E4];
	s14 =	sadd.s32 s2, s14  }
0xe5: {  	[tilespmem:s26], [sflag:$0x1] =	stream.linear.gather [hbm4b:s14+s1], $0x80, $0x38;
	[tilespmem:$0xFD00] =	vst v63  }
0xe6: {  	s14 =	sand.u32 $0x1FFFFFF0, s28  }
0xe7: {  	s31 =	sld [smem:$0x7E5];
	s14 =	sadd.s32 s2, s14  }
0xe8: {  	[tilespmem:s29], [sflag:$0x1] =	stream.linear.gather [hbm4b:s14+s1], $0x80, $0x38;
	[tilespmem:$0xFD00] =	vst v63  }
0xe9: {  	s14 =	sand.u32 $0x1FFFFFF0, s30  }
0xea: {  	s14 =	sadd.s32 s2, s14;
	s15 =	spop (v2sf);
	(v2sf) =	vpush v0, $0xC  }
0xeb: {  	[tilespmem:s31], [sflag:$0x1] =	stream.linear.gather [hbm4b:s14+s1], $0x80, $0x38;
	[tilespmem:$0xFD00] =	vst v63  }
0xec: {  	s16 =	sld [smem:$0x7E6];
	s17 =	spop (v2sf);
	(v2sf) =	vpush v0, $0xD  }
0xed: {  	s14 =	sand.u32 $0x1FFFFFF0, s15  }
0xee: {  	s18 =	sld [smem:$0x7E7];
	s14 =	sadd.s32 s2, s14;
	s19 =	spop (v2sf)  }
0xef: {  	(v2sf) =	vpush v0, $0xE;
	[tilespmem:s16], [sflag:$0x1] =	stream.linear.gather [hbm4b:s14+s1], $0x80, $0x38;
	[tilespmem:$0xFD00] =	vst v63  }
0xf0: {  	s14 =	sand.u32 $0x1FFFFFF0, s17  }
0xf1: {  	s20 =	sld [smem:$0x7E8];
	s21 =	spop (v2sf);
	s14 =	sadd.s32 s2, s14  }
0xf2: {  	(v2sf) =	vpush v0, $0xF;
	[tilespmem:s18], [sflag:$0x1] =	stream.linear.gather [hbm4b:s14+s1], $0x80, $0x38;
	[tilespmem:$0xFD00] =	vst v63  }
0xf3: {  	s14 =	sand.u32 $0x1FFFFFF0, s19  }
0xf4: {  	s22 =	sld [smem:$0x7E9];
	s14 =	sadd.s32 s2, s14  }
0xf5: {  	[tilespmem:s20], [sflag:$0x1] =	stream.linear.gather [hbm4b:s14+s1], $0x80, $0x38;
	[tilespmem:$0xFD00] =	vst v63  }
0xf6: {  	s14 =	sand.u32 $0x1FFFFFF0, s21  }
0xf7: {  	s14 =	sadd.s32 s2, s14  }
0xf8: {  	[tilespmem:s22], [sflag:$0x1] =	stream.linear.gather [hbm4b:s14+s1], $0x80, $0x38;
	[tilespmem:$0xFD00] =	vst v63  }
0xf9: {  	s24 =	sld [smem:$0x7EA];
	s23 =	spop (v2sf)  }
0xfa: {  	s14 =	sand.u32 $0x1FFFFFF0, s23  }
0xfb: {  	s26 =	sld [smem:$0x7EB];
	s25 =	spop (v2sf);
	s14 =	sadd.s32 s2, s14  }
0xfc: {  	[tilespmem:s24], [sflag:$0x1] =	stream.linear.gather [hbm4b:s14+s1], $0x80, $0x38;
	[tilespmem:$0xFD00] =	vst v63  }
0xfd: {  	s14 =	sand.u32 $0x1FFFFFF0, s25  }
0xfe: {  	s29 =	sld [smem:$0x7EC];
	s28 =	spop (v2sf);
	s14 =	sadd.s32 s2, s14  }
0xff: {  	[tilespmem:s26], [sflag:$0x1] =	stream.linear.gather [hbm4b:s14+s1], $0x80, $0x38;
	[tilespmem:$0xFD00] =	vst v63  }
0x100: {  	s14 =	sand.u32 $0x1FFFFFF0, s28  }
0x101: {  	s31 =	sld [smem:$0x7ED];
	s30 =	spop (v2sf);
	s14 =	sadd.s32 s2, s14  }
0x102: {  	[tilespmem:s29], [sflag:$0x1] =	stream.linear.gather [hbm4b:s14+s1], $0x80, $0x38;
	[tilespmem:$0xFD00] =	vst v63  }
0x103: {  	s14 =	sand.u32 $0x1FFFFFF0, s30  }
0x104: {  	s14 =	sadd.s32 s2, s14  }
0x105: {  	[tilespmem:s31], [sflag:$0x1] =	stream.linear.gather [hbm4b:s14+s1], $0x80, $0x38;
	[tilespmem:$0xFD00] =	vst v63  }
0x106: {  	v62 =	vld [tilespmem:s13+$0x30];
	_ =	sdelay $0x4  }
0x107: {  	v0 =	vshll.u32 v62, $0x4  }
0x108: {  	(v2sf) =	vpush v0, $0x0;
	_ =	sdelay $0x1  }
0x109: {  	(v2sf) =	vpush v0, $0x1;
	_ =	sdelay $0x1  }
0x10a: {  	(v2sf) =	vpush v0, $0x2;
	_ =	sdelay $0x2  }
0x10b: {  	(v2sf) =	vpush v0, $0x3;
	_ =	sdelay $0x7  }
0x10c: {  	s15 =	spop (v2sf);
	(v2sf) =	vpush v0, $0x4;
	_ =	sdelay $0x1  }
0x10d: {  	s17 =	spop (v2sf);
	(v2sf) =	vpush v0, $0x5;
	_ =	sdelay $0x1  }
0x10e: {  	s19 =	spop (v2sf);
	(v2sf) =	vpush v0, $0x6  }
0x10f: {  	s16 =	sld [smem:$0x7EE]  }
0x110: {  	s13 =	sand.u32 $0x1FFFFFF0, s15  }
0x111: {  	s18 =	sld [smem:$0x7EF];
	s13 =	sadd.s32 s2, s13;
	s21 =	spop (v2sf);
	(v2sf) =	vpush v0, $0x7  }
0x112: {  	[tilespmem:s16], [sflag:$0x1] =	stream.linear.gather [hbm4b:s13+s1], $0x80, $0x38;
	[tilespmem:$0xFD00] =	vst v63  }
0x113: {  	s13 =	sand.u32 $0x1FFFFFF0, s17  }
0x114: {  	s20 =	sld [smem:$0x7F0];
	s13 =	sadd.s32 s2, s13  }
0x115: {  	[tilespmem:s18], [sflag:$0x1] =	stream.linear.gather [hbm4b:s13+s1], $0x80, $0x38;
	[tilespmem:$0xFD00] =	vst v63  }
0x116: {  	s13 =	sand.u32 $0x1FFFFFF0, s19  }
0x117: {  	s13 =	sadd.s32 s2, s13  }
0x118: {  	[tilespmem:s20], [sflag:$0x1] =	stream.linear.gather [hbm4b:s13+s1], $0x80, $0x38;
	[tilespmem:$0xFD00] =	vst v63  }
0x119: {  	s22 =	sld [smem:$0x7F1];
	s23 =	spop (v2sf);
	(v2sf) =	vpush v0, $0x8  }
0x11a: {  	s13 =	sand.u32 $0x1FFFFFF0, s21  }
0x11b: {  	s24 =	sld [smem:$0x7F2];
	s13 =	sadd.s32 s2, s13;
	s25 =	spop (v2sf);
	(v2sf) =	vpush v0, $0x9  }
0x11c: {  	[tilespmem:s22], [sflag:$0x1] =	stream.linear.gather [hbm4b:s13+s1], $0x80, $0x38;
	[tilespmem:$0xFD00] =	vst v63  }
0x11d: {  	s13 =	sand.u32 $0x1FFFFFF0, s23;
	s28 =	spop (v2sf);
	(v2sf) =	vpush v0, $0xA  }
0x11e: {  	s13 =	sadd.s32 s2, s13  }
0x11f: {  	[tilespmem:s24], [sflag:$0x1] =	stream.linear.gather [hbm4b:s13+s1], $0x80, $0x38;
	[tilespmem:$0xFD00] =	vst v63  }
0x120: {  	s26 =	sld [smem:$0x7F3];
	s30 =	spop (v2sf);
	(v2sf) =	vpush v0, $0xB  }
0x121: {  	s13 =	sand.u32 $0x1FFFFFF0, s25  }
0x122: {  	s29 =	sld [smem:$0x7F4];
	s13 =	sadd.s32 s2, s13  }
0x123: {  	[tilespmem:s26], [sflag:$0x1] =	stream.linear.gather [hbm4b:s13+s1], $0x80, $0x38;
	[tilespmem:$0xFD00] =	vst v63  }
0x124: {  	s13 =	sand.u32 $0x1FFFFFF0, s28  }
0x125: {  	s31 =	sld [smem:$0x7F5];
	s13 =	sadd.s32 s2, s13  }
0x126: {  	[tilespmem:s29], [sflag:$0x1] =	stream.linear.gather [hbm4b:s13+s1], $0x80, $0x38;
	[tilespmem:$0xFD00] =	vst v63  }
0x127: {  	s13 =	sand.u32 $0x1FFFFFF0, s30  }
0x128: {  	s13 =	sadd.s32 s2, s13;
	s15 =	spop (v2sf);
	(v2sf) =	vpush v0, $0xC  }
0x129: {  	[tilespmem:s31], [sflag:$0x1] =	stream.linear.gather [hbm4b:s13+s1], $0x80, $0x38;
	[tilespmem:$0xFD00] =	vst v63  }
0x12a: {  	s16 =	sld [smem:$0x7F6];
	s17 =	spop (v2sf);
	(v2sf) =	vpush v0, $0xD  }
0x12b: {  	s13 =	sand.u32 $0x1FFFFFF0, s15  }
0x12c: {  	s18 =	sld [smem:$0x7F7];
	s13 =	sadd.s32 s2, s13;
	s19 =	spop (v2sf)  }
0x12d: {  	(v2sf) =	vpush v0, $0xE;
	[tilespmem:s16], [sflag:$0x1] =	stream.linear.gather [hbm4b:s13+s1], $0x80, $0x38;
	[tilespmem:$0xFD00] =	vst v63  }
0x12e: {  	s13 =	sand.u32 $0x1FFFFFF0, s17  }
0x12f: {  	s20 =	sld [smem:$0x7F8];
	s21 =	spop (v2sf);
	s13 =	sadd.s32 s2, s13  }
0x130: {  	(v2sf) =	vpush v0, $0xF;
	[tilespmem:s18], [sflag:$0x1] =	stream.linear.gather [hbm4b:s13+s1], $0x80, $0x38;
	[tilespmem:$0xFD00] =	vst v63  }
0x131: {  	s13 =	sand.u32 $0x1FFFFFF0, s19  }
0x132: {  	s22 =	sld [smem:$0x7F9];
	s13 =	sadd.s32 s2, s13  }
0x133: {  	[tilespmem:s20], [sflag:$0x1] =	stream.linear.gather [hbm4b:s13+s1], $0x80, $0x38;
	[tilespmem:$0xFD00] =	vst v63  }
0x134: {  	s13 =	sand.u32 $0x1FFFFFF0, s21  }
0x135: {  	s13 =	sadd.s32 s2, s13  }
0x136: {  	[tilespmem:s22], [sflag:$0x1] =	stream.linear.gather [hbm4b:s13+s1], $0x80, $0x38;
	[tilespmem:$0xFD00] =	vst v63  }
0x137: {  	s24 =	sld [smem:$0x7FA];
	s23 =	spop (v2sf)  }
0x138: {  	s13 =	sand.u32 $0x1FFFFFF0, s23  }
0x139: {  	s26 =	sld [smem:$0x7FB];
	s25 =	spop (v2sf);
	s13 =	sadd.s32 s2, s13  }
0x13a: {  	[tilespmem:s24], [sflag:$0x1] =	stream.linear.gather [hbm4b:s13+s1], $0x80, $0x38;
	[tilespmem:$0xFD00] =	vst v63  }
0x13b: {  	s13 =	sand.u32 $0x1FFFFFF0, s25  }
0x13c: {  	s29 =	sld [smem:$0x7FC];
	s28 =	spop (v2sf);
	s13 =	sadd.s32 s2, s13  }
0x13d: {  	[tilespmem:s26], [sflag:$0x1] =	stream.linear.gather [hbm4b:s13+s1], $0x80, $0x38;
	[tilespmem:$0xFD00] =	vst v63  }
0x13e: {  	s13 =	sand.u32 $0x1FFFFFF0, s28  }
0x13f: {  	s31 =	sld [smem:$0x7FD];
	s30 =	spop (v2sf);
	s13 =	sadd.s32 s2, s13  }
0x140: {  	[tilespmem:s29], [sflag:$0x1] =	stream.linear.gather [hbm4b:s13+s1], $0x80, $0x38;
	[tilespmem:$0xFD00] =	vst v63  }
0x141: {  	s13 =	sand.u32 $0x1FFFFFF0, s30  }
0x142: {  	s13 =	sadd.s32 s2, s13  }
0x143: {  	[tilespmem:s31], [sflag:$0x1] =	stream.linear.gather [hbm4b:s13+s1], $0x80, $0x38;
	[tilespmem:$0xFD00] =	vst v63  }
0x144: {  	_ =	swait.ge [sflag:s8], $0x80  }
0x145: {  	[sflag:s8] =	ssyncset.done $0x0  }
0x146: {  	[sflag:s8] =	ssyncadd.s32 $0xFFFFFF80  }
0x147: {  	_ =	swait.ge [sflag:s8], $0x80  }
0x148: {  	[sflag:s8] =	ssyncset.done $0x0  }
0x149: {  	[sflag:s8] =	ssyncadd.s32 $0xFFFFFF80  }
0x14a: {  	_ =	swait.ge [sflag:s8], $0x80  }
0x14b: {  	[sflag:s8] =	ssyncset.done $0x0  }
0x14c: {  	[sflag:s8] =	ssyncadd.s32 $0xFFFFFF80  }
0x14d: {  	_ =	swait.ge [sflag:s8], $0x80  }
0x14e: {  	[sflag:s8] =	ssyncset.done $0x0  }
0x14f: {  	[sflag:s8] =	ssyncadd.s32 $0xFFFFFF80  }
0x150: {  	_ =	swait.ge [sflag:s8], $0x80  }
0x151: {  	[sflag:s8] =	ssyncset.done $0x0  }
0x152: {  	[sflag:s8] =	ssyncadd.s32 $0xFFFFFF80  }
0x153: {  	_ =	swait.ge [sflag:s8], $0x80  }
0x154: {  	[sflag:s8] =	ssyncset.done $0x0  }
0x155: {  	[sflag:s8] =	ssyncadd.s32 $0xFFFFFF80  }
0x156: {  	_ =	swait.ge [sflag:s8], $0x80  }
0x157: {  	[sflag:s8] =	ssyncset.done $0x0  }
0x158: {  	[sflag:s8] =	ssyncadd.s32 $0xFFFFFF80  }
0x159: {  	_ =	swait.ge [sflag:s8], $0x80  }
0x15a: {  	[sflag:s8] =	ssyncset.done $0x0  }
0x15b: {  	[sflag:s8] =	ssyncadd.s32 $0xFFFFFF80  }
0x15c: {  	_ =	swait.ge [sflag:s8], $0x80  }
0x15d: {  	[sflag:s8] =	ssyncset.done $0x0  }
0x15e: {  	[sflag:s8] =	ssyncadd.s32 $0xFFFFFF80  }
0x15f: {  	_ =	swait.ge [sflag:s8], $0x80  }
0x160: {  	[sflag:s8] =	ssyncset.done $0x0  }
0x161: {  	[sflag:s8] =	ssyncadd.s32 $0xFFFFFF80  }
0x162: {  	_ =	swait.ge [sflag:s8], $0x80  }
0x163: {  	[sflag:s8] =	ssyncset.done $0x0  }
0x164: {  	[sflag:s8] =	ssyncadd.s32 $0xFFFFFF80  }
0x165: {  	_ =	swait.ge [sflag:s8], $0x80  }
0x166: {  	[sflag:s8] =	ssyncset.done $0x0  }
0x167: {  	[sflag:s8] =	ssyncadd.s32 $0xFFFFFF80  }
0x168: {  	_ =	swait.ge [sflag:s8], $0x80  }
0x169: {  	[sflag:s8] =	ssyncset.done $0x0  }
0x16a: {  	[sflag:s8] =	ssyncadd.s32 $0xFFFFFF80  }
0x16b: {  	_ =	swait.ge [sflag:s8], $0x80  }
0x16c: {  	[sflag:s8] =	ssyncset.done $0x0  }
0x16d: {  	[sflag:s8] =	ssyncadd.s32 $0xFFFFFF80  }
0x16e: {  	_ =	swait.ge [sflag:s8], $0x80  }
0x16f: {  	[sflag:s8] =	ssyncset.done $0x0  }
0x170: {  	[sflag:s8] =	ssyncadd.s32 $0xFFFFFF80  }
0x171: {  	_ =	swait.ge [sflag:s8], $0x80  }
0x172: {  	[sflag:s8] =	ssyncset.done $0x0  }
0x173: {  	[sflag:s8] =	ssyncadd.s32 $0xFFFFFF80  }
0x174: {  	_ =	swait.ge [sflag:s8], $0x80  }
0x175: {  	[sflag:s8] =	ssyncset.done $0x0  }
0x176: {  	[sflag:s8] =	ssyncadd.s32 $0xFFFFFF80  }
0x177: {  	_ =	swait.ge [sflag:s8], $0x80  }
0x178: {  	[sflag:s8] =	ssyncset.done $0x0  }
0x179: {  	[sflag:s8] =	ssyncadd.s32 $0xFFFFFF80  }
0x17a: {  	_ =	swait.ge [sflag:s8], $0x80  }
0x17b: {  	[sflag:s8] =	ssyncset.done $0x0  }
0x17c: {  	[sflag:s8] =	ssyncadd.s32 $0xFFFFFF80  }
0x17d: {  	_ =	swait.ge [sflag:s8], $0x80  }
0x17e: {  	[sflag:s8] =	ssyncset.done $0x0  }
0x17f: {  	[sflag:s8] =	ssyncadd.s32 $0xFFFFFF80  }
0x180: {  	_ =	swait.ge [sflag:s8], $0x80  }
0x181: {  	[sflag:s8] =	ssyncset.done $0x0  }
0x182: {  	[sflag:s8] =	ssyncadd.s32 $0xFFFFFF80  }
0x183: {  	_ =	swait.ge [sflag:s8], $0x80  }
0x184: {  	[sflag:s8] =	ssyncset.done $0x0  }
0x185: {  	[sflag:s8] =	ssyncadd.s32 $0xFFFFFF80  }
0x186: {  	_ =	swait.ge [sflag:s8], $0x80  }
0x187: {  	[sflag:s8] =	ssyncset.done $0x0  }
0x188: {  	[sflag:s8] =	ssyncadd.s32 $0xFFFFFF80  }
0x189: {  	_ =	swait.ge [sflag:s8], $0x80  }
0x18a: {  	[sflag:s8] =	ssyncset.done $0x0  }
0x18b: {  	[sflag:s8] =	ssyncadd.s32 $0xFFFFFF80  }
0x18c: {  	_ =	swait.ge [sflag:s8], $0x80  }
0x18d: {  	[sflag:s8] =	ssyncset.done $0x0  }
0x18e: {  	[sflag:s8] =	ssyncadd.s32 $0xFFFFFF80  }
0x18f: {  	_ =	swait.ge [sflag:s8], $0x80  }
0x190: {  	[sflag:s8] =	ssyncset.done $0x0  }
0x191: {  	[sflag:s8] =	ssyncadd.s32 $0xFFFFFF80  }
0x192: {  	_ =	swait.ge [sflag:s8], $0x80  }
0x193: {  	[sflag:s8] =	ssyncset.done $0x0  }
0x194: {  	[sflag:s8] =	ssyncadd.s32 $0xFFFFFF80  }
0x195: {  	_ =	swait.ge [sflag:s8], $0x80  }
0x196: {  	[sflag:s8] =	ssyncset.done $0x0  }
0x197: {  	[sflag:s8] =	ssyncadd.s32 $0xFFFFFF80  }
0x198: {  	_ =	swait.ge [sflag:s8], $0x80  }
0x199: {  	[sflag:s8] =	ssyncset.done $0x0  }
0x19a: {  	[sflag:s8] =	ssyncadd.s32 $0xFFFFFF80  }
0x19b: {  	_ =	swait.ge [sflag:s8], $0x80  }
0x19c: {  	[sflag:s8] =	ssyncset.done $0x0  }
0x19d: {  	[sflag:s8] =	ssyncadd.s32 $0xFFFFFF80  }
0x19e: {  	_ =	swait.ge [sflag:s8], $0x80  }
0x19f: {  	[sflag:s8] =	ssyncset.done $0x0  }
0x1a0: {  	[sflag:s8] =	ssyncadd.s32 $0xFFFFFF80  }
0x1a1: {  	_ =	swait.ge [sflag:s8], $0x80  }
0x1a2: {  	[sflag:s8] =	ssyncset.done $0x0  }
0x1a3: {  	[sflag:s8] =	ssyncadd.s32 $0xFFFFFF80  }
0x1a4: {  	_ =	swait.ge [sflag:s8], $0x80  }
0x1a5: {  	[sflag:s8] =	ssyncset.done $0x0  }
0x1a6: {  	[sflag:s8] =	ssyncadd.s32 $0xFFFFFF80  }
0x1a7: {  	_ =	swait.ge [sflag:s8], $0x80  }
0x1a8: {  	[sflag:s8] =	ssyncset.done $0x0  }
0x1a9: {  	[sflag:s8] =	ssyncadd.s32 $0xFFFFFF80  }
0x1aa: {  	_ =	swait.ge [sflag:s8], $0x80  }
0x1ab: {  	[sflag:s8] =	ssyncset.done $0x0  }
0x1ac: {  	[sflag:s8] =	ssyncadd.s32 $0xFFFFFF80  }
0x1ad: {  	_ =	swait.ge [sflag:s8], $0x80  }
0x1ae: {  	[sflag:s8] =	ssyncset.done $0x0  }
0x1af: {  	[sflag:s8] =	ssyncadd.s32 $0xFFFFFF80  }
0x1b0: {  	_ =	swait.ge [sflag:s8], $0x80  }
0x1b1: {  	[sflag:s8] =	ssyncset.done $0x0  }
0x1b2: {  	[sflag:s8] =	ssyncadd.s32 $0xFFFFFF80  }
0x1b3: {  	_ =	swait.ge [sflag:s8], $0x80  }
0x1b4: {  	[sflag:s8] =	ssyncset.done $0x0  }
0x1b5: {  	[sflag:s8] =	ssyncadd.s32 $0xFFFFFF80  }
0x1b6: {  	_ =	swait.ge [sflag:s8], $0x80  }
0x1b7: {  	[sflag:s8] =	ssyncset.done $0x0  }
0x1b8: {  	[sflag:s8] =	ssyncadd.s32 $0xFFFFFF80  }
0x1b9: {  	_ =	swait.ge [sflag:s8], $0x80  }
0x1ba: {  	[sflag:s8] =	ssyncset.done $0x0  }
0x1bb: {  	[sflag:s8] =	ssyncadd.s32 $0xFFFFFF80  }
0x1bc: {  	_ =	swait.ge [sflag:s8], $0x80  }
0x1bd: {  	[sflag:s8] =	ssyncset.done $0x0  }
0x1be: {  	[sflag:s8] =	ssyncadd.s32 $0xFFFFFF80  }
0x1bf: {  	_ =	swait.ge [sflag:s8], $0x80  }
0x1c0: {  	[sflag:s8] =	ssyncset.done $0x0  }
0x1c1: {  	[sflag:s8] =	ssyncadd.s32 $0xFFFFFF80  }
0x1c2: {  	_ =	swait.ge [sflag:s8], $0x80  }
0x1c3: {  	[sflag:s8] =	ssyncset.done $0x0  }
0x1c4: {  	[sflag:s8] =	ssyncadd.s32 $0xFFFFFF80  }
0x1c5: {  	_ =	swait.ge [sflag:s8], $0x80  }
0x1c6: {  	[sflag:s8] =	ssyncset.done $0x0  }
0x1c7: {  	[sflag:s8] =	ssyncadd.s32 $0xFFFFFF80  }
0x1c8: {  	_ =	swait.ge [sflag:s8], $0x80  }
0x1c9: {  	[sflag:s8] =	ssyncset.done $0x0  }
0x1ca: {  	[sflag:s8] =	ssyncadd.s32 $0xFFFFFF80  }
0x1cb: {  	_ =	swait.ge [sflag:s8], $0x80  }
0x1cc: {  	[sflag:s8] =	ssyncset.done $0x0  }
0x1cd: {  	[sflag:s8] =	ssyncadd.s32 $0xFFFFFF80  }
0x1ce: {  	_ =	swait.ge [sflag:s8], $0x80  }
0x1cf: {  	[sflag:s8] =	ssyncset.done $0x0  }
0x1d0: {  	[sflag:s8] =	ssyncadd.s32 $0xFFFFFF80  }
0x1d1: {  	_ =	swait.ge [sflag:s8], $0x80  }
0x1d2: {  	[sflag:s8] =	ssyncset.done $0x0  }
0x1d3: {  	[sflag:s8] =	ssyncadd.s32 $0xFFFFFF80  }
0x1d4: {  	_ =	swait.ge [sflag:s8], $0x80  }
0x1d5: {  	[sflag:s8] =	ssyncset.done $0x0  }
0x1d6: {  	[sflag:s8] =	ssyncadd.s32 $0xFFFFFF80  }
0x1d7: {  	_ =	swait.ge [sflag:s8], $0x80  }
0x1d8: {  	[sflag:s8] =	ssyncset.done $0x0  }
0x1d9: {  	[sflag:s8] =	ssyncadd.s32 $0xFFFFFF80  }
0x1da: {  	_ =	swait.ge [sflag:s8], $0x80  }
0x1db: {  	[sflag:s8] =	ssyncset.done $0x0  }
0x1dc: {  	[sflag:s8] =	ssyncadd.s32 $0xFFFFFF80  }
0x1dd: {  	_ =	swait.ge [sflag:s8], $0x80  }
0x1de: {  	[sflag:s8] =	ssyncset.done $0x0  }
0x1df: {  	[sflag:s8] =	ssyncadd.s32 $0xFFFFFF80  }
0x1e0: {  	_ =	swait.ge [sflag:s8], $0x80  }
0x1e1: {  	[sflag:s8] =	ssyncset.done $0x0  }
0x1e2: {  	[sflag:s8] =	ssyncadd.s32 $0xFFFFFF80  }
0x1e3: {  	_ =	swait.ge [sflag:s8], $0x80  }
0x1e4: {  	[sflag:s8] =	ssyncset.done $0x0  }
0x1e5: {  	[sflag:s8] =	ssyncadd.s32 $0xFFFFFF80  }
0x1e6: {  	_ =	swait.ge [sflag:s8], $0x80  }
0x1e7: {  	[sflag:s8] =	ssyncset.done $0x0  }
0x1e8: {  	[sflag:s8] =	ssyncadd.s32 $0xFFFFFF80  }
0x1e9: {  	_ =	swait.ge [sflag:s8], $0x80  }
0x1ea: {  	[sflag:s8] =	ssyncset.done $0x0  }
0x1eb: {  	[sflag:s8] =	ssyncadd.s32 $0xFFFFFF80  }
0x1ec: {  	_ =	swait.ge [sflag:s8], $0x80  }
0x1ed: {  	[sflag:s8] =	ssyncset.done $0x0  }
0x1ee: {  	[sflag:s8] =	ssyncadd.s32 $0xFFFFFF80  }
0x1ef: {  	_ =	swait.ge [sflag:s8], $0x80  }
0x1f0: {  	[sflag:s8] =	ssyncset.done $0x0  }
0x1f1: {  	[sflag:s8] =	ssyncadd.s32 $0xFFFFFF80  }
0x1f2: {  	_ =	swait.ge [sflag:s8], $0x80  }
0x1f3: {  	[sflag:s8] =	ssyncset.done $0x0  }
0x1f4: {  	[sflag:s8] =	ssyncadd.s32 $0xFFFFFF80  }
0x1f5: {  	_ =	swait.ge [sflag:s8], $0x80  }
0x1f6: {  	[sflag:s8] =	ssyncset.done $0x0  }
0x1f7: {  	[sflag:s8] =	ssyncadd.s32 $0xFFFFFF80  }
0x1f8: {  	_ =	swait.ge [sflag:s8], $0x80  }
0x1f9: {  	[sflag:s8] =	ssyncset.done $0x0  }
0x1fa: {  	[sflag:s8] =	ssyncadd.s32 $0xFFFFFF80  }
0x1fb: {  	_ =	swait.ge [sflag:s8], $0x80  }
0x1fc: {  	[sflag:s8] =	ssyncset.done $0x0  }
0x1fd: {  	[sflag:s8] =	ssyncadd.s32 $0xFFFFFF80  }
0x1fe: {  	_ =	swait.ge [sflag:s8], $0x80  }
0x1ff: {  	[sflag:s8] =	ssyncset.done $0x0  }
0x200: {  	[sflag:s8] =	ssyncadd.s32 $0xFFFFFF80  }
0x201: {  	_ =	swait.ge [sflag:s8], $0x80  }
0x202: {  	[sflag:s8] =	ssyncset.done $0x0  }
0x203: {  	[sflag:s8] =	ssyncadd.s32 $0xFFFFFF80  }
0x204: {  	v63 =	vld [tilespmem:$0xD00];
	_ =	sdelay $0x4  }
0x205: {  	[tilespmem:s11+$0xFFFFFE00] =	vst v63  }
0x206: {  	v0 =	vld [tilespmem:$0xD80];
	_ =	sdelay $0x4  }
0x207: {  	[tilespmem:s11+$0xFFFFFE10] =	vst v0  }
0x208: {  	v0 =	vld [tilespmem:$0xE00];
	_ =	sdelay $0x4  }
0x209: {  	[tilespmem:s11+$0xFFFFFE20] =	vst v0  }
0x20a: {  	v0 =	vld [tilespmem:$0xE80];
	_ =	sdelay $0x4  }
0x20b: {  	[tilespmem:s11+$0xFFFFFE30] =	vst v0  }
0x20c: {  	v0 =	vld [tilespmem:$0xF00];
	_ =	sdelay $0x4  }
0x20d: {  	[tilespmem:s11+$0xFFFFFE40] =	vst v0  }
0x20e: {  	v0 =	vld [tilespmem:$0xF80];
	_ =	sdelay $0x4  }
0x20f: {  	[tilespmem:s11+$0xFFFFFE50] =	vst v0  }
0x210: {  	v0 =	vld [tilespmem:$0x1000];
	_ =	sdelay $0x4  }
0x211: {  	[tilespmem:s11+$0xFFFFFE60] =	vst v0  }
0x212: {  	v0 =	vld [tilespmem:$0x1080];
	_ =	sdelay $0x4  }
0x213: {  	[tilespmem:s11+$0xFFFFFE70] =	vst v0  }
0x214: {  	v0 =	vld [tilespmem:$0x1100];
	_ =	sdelay $0x4  }
0x215: {  	[tilespmem:s11+$0xFFFFFE80] =	vst v0  }
0x216: {  	v0 =	vld [tilespmem:$0x1180];
	_ =	sdelay $0x4  }
0x217: {  	[tilespmem:s11+$0xFFFFFE90] =	vst v0  }
0x218: {  	v0 =	vld [tilespmem:$0x1200];
	_ =	sdelay $0x4  }
0x219: {  	[tilespmem:s11+$0xFFFFFEA0] =	vst v0  }
0x21a: {  	v0 =	vld [tilespmem:$0x1280];
	_ =	sdelay $0x4  }
0x21b: {  	[tilespmem:s11+$0xFFFFFEB0] =	vst v0  }
0x21c: {  	v0 =	vld [tilespmem:$0x1300];
	_ =	sdelay $0x4  }
0x21d: {  	[tilespmem:s11+$0xFFFFFEC0] =	vst v0  }
0x21e: {  	v0 =	vld [tilespmem:$0x1380];
	_ =	sdelay $0x4  }
0x21f: {  	[tilespmem:s11+$0xFFFFFED0] =	vst v0  }
0x220: {  	v0 =	vld [tilespmem:$0x1400];
	_ =	sdelay $0x4  }
0x221: {  	[tilespmem:s11+$0xFFFFFEE0] =	vst v0  }
0x222: {  	v0 =	vld [tilespmem:$0x1480];
	_ =	sdelay $0x4  }
0x223: {  	[tilespmem:s11+$0xFFFFFEF0] =	vst v0  }
0x224: {  	v0 =	vld [tilespmem:$0x1500];
	_ =	sdelay $0x4  }
0x225: {  	[tilespmem:s11+$0xFFFFFF00] =	vst v0  }
0x226: {  	v0 =	vld [tilespmem:$0x1580];
	_ =	sdelay $0x4  }
0x227: {  	[tilespmem:s11+$0xFFFFFF10] =	vst v0  }
0x228: {  	v0 =	vld [tilespmem:$0x1600];
	_ =	sdelay $0x4  }
0x229: {  	[tilespmem:s11+$0xFFFFFF20] =	vst v0  }
0x22a: {  	v0 =	vld [tilespmem:$0x1680];
	_ =	sdelay $0x4  }
0x22b: {  	[tilespmem:s11+$0xFFFFFF30] =	vst v0  }
0x22c: {  	v0 =	vld [tilespmem:$0x1700];
	_ =	sdelay $0x4  }
0x22d: {  	[tilespmem:s11+$0xFFFFFF40] =	vst v0  }
0x22e: {  	v0 =	vld [tilespmem:$0x1780];
	_ =	sdelay $0x4  }
0x22f: {  	[tilespmem:s11+$0xFFFFFF50] =	vst v0  }
0x230: {  	v0 =	vld [tilespmem:$0x1800];
	_ =	sdelay $0x4  }
0x231: {  	[tilespmem:s11+$0xFFFFFF60] =	vst v0  }
0x232: {  	v0 =	vld [tilespmem:$0x1880];
	_ =	sdelay $0x4  }
0x233: {  	[tilespmem:s11+$0xFFFFFF70] =	vst v0  }
0x234: {  	v0 =	vld [tilespmem:$0x1900];
	_ =	sdelay $0x4  }
0x235: {  	[tilespmem:s11+$0xFFFFFF80] =	vst v0  }
0x236: {  	v0 =	vld [tilespmem:$0x1980];
	_ =	sdelay $0x4  }
0x237: {  	[tilespmem:s11+$0xFFFFFF90] =	vst v0  }
0x238: {  	v0 =	vld [tilespmem:$0x1A00];
	_ =	sdelay $0x4  }
0x239: {  	[tilespmem:s11+$0xFFFFFFA0] =	vst v0  }
0x23a: {  	v0 =	vld [tilespmem:$0x1A80];
	_ =	sdelay $0x4  }
0x23b: {  	[tilespmem:s11+$0xFFFFFFB0] =	vst v0  }
0x23c: {  	v0 =	vld [tilespmem:$0x1B00];
	_ =	sdelay $0x4  }
0x23d: {  	[tilespmem:s11+$0xFFFFFFC0] =	vst v0  }
0x23e: {  	v0 =	vld [tilespmem:$0x1B80];
	_ =	sdelay $0x4  }
0x23f: {  	[tilespmem:s11+$0xFFFFFFD0] =	vst v0  }
0x240: {  	v0 =	vld [tilespmem:$0x1C00];
	_ =	sdelay $0x4  }
0x241: {  	[tilespmem:s11+$0xFFFFFFE0] =	vst v0  }
0x242: {  	v0 =	vld [tilespmem:$0x1C80];
	_ =	sdelay $0x4  }
0x243: {  	[tilespmem:s11+$0xFFFFFFF0] =	vst v0  }
0x244: {  	v0 =	vld [tilespmem:$0x1D00];
	_ =	sdelay $0x4  }
0x245: {  	[tilespmem:s11+$0x0] =	vst v0  }
0x246: {  	v0 =	vld [tilespmem:$0x1D80];
	_ =	sdelay $0x4  }
0x247: {  	[tilespmem:s11+$0x10] =	vst v0  }
0x248: {  	v0 =	vld [tilespmem:$0x1E00];
	_ =	sdelay $0x4  }
0x249: {  	[tilespmem:s11+$0x20] =	vst v0  }
0x24a: {  	v0 =	vld [tilespmem:$0x1E80];
	_ =	sdelay $0x4  }
0x24b: {  	[tilespmem:s11+$0x30] =	vst v0  }
0x24c: {  	v0 =	vld [tilespmem:$0x1F00];
	_ =	sdelay $0x4  }
0x24d: {  	[tilespmem:s11+$0x40] =	vst v0  }
0x24e: {  	v0 =	vld [tilespmem:$0x1F80];
	_ =	sdelay $0x4  }
0x24f: {  	[tilespmem:s11+$0x50] =	vst v0  }
0x250: {  	v0 =	vld [tilespmem:$0x2000];
	_ =	sdelay $0x4  }
0x251: {  	[tilespmem:s11+$0x60] =	vst v0  }
0x252: {  	v0 =	vld [tilespmem:$0x2080];
	_ =	sdelay $0x4  }
0x253: {  	[tilespmem:s11+$0x70] =	vst v0  }
0x254: {  	v0 =	vld [tilespmem:$0x2100];
	_ =	sdelay $0x4  }
0x255: {  	[tilespmem:s11+$0x80] =	vst v0  }
0x256: {  	v0 =	vld [tilespmem:$0x2180];
	_ =	sdelay $0x4  }
0x257: {  	[tilespmem:s11+$0x90] =	vst v0  }
0x258: {  	v0 =	vld [tilespmem:$0x2200];
	_ =	sdelay $0x4  }
0x259: {  	[tilespmem:s11+$0xA0] =	vst v0  }
0x25a: {  	v0 =	vld [tilespmem:$0x2280];
	_ =	sdelay $0x4  }
0x25b: {  	[tilespmem:s11+$0xB0] =	vst v0  }
0x25c: {  	v0 =	vld [tilespmem:$0x2300];
	_ =	sdelay $0x4  }
0x25d: {  	[tilespmem:s11+$0xC0] =	vst v0  }
0x25e: {  	v0 =	vld [tilespmem:$0x2380];
	_ =	sdelay $0x4  }
0x25f: {  	[tilespmem:s11+$0xD0] =	vst v0  }
0x260: {  	v0 =	vld [tilespmem:$0x2400];
	_ =	sdelay $0x4  }
0x261: {  	[tilespmem:s11+$0xE0] =	vst v0  }
0x262: {  	v0 =	vld [tilespmem:$0x2480];
	_ =	sdelay $0x4  }
0x263: {  	[tilespmem:s11+$0xF0] =	vst v0  }
0x264: {  	v0 =	vld [tilespmem:$0x2500];
	_ =	sdelay $0x4  }
0x265: {  	[tilespmem:s11+$0x100] =	vst v0  }
0x266: {  	v0 =	vld [tilespmem:$0x2580];
	_ =	sdelay $0x4  }
0x267: {  	[tilespmem:s11+$0x110] =	vst v0  }
0x268: {  	v0 =	vld [tilespmem:$0x2600];
	_ =	sdelay $0x4  }
0x269: {  	[tilespmem:s11+$0x120] =	vst v0  }
0x26a: {  	v0 =	vld [tilespmem:$0x2680];
	_ =	sdelay $0x4  }
0x26b: {  	[tilespmem:s11+$0x130] =	vst v0  }
0x26c: {  	v0 =	vld [tilespmem:$0x2700];
	_ =	sdelay $0x4  }
0x26d: {  	[tilespmem:s11+$0x140] =	vst v0  }
0x26e: {  	v0 =	vld [tilespmem:$0x2780];
	_ =	sdelay $0x4  }
0x26f: {  	[tilespmem:s11+$0x150] =	vst v0  }
0x270: {  	v0 =	vld [tilespmem:$0x2800];
	_ =	sdelay $0x4  }
0x271: {  	[tilespmem:s11+$0x160] =	vst v0  }
0x272: {  	v0 =	vld [tilespmem:$0x2880];
	_ =	sdelay $0x4  }
0x273: {  	[tilespmem:s11+$0x170] =	vst v0  }
0x274: {  	v0 =	vld [tilespmem:$0x2900];
	_ =	sdelay $0x4  }
0x275: {  	[tilespmem:s11+$0x180] =	vst v0  }
0x276: {  	v0 =	vld [tilespmem:$0x2980];
	_ =	sdelay $0x4  }
0x277: {  	[tilespmem:s11+$0x190] =	vst v0  }
0x278: {  	v0 =	vld [tilespmem:$0x2A00];
	_ =	sdelay $0x4  }
0x279: {  	[tilespmem:s11+$0x1A0] =	vst v0  }
0x27a: {  	v0 =	vld [tilespmem:$0x2A80];
	_ =	sdelay $0x4  }
0x27b: {  	[tilespmem:s11+$0x1B0] =	vst v0  }
0x27c: {  	v0 =	vld [tilespmem:$0x2B00];
	_ =	sdelay $0x4  }
0x27d: {  	[tilespmem:s11+$0x1C0] =	vst v0  }
0x27e: {  	v0 =	vld [tilespmem:$0x2B80];
	_ =	sdelay $0x4  }
0x27f: {  	[tilespmem:s11+$0x1D0] =	vst v0  }
0x280: {  	v0 =	vld [tilespmem:$0x2C00];
	_ =	sdelay $0x4  }
0x281: {  	[tilespmem:s11+$0x1E0] =	vst v0  }
0x282: {  	p0 =	sne.s32 s12, $0x3300;
	v0 =	vld [tilespmem:$0x2C80]  }
.Ltmp0:
0x283: {  	_ = 	snop;
	(pc) =	sbr.rel @p0 .LBB2_2-.Ltmp0, $2  }
0x284: {  	_ =	sdelay $0x2  }
0x285: {  	s12 =	sadd.s32 $0x100, s12;
	[tilespmem:s11+$0x1F0] =	vst v0;
	s11 =	sadd.s32 $0x400, s11  }
0x286: {  	s10 =	sadd.s32 $0x1, s10  }
0x287: {  	p0 =	sne.s32 s10, s6  }
.Ltmp1:
0x288: {  	_ = 	snop;
	(pc) =	sbr.rel @p0 .LBB2_1-.Ltmp1, $4  }
0x289: {  	[hbm4b:s5+s1] =	stream.linear.scatter [tilespmem:s9], [sflag:$0x2], $0xD000, $0x38;
	[tilespmem:$0xFD00] =	vst v63  }
0x28a: {  	_ =	swait.ge [sflag:s7], $0xD000  }
0x28b: {  	[sflag:s7] =	ssyncset.done $0x0  }
0x28c: {  	[sflag:s7] =	ssyncadd.s32 $0xFFFF3000  }
0x28d: {  	_ =	sfence.sel $0x180000  }
0x28e: {  	[bflag:$0x0] =	sbarrier.arrive $0xFFFF  }
0x28f: {  	p0 =	sne.s32 s3, $0x0;
	_ =	strace $0x9000004A  }
0x290: {  	s0 =	sadd.s32 @!p0 $0x100000, s0;
	[bflag:$0x2] =	sbarrier.arrive $0xFFFF  }
0x291: {  	[sflag:s0] =	ssyncadd.tile.s32 @!p0 $0x1;
	_ =	shalt  }
.Lfunc_end2:
_tile_overlayer_lowered:
.L_overlay_start_2:
0x292: {  	(tag) =	ssettag $0x2  }
0x293: {  	s0 =	rddreg [dreg:$0x0];
	s2 =	stileid.u32  }
0x294: {  	s1 =	rddreg [dreg:$0x1];
	p0 =	sne.s32 s2, $0x0  }
0x295: {  	s3 =	rddreg [dreg:$0x2];
	[bflag:$0x3] =	sbarrier.arrive $0xFFFF;
	s2 =	simm.s32 @!p0 $0x1C02  }
0x296: {  	[timem:s3], [sflag:s2] =	dma.local @!p0 [hbm:s0], s1  }
0x297: {  	s0 =	simm.s32 @!p0 $0x2  }
0x298: {  	_ =	swait.ge @!p0 [sflag:s0], s1  }
0x299: {  	s1 =	ssub.s32 @!p0 $0x0, s1;
	[sflag:s0] =	ssyncset.done @!p0 $0x0  }
0x29a: {  	[sflag:s0] =	ssyncadd.s32 @!p0 s1  }
0x29b: {  	[bflag:$0x3] =	sbarrier.arrive $0xFFFF  }
0x29c: {  	_ =	shalt  }

// kernel: kernel.8.cloned.1.call-start
scs
__scs_entry_jumppad:
0x0: {  	(pc) =	sbr.rel $0x88, $3  }
0x1: {  	(tag) =	ssettag $0x0;
	lr =	simm.s32 $0x1  }
0x2: {  	[smem:$0x3F99] =	sst lr;
	_ =	strace $0xD0000000  }
0x3: {  	_ = 	snop  }
0x4: {  	_ = 	snop  }
0x5: {  	_ = 	snop  }
0x6: {  	_ = 	snop  }
0x7: {  	_ = 	snop  }
__scs_overlays_trampoline_lowered:
0x8: {  	[smem:$0x3FA8] =	sst s0  }
0x9: {  	[smem:$0x3FA9] =	sst s1  }
0xa: {  	[smem:$0x3FAA] =	sst s2  }
0xb: {  	[smem:$0x3FAB] =	sst s3  }
0xc: {  	[smem:$0x3FAC] =	sst s4  }
0xd: {  	[smem:$0x3FAD] =	sst s5  }
0xe: {  	[smem:$0x3FAE] =	sst s6  }
0xf: {  	[smem:$0x3FAF] =	sst s7  }
0x10: {  	[smem:$0x3FB0] =	sst s8  }
0x11: {  	[smem:$0x3FB1] =	sst s9;
	s0 =	simm.s32 @!p0 $0x0  }
0x12: {  	s1 =	sld [smem:$0x3F97];
	s0 =	simm.s32 @p0 $0x1  }
0x13: {  	[smem:$0x3FB2] =	sst s0;
	s0 =	simm.s32 @!p1 $0x0  }
0x14: {  	s2 =	sld [smem:$0x3F96];
	s0 =	simm.s32 @p1 $0x1  }
0x15: {  	[smem:$0x3FB3] =	sst s0;
	s0 =	simm.s32 @!p2 $0x0  }
0x16: {  	s3 =	sld [smem:$0x3FDB];
	s0 =	simm.s32 @p2 $0x1  }
0x17: {  	s4 =	simm.s32 $0x1BF5;
	[smem:$0x3FB5] =	sst s0  }
0x18: {  	s0 =	sld [smem:$0x3F98];
	_ =	swait.ge [sflag:s4], $0x0  }
0x19: {  	s7 =	sld [smem:$0x3F99]  }
0x1a: {  	s8 =	sadd.s32 $0xFFFFE003, lr  }
0x1b: {  	s9 =	sadd.s32 $0xFFFFFEF7, lr;
	s5 =	simm.s32 $0xFFFFFFFF;
	p2 =	slt.u32 s8, $0xFFFFF086  }
0x1c: {  	p1 =	slt.u32 s9, $0xF7A;
	s5 =	simm.s32 @!p2 $0x0  }
0x1d: {  	s5 =	simm.s32 @p1 $0x1;
	p0 =	seq.s32 s7, s2  }
0x1e: {  	s7 =	smul.u32 @!p0 $0xF7A, s2;
	p2 =	seq.s32 @!p0 s5, $0x0  }
0x1f: {  	s9 =	smul.u32 $0xF7A, s1;
	s8 =	simm.s32 @!p0 $0x1BF5;
	p2 =	por !p2, p0  }
0x20: {  	[sflag:s8] =	ssyncset.s32 @!p0 $0xFFFFF086;
	s6 =	sadd.s32 @!p0 s3, s7;
	s7 =	simm.s32 @!p0 $0x108  }
0x21: {  	s3 =	sadd.s32 s3, s9;
	s6 =	sadd.s32 @!p0 $0x88, s6;
	s7 =	simm.s32 @p2 $0x1082  }
0x22: {  	[simem:s7], [sflag:s8] =	dma.local @!p0 [hbm:s6], $0xF7A  }
0x23: {  	s9 =	sor.u32 $0xD0000000, s2;
	s6 =	simm.s32 $0x108;
	_ =	swait.ge @!p0 [sflag:s8], $0x0  }
0x24: {  	s3 =	sadd.s32 $0x88, s3;
	s6 =	simm.s32 @!p1 $0x1082;
	[sflag:s4] =	ssyncset.s32 $0xFFFFF086  }
0x25: {  	[simem:s6], [sflag:s4] =	dma.local [hbm:s3], $0xF7A  }
0x26: {  	[smem:$0x3F99] =	sst s1;
	(tag) =	ssettag s2;
	_ =	strace s9  }
0x27: {  	s1 =	sld [smem:$0x3FA9]  }
0x28: {  	s2 =	sld [smem:$0x3FAA]  }
0x29: {  	s4 =	sld [smem:$0x3FAC]  }
0x2a: {  	p0 =	seq.s32 s5, $0x0;
	s5 =	sld [smem:$0x3FAD]  }
0x2b: {  	s6 =	sld [smem:$0x3FAE]  }
0x2c: {  	s7 =	sld [smem:$0x3FAF]  }
0x2d: {  	s3 =	simm.s32 $0x108;
	s8 =	sld [smem:$0x3FB0]  }
0x2e: {  	s3 =	simm.s32 @!p0 $0x1082;
	s9 =	sld [smem:$0x3FB1]  }
0x2f: {  	lr =	sadd.s32 s0, s3;
	s0 =	sld [smem:$0x3FA8]  }
0x30: {  	s3 =	sld [smem:$0x3FAB]  }
0x31: {  	[smem:$0x3FB4] =	sst s10  }
0x32: {  	s10 =	sld [smem:$0x3FB2];
	_ =	sdelay $0x3  }
0x33: {  	p0 =	seq.s32 s10, $0x1;
	s10 =	sld [smem:$0x3FB4];
	_ =	sdelay $0x3  }
0x34: {  	[smem:$0x3FB4] =	sst s10  }
0x35: {  	s10 =	sld [smem:$0x3FB3];
	_ =	sdelay $0x3  }
0x36: {  	p1 =	seq.s32 s10, $0x1;
	s10 =	sld [smem:$0x3FB4];
	_ =	sdelay $0x3  }
0x37: {  	[smem:$0x3FB4] =	sst s10  }
0x38: {  	s10 =	sld [smem:$0x3FB5]  }
0x39: {  	_ = 	snop;
	(pc) =	sbr.ind lr, $3  }
0x3a: {  	_ = 	snop  }
0x3b: {  	_ = 	snop  }
0x3c: {  	p2 =	seq.s32 s10, $0x1;
	s10 =	sld [smem:$0x3FB4]  }
0x3d: {  	_ =	shalt  }
0x3e: {  	_ =	shalt  }
0x3f: {  	_ =	shalt  }
0x40: {  	_ =	shalt  }
0x41: {  	_ =	shalt  }
0x42: {  	_ =	shalt  }
0x43: {  	_ =	shalt  }
0x44: {  	_ =	shalt  }
0x45: {  	_ =	shalt  }
0x46: {  	_ =	shalt  }
0x47: {  	_ =	shalt  }
0x48: {  	_ =	shalt  }
0x49: {  	_ =	shalt  }
0x4a: {  	_ =	shalt  }
0x4b: {  	_ =	shalt  }
0x4c: {  	_ =	shalt  }
0x4d: {  	_ =	shalt  }
0x4e: {  	_ =	shalt  }
0x4f: {  	_ =	shalt  }
0x50: {  	_ =	shalt  }
0x51: {  	_ =	shalt  }
0x52: {  	_ =	shalt  }
0x53: {  	_ =	shalt  }
0x54: {  	_ =	shalt  }
0x55: {  	_ =	shalt  }
0x56: {  	_ =	shalt  }
0x57: {  	_ =	shalt  }
0x58: {  	_ =	shalt  }
0x59: {  	_ =	shalt  }
0x5a: {  	_ =	shalt  }
0x5b: {  	_ =	shalt  }
0x5c: {  	_ =	shalt  }
0x5d: {  	_ =	shalt  }
0x5e: {  	_ =	shalt  }
0x5f: {  	_ =	shalt  }
0x60: {  	_ =	shalt  }
0x61: {  	_ =	shalt  }
0x62: {  	_ =	shalt  }
0x63: {  	_ =	shalt  }
0x64: {  	_ =	shalt  }
0x65: {  	_ =	shalt  }
0x66: {  	_ =	shalt  }
0x67: {  	_ =	shalt  }
0x68: {  	_ =	shalt  }
0x69: {  	_ =	shalt  }
0x6a: {  	_ =	shalt  }
0x6b: {  	_ =	shalt  }
0x6c: {  	_ =	shalt  }
0x6d: {  	_ =	shalt  }
0x6e: {  	_ =	shalt  }
0x6f: {  	_ =	shalt  }
0x70: {  	_ =	shalt  }
0x71: {  	_ =	shalt  }
0x72: {  	_ =	shalt  }
0x73: {  	_ =	shalt  }
0x74: {  	_ =	shalt  }
0x75: {  	_ =	shalt  }
0x76: {  	_ =	shalt  }
0x77: {  	_ =	shalt  }
0x78: {  	_ =	shalt  }
0x79: {  	_ =	shalt  }
0x7a: {  	_ =	shalt  }
0x7b: {  	_ =	shalt  }
0x7c: {  	_ =	shalt  }
0x7d: {  	_ =	shalt  }
0x7e: {  	_ =	shalt  }
0x7f: {  	_ =	shalt  }
0x80: {  	_ =	shalt  }
0x81: {  	_ =	shalt  }
0x82: {  	_ =	shalt  }
0x83: {  	_ =	shalt  }
0x84: {  	_ =	shalt  }
0x85: {  	_ =	shalt  }
0x86: {  	_ =	shalt  }
0x87: {  	_ =	shalt  }
.Lfunc_end0:
.L_simem_size_0:
called_computation.1_lowered:
.L_overlay_start_0:
0x88: {  	s2 =	sld [smem:$0x3FD9]  }
0x89: {  	s3 =	sld [smem:$0x3FFE];
	_ =	sdelay $0x1  }
0x8a: {  	s1 =	srdreg.scid  }
0x8b: {  	s0 =	sand.u32 $0x1, s1  }
0x8c: {  	s16 =	sshll.u32 s0, $0xA;
	s2 =	sadd.s32 s3, s2  }
0x8d: {  	s2 =	sadd.s32 s2, s16  }
0x8e: {  	[smem:$0x3FC0] =	sst s2  }
0x8f: {  	_ = 	snop  }
0x90: {  	(tm) =	ssettm $0x1  }
0x91: {  	s17 =	sld [smem:$0x3FFB];
	_ =	sdelay $0x3  }
0x92: {  	_ =	strace s17  }
0x93: {  	s2 =	sld [smem:$0x3FFC];
	_ =	sdelay $0x3  }
0x94: {  	_ =	strace s2  }
0x95: {  	s2 =	sld [smem:$0x3FFD];
	_ =	sdelay $0x3  }
0x96: {  	_ =	strace s2  }
0x97: {  	_ =	strace $0x8FFFFFFF  }
0x98: {  	s18 =	sld [smem:$0x3FDB];
	_ =	sdelay $0x1  }
0x99: {  	s19 =	simm.s32 $_scs_section_size  }
0x9a: {  	s4 =	simm.s32 $_size__tile_overlayer_lowered;
	s5 =	simm.s32 $_tile_overlayer_lowered  }
0x9b: {  	s22 =	simm.s32 $0x1BFF;
	s21 =	sshll.u32 s5, $0x1;
	s2 =	sadd.s32 s19, s18  }
0x9c: {  	s6 =	simm.s32 $0x0;
	s20 =	sshll.u32 s4, $0x1;
	s4 =	sadd.s32 s21, s2  }
0x9d: {  	[timem:s6], [sflag:s22] =	dma.local [hbm:s4], s20  }
0x9e: {  	_ =	swait.ge [sflag:s22], s20  }
0x9f: {  	s3 =	ssub.s32 $0x0, s20;
	[sflag:s22] =	ssyncset.done $0x0  }
0xa0: {  	[sflag:s22] =	ssyncadd.s32 s3;
	_ =	sdelay $0x1  }
0xa1: {  	s23 =	simm.s32 $0x1B8B  }
0xa2: {  	_ =	swait.ge [sflag:s23], $0x1  }
0xa3: {  	[sflag:s23] =	ssyncset.done $0x0  }
0xa4: {  	s25 =	simm.s32 $0x1B8E;
	s24 =	sld [smem:$0x3FFE];
	[sflag:s23] =	ssyncadd.s32 $0xFFFFFFFF  }
0xa5: {  	s26 =	simm.s32 $execute0_lowered;
	[smem:$0x3FD2] =	sst s25  }
0xa6: {  	s4 =	sshll.u32 s26, $0x1;
	_ =	strace $0x80000046;
	[dreg:$0x1] =	wrdreg $0xFFFFFFFF  }
0xa7: {  	s28 =	simm.s32 $_size_execute0_lowered;
	s2 =	sadd.s32 s2, s4;
	[dreg:$0x0] =	wrdreg $0x0  }
0xa8: {  	s4 =	sshll.u32 s28, $0x1;
	[dreg:$0x2] =	wrdreg s2  }
0xa9: {  	[dreg:$0x3] =	wrdreg s4  }
0xaa: {  	[dreg:$0x4] =	wrdreg $0xC0  }
0xab: {  	_ =	task [dreg:s6], $0x5FFFF  }
0xac: {  	[dreg:$0x1] =	wrdreg $0xFFFFFFFF  }
0xad: {  	[dreg:$0x0] =	wrdreg $0x60  }
0xae: {  	[dreg:$0x2] =	wrdreg s24  }
0xaf: {  	[dreg:$0x3] =	wrdreg $0xA  }
0xb0: {  	_ =	task.clear_ibuf [dreg:s6], $0x4FFFF;
	_ =	strace $0x90000046  }
0xb1: {  	s29 =	simm.s32 $0xA;
	_ =	strace $0x80000048  }
0xb2: {  	_ =	swait.ge [sflag:s29], $0x1  }
0xb3: {  	[sflag:s29] =	ssyncadd.s32 $0xFFFFFFFF  }
0xb4: {  	_ =	strace $0x90000048  }
0xb5: {  	_ =	sfence  }
0xb6: {  	s30 =	sld [smem:$0x0];
	_ =	sdelay $0x2  }
0xb7: {  	s31 =	sshll.u32 s1, $0xD;
	s1 =	sshrl.u32 s1, $0x2  }
0xb8: {  	s3 =	sand.u32 $0x4000, s31;
	s1 =	sadd.s32 s1, s30  }
0xb9: {  	s0 =	sor.u32 s3, s0;
	s1 =	sshll.u32 s1, $0x11  }
0xba: {  	s0 =	sor.u32 s1, s0  }
0xbb: {  	s0 =	sadd.s32 $0x8F2B, s0  }
0xbc: {  	[sflag:s0] =	ssyncadd.remote.s32 $0x1  }
0xbd: {  	_ =	sfence.sel $0xFFFF  }
0xbe: {  	[dreg:$0x0] =	wrdreg $0xFFFFFFFF;
	(pc) =	sbr.abs _section_cstart, $3  }
0xbf: {  	[dreg:$0x1] =	wrdreg $0xFFFFFFFF  }
0xc0: {  	_ =	task.clear_ibuf [dreg:s6], $0x2FFFF;
	_ =	strace $0x9FFFFFFF  }
0xc1: {  	(tm) =	ssettm $0x7FFFFFFF  }
tec
execute0_lowered:
.L_overlay_start_1:
0x0: {  	(tag) =	ssettag $0x1  }
0x1: {  	s1 =	srdreg.scid;
	s0 =	stileid.u32  }
0x2: {  	s6 =	sand.u32 $0x1, s1;
	s31 =	sshll.u32 s0, $0x1  }
0x3: {  	s1 =	sor.u32 s6, s31  }
0x4: {  	s5 =	rddreg [dreg:$0x0];
	s2 =	simm.s32 $0x0;
	s3 =	smul.u32 $0x1A0, s1  }
0x5: {  	[smem:$0x7FF] =	sst s2  }
0x6: {  	s9 =	ssub.s32 $0x2, s6;
	s1 =	rddreg [dreg:$0x1];
	s8 =	sadd.s32 s3, s5  }
0x7: {  	_ =	strace $0x80000047;
	s3 =	simm.s32 $0x2;
	s4 =	sadd.s32 $0xE00, s8  }
0x8: {  	[tilespmem:s2], [sflag:$0x2] =	stream.linear.gather [hbm4b:s4+s2], $0xD00, $0x38;
	[tilespmem:$0x1A00] =	vst v63  }
0x9: {  	s7 =	simm.s32 $0x1;
	s10 =	sshrl.u32 s9, $0x1;
	_ =	swait.ge [sflag:s3], $0xD00  }
0xa: {  	s6 =	simm.s32 $0xD00;
	s9 =	ssub.s32 s9, s10;
	[sflag:s3] =	ssyncset.done $0x0  }
0xb: {  	s5 =	sadd.s32 $0x4200, s5;
	s9 =	smax.u32 s9, $0x1;
	[sflag:s3] =	ssyncadd.s32 $0xFFFFF300  }
0xc: {  	[tilespmem:s6], [sflag:$0x1] =	stream.indirect.gather [hbm4b:s5+s6], $0x1, s2, s6, $0xb8;
	[tilespmem:$0x1A00] =	vst v63  }
0xd: {  	p0 =	sne.s32 s9, $0x1;
	_ =	swait.ge [sflag:s7], $0xD00  }
.Ltmp0:
0xe: {  	[sflag:s7] =	ssyncset.done $0x0;
	(pc) =	sbr.rel @!p0 .LBB2_2-.Ltmp0, $4  }
0xf: {  	s8 =	sadd.s32 $0x22C00, s8;
	[sflag:s7] =	ssyncadd.s32 $0xFFFFF300  }
0x10: {  	[hbm4b:s8+s2] =	stream.linear.scatter [tilespmem:s6], [sflag:$0x2], $0xD00, $0x38;
	[tilespmem:$0x1A00] =	vst v63  }
0x11: {  	_ =	swait.ge [sflag:s3], $0xD00  }
0x12: {  	s9 =	sadd.s32 $0xFFFFFFFF, s9;
	[sflag:s3] =	ssyncset.done $0x0  }
.LBB2_1:
0x13: {  	p0 =	sne.s32 s9, $0x1;
	s9 =	sadd.s32 $0xFFFFFFFF, s9;
	[sflag:s3] =	ssyncadd.s32 $0xFFFFF300  }
0x14: {  	[tilespmem:s2], [sflag:$0x2] =	stream.linear.gather [hbm4b:s4+s2], $0xD00, $0x38;
	[tilespmem:$0x1A00] =	vst v63  }
0x15: {  	_ =	swait.ge [sflag:s3], $0xD00  }
0x16: {  	[sflag:s3] =	ssyncset.done $0x0  }
0x17: {  	[sflag:s3] =	ssyncadd.s32 $0xFFFFF300  }
0x18: {  	[tilespmem:s6], [sflag:$0x1] =	stream.indirect.gather [hbm4b:s5+s6], $0x1, s2, s6, $0xb8;
	[tilespmem:$0x1A00] =	vst v63  }
0x19: {  	_ =	swait.ge [sflag:s7], $0xD00  }
.Ltmp1:
0x1a: {  	[sflag:s7] =	ssyncset.done $0x0;
	(pc) =	sbr.rel @p0 .LBB2_1-.Ltmp1, $4  }
0x1b: {  	[sflag:s7] =	ssyncadd.s32 $0xFFFFF300  }
0x1c: {  	[hbm4b:s8+s2] =	stream.linear.scatter [tilespmem:s6], [sflag:$0x2], $0xD00, $0x38;
	[tilespmem:$0x1A00] =	vst v63  }
0x1d: {  	_ =	swait.ge [sflag:s3], $0xD00  }
0x1e: {  	[sflag:s3] =	ssyncset.done $0x0  }
.LBB2_2:
0x1f: {  	[sflag:s3] =	ssyncadd.s32 $0xFFFFF300  }
0x20: {  	_ =	sfence.sel $0x180000  }
0x21: {  	[bflag:$0x0] =	sbarrier.arrive $0xFFFF  }
0x22: {  	p0 =	sne.s32 s0, $0x0;
	_ =	strace $0x90000047  }
0x23: {  	s0 =	sadd.s32 @!p0 $0x100000, s1;
	[bflag:$0x2] =	sbarrier.arrive $0xFFFF  }
0x24: {  	[sflag:s0] =	ssyncadd.tile.s32 @!p0 $0x1;
	_ =	shalt  }
.Lfunc_end2:
_tile_overlayer_lowered:
.L_overlay_start_2:
0x25: {  	(tag) =	ssettag $0x2  }
0x26: {  	s0 =	rddreg [dreg:$0x0];
	s2 =	stileid.u32  }
0x27: {  	s1 =	rddreg [dreg:$0x1];
	p0 =	sne.s32 s2, $0x0  }
0x28: {  	s3 =	rddreg [dreg:$0x2];
	[bflag:$0x3] =	sbarrier.arrive $0xFFFF;
	s2 =	simm.s32 @!p0 $0x1C02  }
0x29: {  	[timem:s3], [sflag:s2] =	dma.local @!p0 [hbm:s0], s1  }
0x2a: {  	s0 =	simm.s32 @!p0 $0x2  }
0x2b: {  	_ =	swait.ge @!p0 [sflag:s0], s1  }
0x2c: {  	s1 =	ssub.s32 @!p0 $0x0, s1;
	[sflag:s0] =	ssyncset.done @!p0 $0x0  }
0x2d: {  	[sflag:s0] =	ssyncadd.s32 @!p0 s1  }
0x2e: {  	[bflag:$0x3] =	sbarrier.arrive $0xFFFF  }
0x2f: {  	_ =	shalt  }

</sc_bundles>
